<compile_context>
chip_gen: v7x
topology: tpu7x:2x2x1
jax: 0.10.2.dev20260603
libtpu: 0.0.44.dev20260713+nightly
codegen_flags: <defaults>
</compile_context>

<pallas_src>
import jax
import jax.numpy as jnp
from jax import lax
from jax.experimental import pallas as pl
from jax.experimental.pallas import tpu as pltpu
from jax.experimental.pallas import tpu_sc as plsc

D_MODEL = 1024
MAX_CACHE = 2048
LOCAL_WINDOW = 10
B = 16
S = 4096
KEEP = MAX_CACHE
N_CHUNKS = S // 16

_LO0 = -1
_HI0 = 0x7F800000


_UNROLL = 4


def _select_body(norms_hbm, idx_hbm, keys_v, idx_v, hist_v, cumscr_v, dma_sem):
    wid = lax.axis_index("s") * 2 + lax.axis_index("c")

    @pl.when(wid < B)
    def _():
        b = wid
        pltpu.sync_copy(norms_hbm.at[b], keys_v)

        lanes = lax.iota(jnp.int32, 16)
        ones = jnp.ones((16,), jnp.int32)
        zeros = jnp.zeros((16,), jnp.int32)
        minus1 = jnp.full((16,), -1, jnp.int32)

        def load_keys(cc):
            kv = plsc.bitcast(keys_v[pl.ds(cc * 16, 16)], jnp.int32)
            gidx = lanes + cc * 16
            return jnp.where(gidx >= S - LOCAL_WINDOW, minus1, kv)

        def hist_pass(shift, nbits, prefix, rem):
            nbins = 1 << nbits
            for j in range(nbins // 16):
                hist_v[pl.ds(j * 16, 16)] = zeros

            def hbody(i, _):
                for u in range(_UNROLL):
                    kv = load_keys(i * _UNROLL + u) + 1
                    m = (kv >> (shift + nbits)) == prefix
                    bucket = (kv >> shift) & (nbins - 1)
                    plsc.addupdate_scatter(hist_v, [bucket], ones, mask=m)
                return 0

            lax.fori_loop(0, N_CHUNKS // _UNROLL, hbody, 0)

            carry = zeros
            bucket_s = zeros
            before_s = zeros
            found = zeros
            for j in range(nbins // 16):
                h = hist_v[pl.ds(j * 16, 16)]
                c = plsc.cumsum(h) + carry
                crossed = c >= rem
                popc = plsc.all_reduce_population_count(crossed)
                f = plsc.all_reduce_ffs(crossed)
                here = jnp.where((popc > 0) & (found == 0), 1, 0)
                cumscr_v[pl.ds(0, 16)] = c - h
                cumscr_v[pl.ds(16, 16)] = c
                at = plsc.load_gather(cumscr_v, [jnp.where(here == 1, f, 0)])
                bucket_s = jnp.where(here == 1, j * 16 + f, bucket_s)
                before_s = jnp.where(here == 1, at, before_s)
                found = found | here
                carry = plsc.load_gather(cumscr_v, [31 + zeros])
            new_prefix = (prefix << nbits) | bucket_s
            return new_prefix, rem - before_s

        rem = jnp.full((16,), KEEP, jnp.int32)
        prefix = zeros
        prefix, rem = hist_pass(23, 8, prefix, rem)
        prefix, rem = hist_pass(15, 8, prefix, rem)
        prefix, rem = hist_pass(7, 8, prefix, rem)
        prefix, rem = hist_pass(0, 7, prefix, rem)

        t = prefix - 1
        quota = rem
        base = b * S

        def chunk(i, carry):
            off, eq_seen = carry
            for u in range(_UNROLL):
                cc = i * _UNROLL + u
                kv = load_keys(cc)
                idx = lanes + (base + cc * 16)
                less = kv < t
                eq = kv == t
                eq_rank = plsc.cumsum(jnp.where(eq, 1, 0)) + eq_seen
                keep = less | (eq & (eq_rank <= quota))
                keep_i = jnp.where(keep, 1, 0)
                pos = off + plsc.cumsum(keep_i) - keep_i
                plsc.store_scatter(idx_v, [pos], idx, mask=keep)
                off = off + plsc.all_reduce_population_count(keep)
                eq_seen = eq_seen + plsc.all_reduce_population_count(eq)
            return off, eq_seen

        zero = jnp.zeros((16,), jnp.int32)
        lax.fori_loop(0, N_CHUNKS // _UNROLL, chunk, (zero, zero))
        pltpu.sync_copy(idx_v.at[pl.ds(0, KEEP)], idx_hbm.at[b])


_ROWS_PER_W = (B * KEEP) // 32
_GCHUNK = 8
_NCH = _ROWS_PER_W // _GCHUNK
_NBUF = 4


def _gather_body(k_hbm, v_hbm, idx_hbm, ko_hbm, vo_hbm,
                 idx_v, kbufs, vbufs, kg, vg, ks, vs):
    wid = lax.axis_index("s") * 2 + lax.axis_index("c")
    base = wid * _ROWS_PER_W
    pltpu.sync_copy(idx_hbm.at[pl.ds(base, _ROWS_PER_W)], idx_v)

    def fire(c, s):
        pltpu.async_copy(k_hbm.at[idx_v.at[pl.ds(c * _GCHUNK, _GCHUNK)]],
                         kbufs[s], kg[s])
        pltpu.async_copy(v_hbm.at[idx_v.at[pl.ds(c * _GCHUNK, _GCHUNK)]],
                         vbufs[s], vg[s])

    def wait_gather(s):
        pltpu.make_async_copy(
            k_hbm.at[idx_v.at[pl.ds(0, _GCHUNK)]], kbufs[s], kg[s]).wait()
        pltpu.make_async_copy(
            v_hbm.at[idx_v.at[pl.ds(0, _GCHUNK)]], vbufs[s], vg[s]).wait()

    def wait_store(s):
        pltpu.make_async_copy(
            kbufs[s], ko_hbm.at[pl.ds(base, _GCHUNK)], ks[s]).wait()
        pltpu.make_async_copy(
            vbufs[s], vo_hbm.at[pl.ds(base, _GCHUNK)], vs[s]).wait()

    fire(0, 0)
    fire(1, 1)

    def body(i, _):
        for s in range(_NBUF):
            c = i * _NBUF + s
            off = base + c * _GCHUNK
            s2 = (s + 2) % _NBUF
            wait_gather(s)
            pltpu.async_copy(kbufs[s], ko_hbm.at[pl.ds(off, _GCHUNK)], ks[s])
            pltpu.async_copy(vbufs[s], vo_hbm.at[pl.ds(off, _GCHUNK)], vs[s])

            @pl.when(c >= 2)
            def _():
                wait_store(s2)

            @pl.when(c + 2 < _NCH)
            def _():
                fire(c + 2, s2)
        return 0

    lax.fori_loop(0, _NCH // _NBUF, body, 0)
    wait_store((_NCH - 2) % _NBUF)
    wait_store((_NCH - 1) % _NBUF)


def _mesh():
    return plsc.VectorSubcoreMesh(
        core_axis_name="c", subcore_axis_name="s", num_cores=2, num_subcores=16)


@jax.jit
def kernel(k, v):
    norms = jnp.linalg.norm(k[:, :-LOCAL_WINDOW, :], axis=-1)
    norms = jnp.concatenate(
        [norms, jnp.full((B, LOCAL_WINDOW), -1.0, jnp.float32)], axis=1)

    select = pl.kernel(
        _select_body,
        out_type=jax.ShapeDtypeStruct((B, KEEP), jnp.int32),
        mesh=_mesh(),
        compiler_params=pltpu.CompilerParams(needs_layout_passes=False),
        scratch_types=[
            pltpu.VMEM((S,), jnp.float32),
            pltpu.VMEM((KEEP + 16,), jnp.int32),
            pltpu.VMEM((256,), jnp.int32),
            pltpu.VMEM((32,), jnp.int32),
            pltpu.SemaphoreType.DMA,
        ],
    )
    idx = select(norms)

    k2 = k.reshape(B * S, D_MODEL)
    v2 = v.reshape(B * S, D_MODEL)
    gather = pl.kernel(
        _gather_body,
        out_type=(
            jax.ShapeDtypeStruct((B * KEEP, D_MODEL), jnp.float32),
            jax.ShapeDtypeStruct((B * KEEP, D_MODEL), jnp.float32),
        ),
        mesh=_mesh(),
        scratch_types=[
            pltpu.VMEM((_ROWS_PER_W,), jnp.int32),
            [pltpu.VMEM((_GCHUNK, D_MODEL), jnp.float32) for _ in range(_NBUF)],
            [pltpu.VMEM((_GCHUNK, D_MODEL), jnp.float32) for _ in range(_NBUF)],
            [pltpu.SemaphoreType.DMA for _ in range(_NBUF)],
            [pltpu.SemaphoreType.DMA for _ in range(_NBUF)],
            [pltpu.SemaphoreType.DMA for _ in range(_NBUF)],
            [pltpu.SemaphoreType.DMA for _ in range(_NBUF)],
        ],
    )
    ko, vo = gather(k2, v2, idx.reshape(B * KEEP))
    return (ko.reshape(B, KEEP, D_MODEL), vo.reshape(B, KEEP, D_MODEL))

# --- scband reference (transcript-rebuilt; emitter-appended) ---
"""Pipeline reference for scband-hyperbolic-kvcache-43748536877555 (READ-ONLY COPY).

The authoritative reference and input builder live on the scoring server;
editing this copy changes nothing except your own understanding.
"""

import jax, jax.numpy as jnp
import numpy as np

D_MODEL = 1024
MAX_CACHE = 2048
LOCAL_WINDOW = 10


def setup_inputs(seed: int = 0) -> dict:
    key = jax.random.key(seed)
    k1, k2 = jax.random.split(key)
    k = jax.random.normal(k1, (16, 4096, D_MODEL), dtype=jnp.float32)
    v = jax.random.normal(k2, (16, 4096, D_MODEL), dtype=jnp.float32)
    return {"k": k, "v": v}


def _evict(k_cache, v_cache):
    B = k_cache.shape[0]
    candidates_k = k_cache[:, :-LOCAL_WINDOW, :]
    candidates_v = v_cache[:, :-LOCAL_WINDOW, :]
    local_k = k_cache[:, -LOCAL_WINDOW:, :]
    local_v = v_cache[:, -LOCAL_WINDOW:, :]
    # hyperbolic-distance proxy: Euclidean norm; keep tokens closest to origin
    norms = jnp.linalg.norm(candidates_k, axis=-1)  # (B, S_cand)
    num_to_keep = MAX_CACHE - LOCAL_WINDOW
    # smallest-k == top_k of negated norms
    _, indices = jax.lax.top_k(-norms, num_to_keep)  # (B, num_to_keep)
    # torch code sorts indices then gathers (preserves temporal order)
    indices_sorted = jnp.sort(indices, axis=1)
    idx = jnp.broadcast_to(indices_sorted[:, :, None], (B, num_to_keep, D_MODEL))
    kept_k = jnp.take_along_axis(candidates_k, idx, axis=1)
    kept_v = jnp.take_along_axis(candidates_v, idx, axis=1)
    k_out = jnp.concatenate([kept_k, local_k], axis=1)
    v_out = jnp.concatenate([kept_v, local_v], axis=1)
    return k_out, v_out


def reference(k, v):
    # Cache starts empty: update() sets cache = (k, v), then evicts if too long.
    k_cache, v_cache = k, v
    if k_cache.shape[1] > MAX_CACHE:
        if MAX_CACHE <= LOCAL_WINDOW:
            k_cache = k_cache[:, -MAX_CACHE:, :]
            v_cache = v_cache[:, -MAX_CACHE:, :]
        else:
            k_cache, v_cache = _evict(k_cache, v_cache)
    return (k_cache, v_cache)

if __name__ == "__main__":
    import jax
    _d = setup_inputs()
    print(jax.jit(kernel)(*tuple(_d.values())))

</pallas_src>

<mosaic_0001>
#map = affine_map<(d0, d1) -> (0, 0)>
module attributes {stable_mosaic.version = 14 : i64} {
  func.func @_select_body(%arg0: i32, %arg1: i32, %arg2: memref<16x4096xf32, #tpu.memory_space<hbm>>, %arg3: memref<16x2048xi32, #tpu.memory_space<hbm>>, %arg4: memref<4096xf32, #tpu.memory_space<vmem>>, %arg5: memref<2064xi32, #tpu.memory_space<vmem>>, %arg6: memref<256xi32, #tpu.memory_space<vmem>>, %arg7: memref<32xi32, #tpu.memory_space<vmem>>, %arg8: memref<!tpu.dma_semaphore, #tpu.memory_space<semaphore_mem>>) attributes {dimension_semantics = [#tpu.dimension_semantics<core_parallel>, #tpu.dimension_semantics<subcore_parallel>], iteration_bounds = array<i64: 2, 16>, scalar_prefetch = 0 : i64, scratch_operands = 5 : i64, tpu.core_type = #tpu.core_type<sc_vector_subcore>, window_params = [{transform_indices = #map}, {transform_indices = #map}]} {
    %mul3A = arith.constant 2 : i32
    %mul3A_0 = arith.muli %arg1, %mul3A : i32
    %add3A = arith.addi %mul3A_0, %arg0 : i32
    %lt3A = arith.constant 16 : i32
    %lt3A_1 = arith.cmpi slt, %add3A, %lt3A : i32
    %convert_element_type3A = arith.extui %lt3A_1 : i1 to i32
    %cond3A = arith.constant 0 : i32
    %cond3A_2 = arith.cmpi ne, %convert_element_type3A, %cond3A : i32
    scf.if %cond3A_2 {
      "tpu.region"() ({
        %run_scoped3A = tpu.sem_alloc : memref<!tpu.dma_semaphore, #tpu.memory_space<semaphore_mem>>
        %dma_start3A = arith.constant 0 : i32
        %dma_start3A_2911 = tpu.memref_slice %arg2[%add3A, %dma_start3A] : memref<16x4096xf32, #tpu.memory_space<hbm>> -> memref<1x4096xf32, #tpu.memory_space<hbm>>
        %dma_start3A_2912 = tpu.memref_squeeze %dma_start3A_2911 : memref<1x4096xf32, #tpu.memory_space<hbm>> -> memref<4096xf32, #tpu.memory_space<hbm>>
        %dma_start3A_2913 = arith.constant 0 : i32
        %dma_start3A_2914 = tpu.memref_slice %arg2[%add3A, %dma_start3A_2913] : memref<16x4096xf32, #tpu.memory_space<hbm>> -> memref<1x4096xf32, #tpu.memory_space<hbm>>
        %dma_start3A_2915 = tpu.memref_squeeze %dma_start3A_2914 : memref<1x4096xf32, #tpu.memory_space<hbm>> -> memref<4096xf32, #tpu.memory_space<hbm>>
        tpu.enqueue_dma source(%dma_start3A_2915 : memref<4096xf32, #tpu.memory_space<hbm>>) target(%arg4 : memref<4096xf32, #tpu.memory_space<vmem>>) target_semaphore(%run_scoped3A : memref<!tpu.dma_semaphore, #tpu.memory_space<semaphore_mem>>)
        %dma_wait3A = arith.constant 0 : i32
        %dma_wait3A_2916 = tpu.memref_slice %arg2[%add3A, %dma_wait3A] : memref<16x4096xf32, #tpu.memory_space<hbm>> -> memref<1x4096xf32, #tpu.memory_space<hbm>>
        %dma_wait3A_2917 = tpu.memref_squeeze %dma_wait3A_2916 : memref<1x4096xf32, #tpu.memory_space<hbm>> -> memref<4096xf32, #tpu.memory_space<hbm>>
        %dma_wait3A_2918 = arith.constant 0 : i32
        %dma_wait3A_2919 = tpu.memref_slice %arg2[%add3A, %dma_wait3A_2918] : memref<16x4096xf32, #tpu.memory_space<hbm>> -> memref<1x4096xf32, #tpu.memory_space<hbm>>
        %dma_wait3A_2920 = tpu.memref_squeeze %dma_wait3A_2919 : memref<1x4096xf32, #tpu.memory_space<hbm>> -> memref<4096xf32, #tpu.memory_space<hbm>>
        tpu.wait_dma2 semaphore(%run_scoped3A : memref<!tpu.dma_semaphore, #tpu.memory_space<semaphore_mem>>) src(%dma_wait3A_2920 : memref<4096xf32, #tpu.memory_space<hbm>>) dst(%arg4 : memref<4096xf32, #tpu.memory_space<vmem>>)
        tpu.yield
      }) : () -> ()
      %iota3A = tpu.iota {dimensions = array<i32: 0>} : vector<16xi32>
      %broadcast_in_dim3A = arith.constant 1 : i32
      %broadcast_in_dim3A_3 = vector.broadcast %broadcast_in_dim3A : i32 to vector<16xi32>
      %broadcast_in_dim3A_4 = arith.constant 0 : i32
      %broadcast_in_dim3A_5 = vector.broadcast %broadcast_in_dim3A_4 : i32 to vector<16xi32>
      %broadcast_in_dim3A_6 = arith.constant -1 : i32
      %broadcast_in_dim3A_7 = vector.broadcast %broadcast_in_dim3A_6 : i32 to vector<16xi32>
      %broadcast_in_dim3A_8 = arith.constant 2048 : i32
      %broadcast_in_dim3A_9 = vector.broadcast %broadcast_in_dim3A_8 : i32 to vector<16xi32>
      %swap3A = arith.constant 0 : index
      %swap3A_10 = tpu.vector_load %arg6[%swap3A] {strides = array<i32>} : memref<256xi32, #tpu.memory_space<vmem>>, vector<16xi32>,
      tpu.vector_store %arg6[%swap3A], %broadcast_in_dim3A_5 {strides = array<i32>} : memref<256xi32, #tpu.memory_space<vmem>>, vector<16xi32>,
      %swap3A_11 = arith.constant 16 : index
      %swap3A_12 = tpu.vector_load %arg6[%swap3A_11] {strides = array<i32>} : memref<256xi32, #tpu.memory_space<vmem>>, vector<16xi32>,
      tpu.vector_store %arg6[%swap3A_11], %broadcast_in_dim3A_5 {strides = array<i32>} : memref<256xi32, #tpu.memory_space<vmem>>, vector<16xi32>,
      %swap3A_13 = arith.constant 32 : index
      %swap3A_14 = tpu.vector_load %arg6[%swap3A_13] {strides = array<i32>} : memref<256xi32, #tpu.memory_space<vmem>>, vector<16xi32>,
      tpu.vector_store %arg6[%swap3A_13], %broadcast_in_dim3A_5 {strides = array<i32>} : memref<256xi32, #tpu.memory_space<vmem>>, vector<16xi32>,
      %swap3A_15 = arith.constant 48 : index
      %swap3A_16 = tpu.vector_load %arg6[%swap3A_15] {strides = array<i32>} : memref<256xi32, #tpu.memory_space<vmem>>, vector<16xi32>,
      tpu.vector_store %arg6[%swap3A_15], %broadcast_in_dim3A_5 {strides = array<i32>} : memref<256xi32, #tpu.memory_space<vmem>>, vector<16xi32>,
      %swap3A_17 = arith.constant 64 : index
      %swap3A_18 = tpu.vector_load %arg6[%swap3A_17] {strides = array<i32>} : memref<256xi32, #tpu.memory_space<vmem>>, vector<16xi32>,
      tpu.vector_store %arg6[%swap3A_17], %broadcast_in_dim3A_5 {strides = array<i32>} : memref<256xi32, #tpu.memory_space<vmem>>, vector<16xi32>,
      %swap3A_19 = arith.constant 80 : index
      %swap3A_20 = tpu.vector_load %arg6[%swap3A_19] {strides = array<i32>} : memref<256xi32, #tpu.memory_space<vmem>>, vector<16xi32>,
      tpu.vector_store %arg6[%swap3A_19], %broadcast_in_dim3A_5 {strides = array<i32>} : memref<256xi32, #tpu.memory_space<vmem>>, vector<16xi32>,
      %swap3A_21 = arith.constant 96 : index
      %swap3A_22 = tpu.vector_load %arg6[%swap3A_21] {strides = array<i32>} : memref<256xi32, #tpu.memory_space<vmem>>, vector<16xi32>,
      tpu.vector_store %arg6[%swap3A_21], %broadcast_in_dim3A_5 {strides = array<i32>} : memref<256xi32, #tpu.memory_space<vmem>>, vector<16xi32>,
      %swap3A_23 = arith.constant 112 : index
      %swap3A_24 = tpu.vector_load %arg6[%swap3A_23] {strides = array<i32>} : memref<256xi32, #tpu.memory_space<vmem>>, vector<16xi32>,
      tpu.vector_store %arg6[%swap3A_23], %broadcast_in_dim3A_5 {strides = array<i32>} : memref<256xi32, #tpu.memory_space<vmem>>, vector<16xi32>,
      %swap3A_25 = arith.constant 128 : index
      %swap3A_26 = tpu.vector_load %arg6[%swap3A_25] {strides = array<i32>} : memref<256xi32, #tpu.memory_space<vmem>>, vector<16xi32>,
      tpu.vector_store %arg6[%swap3A_25], %broadcast_in_dim3A_5 {strides = array<i32>} : memref<256xi32, #tpu.memory_space<vmem>>, vector<16xi32>,
      %swap3A_27 = arith.constant 144 : index
      %swap3A_28 = tpu.vector_load %arg6[%swap3A_27] {strides = array<i32>} : memref<256xi32, #tpu.memory_space<vmem>>, vector<16xi32>,
      tpu.vector_store %arg6[%swap3A_27], %broadcast_in_dim3A_5 {strides = array<i32>} : memref<256xi32, #tpu.memory_space<vmem>>, vector<16xi32>,
      %swap3A_29 = arith.constant 160 : index
      %swap3A_30 = tpu.vector_load %arg6[%swap3A_29] {strides = array<i32>} : memref<256xi32, #tpu.memory_space<vmem>>, vector<16xi32>,
      tpu.vector_store %arg6[%swap3A_29], %broadcast_in_dim3A_5 {strides = array<i32>} : memref<256xi32, #tpu.memory_space<vmem>>, vector<16xi32>,
      %swap3A_31 = arith.constant 176 : index
      %swap3A_32 = tpu.vector_load %arg6[%swap3A_31] {strides = array<i32>} : memref<256xi32, #tpu.memory_space<vmem>>, vector<16xi32>,
      tpu.vector_store %arg6[%swap3A_31], %broadcast_in_dim3A_5 {strides = array<i32>} : memref<256xi32, #tpu.memory_space<vmem>>, vector<16xi32>,
      %swap3A_33 = arith.constant 192 : index
      %swap3A_34 = tpu.vector_load %arg6[%swap3A_33] {strides = array<i32>} : memref<256xi32, #tpu.memory_space<vmem>>, vector<16xi32>,
      tpu.vector_store %arg6[%swap3A_33], %broadcast_in_dim3A_5 {strides = array<i32>} : memref<256xi32, #tpu.memory_space<vmem>>, vector<16xi32>,
      %swap3A_35 = arith.constant 208 : index
      %swap3A_36 = tpu.vector_load %arg6[%swap3A_35] {strides = array<i32>} : memref<256xi32, #tpu.memory_space<vmem>>, vector<16xi32>,
      tpu.vector_store %arg6[%swap3A_35], %broadcast_in_dim3A_5 {strides = array<i32>} : memref<256xi32, #tpu.memory_space<vmem>>, vector<16xi32>,
      %swap3A_37 = arith.constant 224 : index
      %swap3A_38 = tpu.vector_load %arg6[%swap3A_37] {strides = array<i32>} : memref<256xi32, #tpu.memory_space<vmem>>, vector<16xi32>,
      tpu.vector_store %arg6[%swap3A_37], %broadcast_in_dim3A_5 {strides = array<i32>} : memref<256xi32, #tpu.memory_space<vmem>>, vector<16xi32>,
      %swap3A_39 = arith.constant 240 : index
      %swap3A_40 = tpu.vector_load %arg6[%swap3A_39] {strides = array<i32>} : memref<256xi32, #tpu.memory_space<vmem>>, vector<16xi32>,
      tpu.vector_store %arg6[%swap3A_39], %broadcast_in_dim3A_5 {strides = array<i32>} : memref<256xi32, #tpu.memory_space<vmem>>, vector<16xi32>,
      %scan3A = arith.constant 0 : i32
      %scan3A_41 = arith.constant 0 : i32
      %scan3A_42 = arith.constant 64 : i32
      %scan3A_43 = arith.addi %scan3A_41, %scan3A_42 : i32
      %scan3A_44 = arith.constant 1 : i32
      %scan3A_45 = scf.for %scan3A_2911 = %scan3A_41 to %scan3A_43 step %scan3A_44 iter_args(%scan3A_2912 = %scan3A) -> (i32)  : i32 {
        %mul3A_2913 = arith.constant 4 : i32
        %mul3A_2914 = arith.muli %scan3A_2911, %mul3A_2913 : i32
        %add3A_2915 = arith.constant 0 : i32
        %add3A_2916 = arith.addi %mul3A_2914, %add3A_2915 : i32
        %mul3A_2917 = arith.constant 16 : i32
        %mul3A_2918 = arith.muli %add3A_2916, %mul3A_2917 : i32
        %get3A_2919 = arith.index_cast %mul3A_2918 : i32 to index
        %get3A_2920 = tpu.vector_load %arg4[%get3A_2919] {strides = array<i32>} : memref<4096xf32, #tpu.memory_space<vmem>>, vector<16xf32>,
        %bitcast3A = vector.bitcast %get3A_2920 : vector<16xf32> to vector<16xi32>
        %mul3A_2921 = arith.constant 16 : i32
        %mul3A_2922 = arith.muli %add3A_2916, %mul3A_2921 : i32
        %add3A_2923 = vector.broadcast %mul3A_2922 : i32 to vector<16xi32>
        %add3A_2924 = arith.addi %iota3A, %add3A_2923 : vector<16xi32>
        %ge3A_2925 = arith.constant 4086 : i32
        %ge3A_2926 = vector.broadcast %ge3A_2925 : i32 to vector<16xi32>
        %ge3A_2927 = arith.cmpi sge, %add3A_2924, %ge3A_2926 : vector<16xi32>
        %select_n3A_2928 = arith.select %ge3A_2927, %broadcast_in_dim3A_7, %bitcast3A : vector<16xi1>, vector<16xi32>
        %add3A_2929 = arith.constant 1 : i32
        %add3A_2930 = vector.broadcast %add3A_2929 : i32 to vector<16xi32>
        %add3A_2931 = arith.addi %select_n3A_2928, %add3A_2930 : vector<16xi32>
        %shift_right_arithmetic3A = arith.constant 31 : i32
        %shift_right_arithmetic3A_2932 = vector.broadcast %shift_right_arithmetic3A : i32 to vector<16xi32>
        %shift_right_arithmetic3A_2933 = arith.shrsi %add3A_2931, %shift_right_arithmetic3A_2932 : vector<16xi32>
        %eq3A_2934 = arith.cmpi eq, %shift_right_arithmetic3A_2933, %broadcast_in_dim3A_5 : vector<16xi32>
        %shift_right_arithmetic3A_2935 = arith.constant 23 : i32
        %shift_right_arithmetic3A_2936 = vector.broadcast %shift_right_arithmetic3A_2935 : i32 to vector<16xi32>
        %shift_right_arithmetic3A_2937 = arith.shrsi %add3A_2931, %shift_right_arithmetic3A_2936 : vector<16xi32>
        %and3A_2938 = arith.constant 255 : i32
        %and3A_2939 = vector.broadcast %and3A_2938 : i32 to vector<16xi32>
        %and3A_2940 = arith.andi %shift_right_arithmetic3A_2937, %and3A_2939 : vector<16xi32>
        tpu.vector_store_idx %arg6[%and3A_2940], %broadcast_in_dim3A_3 masked %eq3A_2934 {add = true} : memref<256xi32, #tpu.memory_space<vmem>>[vector<16xi32>], vector<16xi32>, vector<16xi1>
        %mul3A_2941 = arith.constant 4 : i32
        %mul3A_2942 = arith.muli %scan3A_2911, %mul3A_2941 : i32
        %add3A_2943 = arith.constant 1 : i32
        %add3A_2944 = arith.addi %mul3A_2942, %add3A_2943 : i32
        %mul3A_2945 = arith.constant 16 : i32
        %mul3A_2946 = arith.muli %add3A_2944, %mul3A_2945 : i32
        %get3A_2947 = arith.index_cast %mul3A_2946 : i32 to index
        %get3A_2948 = tpu.vector_load %arg4[%get3A_2947] {strides = array<i32>} : memref<4096xf32, #tpu.memory_space<vmem>>, vector<16xf32>,
        %bitcast3A_2949 = vector.bitcast %get3A_2948 : vector<16xf32> to vector<16xi32>
        %mul3A_2950 = arith.constant 16 : i32
        %mul3A_2951 = arith.muli %add3A_2944, %mul3A_2950 : i32
        %add3A_2952 = vector.broadcast %mul3A_2951 : i32 to vector<16xi32>
        %add3A_2953 = arith.addi %iota3A, %add3A_2952 : vector<16xi32>
        %ge3A_2954 = arith.constant 4086 : i32
        %ge3A_2955 = vector.broadcast %ge3A_2954 : i32 to vector<16xi32>
        %ge3A_2956 = arith.cmpi sge, %add3A_2953, %ge3A_2955 : vector<16xi32>
        %select_n3A_2957 = arith.select %ge3A_2956, %broadcast_in_dim3A_7, %bitcast3A_2949 : vector<16xi1>, vector<16xi32>
        %add3A_2958 = arith.constant 1 : i32
        %add3A_2959 = vector.broadcast %add3A_2958 : i32 to vector<16xi32>
        %add3A_2960 = arith.addi %select_n3A_2957, %add3A_2959 : vector<16xi32>
        %shift_right_arithmetic3A_2961 = arith.constant 31 : i32
        %shift_right_arithmetic3A_2962 = vector.broadcast %shift_right_arithmetic3A_2961 : i32 to vector<16xi32>
        %shift_right_arithmetic3A_2963 = arith.shrsi %add3A_2960, %shift_right_arithmetic3A_2962 : vector<16xi32>
        %eq3A_2964 = arith.cmpi eq, %shift_right_arithmetic3A_2963, %broadcast_in_dim3A_5 : vector<16xi32>
        %shift_right_arithmetic3A_2965 = arith.constant 23 : i32
        %shift_right_arithmetic3A_2966 = vector.broadcast %shift_right_arithmetic3A_2965 : i32 to vector<16xi32>
        %shift_right_arithmetic3A_2967 = arith.shrsi %add3A_2960, %shift_right_arithmetic3A_2966 : vector<16xi32>
        %and3A_2968 = arith.constant 255 : i32
        %and3A_2969 = vector.broadcast %and3A_2968 : i32 to vector<16xi32>
        %and3A_2970 = arith.andi %shift_right_arithmetic3A_2967, %and3A_2969 : vector<16xi32>
        tpu.vector_store_idx %arg6[%and3A_2970], %broadcast_in_dim3A_3 masked %eq3A_2964 {add = true} : memref<256xi32, #tpu.memory_space<vmem>>[vector<16xi32>], vector<16xi32>, vector<16xi1>
        %mul3A_2971 = arith.constant 4 : i32
        %mul3A_2972 = arith.muli %scan3A_2911, %mul3A_2971 : i32
        %add3A_2973 = arith.constant 2 : i32
        %add3A_2974 = arith.addi %mul3A_2972, %add3A_2973 : i32
        %mul3A_2975 = arith.constant 16 : i32
        %mul3A_2976 = arith.muli %add3A_2974, %mul3A_2975 : i32
        %get3A_2977 = arith.index_cast %mul3A_2976 : i32 to index
        %get3A_2978 = tpu.vector_load %arg4[%get3A_2977] {strides = array<i32>} : memref<4096xf32, #tpu.memory_space<vmem>>, vector<16xf32>,
        %bitcast3A_2979 = vector.bitcast %get3A_2978 : vector<16xf32> to vector<16xi32>
        %mul3A_2980 = arith.constant 16 : i32
        %mul3A_2981 = arith.muli %add3A_2974, %mul3A_2980 : i32
        %add3A_2982 = vector.broadcast %mul3A_2981 : i32 to vector<16xi32>
        %add3A_2983 = arith.addi %iota3A, %add3A_2982 : vector<16xi32>
        %ge3A_2984 = arith.constant 4086 : i32
        %ge3A_2985 = vector.broadcast %ge3A_2984 : i32 to vector<16xi32>
        %ge3A_2986 = arith.cmpi sge, %add3A_2983, %ge3A_2985 : vector<16xi32>
        %select_n3A_2987 = arith.select %ge3A_2986, %broadcast_in_dim3A_7, %bitcast3A_2979 : vector<16xi1>, vector<16xi32>
        %add3A_2988 = arith.constant 1 : i32
        %add3A_2989 = vector.broadcast %add3A_2988 : i32 to vector<16xi32>
        %add3A_2990 = arith.addi %select_n3A_2987, %add3A_2989 : vector<16xi32>
        %shift_right_arithmetic3A_2991 = arith.constant 31 : i32
        %shift_right_arithmetic3A_2992 = vector.broadcast %shift_right_arithmetic3A_2991 : i32 to vector<16xi32>
        %shift_right_arithmetic3A_2993 = arith.shrsi %add3A_2990, %shift_right_arithmetic3A_2992 : vector<16xi32>
        %eq3A_2994 = arith.cmpi eq, %shift_right_arithmetic3A_2993, %broadcast_in_dim3A_5 : vector<16xi32>
        %shift_right_arithmetic3A_2995 = arith.constant 23 : i32
        %shift_right_arithmetic3A_2996 = vector.broadcast %shift_right_arithmetic3A_2995 : i32 to vector<16xi32>
        %shift_right_arithmetic3A_2997 = arith.shrsi %add3A_2990, %shift_right_arithmetic3A_2996 : vector<16xi32>
        %and3A_2998 = arith.constant 255 : i32
        %and3A_2999 = vector.broadcast %and3A_2998 : i32 to vector<16xi32>
        %and3A_3000 = arith.andi %shift_right_arithmetic3A_2997, %and3A_2999 : vector<16xi32>
        tpu.vector_store_idx %arg6[%and3A_3000], %broadcast_in_dim3A_3 masked %eq3A_2994 {add = true} : memref<256xi32, #tpu.memory_space<vmem>>[vector<16xi32>], vector<16xi32>, vector<16xi1>
        %mul3A_3001 = arith.constant 4 : i32
        %mul3A_3002 = arith.muli %scan3A_2911, %mul3A_3001 : i32
        %add3A_3003 = arith.constant 3 : i32
        %add3A_3004 = arith.addi %mul3A_3002, %add3A_3003 : i32
        %mul3A_3005 = arith.constant 16 : i32
        %mul3A_3006 = arith.muli %add3A_3004, %mul3A_3005 : i32
        %get3A_3007 = arith.index_cast %mul3A_3006 : i32 to index
        %get3A_3008 = tpu.vector_load %arg4[%get3A_3007] {strides = array<i32>} : memref<4096xf32, #tpu.memory_space<vmem>>, vector<16xf32>,
        %bitcast3A_3009 = vector.bitcast %get3A_3008 : vector<16xf32> to vector<16xi32>
        %mul3A_3010 = arith.constant 16 : i32
        %mul3A_3011 = arith.muli %add3A_3004, %mul3A_3010 : i32
        %add3A_3012 = vector.broadcast %mul3A_3011 : i32 to vector<16xi32>
        %add3A_3013 = arith.addi %iota3A, %add3A_3012 : vector<16xi32>
        %ge3A_3014 = arith.constant 4086 : i32
        %ge3A_3015 = vector.broadcast %ge3A_3014 : i32 to vector<16xi32>
        %ge3A_3016 = arith.cmpi sge, %add3A_3013, %ge3A_3015 : vector<16xi32>
        %select_n3A_3017 = arith.select %ge3A_3016, %broadcast_in_dim3A_7, %bitcast3A_3009 : vector<16xi1>, vector<16xi32>
        %add3A_3018 = arith.constant 1 : i32
        %add3A_3019 = vector.broadcast %add3A_3018 : i32 to vector<16xi32>
        %add3A_3020 = arith.addi %select_n3A_3017, %add3A_3019 : vector<16xi32>
        %shift_right_arithmetic3A_3021 = arith.constant 31 : i32
        %shift_right_arithmetic3A_3022 = vector.broadcast %shift_right_arithmetic3A_3021 : i32 to vector<16xi32>
        %shift_right_arithmetic3A_3023 = arith.shrsi %add3A_3020, %shift_right_arithmetic3A_3022 : vector<16xi32>
        %eq3A_3024 = arith.cmpi eq, %shift_right_arithmetic3A_3023, %broadcast_in_dim3A_5 : vector<16xi32>
        %shift_right_arithmetic3A_3025 = arith.constant 23 : i32
        %shift_right_arithmetic3A_3026 = vector.broadcast %shift_right_arithmetic3A_3025 : i32 to vector<16xi32>
        %shift_right_arithmetic3A_3027 = arith.shrsi %add3A_3020, %shift_right_arithmetic3A_3026 : vector<16xi32>
        %and3A_3028 = arith.constant 255 : i32
        %and3A_3029 = vector.broadcast %and3A_3028 : i32 to vector<16xi32>
        %and3A_3030 = arith.andi %shift_right_arithmetic3A_3027, %and3A_3029 : vector<16xi32>
        tpu.vector_store_idx %arg6[%and3A_3030], %broadcast_in_dim3A_3 masked %eq3A_3024 {add = true} : memref<256xi32, #tpu.memory_space<vmem>>[vector<16xi32>], vector<16xi32>, vector<16xi1>
        %scan3A_3031 = arith.constant 0 : i32
        scf.yield %scan3A_3031 : i32
      }
      %scan3A_46 = arith.constant 64 : i32
      %get3A = arith.constant 0 : index
      %get3A_47 = tpu.vector_load %arg6[%get3A] {strides = array<i32>} : memref<256xi32, #tpu.memory_space<vmem>>, vector<16xi32>,
      %broadcast_in_dim3A_48 = arith.constant true
      %broadcast_in_dim3A_49 = vector.broadcast %broadcast_in_dim3A_48 : i1 to vector<16xi1>
      %masked_cumsum3A = tpu.scan <sum>, %get3A_47 masked %broadcast_in_dim3A_49 : vector<16xi32>, vector<16xi1> -> vector<16xi32>
      %add3A_50 = arith.addi %masked_cumsum3A, %broadcast_in_dim3A_5 : vector<16xi32>
      %ge3A = arith.cmpi sge, %add3A_50, %broadcast_in_dim3A_9 : vector<16xi32>
      %all_reduce_population_count3A = tpu.all_reduce %ge3A {dim = 0 : i64, kind = #tpu.reduction_kind<sum>} : vector<16xi1> -> vector<16xi32>
      %all_reduce_ffs3A = tpu.all_reduce %ge3A {dim = 0 : i64, kind = #tpu.reduction_kind<find_first_set>} : vector<16xi1> -> vector<16xi32>
      %gt3A = arith.constant 0 : i32
      %gt3A_51 = vector.broadcast %gt3A : i32 to vector<16xi32>
      %gt3A_52 = arith.cmpi sgt, %all_reduce_population_count3A, %gt3A_51 : vector<16xi32>
      %eq3A = arith.constant 0 : i32
      %eq3A_53 = vector.broadcast %eq3A : i32 to vector<16xi32>
      %eq3A_54 = arith.cmpi eq, %broadcast_in_dim3A_5, %eq3A_53 : vector<16xi32>
      %and3A = arith.andi %gt3A_52, %eq3A_54 : vector<16xi1>
      %jit3A = arith.constant 1 : i32
      %jit3A_55 = arith.constant 0 : i32
      %broadcast_in_dim3A_56 = vector.broadcast %jit3A : i32 to vector<16xi32>
      %broadcast_in_dim3A_57 = vector.broadcast %jit3A_55 : i32 to vector<16xi32>
      %select_n3A = arith.select %and3A, %broadcast_in_dim3A_56, %broadcast_in_dim3A_57 : vector<16xi1>, vector<16xi32>
      %sub3A = arith.subi %add3A_50, %get3A_47 : vector<16xi32>
      %swap3A_58 = arith.constant 0 : index
      %swap3A_59 = tpu.vector_load %arg7[%swap3A_58] {strides = array<i32>} : memref<32xi32, #tpu.memory_space<vmem>>, vector<16xi32>,
      tpu.vector_store %arg7[%swap3A_58], %sub3A {strides = array<i32>} : memref<32xi32, #tpu.memory_space<vmem>>, vector<16xi32>,
      %swap3A_60 = arith.constant 16 : index
      %swap3A_61 = tpu.vector_load %arg7[%swap3A_60] {strides = array<i32>} : memref<32xi32, #tpu.memory_space<vmem>>, vector<16xi32>,
      tpu.vector_store %arg7[%swap3A_60], %add3A_50 {strides = array<i32>} : memref<32xi32, #tpu.memory_space<vmem>>, vector<16xi32>,
      %eq3A_62 = arith.constant 1 : i32
      %eq3A_63 = vector.broadcast %eq3A_62 : i32 to vector<16xi32>
      %eq3A_64 = arith.cmpi eq, %select_n3A, %eq3A_63 : vector<16xi32>
      %jit3A_65 = arith.constant 0 : i32
      %broadcast_in_dim3A_66 = vector.broadcast %jit3A_65 : i32 to vector<16xi32>
      %select_n3A_67 = arith.select %eq3A_64, %all_reduce_ffs3A, %broadcast_in_dim3A_66 : vector<16xi1>, vector<16xi32>
      %gather3A = tpu.vector_load_idx %arg7[%select_n3A_67] : memref<32xi32, #tpu.memory_space<vmem>>[vector<16xi32>], vector<16xi32>,
      %eq3A_68 = arith.constant 1 : i32
      %eq3A_69 = vector.broadcast %eq3A_68 : i32 to vector<16xi32>
      %eq3A_70 = arith.cmpi eq, %select_n3A, %eq3A_69 : vector<16xi32>
      %add3A_71 = arith.constant 0 : i32
      %add3A_72 = vector.broadcast %add3A_71 : i32 to vector<16xi32>
      %add3A_73 = arith.addi %add3A_72, %all_reduce_ffs3A : vector<16xi32>
      %select_n3A_74 = arith.select %eq3A_70, %add3A_73, %broadcast_in_dim3A_5 : vector<16xi1>, vector<16xi32>
      %eq3A_75 = arith.constant 1 : i32
      %eq3A_76 = vector.broadcast %eq3A_75 : i32 to vector<16xi32>
      %eq3A_77 = arith.cmpi eq, %select_n3A, %eq3A_76 : vector<16xi32>
      %select_n3A_78 = arith.select %eq3A_77, %gather3A, %broadcast_in_dim3A_5 : vector<16xi1>, vector<16xi32>
      %or3A = arith.ori %broadcast_in_dim3A_5, %select_n3A : vector<16xi32>
      %add3A_79 = arith.constant 31 : i32
      %add3A_80 = vector.broadcast %add3A_79 : i32 to vector<16xi32>
      %add3A_81 = arith.addi %add3A_80, %broadcast_in_dim3A_5 : vector<16xi32>
      %gather3A_82 = tpu.vector_load_idx %arg7[%add3A_81] : memref<32xi32, #tpu.memory_space<vmem>>[vector<16xi32>], vector<16xi32>,
      %get3A_83 = arith.constant 16 : index
      %get3A_84 = tpu.vector_load %arg6[%get3A_83] {strides = array<i32>} : memref<256xi32, #tpu.memory_space<vmem>>, vector<16xi32>,
      %broadcast_in_dim3A_85 = arith.constant true
      %broadcast_in_dim3A_86 = vector.broadcast %broadcast_in_dim3A_85 : i1 to vector<16xi1>
      %masked_cumsum3A_87 = tpu.scan <sum>, %get3A_84 masked %broadcast_in_dim3A_86 : vector<16xi32>, vector<16xi1> -> vector<16xi32>
      %add3A_88 = arith.addi %masked_cumsum3A_87, %gather3A_82 : vector<16xi32>
      %ge3A_89 = arith.cmpi sge, %add3A_88, %broadcast_in_dim3A_9 : vector<16xi32>
      %all_reduce_population_count3A_90 = tpu.all_reduce %ge3A_89 {dim = 0 : i64, kind = #tpu.reduction_kind<sum>} : vector<16xi1> -> vector<16xi32>
      %all_reduce_ffs3A_91 = tpu.all_reduce %ge3A_89 {dim = 0 : i64, kind = #tpu.reduction_kind<find_first_set>} : vector<16xi1> -> vector<16xi32>
      %gt3A_92 = arith.constant 0 : i32
      %gt3A_93 = vector.broadcast %gt3A_92 : i32 to vector<16xi32>
      %gt3A_94 = arith.cmpi sgt, %all_reduce_population_count3A_90, %gt3A_93 : vector<16xi32>
      %eq3A_95 = arith.constant 0 : i32
      %eq3A_96 = vector.broadcast %eq3A_95 : i32 to vector<16xi32>
      %eq3A_97 = arith.cmpi eq, %or3A, %eq3A_96 : vector<16xi32>
      %and3A_98 = arith.andi %gt3A_94, %eq3A_97 : vector<16xi1>
      %jit3A_99 = arith.constant 1 : i32
      %jit3A_100 = arith.constant 0 : i32
      %broadcast_in_dim3A_101 = vector.broadcast %jit3A_99 : i32 to vector<16xi32>
      %broadcast_in_dim3A_102 = vector.broadcast %jit3A_100 : i32 to vector<16xi32>
      %select_n3A_103 = arith.select %and3A_98, %broadcast_in_dim3A_101, %broadcast_in_dim3A_102 : vector<16xi1>, vector<16xi32>
      %sub3A_104 = arith.subi %add3A_88, %get3A_84 : vector<16xi32>
      %swap3A_105 = arith.constant 0 : index
      %swap3A_106 = tpu.vector_load %arg7[%swap3A_105] {strides = array<i32>} : memref<32xi32, #tpu.memory_space<vmem>>, vector<16xi32>,
      tpu.vector_store %arg7[%swap3A_105], %sub3A_104 {strides = array<i32>} : memref<32xi32, #tpu.memory_space<vmem>>, vector<16xi32>,
      %swap3A_107 = arith.constant 16 : index
      %swap3A_108 = tpu.vector_load %arg7[%swap3A_107] {strides = array<i32>} : memref<32xi32, #tpu.memory_space<vmem>>, vector<16xi32>,
      tpu.vector_store %arg7[%swap3A_107], %add3A_88 {strides = array<i32>} : memref<32xi32, #tpu.memory_space<vmem>>, vector<16xi32>,
      %eq3A_109 = arith.constant 1 : i32
      %eq3A_110 = vector.broadcast %eq3A_109 : i32 to vector<16xi32>
      %eq3A_111 = arith.cmpi eq, %select_n3A_103, %eq3A_110 : vector<16xi32>
      %jit3A_112 = arith.constant 0 : i32
      %broadcast_in_dim3A_113 = vector.broadcast %jit3A_112 : i32 to vector<16xi32>
      %select_n3A_114 = arith.select %eq3A_111, %all_reduce_ffs3A_91, %broadcast_in_dim3A_113 : vector<16xi1>, vector<16xi32>
      %gather3A_115 = tpu.vector_load_idx %arg7[%select_n3A_114] : memref<32xi32, #tpu.memory_space<vmem>>[vector<16xi32>], vector<16xi32>,
      %eq3A_116 = arith.constant 1 : i32
      %eq3A_117 = vector.broadcast %eq3A_116 : i32 to vector<16xi32>
      %eq3A_118 = arith.cmpi eq, %select_n3A_103, %eq3A_117 : vector<16xi32>
      %add3A_119 = arith.constant 16 : i32
      %add3A_120 = vector.broadcast %add3A_119 : i32 to vector<16xi32>
      %add3A_121 = arith.addi %add3A_120, %all_reduce_ffs3A_91 : vector<16xi32>
      %select_n3A_122 = arith.select %eq3A_118, %add3A_121, %select_n3A_74 : vector<16xi1>, vector<16xi32>
      %eq3A_123 = arith.constant 1 : i32
      %eq3A_124 = vector.broadcast %eq3A_123 : i32 to vector<16xi32>
      %eq3A_125 = arith.cmpi eq, %select_n3A_103, %eq3A_124 : vector<16xi32>
      %select_n3A_126 = arith.select %eq3A_125, %gather3A_115, %select_n3A_78 : vector<16xi1>, vector<16xi32>
      %or3A_127 = arith.ori %or3A, %select_n3A_103 : vector<16xi32>
      %add3A_128 = arith.constant 31 : i32
      %add3A_129 = vector.broadcast %add3A_128 : i32 to vector<16xi32>
      %add3A_130 = arith.addi %add3A_129, %broadcast_in_dim3A_5 : vector<16xi32>
      %gather3A_131 = tpu.vector_load_idx %arg7[%add3A_130] : memref<32xi32, #tpu.memory_space<vmem>>[vector<16xi32>], vector<16xi32>,
      %get3A_132 = arith.constant 32 : index
      %get3A_133 = tpu.vector_load %arg6[%get3A_132] {strides = array<i32>} : memref<256xi32, #tpu.memory_space<vmem>>, vector<16xi32>,
      %broadcast_in_dim3A_134 = arith.constant true
      %broadcast_in_dim3A_135 = vector.broadcast %broadcast_in_dim3A_134 : i1 to vector<16xi1>
      %masked_cumsum3A_136 = tpu.scan <sum>, %get3A_133 masked %broadcast_in_dim3A_135 : vector<16xi32>, vector<16xi1> -> vector<16xi32>
      %add3A_137 = arith.addi %masked_cumsum3A_136, %gather3A_131 : vector<16xi32>
      %ge3A_138 = arith.cmpi sge, %add3A_137, %broadcast_in_dim3A_9 : vector<16xi32>
      %all_reduce_population_count3A_139 = tpu.all_reduce %ge3A_138 {dim = 0 : i64, kind = #tpu.reduction_kind<sum>} : vector<16xi1> -> vector<16xi32>
      %all_reduce_ffs3A_140 = tpu.all_reduce %ge3A_138 {dim = 0 : i64, kind = #tpu.reduction_kind<find_first_set>} : vector<16xi1> -> vector<16xi32>
      %gt3A_141 = arith.constant 0 : i32
      %gt3A_142 = vector.broadcast %gt3A_141 : i32 to vector<16xi32>
      %gt3A_143 = arith.cmpi sgt, %all_reduce_population_count3A_139, %gt3A_142 : vector<16xi32>
      %eq3A_144 = arith.constant 0 : i32
      %eq3A_145 = vector.broadcast %eq3A_144 : i32 to vector<16xi32>
      %eq3A_146 = arith.cmpi eq, %or3A_127, %eq3A_145 : vector<16xi32>
      %and3A_147 = arith.andi %gt3A_143, %eq3A_146 : vector<16xi1>
      %jit3A_148 = arith.constant 1 : i32
      %jit3A_149 = arith.constant 0 : i32
      %broadcast_in_dim3A_150 = vector.broadcast %jit3A_148 : i32 to vector<16xi32>
      %broadcast_in_dim3A_151 = vector.broadcast %jit3A_149 : i32 to vector<16xi32>
      %select_n3A_152 = arith.select %and3A_147, %broadcast_in_dim3A_150, %broadcast_in_dim3A_151 : vector<16xi1>, vector<16xi32>
      %sub3A_153 = arith.subi %add3A_137, %get3A_133 : vector<16xi32>
      %swap3A_154 = arith.constant 0 : index
      %swap3A_155 = tpu.vector_load %arg7[%swap3A_154] {strides = array<i32>} : memref<32xi32, #tpu.memory_space<vmem>>, vector<16xi32>,
      tpu.vector_store %arg7[%swap3A_154], %sub3A_153 {strides = array<i32>} : memref<32xi32, #tpu.memory_space<vmem>>, vector<16xi32>,
      %swap3A_156 = arith.constant 16 : index
      %swap3A_157 = tpu.vector_load %arg7[%swap3A_156] {strides = array<i32>} : memref<32xi32, #tpu.memory_space<vmem>>, vector<16xi32>,
      tpu.vector_store %arg7[%swap3A_156], %add3A_137 {strides = array<i32>} : memref<32xi32, #tpu.memory_space<vmem>>, vector<16xi32>,
      %eq3A_158 = arith.constant 1 : i32
      %eq3A_159 = vector.broadcast %eq3A_158 : i32 to vector<16xi32>
      %eq3A_160 = arith.cmpi eq, %select_n3A_152, %eq3A_159 : vector<16xi32>
      %jit3A_161 = arith.constant 0 : i32
      %broadcast_in_dim3A_162 = vector.broadcast %jit3A_161 : i32 to vector<16xi32>
      %select_n3A_163 = arith.select %eq3A_160, %all_reduce_ffs3A_140, %broadcast_in_dim3A_162 : vector<16xi1>, vector<16xi32>
      %gather3A_164 = tpu.vector_load_idx %arg7[%select_n3A_163] : memref<32xi32, #tpu.memory_space<vmem>>[vector<16xi32>], vector<16xi32>,
      %eq3A_165 = arith.constant 1 : i32
      %eq3A_166 = vector.broadcast %eq3A_165 : i32 to vector<16xi32>
      %eq3A_167 = arith.cmpi eq, %select_n3A_152, %eq3A_166 : vector<16xi32>
      %add3A_168 = arith.constant 32 : i32
      %add3A_169 = vector.broadcast %add3A_168 : i32 to vector<16xi32>
      %add3A_170 = arith.addi %add3A_169, %all_reduce_ffs3A_140 : vector<16xi32>
      %select_n3A_171 = arith.select %eq3A_167, %add3A_170, %select_n3A_122 : vector<16xi1>, vector<16xi32>
      %eq3A_172 = arith.constant 1 : i32
      %eq3A_173 = vector.broadcast %eq3A_172 : i32 to vector<16xi32>
      %eq3A_174 = arith.cmpi eq, %select_n3A_152, %eq3A_173 : vector<16xi32>
      %select_n3A_175 = arith.select %eq3A_174, %gather3A_164, %select_n3A_126 : vector<16xi1>, vector<16xi32>
      %or3A_176 = arith.ori %or3A_127, %select_n3A_152 : vector<16xi32>
      %add3A_177 = arith.constant 31 : i32
      %add3A_178 = vector.broadcast %add3A_177 : i32 to vector<16xi32>
      %add3A_179 = arith.addi %add3A_178, %broadcast_in_dim3A_5 : vector<16xi32>
      %gather3A_180 = tpu.vector_load_idx %arg7[%add3A_179] : memref<32xi32, #tpu.memory_space<vmem>>[vector<16xi32>], vector<16xi32>,
      %get3A_181 = arith.constant 48 : index
      %get3A_182 = tpu.vector_load %arg6[%get3A_181] {strides = array<i32>} : memref<256xi32, #tpu.memory_space<vmem>>, vector<16xi32>,
      %broadcast_in_dim3A_183 = arith.constant true
      %broadcast_in_dim3A_184 = vector.broadcast %broadcast_in_dim3A_183 : i1 to vector<16xi1>
      %masked_cumsum3A_185 = tpu.scan <sum>, %get3A_182 masked %broadcast_in_dim3A_184 : vector<16xi32>, vector<16xi1> -> vector<16xi32>
      %add3A_186 = arith.addi %masked_cumsum3A_185, %gather3A_180 : vector<16xi32>
      %ge3A_187 = arith.cmpi sge, %add3A_186, %broadcast_in_dim3A_9 : vector<16xi32>
      %all_reduce_population_count3A_188 = tpu.all_reduce %ge3A_187 {dim = 0 : i64, kind = #tpu.reduction_kind<sum>} : vector<16xi1> -> vector<16xi32>
      %all_reduce_ffs3A_189 = tpu.all_reduce %ge3A_187 {dim = 0 : i64, kind = #tpu.reduction_kind<find_first_set>} : vector<16xi1> -> vector<16xi32>
      %gt3A_190 = arith.constant 0 : i32
      %gt3A_191 = vector.broadcast %gt3A_190 : i32 to vector<16xi32>
      %gt3A_192 = arith.cmpi sgt, %all_reduce_population_count3A_188, %gt3A_191 : vector<16xi32>
      %eq3A_193 = arith.constant 0 : i32
      %eq3A_194 = vector.broadcast %eq3A_193 : i32 to vector<16xi32>
      %eq3A_195 = arith.cmpi eq, %or3A_176, %eq3A_194 : vector<16xi32>
      %and3A_196 = arith.andi %gt3A_192, %eq3A_195 : vector<16xi1>
      %jit3A_197 = arith.constant 1 : i32
      %jit3A_198 = arith.constant 0 : i32
      %broadcast_in_dim3A_199 = vector.broadcast %jit3A_197 : i32 to vector<16xi32>
      %broadcast_in_dim3A_200 = vector.broadcast %jit3A_198 : i32 to vector<16xi32>
      %select_n3A_201 = arith.select %and3A_196, %broadcast_in_dim3A_199, %broadcast_in_dim3A_200 : vector<16xi1>, vector<16xi32>
      %sub3A_202 = arith.subi %add3A_186, %get3A_182 : vector<16xi32>
      %swap3A_203 = arith.constant 0 : index
      %swap3A_204 = tpu.vector_load %arg7[%swap3A_203] {strides = array<i32>} : memref<32xi32, #tpu.memory_space<vmem>>, vector<16xi32>,
      tpu.vector_store %arg7[%swap3A_203], %sub3A_202 {strides = array<i32>} : memref<32xi32, #tpu.memory_space<vmem>>, vector<16xi32>,
      %swap3A_205 = arith.constant 16 : index
      %swap3A_206 = tpu.vector_load %arg7[%swap3A_205] {strides = array<i32>} : memref<32xi32, #tpu.memory_space<vmem>>, vector<16xi32>,
      tpu.vector_store %arg7[%swap3A_205], %add3A_186 {strides = array<i32>} : memref<32xi32, #tpu.memory_space<vmem>>, vector<16xi32>,
      %eq3A_207 = arith.constant 1 : i32
      %eq3A_208 = vector.broadcast %eq3A_207 : i32 to vector<16xi32>
      %eq3A_209 = arith.cmpi eq, %select_n3A_201, %eq3A_208 : vector<16xi32>
      %jit3A_210 = arith.constant 0 : i32
      %broadcast_in_dim3A_211 = vector.broadcast %jit3A_210 : i32 to vector<16xi32>
      %select_n3A_212 = arith.select %eq3A_209, %all_reduce_ffs3A_189, %broadcast_in_dim3A_211 : vector<16xi1>, vector<16xi32>
      %gather3A_213 = tpu.vector_load_idx %arg7[%select_n3A_212] : memref<32xi32, #tpu.memory_space<vmem>>[vector<16xi32>], vector<16xi32>,
      %eq3A_214 = arith.constant 1 : i32
      %eq3A_215 = vector.broadcast %eq3A_214 : i32 to vector<16xi32>
      %eq3A_216 = arith.cmpi eq, %select_n3A_201, %eq3A_215 : vector<16xi32>
      %add3A_217 = arith.constant 48 : i32
      %add3A_218 = vector.broadcast %add3A_217 : i32 to vector<16xi32>
      %add3A_219 = arith.addi %add3A_218, %all_reduce_ffs3A_189 : vector<16xi32>
      %select_n3A_220 = arith.select %eq3A_216, %add3A_219, %select_n3A_171 : vector<16xi1>, vector<16xi32>
      %eq3A_221 = arith.constant 1 : i32
      %eq3A_222 = vector.broadcast %eq3A_221 : i32 to vector<16xi32>
      %eq3A_223 = arith.cmpi eq, %select_n3A_201, %eq3A_222 : vector<16xi32>
      %select_n3A_224 = arith.select %eq3A_223, %gather3A_213, %select_n3A_175 : vector<16xi1>, vector<16xi32>
      %or3A_225 = arith.ori %or3A_176, %select_n3A_201 : vector<16xi32>
      %add3A_226 = arith.constant 31 : i32
      %add3A_227 = vector.broadcast %add3A_226 : i32 to vector<16xi32>
      %add3A_228 = arith.addi %add3A_227, %broadcast_in_dim3A_5 : vector<16xi32>
      %gather3A_229 = tpu.vector_load_idx %arg7[%add3A_228] : memref<32xi32, #tpu.memory_space<vmem>>[vector<16xi32>], vector<16xi32>,
      %get3A_230 = arith.constant 64 : index
      %get3A_231 = tpu.vector_load %arg6[%get3A_230] {strides = array<i32>} : memref<256xi32, #tpu.memory_space<vmem>>, vector<16xi32>,
      %broadcast_in_dim3A_232 = arith.constant true
      %broadcast_in_dim3A_233 = vector.broadcast %broadcast_in_dim3A_232 : i1 to vector<16xi1>
      %masked_cumsum3A_234 = tpu.scan <sum>, %get3A_231 masked %broadcast_in_dim3A_233 : vector<16xi32>, vector<16xi1> -> vector<16xi32>
      %add3A_235 = arith.addi %masked_cumsum3A_234, %gather3A_229 : vector<16xi32>
      %ge3A_236 = arith.cmpi sge, %add3A_235, %broadcast_in_dim3A_9 : vector<16xi32>
      %all_reduce_population_count3A_237 = tpu.all_reduce %ge3A_236 {dim = 0 : i64, kind = #tpu.reduction_kind<sum>} : vector<16xi1> -> vector<16xi32>
      %all_reduce_ffs3A_238 = tpu.all_reduce %ge3A_236 {dim = 0 : i64, kind = #tpu.reduction_kind<find_first_set>} : vector<16xi1> -> vector<16xi32>
      %gt3A_239 = arith.constant 0 : i32
      %gt3A_240 = vector.broadcast %gt3A_239 : i32 to vector<16xi32>
      %gt3A_241 = arith.cmpi sgt, %all_reduce_population_count3A_237, %gt3A_240 : vector<16xi32>
      %eq3A_242 = arith.constant 0 : i32
      %eq3A_243 = vector.broadcast %eq3A_242 : i32 to vector<16xi32>
      %eq3A_244 = arith.cmpi eq, %or3A_225, %eq3A_243 : vector<16xi32>
      %and3A_245 = arith.andi %gt3A_241, %eq3A_244 : vector<16xi1>
      %jit3A_246 = arith.constant 1 : i32
      %jit3A_247 = arith.constant 0 : i32
      %broadcast_in_dim3A_248 = vector.broadcast %jit3A_246 : i32 to vector<16xi32>
      %broadcast_in_dim3A_249 = vector.broadcast %jit3A_247 : i32 to vector<16xi32>
      %select_n3A_250 = arith.select %and3A_245, %broadcast_in_dim3A_248, %broadcast_in_dim3A_249 : vector<16xi1>, vector<16xi32>
      %sub3A_251 = arith.subi %add3A_235, %get3A_231 : vector<16xi32>
      %swap3A_252 = arith.constant 0 : index
      %swap3A_253 = tpu.vector_load %arg7[%swap3A_252] {strides = array<i32>} : memref<32xi32, #tpu.memory_space<vmem>>, vector<16xi32>,
      tpu.vector_store %arg7[%swap3A_252], %sub3A_251 {strides = array<i32>} : memref<32xi32, #tpu.memory_space<vmem>>, vector<16xi32>,
      %swap3A_254 = arith.constant 16 : index
      %swap3A_255 = tpu.vector_load %arg7[%swap3A_254] {strides = array<i32>} : memref<32xi32, #tpu.memory_space<vmem>>, vector<16xi32>,
      tpu.vector_store %arg7[%swap3A_254], %add3A_235 {strides = array<i32>} : memref<32xi32, #tpu.memory_space<vmem>>, vector<16xi32>,
      %eq3A_256 = arith.constant 1 : i32
      %eq3A_257 = vector.broadcast %eq3A_256 : i32 to vector<16xi32>
      %eq3A_258 = arith.cmpi eq, %select_n3A_250, %eq3A_257 : vector<16xi32>
      %jit3A_259 = arith.constant 0 : i32
      %broadcast_in_dim3A_260 = vector.broadcast %jit3A_259 : i32 to vector<16xi32>
      %select_n3A_261 = arith.select %eq3A_258, %all_reduce_ffs3A_238, %broadcast_in_dim3A_260 : vector<16xi1>, vector<16xi32>
      %gather3A_262 = tpu.vector_load_idx %arg7[%select_n3A_261] : memref<32xi32, #tpu.memory_space<vmem>>[vector<16xi32>], vector<16xi32>,
      %eq3A_263 = arith.constant 1 : i32
      %eq3A_264 = vector.broadcast %eq3A_263 : i32 to vector<16xi32>
      %eq3A_265 = arith.cmpi eq, %select_n3A_250, %eq3A_264 : vector<16xi32>
      %add3A_266 = arith.constant 64 : i32
      %add3A_267 = vector.broadcast %add3A_266 : i32 to vector<16xi32>
      %add3A_268 = arith.addi %add3A_267, %all_reduce_ffs3A_238 : vector<16xi32>
      %select_n3A_269 = arith.select %eq3A_265, %add3A_268, %select_n3A_220 : vector<16xi1>, vector<16xi32>
      %eq3A_270 = arith.constant 1 : i32
      %eq3A_271 = vector.broadcast %eq3A_270 : i32 to vector<16xi32>
      %eq3A_272 = arith.cmpi eq, %select_n3A_250, %eq3A_271 : vector<16xi32>
      %select_n3A_273 = arith.select %eq3A_272, %gather3A_262, %select_n3A_224 : vector<16xi1>, vector<16xi32>
      %or3A_274 = arith.ori %or3A_225, %select_n3A_250 : vector<16xi32>
      %add3A_275 = arith.constant 31 : i32
      %add3A_276 = vector.broadcast %add3A_275 : i32 to vector<16xi32>
      %add3A_277 = arith.addi %add3A_276, %broadcast_in_dim3A_5 : vector<16xi32>
      %gather3A_278 = tpu.vector_load_idx %arg7[%add3A_277] : memref<32xi32, #tpu.memory_space<vmem>>[vector<16xi32>], vector<16xi32>,
      %get3A_279 = arith.constant 80 : index
      %get3A_280 = tpu.vector_load %arg6[%get3A_279] {strides = array<i32>} : memref<256xi32, #tpu.memory_space<vmem>>, vector<16xi32>,
      %broadcast_in_dim3A_281 = arith.constant true
      %broadcast_in_dim3A_282 = vector.broadcast %broadcast_in_dim3A_281 : i1 to vector<16xi1>
      %masked_cumsum3A_283 = tpu.scan <sum>, %get3A_280 masked %broadcast_in_dim3A_282 : vector<16xi32>, vector<16xi1> -> vector<16xi32>
      %add3A_284 = arith.addi %masked_cumsum3A_283, %gather3A_278 : vector<16xi32>
      %ge3A_285 = arith.cmpi sge, %add3A_284, %broadcast_in_dim3A_9 : vector<16xi32>
      %all_reduce_population_count3A_286 = tpu.all_reduce %ge3A_285 {dim = 0 : i64, kind = #tpu.reduction_kind<sum>} : vector<16xi1> -> vector<16xi32>
      %all_reduce_ffs3A_287 = tpu.all_reduce %ge3A_285 {dim = 0 : i64, kind = #tpu.reduction_kind<find_first_set>} : vector<16xi1> -> vector<16xi32>
      %gt3A_288 = arith.constant 0 : i32
      %gt3A_289 = vector.broadcast %gt3A_288 : i32 to vector<16xi32>
      %gt3A_290 = arith.cmpi sgt, %all_reduce_population_count3A_286, %gt3A_289 : vector<16xi32>
      %eq3A_291 = arith.constant 0 : i32
      %eq3A_292 = vector.broadcast %eq3A_291 : i32 to vector<16xi32>
      %eq3A_293 = arith.cmpi eq, %or3A_274, %eq3A_292 : vector<16xi32>
      %and3A_294 = arith.andi %gt3A_290, %eq3A_293 : vector<16xi1>
      %jit3A_295 = arith.constant 1 : i32
      %jit3A_296 = arith.constant 0 : i32
      %broadcast_in_dim3A_297 = vector.broadcast %jit3A_295 : i32 to vector<16xi32>
      %broadcast_in_dim3A_298 = vector.broadcast %jit3A_296 : i32 to vector<16xi32>
      %select_n3A_299 = arith.select %and3A_294, %broadcast_in_dim3A_297, %broadcast_in_dim3A_298 : vector<16xi1>, vector<16xi32>
      %sub3A_300 = arith.subi %add3A_284, %get3A_280 : vector<16xi32>
      %swap3A_301 = arith.constant 0 : index
      %swap3A_302 = tpu.vector_load %arg7[%swap3A_301] {strides = array<i32>} : memref<32xi32, #tpu.memory_space<vmem>>, vector<16xi32>,
      tpu.vector_store %arg7[%swap3A_301], %sub3A_300 {strides = array<i32>} : memref<32xi32, #tpu.memory_space<vmem>>, vector<16xi32>,
      %swap3A_303 = arith.constant 16 : index
      %swap3A_304 = tpu.vector_load %arg7[%swap3A_303] {strides = array<i32>} : memref<32xi32, #tpu.memory_space<vmem>>, vector<16xi32>,
      tpu.vector_store %arg7[%swap3A_303], %add3A_284 {strides = array<i32>} : memref<32xi32, #tpu.memory_space<vmem>>, vector<16xi32>,
      %eq3A_305 = arith.constant 1 : i32
      %eq3A_306 = vector.broadcast %eq3A_305 : i32 to vector<16xi32>
      %eq3A_307 = arith.cmpi eq, %select_n3A_299, %eq3A_306 : vector<16xi32>
      %jit3A_308 = arith.constant 0 : i32
      %broadcast_in_dim3A_309 = vector.broadcast %jit3A_308 : i32 to vector<16xi32>
      %select_n3A_310 = arith.select %eq3A_307, %all_reduce_ffs3A_287, %broadcast_in_dim3A_309 : vector<16xi1>, vector<16xi32>
      %gather3A_311 = tpu.vector_load_idx %arg7[%select_n3A_310] : memref<32xi32, #tpu.memory_space<vmem>>[vector<16xi32>], vector<16xi32>,
      %eq3A_312 = arith.constant 1 : i32
      %eq3A_313 = vector.broadcast %eq3A_312 : i32 to vector<16xi32>
      %eq3A_314 = arith.cmpi eq, %select_n3A_299, %eq3A_313 : vector<16xi32>
      %add3A_315 = arith.constant 80 : i32
      %add3A_316 = vector.broadcast %add3A_315 : i32 to vector<16xi32>
      %add3A_317 = arith.addi %add3A_316, %all_reduce_ffs3A_287 : vector<16xi32>
      %select_n3A_318 = arith.select %eq3A_314, %add3A_317, %select_n3A_269 : vector<16xi1>, vector<16xi32>
      %eq3A_319 = arith.constant 1 : i32
      %eq3A_320 = vector.broadcast %eq3A_319 : i32 to vector<16xi32>
      %eq3A_321 = arith.cmpi eq, %select_n3A_299, %eq3A_320 : vector<16xi32>
      %select_n3A_322 = arith.select %eq3A_321, %gather3A_311, %select_n3A_273 : vector<16xi1>, vector<16xi32>
      %or3A_323 = arith.ori %or3A_274, %select_n3A_299 : vector<16xi32>
      %add3A_324 = arith.constant 31 : i32
      %add3A_325 = vector.broadcast %add3A_324 : i32 to vector<16xi32>
      %add3A_326 = arith.addi %add3A_325, %broadcast_in_dim3A_5 : vector<16xi32>
      %gather3A_327 = tpu.vector_load_idx %arg7[%add3A_326] : memref<32xi32, #tpu.memory_space<vmem>>[vector<16xi32>], vector<16xi32>,
      %get3A_328 = arith.constant 96 : index
      %get3A_329 = tpu.vector_load %arg6[%get3A_328] {strides = array<i32>} : memref<256xi32, #tpu.memory_space<vmem>>, vector<16xi32>,
      %broadcast_in_dim3A_330 = arith.constant true
      %broadcast_in_dim3A_331 = vector.broadcast %broadcast_in_dim3A_330 : i1 to vector<16xi1>
      %masked_cumsum3A_332 = tpu.scan <sum>, %get3A_329 masked %broadcast_in_dim3A_331 : vector<16xi32>, vector<16xi1> -> vector<16xi32>
      %add3A_333 = arith.addi %masked_cumsum3A_332, %gather3A_327 : vector<16xi32>
      %ge3A_334 = arith.cmpi sge, %add3A_333, %broadcast_in_dim3A_9 : vector<16xi32>
      %all_reduce_population_count3A_335 = tpu.all_reduce %ge3A_334 {dim = 0 : i64, kind = #tpu.reduction_kind<sum>} : vector<16xi1> -> vector<16xi32>
      %all_reduce_ffs3A_336 = tpu.all_reduce %ge3A_334 {dim = 0 : i64, kind = #tpu.reduction_kind<find_first_set>} : vector<16xi1> -> vector<16xi32>
      %gt3A_337 = arith.constant 0 : i32
      %gt3A_338 = vector.broadcast %gt3A_337 : i32 to vector<16xi32>
      %gt3A_339 = arith.cmpi sgt, %all_reduce_population_count3A_335, %gt3A_338 : vector<16xi32>
      %eq3A_340 = arith.constant 0 : i32
      %eq3A_341 = vector.broadcast %eq3A_340 : i32 to vector<16xi32>
      %eq3A_342 = arith.cmpi eq, %or3A_323, %eq3A_341 : vector<16xi32>
      %and3A_343 = arith.andi %gt3A_339, %eq3A_342 : vector<16xi1>
      %jit3A_344 = arith.constant 1 : i32
      %jit3A_345 = arith.constant 0 : i32
      %broadcast_in_dim3A_346 = vector.broadcast %jit3A_344 : i32 to vector<16xi32>
      %broadcast_in_dim3A_347 = vector.broadcast %jit3A_345 : i32 to vector<16xi32>
      %select_n3A_348 = arith.select %and3A_343, %broadcast_in_dim3A_346, %broadcast_in_dim3A_347 : vector<16xi1>, vector<16xi32>
      %sub3A_349 = arith.subi %add3A_333, %get3A_329 : vector<16xi32>
      %swap3A_350 = arith.constant 0 : index
      %swap3A_351 = tpu.vector_load %arg7[%swap3A_350] {strides = array<i32>} : memref<32xi32, #tpu.memory_space<vmem>>, vector<16xi32>,
      tpu.vector_store %arg7[%swap3A_350], %sub3A_349 {strides = array<i32>} : memref<32xi32, #tpu.memory_space<vmem>>, vector<16xi32>,
      %swap3A_352 = arith.constant 16 : index
      %swap3A_353 = tpu.vector_load %arg7[%swap3A_352] {strides = array<i32>} : memref<32xi32, #tpu.memory_space<vmem>>, vector<16xi32>,
      tpu.vector_store %arg7[%swap3A_352], %add3A_333 {strides = array<i32>} : memref<32xi32, #tpu.memory_space<vmem>>, vector<16xi32>,
      %eq3A_354 = arith.constant 1 : i32
      %eq3A_355 = vector.broadcast %eq3A_354 : i32 to vector<16xi32>
      %eq3A_356 = arith.cmpi eq, %select_n3A_348, %eq3A_355 : vector<16xi32>
      %jit3A_357 = arith.constant 0 : i32
      %broadcast_in_dim3A_358 = vector.broadcast %jit3A_357 : i32 to vector<16xi32>
      %select_n3A_359 = arith.select %eq3A_356, %all_reduce_ffs3A_336, %broadcast_in_dim3A_358 : vector<16xi1>, vector<16xi32>
      %gather3A_360 = tpu.vector_load_idx %arg7[%select_n3A_359] : memref<32xi32, #tpu.memory_space<vmem>>[vector<16xi32>], vector<16xi32>,
      %eq3A_361 = arith.constant 1 : i32
      %eq3A_362 = vector.broadcast %eq3A_361 : i32 to vector<16xi32>
      %eq3A_363 = arith.cmpi eq, %select_n3A_348, %eq3A_362 : vector<16xi32>
      %add3A_364 = arith.constant 96 : i32
      %add3A_365 = vector.broadcast %add3A_364 : i32 to vector<16xi32>
      %add3A_366 = arith.addi %add3A_365, %all_reduce_ffs3A_336 : vector<16xi32>
      %select_n3A_367 = arith.select %eq3A_363, %add3A_366, %select_n3A_318 : vector<16xi1>, vector<16xi32>
      %eq3A_368 = arith.constant 1 : i32
      %eq3A_369 = vector.broadcast %eq3A_368 : i32 to vector<16xi32>
      %eq3A_370 = arith.cmpi eq, %select_n3A_348, %eq3A_369 : vector<16xi32>
      %select_n3A_371 = arith.select %eq3A_370, %gather3A_360, %select_n3A_322 : vector<16xi1>, vector<16xi32>
      %or3A_372 = arith.ori %or3A_323, %select_n3A_348 : vector<16xi32>
      %add3A_373 = arith.constant 31 : i32
      %add3A_374 = vector.broadcast %add3A_373 : i32 to vector<16xi32>
      %add3A_375 = arith.addi %add3A_374, %broadcast_in_dim3A_5 : vector<16xi32>
      %gather3A_376 = tpu.vector_load_idx %arg7[%add3A_375] : memref<32xi32, #tpu.memory_space<vmem>>[vector<16xi32>], vector<16xi32>,
      %get3A_377 = arith.constant 112 : index
      %get3A_378 = tpu.vector_load %arg6[%get3A_377] {strides = array<i32>} : memref<256xi32, #tpu.memory_space<vmem>>, vector<16xi32>,
      %broadcast_in_dim3A_379 = arith.constant true
      %broadcast_in_dim3A_380 = vector.broadcast %broadcast_in_dim3A_379 : i1 to vector<16xi1>
      %masked_cumsum3A_381 = tpu.scan <sum>, %get3A_378 masked %broadcast_in_dim3A_380 : vector<16xi32>, vector<16xi1> -> vector<16xi32>
      %add3A_382 = arith.addi %masked_cumsum3A_381, %gather3A_376 : vector<16xi32>
      %ge3A_383 = arith.cmpi sge, %add3A_382, %broadcast_in_dim3A_9 : vector<16xi32>
      %all_reduce_population_count3A_384 = tpu.all_reduce %ge3A_383 {dim = 0 : i64, kind = #tpu.reduction_kind<sum>} : vector<16xi1> -> vector<16xi32>
      %all_reduce_ffs3A_385 = tpu.all_reduce %ge3A_383 {dim = 0 : i64, kind = #tpu.reduction_kind<find_first_set>} : vector<16xi1> -> vector<16xi32>
      %gt3A_386 = arith.constant 0 : i32
      %gt3A_387 = vector.broadcast %gt3A_386 : i32 to vector<16xi32>
      %gt3A_388 = arith.cmpi sgt, %all_reduce_population_count3A_384, %gt3A_387 : vector<16xi32>
      %eq3A_389 = arith.constant 0 : i32
      %eq3A_390 = vector.broadcast %eq3A_389 : i32 to vector<16xi32>
      %eq3A_391 = arith.cmpi eq, %or3A_372, %eq3A_390 : vector<16xi32>
      %and3A_392 = arith.andi %gt3A_388, %eq3A_391 : vector<16xi1>
      %jit3A_393 = arith.constant 1 : i32
      %jit3A_394 = arith.constant 0 : i32
      %broadcast_in_dim3A_395 = vector.broadcast %jit3A_393 : i32 to vector<16xi32>
      %broadcast_in_dim3A_396 = vector.broadcast %jit3A_394 : i32 to vector<16xi32>
      %select_n3A_397 = arith.select %and3A_392, %broadcast_in_dim3A_395, %broadcast_in_dim3A_396 : vector<16xi1>, vector<16xi32>
      %sub3A_398 = arith.subi %add3A_382, %get3A_378 : vector<16xi32>
      %swap3A_399 = arith.constant 0 : index
      %swap3A_400 = tpu.vector_load %arg7[%swap3A_399] {strides = array<i32>} : memref<32xi32, #tpu.memory_space<vmem>>, vector<16xi32>,
      tpu.vector_store %arg7[%swap3A_399], %sub3A_398 {strides = array<i32>} : memref<32xi32, #tpu.memory_space<vmem>>, vector<16xi32>,
      %swap3A_401 = arith.constant 16 : index
      %swap3A_402 = tpu.vector_load %arg7[%swap3A_401] {strides = array<i32>} : memref<32xi32, #tpu.memory_space<vmem>>, vector<16xi32>,
      tpu.vector_store %arg7[%swap3A_401], %add3A_382 {strides = array<i32>} : memref<32xi32, #tpu.memory_space<vmem>>, vector<16xi32>,
      %eq3A_403 = arith.constant 1 : i32
      %eq3A_404 = vector.broadcast %eq3A_403 : i32 to vector<16xi32>
      %eq3A_405 = arith.cmpi eq, %select_n3A_397, %eq3A_404 : vector<16xi32>
      %jit3A_406 = arith.constant 0 : i32
      %broadcast_in_dim3A_407 = vector.broadcast %jit3A_406 : i32 to vector<16xi32>
      %select_n3A_408 = arith.select %eq3A_405, %all_reduce_ffs3A_385, %broadcast_in_dim3A_407 : vector<16xi1>, vector<16xi32>
      %gather3A_409 = tpu.vector_load_idx %arg7[%select_n3A_408] : memref<32xi32, #tpu.memory_space<vmem>>[vector<16xi32>], vector<16xi32>,
      %eq3A_410 = arith.constant 1 : i32
      %eq3A_411 = vector.broadcast %eq3A_410 : i32 to vector<16xi32>
      %eq3A_412 = arith.cmpi eq, %select_n3A_397, %eq3A_411 : vector<16xi32>
      %add3A_413 = arith.constant 112 : i32
      %add3A_414 = vector.broadcast %add3A_413 : i32 to vector<16xi32>
      %add3A_415 = arith.addi %add3A_414, %all_reduce_ffs3A_385 : vector<16xi32>
      %select_n3A_416 = arith.select %eq3A_412, %add3A_415, %select_n3A_367 : vector<16xi1>, vector<16xi32>
      %eq3A_417 = arith.constant 1 : i32
      %eq3A_418 = vector.broadcast %eq3A_417 : i32 to vector<16xi32>
      %eq3A_419 = arith.cmpi eq, %select_n3A_397, %eq3A_418 : vector<16xi32>
      %select_n3A_420 = arith.select %eq3A_419, %gather3A_409, %select_n3A_371 : vector<16xi1>, vector<16xi32>
      %or3A_421 = arith.ori %or3A_372, %select_n3A_397 : vector<16xi32>
      %add3A_422 = arith.constant 31 : i32
      %add3A_423 = vector.broadcast %add3A_422 : i32 to vector<16xi32>
      %add3A_424 = arith.addi %add3A_423, %broadcast_in_dim3A_5 : vector<16xi32>
      %gather3A_425 = tpu.vector_load_idx %arg7[%add3A_424] : memref<32xi32, #tpu.memory_space<vmem>>[vector<16xi32>], vector<16xi32>,
      %get3A_426 = arith.constant 128 : index
      %get3A_427 = tpu.vector_load %arg6[%get3A_426] {strides = array<i32>} : memref<256xi32, #tpu.memory_space<vmem>>, vector<16xi32>,
      %broadcast_in_dim3A_428 = arith.constant true
      %broadcast_in_dim3A_429 = vector.broadcast %broadcast_in_dim3A_428 : i1 to vector<16xi1>
      %masked_cumsum3A_430 = tpu.scan <sum>, %get3A_427 masked %broadcast_in_dim3A_429 : vector<16xi32>, vector<16xi1> -> vector<16xi32>
      %add3A_431 = arith.addi %masked_cumsum3A_430, %gather3A_425 : vector<16xi32>
      %ge3A_432 = arith.cmpi sge, %add3A_431, %broadcast_in_dim3A_9 : vector<16xi32>
      %all_reduce_population_count3A_433 = tpu.all_reduce %ge3A_432 {dim = 0 : i64, kind = #tpu.reduction_kind<sum>} : vector<16xi1> -> vector<16xi32>
      %all_reduce_ffs3A_434 = tpu.all_reduce %ge3A_432 {dim = 0 : i64, kind = #tpu.reduction_kind<find_first_set>} : vector<16xi1> -> vector<16xi32>
      %gt3A_435 = arith.constant 0 : i32
      %gt3A_436 = vector.broadcast %gt3A_435 : i32 to vector<16xi32>
      %gt3A_437 = arith.cmpi sgt, %all_reduce_population_count3A_433, %gt3A_436 : vector<16xi32>
      %eq3A_438 = arith.constant 0 : i32
      %eq3A_439 = vector.broadcast %eq3A_438 : i32 to vector<16xi32>
      %eq3A_440 = arith.cmpi eq, %or3A_421, %eq3A_439 : vector<16xi32>
      %and3A_441 = arith.andi %gt3A_437, %eq3A_440 : vector<16xi1>
      %jit3A_442 = arith.constant 1 : i32
      %jit3A_443 = arith.constant 0 : i32
      %broadcast_in_dim3A_444 = vector.broadcast %jit3A_442 : i32 to vector<16xi32>
      %broadcast_in_dim3A_445 = vector.broadcast %jit3A_443 : i32 to vector<16xi32>
      %select_n3A_446 = arith.select %and3A_441, %broadcast_in_dim3A_444, %broadcast_in_dim3A_445 : vector<16xi1>, vector<16xi32>
      %sub3A_447 = arith.subi %add3A_431, %get3A_427 : vector<16xi32>
      %swap3A_448 = arith.constant 0 : index
      %swap3A_449 = tpu.vector_load %arg7[%swap3A_448] {strides = array<i32>} : memref<32xi32, #tpu.memory_space<vmem>>, vector<16xi32>,
      tpu.vector_store %arg7[%swap3A_448], %sub3A_447 {strides = array<i32>} : memref<32xi32, #tpu.memory_space<vmem>>, vector<16xi32>,
      %swap3A_450 = arith.constant 16 : index
      %swap3A_451 = tpu.vector_load %arg7[%swap3A_450] {strides = array<i32>} : memref<32xi32, #tpu.memory_space<vmem>>, vector<16xi32>,
      tpu.vector_store %arg7[%swap3A_450], %add3A_431 {strides = array<i32>} : memref<32xi32, #tpu.memory_space<vmem>>, vector<16xi32>,
      %eq3A_452 = arith.constant 1 : i32
      %eq3A_453 = vector.broadcast %eq3A_452 : i32 to vector<16xi32>
      %eq3A_454 = arith.cmpi eq, %select_n3A_446, %eq3A_453 : vector<16xi32>
      %jit3A_455 = arith.constant 0 : i32
      %broadcast_in_dim3A_456 = vector.broadcast %jit3A_455 : i32 to vector<16xi32>
      %select_n3A_457 = arith.select %eq3A_454, %all_reduce_ffs3A_434, %broadcast_in_dim3A_456 : vector<16xi1>, vector<16xi32>
      %gather3A_458 = tpu.vector_load_idx %arg7[%select_n3A_457] : memref<32xi32, #tpu.memory_space<vmem>>[vector<16xi32>], vector<16xi32>,
      %eq3A_459 = arith.constant 1 : i32
      %eq3A_460 = vector.broadcast %eq3A_459 : i32 to vector<16xi32>
      %eq3A_461 = arith.cmpi eq, %select_n3A_446, %eq3A_460 : vector<16xi32>
      %add3A_462 = arith.constant 128 : i32
      %add3A_463 = vector.broadcast %add3A_462 : i32 to vector<16xi32>
      %add3A_464 = arith.addi %add3A_463, %all_reduce_ffs3A_434 : vector<16xi32>
      %select_n3A_465 = arith.select %eq3A_461, %add3A_464, %select_n3A_416 : vector<16xi1>, vector<16xi32>
      %eq3A_466 = arith.constant 1 : i32
      %eq3A_467 = vector.broadcast %eq3A_466 : i32 to vector<16xi32>
      %eq3A_468 = arith.cmpi eq, %select_n3A_446, %eq3A_467 : vector<16xi32>
      %select_n3A_469 = arith.select %eq3A_468, %gather3A_458, %select_n3A_420 : vector<16xi1>, vector<16xi32>
      %or3A_470 = arith.ori %or3A_421, %select_n3A_446 : vector<16xi32>
      %add3A_471 = arith.constant 31 : i32
      %add3A_472 = vector.broadcast %add3A_471 : i32 to vector<16xi32>
      %add3A_473 = arith.addi %add3A_472, %broadcast_in_dim3A_5 : vector<16xi32>
      %gather3A_474 = tpu.vector_load_idx %arg7[%add3A_473] : memref<32xi32, #tpu.memory_space<vmem>>[vector<16xi32>], vector<16xi32>,
      %get3A_475 = arith.constant 144 : index
      %get3A_476 = tpu.vector_load %arg6[%get3A_475] {strides = array<i32>} : memref<256xi32, #tpu.memory_space<vmem>>, vector<16xi32>,
      %broadcast_in_dim3A_477 = arith.constant true
      %broadcast_in_dim3A_478 = vector.broadcast %broadcast_in_dim3A_477 : i1 to vector<16xi1>
      %masked_cumsum3A_479 = tpu.scan <sum>, %get3A_476 masked %broadcast_in_dim3A_478 : vector<16xi32>, vector<16xi1> -> vector<16xi32>
      %add3A_480 = arith.addi %masked_cumsum3A_479, %gather3A_474 : vector<16xi32>
      %ge3A_481 = arith.cmpi sge, %add3A_480, %broadcast_in_dim3A_9 : vector<16xi32>
      %all_reduce_population_count3A_482 = tpu.all_reduce %ge3A_481 {dim = 0 : i64, kind = #tpu.reduction_kind<sum>} : vector<16xi1> -> vector<16xi32>
      %all_reduce_ffs3A_483 = tpu.all_reduce %ge3A_481 {dim = 0 : i64, kind = #tpu.reduction_kind<find_first_set>} : vector<16xi1> -> vector<16xi32>
      %gt3A_484 = arith.constant 0 : i32
      %gt3A_485 = vector.broadcast %gt3A_484 : i32 to vector<16xi32>
      %gt3A_486 = arith.cmpi sgt, %all_reduce_population_count3A_482, %gt3A_485 : vector<16xi32>
      %eq3A_487 = arith.constant 0 : i32
      %eq3A_488 = vector.broadcast %eq3A_487 : i32 to vector<16xi32>
      %eq3A_489 = arith.cmpi eq, %or3A_470, %eq3A_488 : vector<16xi32>
      %and3A_490 = arith.andi %gt3A_486, %eq3A_489 : vector<16xi1>
      %jit3A_491 = arith.constant 1 : i32
      %jit3A_492 = arith.constant 0 : i32
      %broadcast_in_dim3A_493 = vector.broadcast %jit3A_491 : i32 to vector<16xi32>
      %broadcast_in_dim3A_494 = vector.broadcast %jit3A_492 : i32 to vector<16xi32>
      %select_n3A_495 = arith.select %and3A_490, %broadcast_in_dim3A_493, %broadcast_in_dim3A_494 : vector<16xi1>, vector<16xi32>
      %sub3A_496 = arith.subi %add3A_480, %get3A_476 : vector<16xi32>
      %swap3A_497 = arith.constant 0 : index
      %swap3A_498 = tpu.vector_load %arg7[%swap3A_497] {strides = array<i32>} : memref<32xi32, #tpu.memory_space<vmem>>, vector<16xi32>,
      tpu.vector_store %arg7[%swap3A_497], %sub3A_496 {strides = array<i32>} : memref<32xi32, #tpu.memory_space<vmem>>, vector<16xi32>,
      %swap3A_499 = arith.constant 16 : index
      %swap3A_500 = tpu.vector_load %arg7[%swap3A_499] {strides = array<i32>} : memref<32xi32, #tpu.memory_space<vmem>>, vector<16xi32>,
      tpu.vector_store %arg7[%swap3A_499], %add3A_480 {strides = array<i32>} : memref<32xi32, #tpu.memory_space<vmem>>, vector<16xi32>,
      %eq3A_501 = arith.constant 1 : i32
      %eq3A_502 = vector.broadcast %eq3A_501 : i32 to vector<16xi32>
      %eq3A_503 = arith.cmpi eq, %select_n3A_495, %eq3A_502 : vector<16xi32>
      %jit3A_504 = arith.constant 0 : i32
      %broadcast_in_dim3A_505 = vector.broadcast %jit3A_504 : i32 to vector<16xi32>
      %select_n3A_506 = arith.select %eq3A_503, %all_reduce_ffs3A_483, %broadcast_in_dim3A_505 : vector<16xi1>, vector<16xi32>
      %gather3A_507 = tpu.vector_load_idx %arg7[%select_n3A_506] : memref<32xi32, #tpu.memory_space<vmem>>[vector<16xi32>], vector<16xi32>,
      %eq3A_508 = arith.constant 1 : i32
      %eq3A_509 = vector.broadcast %eq3A_508 : i32 to vector<16xi32>
      %eq3A_510 = arith.cmpi eq, %select_n3A_495, %eq3A_509 : vector<16xi32>
      %add3A_511 = arith.constant 144 : i32
      %add3A_512 = vector.broadcast %add3A_511 : i32 to vector<16xi32>
      %add3A_513 = arith.addi %add3A_512, %all_reduce_ffs3A_483 : vector<16xi32>
      %select_n3A_514 = arith.select %eq3A_510, %add3A_513, %select_n3A_465 : vector<16xi1>, vector<16xi32>
      %eq3A_515 = arith.constant 1 : i32
      %eq3A_516 = vector.broadcast %eq3A_515 : i32 to vector<16xi32>
      %eq3A_517 = arith.cmpi eq, %select_n3A_495, %eq3A_516 : vector<16xi32>
      %select_n3A_518 = arith.select %eq3A_517, %gather3A_507, %select_n3A_469 : vector<16xi1>, vector<16xi32>
      %or3A_519 = arith.ori %or3A_470, %select_n3A_495 : vector<16xi32>
      %add3A_520 = arith.constant 31 : i32
      %add3A_521 = vector.broadcast %add3A_520 : i32 to vector<16xi32>
      %add3A_522 = arith.addi %add3A_521, %broadcast_in_dim3A_5 : vector<16xi32>
      %gather3A_523 = tpu.vector_load_idx %arg7[%add3A_522] : memref<32xi32, #tpu.memory_space<vmem>>[vector<16xi32>], vector<16xi32>,
      %get3A_524 = arith.constant 160 : index
      %get3A_525 = tpu.vector_load %arg6[%get3A_524] {strides = array<i32>} : memref<256xi32, #tpu.memory_space<vmem>>, vector<16xi32>,
      %broadcast_in_dim3A_526 = arith.constant true
      %broadcast_in_dim3A_527 = vector.broadcast %broadcast_in_dim3A_526 : i1 to vector<16xi1>
      %masked_cumsum3A_528 = tpu.scan <sum>, %get3A_525 masked %broadcast_in_dim3A_527 : vector<16xi32>, vector<16xi1> -> vector<16xi32>
      %add3A_529 = arith.addi %masked_cumsum3A_528, %gather3A_523 : vector<16xi32>
      %ge3A_530 = arith.cmpi sge, %add3A_529, %broadcast_in_dim3A_9 : vector<16xi32>
      %all_reduce_population_count3A_531 = tpu.all_reduce %ge3A_530 {dim = 0 : i64, kind = #tpu.reduction_kind<sum>} : vector<16xi1> -> vector<16xi32>
      %all_reduce_ffs3A_532 = tpu.all_reduce %ge3A_530 {dim = 0 : i64, kind = #tpu.reduction_kind<find_first_set>} : vector<16xi1> -> vector<16xi32>
      %gt3A_533 = arith.constant 0 : i32
      %gt3A_534 = vector.broadcast %gt3A_533 : i32 to vector<16xi32>
      %gt3A_535 = arith.cmpi sgt, %all_reduce_population_count3A_531, %gt3A_534 : vector<16xi32>
      %eq3A_536 = arith.constant 0 : i32
      %eq3A_537 = vector.broadcast %eq3A_536 : i32 to vector<16xi32>
      %eq3A_538 = arith.cmpi eq, %or3A_519, %eq3A_537 : vector<16xi32>
      %and3A_539 = arith.andi %gt3A_535, %eq3A_538 : vector<16xi1>
      %jit3A_540 = arith.constant 1 : i32
      %jit3A_541 = arith.constant 0 : i32
      %broadcast_in_dim3A_542 = vector.broadcast %jit3A_540 : i32 to vector<16xi32>
      %broadcast_in_dim3A_543 = vector.broadcast %jit3A_541 : i32 to vector<16xi32>
      %select_n3A_544 = arith.select %and3A_539, %broadcast_in_dim3A_542, %broadcast_in_dim3A_543 : vector<16xi1>, vector<16xi32>
      %sub3A_545 = arith.subi %add3A_529, %get3A_525 : vector<16xi32>
      %swap3A_546 = arith.constant 0 : index
      %swap3A_547 = tpu.vector_load %arg7[%swap3A_546] {strides = array<i32>} : memref<32xi32, #tpu.memory_space<vmem>>, vector<16xi32>,
      tpu.vector_store %arg7[%swap3A_546], %sub3A_545 {strides = array<i32>} : memref<32xi32, #tpu.memory_space<vmem>>, vector<16xi32>,
      %swap3A_548 = arith.constant 16 : index
      %swap3A_549 = tpu.vector_load %arg7[%swap3A_548] {strides = array<i32>} : memref<32xi32, #tpu.memory_space<vmem>>, vector<16xi32>,
      tpu.vector_store %arg7[%swap3A_548], %add3A_529 {strides = array<i32>} : memref<32xi32, #tpu.memory_space<vmem>>, vector<16xi32>,
      %eq3A_550 = arith.constant 1 : i32
      %eq3A_551 = vector.broadcast %eq3A_550 : i32 to vector<16xi32>
      %eq3A_552 = arith.cmpi eq, %select_n3A_544, %eq3A_551 : vector<16xi32>
      %jit3A_553 = arith.constant 0 : i32
      %broadcast_in_dim3A_554 = vector.broadcast %jit3A_553 : i32 to vector<16xi32>
      %select_n3A_555 = arith.select %eq3A_552, %all_reduce_ffs3A_532, %broadcast_in_dim3A_554 : vector<16xi1>, vector<16xi32>
      %gather3A_556 = tpu.vector_load_idx %arg7[%select_n3A_555] : memref<32xi32, #tpu.memory_space<vmem>>[vector<16xi32>], vector<16xi32>,
      %eq3A_557 = arith.constant 1 : i32
      %eq3A_558 = vector.broadcast %eq3A_557 : i32 to vector<16xi32>
      %eq3A_559 = arith.cmpi eq, %select_n3A_544, %eq3A_558 : vector<16xi32>
      %add3A_560 = arith.constant 160 : i32
      %add3A_561 = vector.broadcast %add3A_560 : i32 to vector<16xi32>
      %add3A_562 = arith.addi %add3A_561, %all_reduce_ffs3A_532 : vector<16xi32>
      %select_n3A_563 = arith.select %eq3A_559, %add3A_562, %select_n3A_514 : vector<16xi1>, vector<16xi32>
      %eq3A_564 = arith.constant 1 : i32
      %eq3A_565 = vector.broadcast %eq3A_564 : i32 to vector<16xi32>
      %eq3A_566 = arith.cmpi eq, %select_n3A_544, %eq3A_565 : vector<16xi32>
      %select_n3A_567 = arith.select %eq3A_566, %gather3A_556, %select_n3A_518 : vector<16xi1>, vector<16xi32>
      %or3A_568 = arith.ori %or3A_519, %select_n3A_544 : vector<16xi32>
      %add3A_569 = arith.constant 31 : i32
      %add3A_570 = vector.broadcast %add3A_569 : i32 to vector<16xi32>
      %add3A_571 = arith.addi %add3A_570, %broadcast_in_dim3A_5 : vector<16xi32>
      %gather3A_572 = tpu.vector_load_idx %arg7[%add3A_571] : memref<32xi32, #tpu.memory_space<vmem>>[vector<16xi32>], vector<16xi32>,
      %get3A_573 = arith.constant 176 : index
      %get3A_574 = tpu.vector_load %arg6[%get3A_573] {strides = array<i32>} : memref<256xi32, #tpu.memory_space<vmem>>, vector<16xi32>,
      %broadcast_in_dim3A_575 = arith.constant true
      %broadcast_in_dim3A_576 = vector.broadcast %broadcast_in_dim3A_575 : i1 to vector<16xi1>
      %masked_cumsum3A_577 = tpu.scan <sum>, %get3A_574 masked %broadcast_in_dim3A_576 : vector<16xi32>, vector<16xi1> -> vector<16xi32>
      %add3A_578 = arith.addi %masked_cumsum3A_577, %gather3A_572 : vector<16xi32>
      %ge3A_579 = arith.cmpi sge, %add3A_578, %broadcast_in_dim3A_9 : vector<16xi32>
      %all_reduce_population_count3A_580 = tpu.all_reduce %ge3A_579 {dim = 0 : i64, kind = #tpu.reduction_kind<sum>} : vector<16xi1> -> vector<16xi32>
      %all_reduce_ffs3A_581 = tpu.all_reduce %ge3A_579 {dim = 0 : i64, kind = #tpu.reduction_kind<find_first_set>} : vector<16xi1> -> vector<16xi32>
      %gt3A_582 = arith.constant 0 : i32
      %gt3A_583 = vector.broadcast %gt3A_582 : i32 to vector<16xi32>
      %gt3A_584 = arith.cmpi sgt, %all_reduce_population_count3A_580, %gt3A_583 : vector<16xi32>
      %eq3A_585 = arith.constant 0 : i32
      %eq3A_586 = vector.broadcast %eq3A_585 : i32 to vector<16xi32>
      %eq3A_587 = arith.cmpi eq, %or3A_568, %eq3A_586 : vector<16xi32>
      %and3A_588 = arith.andi %gt3A_584, %eq3A_587 : vector<16xi1>
      %jit3A_589 = arith.constant 1 : i32
      %jit3A_590 = arith.constant 0 : i32
      %broadcast_in_dim3A_591 = vector.broadcast %jit3A_589 : i32 to vector<16xi32>
      %broadcast_in_dim3A_592 = vector.broadcast %jit3A_590 : i32 to vector<16xi32>
      %select_n3A_593 = arith.select %and3A_588, %broadcast_in_dim3A_591, %broadcast_in_dim3A_592 : vector<16xi1>, vector<16xi32>
      %sub3A_594 = arith.subi %add3A_578, %get3A_574 : vector<16xi32>
      %swap3A_595 = arith.constant 0 : index
      %swap3A_596 = tpu.vector_load %arg7[%swap3A_595] {strides = array<i32>} : memref<32xi32, #tpu.memory_space<vmem>>, vector<16xi32>,
      tpu.vector_store %arg7[%swap3A_595], %sub3A_594 {strides = array<i32>} : memref<32xi32, #tpu.memory_space<vmem>>, vector<16xi32>,
      %swap3A_597 = arith.constant 16 : index
      %swap3A_598 = tpu.vector_load %arg7[%swap3A_597] {strides = array<i32>} : memref<32xi32, #tpu.memory_space<vmem>>, vector<16xi32>,
      tpu.vector_store %arg7[%swap3A_597], %add3A_578 {strides = array<i32>} : memref<32xi32, #tpu.memory_space<vmem>>, vector<16xi32>,
      %eq3A_599 = arith.constant 1 : i32
      %eq3A_600 = vector.broadcast %eq3A_599 : i32 to vector<16xi32>
      %eq3A_601 = arith.cmpi eq, %select_n3A_593, %eq3A_600 : vector<16xi32>
      %jit3A_602 = arith.constant 0 : i32
      %broadcast_in_dim3A_603 = vector.broadcast %jit3A_602 : i32 to vector<16xi32>
      %select_n3A_604 = arith.select %eq3A_601, %all_reduce_ffs3A_581, %broadcast_in_dim3A_603 : vector<16xi1>, vector<16xi32>
      %gather3A_605 = tpu.vector_load_idx %arg7[%select_n3A_604] : memref<32xi32, #tpu.memory_space<vmem>>[vector<16xi32>], vector<16xi32>,
      %eq3A_606 = arith.constant 1 : i32
      %eq3A_607 = vector.broadcast %eq3A_606 : i32 to vector<16xi32>
      %eq3A_608 = arith.cmpi eq, %select_n3A_593, %eq3A_607 : vector<16xi32>
      %add3A_609 = arith.constant 176 : i32
      %add3A_610 = vector.broadcast %add3A_609 : i32 to vector<16xi32>
      %add3A_611 = arith.addi %add3A_610, %all_reduce_ffs3A_581 : vector<16xi32>
      %select_n3A_612 = arith.select %eq3A_608, %add3A_611, %select_n3A_563 : vector<16xi1>, vector<16xi32>
      %eq3A_613 = arith.constant 1 : i32
      %eq3A_614 = vector.broadcast %eq3A_613 : i32 to vector<16xi32>
      %eq3A_615 = arith.cmpi eq, %select_n3A_593, %eq3A_614 : vector<16xi32>
      %select_n3A_616 = arith.select %eq3A_615, %gather3A_605, %select_n3A_567 : vector<16xi1>, vector<16xi32>
      %or3A_617 = arith.ori %or3A_568, %select_n3A_593 : vector<16xi32>
      %add3A_618 = arith.constant 31 : i32
      %add3A_619 = vector.broadcast %add3A_618 : i32 to vector<16xi32>
      %add3A_620 = arith.addi %add3A_619, %broadcast_in_dim3A_5 : vector<16xi32>
      %gather3A_621 = tpu.vector_load_idx %arg7[%add3A_620] : memref<32xi32, #tpu.memory_space<vmem>>[vector<16xi32>], vector<16xi32>,
      %get3A_622 = arith.constant 192 : index
      %get3A_623 = tpu.vector_load %arg6[%get3A_622] {strides = array<i32>} : memref<256xi32, #tpu.memory_space<vmem>>, vector<16xi32>,
      %broadcast_in_dim3A_624 = arith.constant true
      %broadcast_in_dim3A_625 = vector.broadcast %broadcast_in_dim3A_624 : i1 to vector<16xi1>
      %masked_cumsum3A_626 = tpu.scan <sum>, %get3A_623 masked %broadcast_in_dim3A_625 : vector<16xi32>, vector<16xi1> -> vector<16xi32>
      %add3A_627 = arith.addi %masked_cumsum3A_626, %gather3A_621 : vector<16xi32>
      %ge3A_628 = arith.cmpi sge, %add3A_627, %broadcast_in_dim3A_9 : vector<16xi32>
      %all_reduce_population_count3A_629 = tpu.all_reduce %ge3A_628 {dim = 0 : i64, kind = #tpu.reduction_kind<sum>} : vector<16xi1> -> vector<16xi32>
      %all_reduce_ffs3A_630 = tpu.all_reduce %ge3A_628 {dim = 0 : i64, kind = #tpu.reduction_kind<find_first_set>} : vector<16xi1> -> vector<16xi32>
      %gt3A_631 = arith.constant 0 : i32
      %gt3A_632 = vector.broadcast %gt3A_631 : i32 to vector<16xi32>
      %gt3A_633 = arith.cmpi sgt, %all_reduce_population_count3A_629, %gt3A_632 : vector<16xi32>
      %eq3A_634 = arith.constant 0 : i32
      %eq3A_635 = vector.broadcast %eq3A_634 : i32 to vector<16xi32>
      %eq3A_636 = arith.cmpi eq, %or3A_617, %eq3A_635 : vector<16xi32>
      %and3A_637 = arith.andi %gt3A_633, %eq3A_636 : vector<16xi1>
      %jit3A_638 = arith.constant 1 : i32
      %jit3A_639 = arith.constant 0 : i32
      %broadcast_in_dim3A_640 = vector.broadcast %jit3A_638 : i32 to vector<16xi32>
      %broadcast_in_dim3A_641 = vector.broadcast %jit3A_639 : i32 to vector<16xi32>
      %select_n3A_642 = arith.select %and3A_637, %broadcast_in_dim3A_640, %broadcast_in_dim3A_641 : vector<16xi1>, vector<16xi32>
      %sub3A_643 = arith.subi %add3A_627, %get3A_623 : vector<16xi32>
      %swap3A_644 = arith.constant 0 : index
      %swap3A_645 = tpu.vector_load %arg7[%swap3A_644] {strides = array<i32>} : memref<32xi32, #tpu.memory_space<vmem>>, vector<16xi32>,
      tpu.vector_store %arg7[%swap3A_644], %sub3A_643 {strides = array<i32>} : memref<32xi32, #tpu.memory_space<vmem>>, vector<16xi32>,
      %swap3A_646 = arith.constant 16 : index
      %swap3A_647 = tpu.vector_load %arg7[%swap3A_646] {strides = array<i32>} : memref<32xi32, #tpu.memory_space<vmem>>, vector<16xi32>,
      tpu.vector_store %arg7[%swap3A_646], %add3A_627 {strides = array<i32>} : memref<32xi32, #tpu.memory_space<vmem>>, vector<16xi32>,
      %eq3A_648 = arith.constant 1 : i32
      %eq3A_649 = vector.broadcast %eq3A_648 : i32 to vector<16xi32>
      %eq3A_650 = arith.cmpi eq, %select_n3A_642, %eq3A_649 : vector<16xi32>
      %jit3A_651 = arith.constant 0 : i32
      %broadcast_in_dim3A_652 = vector.broadcast %jit3A_651 : i32 to vector<16xi32>
      %select_n3A_653 = arith.select %eq3A_650, %all_reduce_ffs3A_630, %broadcast_in_dim3A_652 : vector<16xi1>, vector<16xi32>
      %gather3A_654 = tpu.vector_load_idx %arg7[%select_n3A_653] : memref<32xi32, #tpu.memory_space<vmem>>[vector<16xi32>], vector<16xi32>,
      %eq3A_655 = arith.constant 1 : i32
      %eq3A_656 = vector.broadcast %eq3A_655 : i32 to vector<16xi32>
      %eq3A_657 = arith.cmpi eq, %select_n3A_642, %eq3A_656 : vector<16xi32>
      %add3A_658 = arith.constant 192 : i32
      %add3A_659 = vector.broadcast %add3A_658 : i32 to vector<16xi32>
      %add3A_660 = arith.addi %add3A_659, %all_reduce_ffs3A_630 : vector<16xi32>
      %select_n3A_661 = arith.select %eq3A_657, %add3A_660, %select_n3A_612 : vector<16xi1>, vector<16xi32>
      %eq3A_662 = arith.constant 1 : i32
      %eq3A_663 = vector.broadcast %eq3A_662 : i32 to vector<16xi32>
      %eq3A_664 = arith.cmpi eq, %select_n3A_642, %eq3A_663 : vector<16xi32>
      %select_n3A_665 = arith.select %eq3A_664, %gather3A_654, %select_n3A_616 : vector<16xi1>, vector<16xi32>
      %or3A_666 = arith.ori %or3A_617, %select_n3A_642 : vector<16xi32>
      %add3A_667 = arith.constant 31 : i32
      %add3A_668 = vector.broadcast %add3A_667 : i32 to vector<16xi32>
      %add3A_669 = arith.addi %add3A_668, %broadcast_in_dim3A_5 : vector<16xi32>
      %gather3A_670 = tpu.vector_load_idx %arg7[%add3A_669] : memref<32xi32, #tpu.memory_space<vmem>>[vector<16xi32>], vector<16xi32>,
      %get3A_671 = arith.constant 208 : index
      %get3A_672 = tpu.vector_load %arg6[%get3A_671] {strides = array<i32>} : memref<256xi32, #tpu.memory_space<vmem>>, vector<16xi32>,
      %broadcast_in_dim3A_673 = arith.constant true
      %broadcast_in_dim3A_674 = vector.broadcast %broadcast_in_dim3A_673 : i1 to vector<16xi1>
      %masked_cumsum3A_675 = tpu.scan <sum>, %get3A_672 masked %broadcast_in_dim3A_674 : vector<16xi32>, vector<16xi1> -> vector<16xi32>
      %add3A_676 = arith.addi %masked_cumsum3A_675, %gather3A_670 : vector<16xi32>
      %ge3A_677 = arith.cmpi sge, %add3A_676, %broadcast_in_dim3A_9 : vector<16xi32>
      %all_reduce_population_count3A_678 = tpu.all_reduce %ge3A_677 {dim = 0 : i64, kind = #tpu.reduction_kind<sum>} : vector<16xi1> -> vector<16xi32>
      %all_reduce_ffs3A_679 = tpu.all_reduce %ge3A_677 {dim = 0 : i64, kind = #tpu.reduction_kind<find_first_set>} : vector<16xi1> -> vector<16xi32>
      %gt3A_680 = arith.constant 0 : i32
      %gt3A_681 = vector.broadcast %gt3A_680 : i32 to vector<16xi32>
      %gt3A_682 = arith.cmpi sgt, %all_reduce_population_count3A_678, %gt3A_681 : vector<16xi32>
      %eq3A_683 = arith.constant 0 : i32
      %eq3A_684 = vector.broadcast %eq3A_683 : i32 to vector<16xi32>
      %eq3A_685 = arith.cmpi eq, %or3A_666, %eq3A_684 : vector<16xi32>
      %and3A_686 = arith.andi %gt3A_682, %eq3A_685 : vector<16xi1>
      %jit3A_687 = arith.constant 1 : i32
      %jit3A_688 = arith.constant 0 : i32
      %broadcast_in_dim3A_689 = vector.broadcast %jit3A_687 : i32 to vector<16xi32>
      %broadcast_in_dim3A_690 = vector.broadcast %jit3A_688 : i32 to vector<16xi32>
      %select_n3A_691 = arith.select %and3A_686, %broadcast_in_dim3A_689, %broadcast_in_dim3A_690 : vector<16xi1>, vector<16xi32>
      %sub3A_692 = arith.subi %add3A_676, %get3A_672 : vector<16xi32>
      %swap3A_693 = arith.constant 0 : index
      %swap3A_694 = tpu.vector_load %arg7[%swap3A_693] {strides = array<i32>} : memref<32xi32, #tpu.memory_space<vmem>>, vector<16xi32>,
      tpu.vector_store %arg7[%swap3A_693], %sub3A_692 {strides = array<i32>} : memref<32xi32, #tpu.memory_space<vmem>>, vector<16xi32>,
      %swap3A_695 = arith.constant 16 : index
      %swap3A_696 = tpu.vector_load %arg7[%swap3A_695] {strides = array<i32>} : memref<32xi32, #tpu.memory_space<vmem>>, vector<16xi32>,
      tpu.vector_store %arg7[%swap3A_695], %add3A_676 {strides = array<i32>} : memref<32xi32, #tpu.memory_space<vmem>>, vector<16xi32>,
      %eq3A_697 = arith.constant 1 : i32
      %eq3A_698 = vector.broadcast %eq3A_697 : i32 to vector<16xi32>
      %eq3A_699 = arith.cmpi eq, %select_n3A_691, %eq3A_698 : vector<16xi32>
      %jit3A_700 = arith.constant 0 : i32
      %broadcast_in_dim3A_701 = vector.broadcast %jit3A_700 : i32 to vector<16xi32>
      %select_n3A_702 = arith.select %eq3A_699, %all_reduce_ffs3A_679, %broadcast_in_dim3A_701 : vector<16xi1>, vector<16xi32>
      %gather3A_703 = tpu.vector_load_idx %arg7[%select_n3A_702] : memref<32xi32, #tpu.memory_space<vmem>>[vector<16xi32>], vector<16xi32>,
      %eq3A_704 = arith.constant 1 : i32
      %eq3A_705 = vector.broadcast %eq3A_704 : i32 to vector<16xi32>
      %eq3A_706 = arith.cmpi eq, %select_n3A_691, %eq3A_705 : vector<16xi32>
      %add3A_707 = arith.constant 208 : i32
      %add3A_708 = vector.broadcast %add3A_707 : i32 to vector<16xi32>
      %add3A_709 = arith.addi %add3A_708, %all_reduce_ffs3A_679 : vector<16xi32>
      %select_n3A_710 = arith.select %eq3A_706, %add3A_709, %select_n3A_661 : vector<16xi1>, vector<16xi32>
      %eq3A_711 = arith.constant 1 : i32
      %eq3A_712 = vector.broadcast %eq3A_711 : i32 to vector<16xi32>
      %eq3A_713 = arith.cmpi eq, %select_n3A_691, %eq3A_712 : vector<16xi32>
      %select_n3A_714 = arith.select %eq3A_713, %gather3A_703, %select_n3A_665 : vector<16xi1>, vector<16xi32>
      %or3A_715 = arith.ori %or3A_666, %select_n3A_691 : vector<16xi32>
      %add3A_716 = arith.constant 31 : i32
      %add3A_717 = vector.broadcast %add3A_716 : i32 to vector<16xi32>
      %add3A_718 = arith.addi %add3A_717, %broadcast_in_dim3A_5 : vector<16xi32>
      %gather3A_719 = tpu.vector_load_idx %arg7[%add3A_718] : memref<32xi32, #tpu.memory_space<vmem>>[vector<16xi32>], vector<16xi32>,
      %get3A_720 = arith.constant 224 : index
      %get3A_721 = tpu.vector_load %arg6[%get3A_720] {strides = array<i32>} : memref<256xi32, #tpu.memory_space<vmem>>, vector<16xi32>,
      %broadcast_in_dim3A_722 = arith.constant true
      %broadcast_in_dim3A_723 = vector.broadcast %broadcast_in_dim3A_722 : i1 to vector<16xi1>
      %masked_cumsum3A_724 = tpu.scan <sum>, %get3A_721 masked %broadcast_in_dim3A_723 : vector<16xi32>, vector<16xi1> -> vector<16xi32>
      %add3A_725 = arith.addi %masked_cumsum3A_724, %gather3A_719 : vector<16xi32>
      %ge3A_726 = arith.cmpi sge, %add3A_725, %broadcast_in_dim3A_9 : vector<16xi32>
      %all_reduce_population_count3A_727 = tpu.all_reduce %ge3A_726 {dim = 0 : i64, kind = #tpu.reduction_kind<sum>} : vector<16xi1> -> vector<16xi32>
      %all_reduce_ffs3A_728 = tpu.all_reduce %ge3A_726 {dim = 0 : i64, kind = #tpu.reduction_kind<find_first_set>} : vector<16xi1> -> vector<16xi32>
      %gt3A_729 = arith.constant 0 : i32
      %gt3A_730 = vector.broadcast %gt3A_729 : i32 to vector<16xi32>
      %gt3A_731 = arith.cmpi sgt, %all_reduce_population_count3A_727, %gt3A_730 : vector<16xi32>
      %eq3A_732 = arith.constant 0 : i32
      %eq3A_733 = vector.broadcast %eq3A_732 : i32 to vector<16xi32>
      %eq3A_734 = arith.cmpi eq, %or3A_715, %eq3A_733 : vector<16xi32>
      %and3A_735 = arith.andi %gt3A_731, %eq3A_734 : vector<16xi1>
      %jit3A_736 = arith.constant 1 : i32
      %jit3A_737 = arith.constant 0 : i32
      %broadcast_in_dim3A_738 = vector.broadcast %jit3A_736 : i32 to vector<16xi32>
      %broadcast_in_dim3A_739 = vector.broadcast %jit3A_737 : i32 to vector<16xi32>
      %select_n3A_740 = arith.select %and3A_735, %broadcast_in_dim3A_738, %broadcast_in_dim3A_739 : vector<16xi1>, vector<16xi32>
      %sub3A_741 = arith.subi %add3A_725, %get3A_721 : vector<16xi32>
      %swap3A_742 = arith.constant 0 : index
      %swap3A_743 = tpu.vector_load %arg7[%swap3A_742] {strides = array<i32>} : memref<32xi32, #tpu.memory_space<vmem>>, vector<16xi32>,
      tpu.vector_store %arg7[%swap3A_742], %sub3A_741 {strides = array<i32>} : memref<32xi32, #tpu.memory_space<vmem>>, vector<16xi32>,
      %swap3A_744 = arith.constant 16 : index
      %swap3A_745 = tpu.vector_load %arg7[%swap3A_744] {strides = array<i32>} : memref<32xi32, #tpu.memory_space<vmem>>, vector<16xi32>,
      tpu.vector_store %arg7[%swap3A_744], %add3A_725 {strides = array<i32>} : memref<32xi32, #tpu.memory_space<vmem>>, vector<16xi32>,
      %eq3A_746 = arith.constant 1 : i32
      %eq3A_747 = vector.broadcast %eq3A_746 : i32 to vector<16xi32>
      %eq3A_748 = arith.cmpi eq, %select_n3A_740, %eq3A_747 : vector<16xi32>
      %jit3A_749 = arith.constant 0 : i32
      %broadcast_in_dim3A_750 = vector.broadcast %jit3A_749 : i32 to vector<16xi32>
      %select_n3A_751 = arith.select %eq3A_748, %all_reduce_ffs3A_728, %broadcast_in_dim3A_750 : vector<16xi1>, vector<16xi32>
      %gather3A_752 = tpu.vector_load_idx %arg7[%select_n3A_751] : memref<32xi32, #tpu.memory_space<vmem>>[vector<16xi32>], vector<16xi32>,
      %eq3A_753 = arith.constant 1 : i32
      %eq3A_754 = vector.broadcast %eq3A_753 : i32 to vector<16xi32>
      %eq3A_755 = arith.cmpi eq, %select_n3A_740, %eq3A_754 : vector<16xi32>
      %add3A_756 = arith.constant 224 : i32
      %add3A_757 = vector.broadcast %add3A_756 : i32 to vector<16xi32>
      %add3A_758 = arith.addi %add3A_757, %all_reduce_ffs3A_728 : vector<16xi32>
      %select_n3A_759 = arith.select %eq3A_755, %add3A_758, %select_n3A_710 : vector<16xi1>, vector<16xi32>
      %eq3A_760 = arith.constant 1 : i32
      %eq3A_761 = vector.broadcast %eq3A_760 : i32 to vector<16xi32>
      %eq3A_762 = arith.cmpi eq, %select_n3A_740, %eq3A_761 : vector<16xi32>
      %select_n3A_763 = arith.select %eq3A_762, %gather3A_752, %select_n3A_714 : vector<16xi1>, vector<16xi32>
      %or3A_764 = arith.ori %or3A_715, %select_n3A_740 : vector<16xi32>
      %add3A_765 = arith.constant 31 : i32
      %add3A_766 = vector.broadcast %add3A_765 : i32 to vector<16xi32>
      %add3A_767 = arith.addi %add3A_766, %broadcast_in_dim3A_5 : vector<16xi32>
      %gather3A_768 = tpu.vector_load_idx %arg7[%add3A_767] : memref<32xi32, #tpu.memory_space<vmem>>[vector<16xi32>], vector<16xi32>,
      %get3A_769 = arith.constant 240 : index
      %get3A_770 = tpu.vector_load %arg6[%get3A_769] {strides = array<i32>} : memref<256xi32, #tpu.memory_space<vmem>>, vector<16xi32>,
      %broadcast_in_dim3A_771 = arith.constant true
      %broadcast_in_dim3A_772 = vector.broadcast %broadcast_in_dim3A_771 : i1 to vector<16xi1>
      %masked_cumsum3A_773 = tpu.scan <sum>, %get3A_770 masked %broadcast_in_dim3A_772 : vector<16xi32>, vector<16xi1> -> vector<16xi32>
      %add3A_774 = arith.addi %masked_cumsum3A_773, %gather3A_768 : vector<16xi32>
      %ge3A_775 = arith.cmpi sge, %add3A_774, %broadcast_in_dim3A_9 : vector<16xi32>
      %all_reduce_population_count3A_776 = tpu.all_reduce %ge3A_775 {dim = 0 : i64, kind = #tpu.reduction_kind<sum>} : vector<16xi1> -> vector<16xi32>
      %all_reduce_ffs3A_777 = tpu.all_reduce %ge3A_775 {dim = 0 : i64, kind = #tpu.reduction_kind<find_first_set>} : vector<16xi1> -> vector<16xi32>
      %gt3A_778 = arith.constant 0 : i32
      %gt3A_779 = vector.broadcast %gt3A_778 : i32 to vector<16xi32>
      %gt3A_780 = arith.cmpi sgt, %all_reduce_population_count3A_776, %gt3A_779 : vector<16xi32>
      %eq3A_781 = arith.constant 0 : i32
      %eq3A_782 = vector.broadcast %eq3A_781 : i32 to vector<16xi32>
      %eq3A_783 = arith.cmpi eq, %or3A_764, %eq3A_782 : vector<16xi32>
      %and3A_784 = arith.andi %gt3A_780, %eq3A_783 : vector<16xi1>
      %jit3A_785 = arith.constant 1 : i32
      %jit3A_786 = arith.constant 0 : i32
      %broadcast_in_dim3A_787 = vector.broadcast %jit3A_785 : i32 to vector<16xi32>
      %broadcast_in_dim3A_788 = vector.broadcast %jit3A_786 : i32 to vector<16xi32>
      %select_n3A_789 = arith.select %and3A_784, %broadcast_in_dim3A_787, %broadcast_in_dim3A_788 : vector<16xi1>, vector<16xi32>
      %sub3A_790 = arith.subi %add3A_774, %get3A_770 : vector<16xi32>
      %swap3A_791 = arith.constant 0 : index
      %swap3A_792 = tpu.vector_load %arg7[%swap3A_791] {strides = array<i32>} : memref<32xi32, #tpu.memory_space<vmem>>, vector<16xi32>,
      tpu.vector_store %arg7[%swap3A_791], %sub3A_790 {strides = array<i32>} : memref<32xi32, #tpu.memory_space<vmem>>, vector<16xi32>,
      %swap3A_793 = arith.constant 16 : index
      %swap3A_794 = tpu.vector_load %arg7[%swap3A_793] {strides = array<i32>} : memref<32xi32, #tpu.memory_space<vmem>>, vector<16xi32>,
      tpu.vector_store %arg7[%swap3A_793], %add3A_774 {strides = array<i32>} : memref<32xi32, #tpu.memory_space<vmem>>, vector<16xi32>,
      %eq3A_795 = arith.constant 1 : i32
      %eq3A_796 = vector.broadcast %eq3A_795 : i32 to vector<16xi32>
      %eq3A_797 = arith.cmpi eq, %select_n3A_789, %eq3A_796 : vector<16xi32>
      %jit3A_798 = arith.constant 0 : i32
      %broadcast_in_dim3A_799 = vector.broadcast %jit3A_798 : i32 to vector<16xi32>
      %select_n3A_800 = arith.select %eq3A_797, %all_reduce_ffs3A_777, %broadcast_in_dim3A_799 : vector<16xi1>, vector<16xi32>
      %gather3A_801 = tpu.vector_load_idx %arg7[%select_n3A_800] : memref<32xi32, #tpu.memory_space<vmem>>[vector<16xi32>], vector<16xi32>,
      %eq3A_802 = arith.constant 1 : i32
      %eq3A_803 = vector.broadcast %eq3A_802 : i32 to vector<16xi32>
      %eq3A_804 = arith.cmpi eq, %select_n3A_789, %eq3A_803 : vector<16xi32>
      %add3A_805 = arith.constant 240 : i32
      %add3A_806 = vector.broadcast %add3A_805 : i32 to vector<16xi32>
      %add3A_807 = arith.addi %add3A_806, %all_reduce_ffs3A_777 : vector<16xi32>
      %select_n3A_808 = arith.select %eq3A_804, %add3A_807, %select_n3A_759 : vector<16xi1>, vector<16xi32>
      %eq3A_809 = arith.constant 1 : i32
      %eq3A_810 = vector.broadcast %eq3A_809 : i32 to vector<16xi32>
      %eq3A_811 = arith.cmpi eq, %select_n3A_789, %eq3A_810 : vector<16xi32>
      %select_n3A_812 = arith.select %eq3A_811, %gather3A_801, %select_n3A_763 : vector<16xi1>, vector<16xi32>
      %or3A_813 = arith.ori %or3A_764, %select_n3A_789 : vector<16xi32>
      %add3A_814 = arith.constant 31 : i32
      %add3A_815 = vector.broadcast %add3A_814 : i32 to vector<16xi32>
      %add3A_816 = arith.addi %add3A_815, %broadcast_in_dim3A_5 : vector<16xi32>
      %gather3A_817 = tpu.vector_load_idx %arg7[%add3A_816] : memref<32xi32, #tpu.memory_space<vmem>>[vector<16xi32>], vector<16xi32>,
      %shift_left3A = arith.constant 8 : i32
      %shift_left3A_818 = vector.broadcast %shift_left3A : i32 to vector<16xi32>
      %shift_left3A_819 = arith.shli %broadcast_in_dim3A_5, %shift_left3A_818 : vector<16xi32>
      %or3A_820 = arith.ori %shift_left3A_819, %select_n3A_808 : vector<16xi32>
      %sub3A_821 = arith.subi %broadcast_in_dim3A_9, %select_n3A_812 : vector<16xi32>
      %swap3A_822 = arith.constant 0 : index
      %swap3A_823 = tpu.vector_load %arg6[%swap3A_822] {strides = array<i32>} : memref<256xi32, #tpu.memory_space<vmem>>, vector<16xi32>,
      tpu.vector_store %arg6[%swap3A_822], %broadcast_in_dim3A_5 {strides = array<i32>} : memref<256xi32, #tpu.memory_space<vmem>>, vector<16xi32>,
      %swap3A_824 = arith.constant 16 : index
      %swap3A_825 = tpu.vector_load %arg6[%swap3A_824] {strides = array<i32>} : memref<256xi32, #tpu.memory_space<vmem>>, vector<16xi32>,
      tpu.vector_store %arg6[%swap3A_824], %broadcast_in_dim3A_5 {strides = array<i32>} : memref<256xi32, #tpu.memory_space<vmem>>, vector<16xi32>,
      %swap3A_826 = arith.constant 32 : index
      %swap3A_827 = tpu.vector_load %arg6[%swap3A_826] {strides = array<i32>} : memref<256xi32, #tpu.memory_space<vmem>>, vector<16xi32>,
      tpu.vector_store %arg6[%swap3A_826], %broadcast_in_dim3A_5 {strides = array<i32>} : memref<256xi32, #tpu.memory_space<vmem>>, vector<16xi32>,
      %swap3A_828 = arith.constant 48 : index
      %swap3A_829 = tpu.vector_load %arg6[%swap3A_828] {strides = array<i32>} : memref<256xi32, #tpu.memory_space<vmem>>, vector<16xi32>,
      tpu.vector_store %arg6[%swap3A_828], %broadcast_in_dim3A_5 {strides = array<i32>} : memref<256xi32, #tpu.memory_space<vmem>>, vector<16xi32>,
      %swap3A_830 = arith.constant 64 : index
      %swap3A_831 = tpu.vector_load %arg6[%swap3A_830] {strides = array<i32>} : memref<256xi32, #tpu.memory_space<vmem>>, vector<16xi32>,
      tpu.vector_store %arg6[%swap3A_830], %broadcast_in_dim3A_5 {strides = array<i32>} : memref<256xi32, #tpu.memory_space<vmem>>, vector<16xi32>,
      %swap3A_832 = arith.constant 80 : index
      %swap3A_833 = tpu.vector_load %arg6[%swap3A_832] {strides = array<i32>} : memref<256xi32, #tpu.memory_space<vmem>>, vector<16xi32>,
      tpu.vector_store %arg6[%swap3A_832], %broadcast_in_dim3A_5 {strides = array<i32>} : memref<256xi32, #tpu.memory_space<vmem>>, vector<16xi32>,
      %swap3A_834 = arith.constant 96 : index
      %swap3A_835 = tpu.vector_load %arg6[%swap3A_834] {strides = array<i32>} : memref<256xi32, #tpu.memory_space<vmem>>, vector<16xi32>,
      tpu.vector_store %arg6[%swap3A_834], %broadcast_in_dim3A_5 {strides = array<i32>} : memref<256xi32, #tpu.memory_space<vmem>>, vector<16xi32>,
      %swap3A_836 = arith.constant 112 : index
      %swap3A_837 = tpu.vector_load %arg6[%swap3A_836] {strides = array<i32>} : memref<256xi32, #tpu.memory_space<vmem>>, vector<16xi32>,
      tpu.vector_store %arg6[%swap3A_836], %broadcast_in_dim3A_5 {strides = array<i32>} : memref<256xi32, #tpu.memory_space<vmem>>, vector<16xi32>,
      %swap3A_838 = arith.constant 128 : index
      %swap3A_839 = tpu.vector_load %arg6[%swap3A_838] {strides = array<i32>} : memref<256xi32, #tpu.memory_space<vmem>>, vector<16xi32>,
      tpu.vector_store %arg6[%swap3A_838], %broadcast_in_dim3A_5 {strides = array<i32>} : memref<256xi32, #tpu.memory_space<vmem>>, vector<16xi32>,
      %swap3A_840 = arith.constant 144 : index
      %swap3A_841 = tpu.vector_load %arg6[%swap3A_840] {strides = array<i32>} : memref<256xi32, #tpu.memory_space<vmem>>, vector<16xi32>,
      tpu.vector_store %arg6[%swap3A_840], %broadcast_in_dim3A_5 {strides = array<i32>} : memref<256xi32, #tpu.memory_space<vmem>>, vector<16xi32>,
      %swap3A_842 = arith.constant 160 : index
      %swap3A_843 = tpu.vector_load %arg6[%swap3A_842] {strides = array<i32>} : memref<256xi32, #tpu.memory_space<vmem>>, vector<16xi32>,
      tpu.vector_store %arg6[%swap3A_842], %broadcast_in_dim3A_5 {strides = array<i32>} : memref<256xi32, #tpu.memory_space<vmem>>, vector<16xi32>,
      %swap3A_844 = arith.constant 176 : index
      %swap3A_845 = tpu.vector_load %arg6[%swap3A_844] {strides = array<i32>} : memref<256xi32, #tpu.memory_space<vmem>>, vector<16xi32>,
      tpu.vector_store %arg6[%swap3A_844], %broadcast_in_dim3A_5 {strides = array<i32>} : memref<256xi32, #tpu.memory_space<vmem>>, vector<16xi32>,
      %swap3A_846 = arith.constant 192 : index
      %swap3A_847 = tpu.vector_load %arg6[%swap3A_846] {strides = array<i32>} : memref<256xi32, #tpu.memory_space<vmem>>, vector<16xi32>,
      tpu.vector_store %arg6[%swap3A_846], %broadcast_in_dim3A_5 {strides = array<i32>} : memref<256xi32, #tpu.memory_space<vmem>>, vector<16xi32>,
      %swap3A_848 = arith.constant 208 : index
      %swap3A_849 = tpu.vector_load %arg6[%swap3A_848] {strides = array<i32>} : memref<256xi32, #tpu.memory_space<vmem>>, vector<16xi32>,
      tpu.vector_store %arg6[%swap3A_848], %broadcast_in_dim3A_5 {strides = array<i32>} : memref<256xi32, #tpu.memory_space<vmem>>, vector<16xi32>,
      %swap3A_850 = arith.constant 224 : index
      %swap3A_851 = tpu.vector_load %arg6[%swap3A_850] {strides = array<i32>} : memref<256xi32, #tpu.memory_space<vmem>>, vector<16xi32>,
      tpu.vector_store %arg6[%swap3A_850], %broadcast_in_dim3A_5 {strides = array<i32>} : memref<256xi32, #tpu.memory_space<vmem>>, vector<16xi32>,
      %swap3A_852 = arith.constant 240 : index
      %swap3A_853 = tpu.vector_load %arg6[%swap3A_852] {strides = array<i32>} : memref<256xi32, #tpu.memory_space<vmem>>, vector<16xi32>,
      tpu.vector_store %arg6[%swap3A_852], %broadcast_in_dim3A_5 {strides = array<i32>} : memref<256xi32, #tpu.memory_space<vmem>>, vector<16xi32>,
      %scan3A_854 = arith.constant 0 : i32
      %scan3A_855 = arith.constant 0 : i32
      %scan3A_856 = arith.constant 64 : i32
      %scan3A_857 = arith.addi %scan3A_855, %scan3A_856 : i32
      %scan3A_858 = arith.constant 1 : i32
      %scan3A_859 = scf.for %scan3A_2911 = %scan3A_855 to %scan3A_857 step %scan3A_858 iter_args(%scan3A_2912 = %scan3A_854) -> (i32)  : i32 {
        %mul3A_2913 = arith.constant 4 : i32
        %mul3A_2914 = arith.muli %scan3A_2911, %mul3A_2913 : i32
        %add3A_2915 = arith.constant 0 : i32
        %add3A_2916 = arith.addi %mul3A_2914, %add3A_2915 : i32
        %mul3A_2917 = arith.constant 16 : i32
        %mul3A_2918 = arith.muli %add3A_2916, %mul3A_2917 : i32
        %get3A_2919 = arith.index_cast %mul3A_2918 : i32 to index
        %get3A_2920 = tpu.vector_load %arg4[%get3A_2919] {strides = array<i32>} : memref<4096xf32, #tpu.memory_space<vmem>>, vector<16xf32>,
        %bitcast3A = vector.bitcast %get3A_2920 : vector<16xf32> to vector<16xi32>
        %mul3A_2921 = arith.constant 16 : i32
        %mul3A_2922 = arith.muli %add3A_2916, %mul3A_2921 : i32
        %add3A_2923 = vector.broadcast %mul3A_2922 : i32 to vector<16xi32>
        %add3A_2924 = arith.addi %iota3A, %add3A_2923 : vector<16xi32>
        %ge3A_2925 = arith.constant 4086 : i32
        %ge3A_2926 = vector.broadcast %ge3A_2925 : i32 to vector<16xi32>
        %ge3A_2927 = arith.cmpi sge, %add3A_2924, %ge3A_2926 : vector<16xi32>
        %select_n3A_2928 = arith.select %ge3A_2927, %broadcast_in_dim3A_7, %bitcast3A : vector<16xi1>, vector<16xi32>
        %add3A_2929 = arith.constant 1 : i32
        %add3A_2930 = vector.broadcast %add3A_2929 : i32 to vector<16xi32>
        %add3A_2931 = arith.addi %select_n3A_2928, %add3A_2930 : vector<16xi32>
        %shift_right_arithmetic3A = arith.constant 23 : i32
        %shift_right_arithmetic3A_2932 = vector.broadcast %shift_right_arithmetic3A : i32 to vector<16xi32>
        %shift_right_arithmetic3A_2933 = arith.shrsi %add3A_2931, %shift_right_arithmetic3A_2932 : vector<16xi32>
        %eq3A_2934 = arith.cmpi eq, %shift_right_arithmetic3A_2933, %or3A_820 : vector<16xi32>
        %shift_right_arithmetic3A_2935 = arith.constant 15 : i32
        %shift_right_arithmetic3A_2936 = vector.broadcast %shift_right_arithmetic3A_2935 : i32 to vector<16xi32>
        %shift_right_arithmetic3A_2937 = arith.shrsi %add3A_2931, %shift_right_arithmetic3A_2936 : vector<16xi32>
        %and3A_2938 = arith.constant 255 : i32
        %and3A_2939 = vector.broadcast %and3A_2938 : i32 to vector<16xi32>
        %and3A_2940 = arith.andi %shift_right_arithmetic3A_2937, %and3A_2939 : vector<16xi32>
        tpu.vector_store_idx %arg6[%and3A_2940], %broadcast_in_dim3A_3 masked %eq3A_2934 {add = true} : memref<256xi32, #tpu.memory_space<vmem>>[vector<16xi32>], vector<16xi32>, vector<16xi1>
        %mul3A_2941 = arith.constant 4 : i32
        %mul3A_2942 = arith.muli %scan3A_2911, %mul3A_2941 : i32
        %add3A_2943 = arith.constant 1 : i32
        %add3A_2944 = arith.addi %mul3A_2942, %add3A_2943 : i32
        %mul3A_2945 = arith.constant 16 : i32
        %mul3A_2946 = arith.muli %add3A_2944, %mul3A_2945 : i32
        %get3A_2947 = arith.index_cast %mul3A_2946 : i32 to index
        %get3A_2948 = tpu.vector_load %arg4[%get3A_2947] {strides = array<i32>} : memref<4096xf32, #tpu.memory_space<vmem>>, vector<16xf32>,
        %bitcast3A_2949 = vector.bitcast %get3A_2948 : vector<16xf32> to vector<16xi32>
        %mul3A_2950 = arith.constant 16 : i32
        %mul3A_2951 = arith.muli %add3A_2944, %mul3A_2950 : i32
        %add3A_2952 = vector.broadcast %mul3A_2951 : i32 to vector<16xi32>
        %add3A_2953 = arith.addi %iota3A, %add3A_2952 : vector<16xi32>
        %ge3A_2954 = arith.constant 4086 : i32
        %ge3A_2955 = vector.broadcast %ge3A_2954 : i32 to vector<16xi32>
        %ge3A_2956 = arith.cmpi sge, %add3A_2953, %ge3A_2955 : vector<16xi32>
        %select_n3A_2957 = arith.select %ge3A_2956, %broadcast_in_dim3A_7, %bitcast3A_2949 : vector<16xi1>, vector<16xi32>
        %add3A_2958 = arith.constant 1 : i32
        %add3A_2959 = vector.broadcast %add3A_2958 : i32 to vector<16xi32>
        %add3A_2960 = arith.addi %select_n3A_2957, %add3A_2959 : vector<16xi32>
        %shift_right_arithmetic3A_2961 = arith.constant 23 : i32
        %shift_right_arithmetic3A_2962 = vector.broadcast %shift_right_arithmetic3A_2961 : i32 to vector<16xi32>
        %shift_right_arithmetic3A_2963 = arith.shrsi %add3A_2960, %shift_right_arithmetic3A_2962 : vector<16xi32>
        %eq3A_2964 = arith.cmpi eq, %shift_right_arithmetic3A_2963, %or3A_820 : vector<16xi32>
        %shift_right_arithmetic3A_2965 = arith.constant 15 : i32
        %shift_right_arithmetic3A_2966 = vector.broadcast %shift_right_arithmetic3A_2965 : i32 to vector<16xi32>
        %shift_right_arithmetic3A_2967 = arith.shrsi %add3A_2960, %shift_right_arithmetic3A_2966 : vector<16xi32>
        %and3A_2968 = arith.constant 255 : i32
        %and3A_2969 = vector.broadcast %and3A_2968 : i32 to vector<16xi32>
        %and3A_2970 = arith.andi %shift_right_arithmetic3A_2967, %and3A_2969 : vector<16xi32>
        tpu.vector_store_idx %arg6[%and3A_2970], %broadcast_in_dim3A_3 masked %eq3A_2964 {add = true} : memref<256xi32, #tpu.memory_space<vmem>>[vector<16xi32>], vector<16xi32>, vector<16xi1>
        %mul3A_2971 = arith.constant 4 : i32
        %mul3A_2972 = arith.muli %scan3A_2911, %mul3A_2971 : i32
        %add3A_2973 = arith.constant 2 : i32
        %add3A_2974 = arith.addi %mul3A_2972, %add3A_2973 : i32
        %mul3A_2975 = arith.constant 16 : i32
        %mul3A_2976 = arith.muli %add3A_2974, %mul3A_2975 : i32
        %get3A_2977 = arith.index_cast %mul3A_2976 : i32 to index
        %get3A_2978 = tpu.vector_load %arg4[%get3A_2977] {strides = array<i32>} : memref<4096xf32, #tpu.memory_space<vmem>>, vector<16xf32>,
        %bitcast3A_2979 = vector.bitcast %get3A_2978 : vector<16xf32> to vector<16xi32>
        %mul3A_2980 = arith.constant 16 : i32
        %mul3A_2981 = arith.muli %add3A_2974, %mul3A_2980 : i32
        %add3A_2982 = vector.broadcast %mul3A_2981 : i32 to vector<16xi32>
        %add3A_2983 = arith.addi %iota3A, %add3A_2982 : vector<16xi32>
        %ge3A_2984 = arith.constant 4086 : i32
        %ge3A_2985 = vector.broadcast %ge3A_2984 : i32 to vector<16xi32>
        %ge3A_2986 = arith.cmpi sge, %add3A_2983, %ge3A_2985 : vector<16xi32>
        %select_n3A_2987 = arith.select %ge3A_2986, %broadcast_in_dim3A_7, %bitcast3A_2979 : vector<16xi1>, vector<16xi32>
        %add3A_2988 = arith.constant 1 : i32
        %add3A_2989 = vector.broadcast %add3A_2988 : i32 to vector<16xi32>
        %add3A_2990 = arith.addi %select_n3A_2987, %add3A_2989 : vector<16xi32>
        %shift_right_arithmetic3A_2991 = arith.constant 23 : i32
        %shift_right_arithmetic3A_2992 = vector.broadcast %shift_right_arithmetic3A_2991 : i32 to vector<16xi32>
        %shift_right_arithmetic3A_2993 = arith.shrsi %add3A_2990, %shift_right_arithmetic3A_2992 : vector<16xi32>
        %eq3A_2994 = arith.cmpi eq, %shift_right_arithmetic3A_2993, %or3A_820 : vector<16xi32>
        %shift_right_arithmetic3A_2995 = arith.constant 15 : i32
        %shift_right_arithmetic3A_2996 = vector.broadcast %shift_right_arithmetic3A_2995 : i32 to vector<16xi32>
        %shift_right_arithmetic3A_2997 = arith.shrsi %add3A_2990, %shift_right_arithmetic3A_2996 : vector<16xi32>
        %and3A_2998 = arith.constant 255 : i32
        %and3A_2999 = vector.broadcast %and3A_2998 : i32 to vector<16xi32>
        %and3A_3000 = arith.andi %shift_right_arithmetic3A_2997, %and3A_2999 : vector<16xi32>
        tpu.vector_store_idx %arg6[%and3A_3000], %broadcast_in_dim3A_3 masked %eq3A_2994 {add = true} : memref<256xi32, #tpu.memory_space<vmem>>[vector<16xi32>], vector<16xi32>, vector<16xi1>
        %mul3A_3001 = arith.constant 4 : i32
        %mul3A_3002 = arith.muli %scan3A_2911, %mul3A_3001 : i32
        %add3A_3003 = arith.constant 3 : i32
        %add3A_3004 = arith.addi %mul3A_3002, %add3A_3003 : i32
        %mul3A_3005 = arith.constant 16 : i32
        %mul3A_3006 = arith.muli %add3A_3004, %mul3A_3005 : i32
        %get3A_3007 = arith.index_cast %mul3A_3006 : i32 to index
        %get3A_3008 = tpu.vector_load %arg4[%get3A_3007] {strides = array<i32>} : memref<4096xf32, #tpu.memory_space<vmem>>, vector<16xf32>,
        %bitcast3A_3009 = vector.bitcast %get3A_3008 : vector<16xf32> to vector<16xi32>
        %mul3A_3010 = arith.constant 16 : i32
        %mul3A_3011 = arith.muli %add3A_3004, %mul3A_3010 : i32
        %add3A_3012 = vector.broadcast %mul3A_3011 : i32 to vector<16xi32>
        %add3A_3013 = arith.addi %iota3A, %add3A_3012 : vector<16xi32>
        %ge3A_3014 = arith.constant 4086 : i32
        %ge3A_3015 = vector.broadcast %ge3A_3014 : i32 to vector<16xi32>
        %ge3A_3016 = arith.cmpi sge, %add3A_3013, %ge3A_3015 : vector<16xi32>
        %select_n3A_3017 = arith.select %ge3A_3016, %broadcast_in_dim3A_7, %bitcast3A_3009 : vector<16xi1>, vector<16xi32>
        %add3A_3018 = arith.constant 1 : i32
        %add3A_3019 = vector.broadcast %add3A_3018 : i32 to vector<16xi32>
        %add3A_3020 = arith.addi %select_n3A_3017, %add3A_3019 : vector<16xi32>
        %shift_right_arithmetic3A_3021 = arith.constant 23 : i32
        %shift_right_arithmetic3A_3022 = vector.broadcast %shift_right_arithmetic3A_3021 : i32 to vector<16xi32>
        %shift_right_arithmetic3A_3023 = arith.shrsi %add3A_3020, %shift_right_arithmetic3A_3022 : vector<16xi32>
        %eq3A_3024 = arith.cmpi eq, %shift_right_arithmetic3A_3023, %or3A_820 : vector<16xi32>
        %shift_right_arithmetic3A_3025 = arith.constant 15 : i32
        %shift_right_arithmetic3A_3026 = vector.broadcast %shift_right_arithmetic3A_3025 : i32 to vector<16xi32>
        %shift_right_arithmetic3A_3027 = arith.shrsi %add3A_3020, %shift_right_arithmetic3A_3026 : vector<16xi32>
        %and3A_3028 = arith.constant 255 : i32
        %and3A_3029 = vector.broadcast %and3A_3028 : i32 to vector<16xi32>
        %and3A_3030 = arith.andi %shift_right_arithmetic3A_3027, %and3A_3029 : vector<16xi32>
        tpu.vector_store_idx %arg6[%and3A_3030], %broadcast_in_dim3A_3 masked %eq3A_3024 {add = true} : memref<256xi32, #tpu.memory_space<vmem>>[vector<16xi32>], vector<16xi32>, vector<16xi1>
        %scan3A_3031 = arith.constant 0 : i32
        scf.yield %scan3A_3031 : i32
      }
      %scan3A_860 = arith.constant 64 : i32
      %get3A_861 = arith.constant 0 : index
      %get3A_862 = tpu.vector_load %arg6[%get3A_861] {strides = array<i32>} : memref<256xi32, #tpu.memory_space<vmem>>, vector<16xi32>,
      %broadcast_in_dim3A_863 = arith.constant true
      %broadcast_in_dim3A_864 = vector.broadcast %broadcast_in_dim3A_863 : i1 to vector<16xi1>
      %masked_cumsum3A_865 = tpu.scan <sum>, %get3A_862 masked %broadcast_in_dim3A_864 : vector<16xi32>, vector<16xi1> -> vector<16xi32>
      %add3A_866 = arith.addi %masked_cumsum3A_865, %broadcast_in_dim3A_5 : vector<16xi32>
      %ge3A_867 = arith.cmpi sge, %add3A_866, %sub3A_821 : vector<16xi32>
      %all_reduce_population_count3A_868 = tpu.all_reduce %ge3A_867 {dim = 0 : i64, kind = #tpu.reduction_kind<sum>} : vector<16xi1> -> vector<16xi32>
      %all_reduce_ffs3A_869 = tpu.all_reduce %ge3A_867 {dim = 0 : i64, kind = #tpu.reduction_kind<find_first_set>} : vector<16xi1> -> vector<16xi32>
      %gt3A_870 = arith.constant 0 : i32
      %gt3A_871 = vector.broadcast %gt3A_870 : i32 to vector<16xi32>
      %gt3A_872 = arith.cmpi sgt, %all_reduce_population_count3A_868, %gt3A_871 : vector<16xi32>
      %eq3A_873 = arith.constant 0 : i32
      %eq3A_874 = vector.broadcast %eq3A_873 : i32 to vector<16xi32>
      %eq3A_875 = arith.cmpi eq, %broadcast_in_dim3A_5, %eq3A_874 : vector<16xi32>
      %and3A_876 = arith.andi %gt3A_872, %eq3A_875 : vector<16xi1>
      %jit3A_877 = arith.constant 1 : i32
      %jit3A_878 = arith.constant 0 : i32
      %broadcast_in_dim3A_879 = vector.broadcast %jit3A_877 : i32 to vector<16xi32>
      %broadcast_in_dim3A_880 = vector.broadcast %jit3A_878 : i32 to vector<16xi32>
      %select_n3A_881 = arith.select %and3A_876, %broadcast_in_dim3A_879, %broadcast_in_dim3A_880 : vector<16xi1>, vector<16xi32>
      %sub3A_882 = arith.subi %add3A_866, %get3A_862 : vector<16xi32>
      %swap3A_883 = arith.constant 0 : index
      %swap3A_884 = tpu.vector_load %arg7[%swap3A_883] {strides = array<i32>} : memref<32xi32, #tpu.memory_space<vmem>>, vector<16xi32>,
      tpu.vector_store %arg7[%swap3A_883], %sub3A_882 {strides = array<i32>} : memref<32xi32, #tpu.memory_space<vmem>>, vector<16xi32>,
      %swap3A_885 = arith.constant 16 : index
      %swap3A_886 = tpu.vector_load %arg7[%swap3A_885] {strides = array<i32>} : memref<32xi32, #tpu.memory_space<vmem>>, vector<16xi32>,
      tpu.vector_store %arg7[%swap3A_885], %add3A_866 {strides = array<i32>} : memref<32xi32, #tpu.memory_space<vmem>>, vector<16xi32>,
      %eq3A_887 = arith.constant 1 : i32
      %eq3A_888 = vector.broadcast %eq3A_887 : i32 to vector<16xi32>
      %eq3A_889 = arith.cmpi eq, %select_n3A_881, %eq3A_888 : vector<16xi32>
      %jit3A_890 = arith.constant 0 : i32
      %broadcast_in_dim3A_891 = vector.broadcast %jit3A_890 : i32 to vector<16xi32>
      %select_n3A_892 = arith.select %eq3A_889, %all_reduce_ffs3A_869, %broadcast_in_dim3A_891 : vector<16xi1>, vector<16xi32>
      %gather3A_893 = tpu.vector_load_idx %arg7[%select_n3A_892] : memref<32xi32, #tpu.memory_space<vmem>>[vector<16xi32>], vector<16xi32>,
      %eq3A_894 = arith.constant 1 : i32
      %eq3A_895 = vector.broadcast %eq3A_894 : i32 to vector<16xi32>
      %eq3A_896 = arith.cmpi eq, %select_n3A_881, %eq3A_895 : vector<16xi32>
      %add3A_897 = arith.constant 0 : i32
      %add3A_898 = vector.broadcast %add3A_897 : i32 to vector<16xi32>
      %add3A_899 = arith.addi %add3A_898, %all_reduce_ffs3A_869 : vector<16xi32>
      %select_n3A_900 = arith.select %eq3A_896, %add3A_899, %broadcast_in_dim3A_5 : vector<16xi1>, vector<16xi32>
      %eq3A_901 = arith.constant 1 : i32
      %eq3A_902 = vector.broadcast %eq3A_901 : i32 to vector<16xi32>
      %eq3A_903 = arith.cmpi eq, %select_n3A_881, %eq3A_902 : vector<16xi32>
      %select_n3A_904 = arith.select %eq3A_903, %gather3A_893, %broadcast_in_dim3A_5 : vector<16xi1>, vector<16xi32>
      %or3A_905 = arith.ori %broadcast_in_dim3A_5, %select_n3A_881 : vector<16xi32>
      %add3A_906 = arith.constant 31 : i32
      %add3A_907 = vector.broadcast %add3A_906 : i32 to vector<16xi32>
      %add3A_908 = arith.addi %add3A_907, %broadcast_in_dim3A_5 : vector<16xi32>
      %gather3A_909 = tpu.vector_load_idx %arg7[%add3A_908] : memref<32xi32, #tpu.memory_space<vmem>>[vector<16xi32>], vector<16xi32>,
      %get3A_910 = arith.constant 16 : index
      %get3A_911 = tpu.vector_load %arg6[%get3A_910] {strides = array<i32>} : memref<256xi32, #tpu.memory_space<vmem>>, vector<16xi32>,
      %broadcast_in_dim3A_912 = arith.constant true
      %broadcast_in_dim3A_913 = vector.broadcast %broadcast_in_dim3A_912 : i1 to vector<16xi1>
      %masked_cumsum3A_914 = tpu.scan <sum>, %get3A_911 masked %broadcast_in_dim3A_913 : vector<16xi32>, vector<16xi1> -> vector<16xi32>
      %add3A_915 = arith.addi %masked_cumsum3A_914, %gather3A_909 : vector<16xi32>
      %ge3A_916 = arith.cmpi sge, %add3A_915, %sub3A_821 : vector<16xi32>
      %all_reduce_population_count3A_917 = tpu.all_reduce %ge3A_916 {dim = 0 : i64, kind = #tpu.reduction_kind<sum>} : vector<16xi1> -> vector<16xi32>
      %all_reduce_ffs3A_918 = tpu.all_reduce %ge3A_916 {dim = 0 : i64, kind = #tpu.reduction_kind<find_first_set>} : vector<16xi1> -> vector<16xi32>
      %gt3A_919 = arith.constant 0 : i32
      %gt3A_920 = vector.broadcast %gt3A_919 : i32 to vector<16xi32>
      %gt3A_921 = arith.cmpi sgt, %all_reduce_population_count3A_917, %gt3A_920 : vector<16xi32>
      %eq3A_922 = arith.constant 0 : i32
      %eq3A_923 = vector.broadcast %eq3A_922 : i32 to vector<16xi32>
      %eq3A_924 = arith.cmpi eq, %or3A_905, %eq3A_923 : vector<16xi32>
      %and3A_925 = arith.andi %gt3A_921, %eq3A_924 : vector<16xi1>
      %jit3A_926 = arith.constant 1 : i32
      %jit3A_927 = arith.constant 0 : i32
      %broadcast_in_dim3A_928 = vector.broadcast %jit3A_926 : i32 to vector<16xi32>
      %broadcast_in_dim3A_929 = vector.broadcast %jit3A_927 : i32 to vector<16xi32>
      %select_n3A_930 = arith.select %and3A_925, %broadcast_in_dim3A_928, %broadcast_in_dim3A_929 : vector<16xi1>, vector<16xi32>
      %sub3A_931 = arith.subi %add3A_915, %get3A_911 : vector<16xi32>
      %swap3A_932 = arith.constant 0 : index
      %swap3A_933 = tpu.vector_load %arg7[%swap3A_932] {strides = array<i32>} : memref<32xi32, #tpu.memory_space<vmem>>, vector<16xi32>,
      tpu.vector_store %arg7[%swap3A_932], %sub3A_931 {strides = array<i32>} : memref<32xi32, #tpu.memory_space<vmem>>, vector<16xi32>,
      %swap3A_934 = arith.constant 16 : index
      %swap3A_935 = tpu.vector_load %arg7[%swap3A_934] {strides = array<i32>} : memref<32xi32, #tpu.memory_space<vmem>>, vector<16xi32>,
      tpu.vector_store %arg7[%swap3A_934], %add3A_915 {strides = array<i32>} : memref<32xi32, #tpu.memory_space<vmem>>, vector<16xi32>,
      %eq3A_936 = arith.constant 1 : i32
      %eq3A_937 = vector.broadcast %eq3A_936 : i32 to vector<16xi32>
      %eq3A_938 = arith.cmpi eq, %select_n3A_930, %eq3A_937 : vector<16xi32>
      %jit3A_939 = arith.constant 0 : i32
      %broadcast_in_dim3A_940 = vector.broadcast %jit3A_939 : i32 to vector<16xi32>
      %select_n3A_941 = arith.select %eq3A_938, %all_reduce_ffs3A_918, %broadcast_in_dim3A_940 : vector<16xi1>, vector<16xi32>
      %gather3A_942 = tpu.vector_load_idx %arg7[%select_n3A_941] : memref<32xi32, #tpu.memory_space<vmem>>[vector<16xi32>], vector<16xi32>,
      %eq3A_943 = arith.constant 1 : i32
      %eq3A_944 = vector.broadcast %eq3A_943 : i32 to vector<16xi32>
      %eq3A_945 = arith.cmpi eq, %select_n3A_930, %eq3A_944 : vector<16xi32>
      %add3A_946 = arith.constant 16 : i32
      %add3A_947 = vector.broadcast %add3A_946 : i32 to vector<16xi32>
      %add3A_948 = arith.addi %add3A_947, %all_reduce_ffs3A_918 : vector<16xi32>
      %select_n3A_949 = arith.select %eq3A_945, %add3A_948, %select_n3A_900 : vector<16xi1>, vector<16xi32>
      %eq3A_950 = arith.constant 1 : i32
      %eq3A_951 = vector.broadcast %eq3A_950 : i32 to vector<16xi32>
      %eq3A_952 = arith.cmpi eq, %select_n3A_930, %eq3A_951 : vector<16xi32>
      %select_n3A_953 = arith.select %eq3A_952, %gather3A_942, %select_n3A_904 : vector<16xi1>, vector<16xi32>
      %or3A_954 = arith.ori %or3A_905, %select_n3A_930 : vector<16xi32>
      %add3A_955 = arith.constant 31 : i32
      %add3A_956 = vector.broadcast %add3A_955 : i32 to vector<16xi32>
      %add3A_957 = arith.addi %add3A_956, %broadcast_in_dim3A_5 : vector<16xi32>
      %gather3A_958 = tpu.vector_load_idx %arg7[%add3A_957] : memref<32xi32, #tpu.memory_space<vmem>>[vector<16xi32>], vector<16xi32>,
      %get3A_959 = arith.constant 32 : index
      %get3A_960 = tpu.vector_load %arg6[%get3A_959] {strides = array<i32>} : memref<256xi32, #tpu.memory_space<vmem>>, vector<16xi32>,
      %broadcast_in_dim3A_961 = arith.constant true
      %broadcast_in_dim3A_962 = vector.broadcast %broadcast_in_dim3A_961 : i1 to vector<16xi1>
      %masked_cumsum3A_963 = tpu.scan <sum>, %get3A_960 masked %broadcast_in_dim3A_962 : vector<16xi32>, vector<16xi1> -> vector<16xi32>
      %add3A_964 = arith.addi %masked_cumsum3A_963, %gather3A_958 : vector<16xi32>
      %ge3A_965 = arith.cmpi sge, %add3A_964, %sub3A_821 : vector<16xi32>
      %all_reduce_population_count3A_966 = tpu.all_reduce %ge3A_965 {dim = 0 : i64, kind = #tpu.reduction_kind<sum>} : vector<16xi1> -> vector<16xi32>
      %all_reduce_ffs3A_967 = tpu.all_reduce %ge3A_965 {dim = 0 : i64, kind = #tpu.reduction_kind<find_first_set>} : vector<16xi1> -> vector<16xi32>
      %gt3A_968 = arith.constant 0 : i32
      %gt3A_969 = vector.broadcast %gt3A_968 : i32 to vector<16xi32>
      %gt3A_970 = arith.cmpi sgt, %all_reduce_population_count3A_966, %gt3A_969 : vector<16xi32>
      %eq3A_971 = arith.constant 0 : i32
      %eq3A_972 = vector.broadcast %eq3A_971 : i32 to vector<16xi32>
      %eq3A_973 = arith.cmpi eq, %or3A_954, %eq3A_972 : vector<16xi32>
      %and3A_974 = arith.andi %gt3A_970, %eq3A_973 : vector<16xi1>
      %jit3A_975 = arith.constant 1 : i32
      %jit3A_976 = arith.constant 0 : i32
      %broadcast_in_dim3A_977 = vector.broadcast %jit3A_975 : i32 to vector<16xi32>
      %broadcast_in_dim3A_978 = vector.broadcast %jit3A_976 : i32 to vector<16xi32>
      %select_n3A_979 = arith.select %and3A_974, %broadcast_in_dim3A_977, %broadcast_in_dim3A_978 : vector<16xi1>, vector<16xi32>
      %sub3A_980 = arith.subi %add3A_964, %get3A_960 : vector<16xi32>
      %swap3A_981 = arith.constant 0 : index
      %swap3A_982 = tpu.vector_load %arg7[%swap3A_981] {strides = array<i32>} : memref<32xi32, #tpu.memory_space<vmem>>, vector<16xi32>,
      tpu.vector_store %arg7[%swap3A_981], %sub3A_980 {strides = array<i32>} : memref<32xi32, #tpu.memory_space<vmem>>, vector<16xi32>,
      %swap3A_983 = arith.constant 16 : index
      %swap3A_984 = tpu.vector_load %arg7[%swap3A_983] {strides = array<i32>} : memref<32xi32, #tpu.memory_space<vmem>>, vector<16xi32>,
      tpu.vector_store %arg7[%swap3A_983], %add3A_964 {strides = array<i32>} : memref<32xi32, #tpu.memory_space<vmem>>, vector<16xi32>,
      %eq3A_985 = arith.constant 1 : i32
      %eq3A_986 = vector.broadcast %eq3A_985 : i32 to vector<16xi32>
      %eq3A_987 = arith.cmpi eq, %select_n3A_979, %eq3A_986 : vector<16xi32>
      %jit3A_988 = arith.constant 0 : i32
      %broadcast_in_dim3A_989 = vector.broadcast %jit3A_988 : i32 to vector<16xi32>
      %select_n3A_990 = arith.select %eq3A_987, %all_reduce_ffs3A_967, %broadcast_in_dim3A_989 : vector<16xi1>, vector<16xi32>
      %gather3A_991 = tpu.vector_load_idx %arg7[%select_n3A_990] : memref<32xi32, #tpu.memory_space<vmem>>[vector<16xi32>], vector<16xi32>,
      %eq3A_992 = arith.constant 1 : i32
      %eq3A_993 = vector.broadcast %eq3A_992 : i32 to vector<16xi32>
      %eq3A_994 = arith.cmpi eq, %select_n3A_979, %eq3A_993 : vector<16xi32>
      %add3A_995 = arith.constant 32 : i32
      %add3A_996 = vector.broadcast %add3A_995 : i32 to vector<16xi32>
      %add3A_997 = arith.addi %add3A_996, %all_reduce_ffs3A_967 : vector<16xi32>
      %select_n3A_998 = arith.select %eq3A_994, %add3A_997, %select_n3A_949 : vector<16xi1>, vector<16xi32>
      %eq3A_999 = arith.constant 1 : i32
      %eq3A_1000 = vector.broadcast %eq3A_999 : i32 to vector<16xi32>
      %eq3A_1001 = arith.cmpi eq, %select_n3A_979, %eq3A_1000 : vector<16xi32>
      %select_n3A_1002 = arith.select %eq3A_1001, %gather3A_991, %select_n3A_953 : vector<16xi1>, vector<16xi32>
      %or3A_1003 = arith.ori %or3A_954, %select_n3A_979 : vector<16xi32>
      %add3A_1004 = arith.constant 31 : i32
      %add3A_1005 = vector.broadcast %add3A_1004 : i32 to vector<16xi32>
      %add3A_1006 = arith.addi %add3A_1005, %broadcast_in_dim3A_5 : vector<16xi32>
      %gather3A_1007 = tpu.vector_load_idx %arg7[%add3A_1006] : memref<32xi32, #tpu.memory_space<vmem>>[vector<16xi32>], vector<16xi32>,
      %get3A_1008 = arith.constant 48 : index
      %get3A_1009 = tpu.vector_load %arg6[%get3A_1008] {strides = array<i32>} : memref<256xi32, #tpu.memory_space<vmem>>, vector<16xi32>,
      %broadcast_in_dim3A_1010 = arith.constant true
      %broadcast_in_dim3A_1011 = vector.broadcast %broadcast_in_dim3A_1010 : i1 to vector<16xi1>
      %masked_cumsum3A_1012 = tpu.scan <sum>, %get3A_1009 masked %broadcast_in_dim3A_1011 : vector<16xi32>, vector<16xi1> -> vector<16xi32>
      %add3A_1013 = arith.addi %masked_cumsum3A_1012, %gather3A_1007 : vector<16xi32>
      %ge3A_1014 = arith.cmpi sge, %add3A_1013, %sub3A_821 : vector<16xi32>
      %all_reduce_population_count3A_1015 = tpu.all_reduce %ge3A_1014 {dim = 0 : i64, kind = #tpu.reduction_kind<sum>} : vector<16xi1> -> vector<16xi32>
      %all_reduce_ffs3A_1016 = tpu.all_reduce %ge3A_1014 {dim = 0 : i64, kind = #tpu.reduction_kind<find_first_set>} : vector<16xi1> -> vector<16xi32>
      %gt3A_1017 = arith.constant 0 : i32
      %gt3A_1018 = vector.broadcast %gt3A_1017 : i32 to vector<16xi32>
      %gt3A_1019 = arith.cmpi sgt, %all_reduce_population_count3A_1015, %gt3A_1018 : vector<16xi32>
      %eq3A_1020 = arith.constant 0 : i32
      %eq3A_1021 = vector.broadcast %eq3A_1020 : i32 to vector<16xi32>
      %eq3A_1022 = arith.cmpi eq, %or3A_1003, %eq3A_1021 : vector<16xi32>
      %and3A_1023 = arith.andi %gt3A_1019, %eq3A_1022 : vector<16xi1>
      %jit3A_1024 = arith.constant 1 : i32
      %jit3A_1025 = arith.constant 0 : i32
      %broadcast_in_dim3A_1026 = vector.broadcast %jit3A_1024 : i32 to vector<16xi32>
      %broadcast_in_dim3A_1027 = vector.broadcast %jit3A_1025 : i32 to vector<16xi32>
      %select_n3A_1028 = arith.select %and3A_1023, %broadcast_in_dim3A_1026, %broadcast_in_dim3A_1027 : vector<16xi1>, vector<16xi32>
      %sub3A_1029 = arith.subi %add3A_1013, %get3A_1009 : vector<16xi32>
      %swap3A_1030 = arith.constant 0 : index
      %swap3A_1031 = tpu.vector_load %arg7[%swap3A_1030] {strides = array<i32>} : memref<32xi32, #tpu.memory_space<vmem>>, vector<16xi32>,
      tpu.vector_store %arg7[%swap3A_1030], %sub3A_1029 {strides = array<i32>} : memref<32xi32, #tpu.memory_space<vmem>>, vector<16xi32>,
      %swap3A_1032 = arith.constant 16 : index
      %swap3A_1033 = tpu.vector_load %arg7[%swap3A_1032] {strides = array<i32>} : memref<32xi32, #tpu.memory_space<vmem>>, vector<16xi32>,
      tpu.vector_store %arg7[%swap3A_1032], %add3A_1013 {strides = array<i32>} : memref<32xi32, #tpu.memory_space<vmem>>, vector<16xi32>,
      %eq3A_1034 = arith.constant 1 : i32
      %eq3A_1035 = vector.broadcast %eq3A_1034 : i32 to vector<16xi32>
      %eq3A_1036 = arith.cmpi eq, %select_n3A_1028, %eq3A_1035 : vector<16xi32>
      %jit3A_1037 = arith.constant 0 : i32
      %broadcast_in_dim3A_1038 = vector.broadcast %jit3A_1037 : i32 to vector<16xi32>
      %select_n3A_1039 = arith.select %eq3A_1036, %all_reduce_ffs3A_1016, %broadcast_in_dim3A_1038 : vector<16xi1>, vector<16xi32>
      %gather3A_1040 = tpu.vector_load_idx %arg7[%select_n3A_1039] : memref<32xi32, #tpu.memory_space<vmem>>[vector<16xi32>], vector<16xi32>,
      %eq3A_1041 = arith.constant 1 : i32
      %eq3A_1042 = vector.broadcast %eq3A_1041 : i32 to vector<16xi32>
      %eq3A_1043 = arith.cmpi eq, %select_n3A_1028, %eq3A_1042 : vector<16xi32>
      %add3A_1044 = arith.constant 48 : i32
      %add3A_1045 = vector.broadcast %add3A_1044 : i32 to vector<16xi32>
      %add3A_1046 = arith.addi %add3A_1045, %all_reduce_ffs3A_1016 : vector<16xi32>
      %select_n3A_1047 = arith.select %eq3A_1043, %add3A_1046, %select_n3A_998 : vector<16xi1>, vector<16xi32>
      %eq3A_1048 = arith.constant 1 : i32
      %eq3A_1049 = vector.broadcast %eq3A_1048 : i32 to vector<16xi32>
      %eq3A_1050 = arith.cmpi eq, %select_n3A_1028, %eq3A_1049 : vector<16xi32>
      %select_n3A_1051 = arith.select %eq3A_1050, %gather3A_1040, %select_n3A_1002 : vector<16xi1>, vector<16xi32>
      %or3A_1052 = arith.ori %or3A_1003, %select_n3A_1028 : vector<16xi32>
      %add3A_1053 = arith.constant 31 : i32
      %add3A_1054 = vector.broadcast %add3A_1053 : i32 to vector<16xi32>
      %add3A_1055 = arith.addi %add3A_1054, %broadcast_in_dim3A_5 : vector<16xi32>
      %gather3A_1056 = tpu.vector_load_idx %arg7[%add3A_1055] : memref<32xi32, #tpu.memory_space<vmem>>[vector<16xi32>], vector<16xi32>,
      %get3A_1057 = arith.constant 64 : index
      %get3A_1058 = tpu.vector_load %arg6[%get3A_1057] {strides = array<i32>} : memref<256xi32, #tpu.memory_space<vmem>>, vector<16xi32>,
      %broadcast_in_dim3A_1059 = arith.constant true
      %broadcast_in_dim3A_1060 = vector.broadcast %broadcast_in_dim3A_1059 : i1 to vector<16xi1>
      %masked_cumsum3A_1061 = tpu.scan <sum>, %get3A_1058 masked %broadcast_in_dim3A_1060 : vector<16xi32>, vector<16xi1> -> vector<16xi32>
      %add3A_1062 = arith.addi %masked_cumsum3A_1061, %gather3A_1056 : vector<16xi32>
      %ge3A_1063 = arith.cmpi sge, %add3A_1062, %sub3A_821 : vector<16xi32>
      %all_reduce_population_count3A_1064 = tpu.all_reduce %ge3A_1063 {dim = 0 : i64, kind = #tpu.reduction_kind<sum>} : vector<16xi1> -> vector<16xi32>
      %all_reduce_ffs3A_1065 = tpu.all_reduce %ge3A_1063 {dim = 0 : i64, kind = #tpu.reduction_kind<find_first_set>} : vector<16xi1> -> vector<16xi32>
      %gt3A_1066 = arith.constant 0 : i32
      %gt3A_1067 = vector.broadcast %gt3A_1066 : i32 to vector<16xi32>
      %gt3A_1068 = arith.cmpi sgt, %all_reduce_population_count3A_1064, %gt3A_1067 : vector<16xi32>
      %eq3A_1069 = arith.constant 0 : i32
      %eq3A_1070 = vector.broadcast %eq3A_1069 : i32 to vector<16xi32>
      %eq3A_1071 = arith.cmpi eq, %or3A_1052, %eq3A_1070 : vector<16xi32>
      %and3A_1072 = arith.andi %gt3A_1068, %eq3A_1071 : vector<16xi1>
      %jit3A_1073 = arith.constant 1 : i32
      %jit3A_1074 = arith.constant 0 : i32
      %broadcast_in_dim3A_1075 = vector.broadcast %jit3A_1073 : i32 to vector<16xi32>
      %broadcast_in_dim3A_1076 = vector.broadcast %jit3A_1074 : i32 to vector<16xi32>
      %select_n3A_1077 = arith.select %and3A_1072, %broadcast_in_dim3A_1075, %broadcast_in_dim3A_1076 : vector<16xi1>, vector<16xi32>
      %sub3A_1078 = arith.subi %add3A_1062, %get3A_1058 : vector<16xi32>
      %swap3A_1079 = arith.constant 0 : index
      %swap3A_1080 = tpu.vector_load %arg7[%swap3A_1079] {strides = array<i32>} : memref<32xi32, #tpu.memory_space<vmem>>, vector<16xi32>,
      tpu.vector_store %arg7[%swap3A_1079], %sub3A_1078 {strides = array<i32>} : memref<32xi32, #tpu.memory_space<vmem>>, vector<16xi32>,
      %swap3A_1081 = arith.constant 16 : index
      %swap3A_1082 = tpu.vector_load %arg7[%swap3A_1081] {strides = array<i32>} : memref<32xi32, #tpu.memory_space<vmem>>, vector<16xi32>,
      tpu.vector_store %arg7[%swap3A_1081], %add3A_1062 {strides = array<i32>} : memref<32xi32, #tpu.memory_space<vmem>>, vector<16xi32>,
      %eq3A_1083 = arith.constant 1 : i32
      %eq3A_1084 = vector.broadcast %eq3A_1083 : i32 to vector<16xi32>
      %eq3A_1085 = arith.cmpi eq, %select_n3A_1077, %eq3A_1084 : vector<16xi32>
      %jit3A_1086 = arith.constant 0 : i32
      %broadcast_in_dim3A_1087 = vector.broadcast %jit3A_1086 : i32 to vector<16xi32>
      %select_n3A_1088 = arith.select %eq3A_1085, %all_reduce_ffs3A_1065, %broadcast_in_dim3A_1087 : vector<16xi1>, vector<16xi32>
      %gather3A_1089 = tpu.vector_load_idx %arg7[%select_n3A_1088] : memref<32xi32, #tpu.memory_space<vmem>>[vector<16xi32>], vector<16xi32>,
      %eq3A_1090 = arith.constant 1 : i32
      %eq3A_1091 = vector.broadcast %eq3A_1090 : i32 to vector<16xi32>
      %eq3A_1092 = arith.cmpi eq, %select_n3A_1077, %eq3A_1091 : vector<16xi32>
      %add3A_1093 = arith.constant 64 : i32
      %add3A_1094 = vector.broadcast %add3A_1093 : i32 to vector<16xi32>
      %add3A_1095 = arith.addi %add3A_1094, %all_reduce_ffs3A_1065 : vector<16xi32>
      %select_n3A_1096 = arith.select %eq3A_1092, %add3A_1095, %select_n3A_1047 : vector<16xi1>, vector<16xi32>
      %eq3A_1097 = arith.constant 1 : i32
      %eq3A_1098 = vector.broadcast %eq3A_1097 : i32 to vector<16xi32>
      %eq3A_1099 = arith.cmpi eq, %select_n3A_1077, %eq3A_1098 : vector<16xi32>
      %select_n3A_1100 = arith.select %eq3A_1099, %gather3A_1089, %select_n3A_1051 : vector<16xi1>, vector<16xi32>
      %or3A_1101 = arith.ori %or3A_1052, %select_n3A_1077 : vector<16xi32>
      %add3A_1102 = arith.constant 31 : i32
      %add3A_1103 = vector.broadcast %add3A_1102 : i32 to vector<16xi32>
      %add3A_1104 = arith.addi %add3A_1103, %broadcast_in_dim3A_5 : vector<16xi32>
      %gather3A_1105 = tpu.vector_load_idx %arg7[%add3A_1104] : memref<32xi32, #tpu.memory_space<vmem>>[vector<16xi32>], vector<16xi32>,
      %get3A_1106 = arith.constant 80 : index
      %get3A_1107 = tpu.vector_load %arg6[%get3A_1106] {strides = array<i32>} : memref<256xi32, #tpu.memory_space<vmem>>, vector<16xi32>,
      %broadcast_in_dim3A_1108 = arith.constant true
      %broadcast_in_dim3A_1109 = vector.broadcast %broadcast_in_dim3A_1108 : i1 to vector<16xi1>
      %masked_cumsum3A_1110 = tpu.scan <sum>, %get3A_1107 masked %broadcast_in_dim3A_1109 : vector<16xi32>, vector<16xi1> -> vector<16xi32>
      %add3A_1111 = arith.addi %masked_cumsum3A_1110, %gather3A_1105 : vector<16xi32>
      %ge3A_1112 = arith.cmpi sge, %add3A_1111, %sub3A_821 : vector<16xi32>
      %all_reduce_population_count3A_1113 = tpu.all_reduce %ge3A_1112 {dim = 0 : i64, kind = #tpu.reduction_kind<sum>} : vector<16xi1> -> vector<16xi32>
      %all_reduce_ffs3A_1114 = tpu.all_reduce %ge3A_1112 {dim = 0 : i64, kind = #tpu.reduction_kind<find_first_set>} : vector<16xi1> -> vector<16xi32>
      %gt3A_1115 = arith.constant 0 : i32
      %gt3A_1116 = vector.broadcast %gt3A_1115 : i32 to vector<16xi32>
      %gt3A_1117 = arith.cmpi sgt, %all_reduce_population_count3A_1113, %gt3A_1116 : vector<16xi32>
      %eq3A_1118 = arith.constant 0 : i32
      %eq3A_1119 = vector.broadcast %eq3A_1118 : i32 to vector<16xi32>
      %eq3A_1120 = arith.cmpi eq, %or3A_1101, %eq3A_1119 : vector<16xi32>
      %and3A_1121 = arith.andi %gt3A_1117, %eq3A_1120 : vector<16xi1>
      %jit3A_1122 = arith.constant 1 : i32
      %jit3A_1123 = arith.constant 0 : i32
      %broadcast_in_dim3A_1124 = vector.broadcast %jit3A_1122 : i32 to vector<16xi32>
      %broadcast_in_dim3A_1125 = vector.broadcast %jit3A_1123 : i32 to vector<16xi32>
      %select_n3A_1126 = arith.select %and3A_1121, %broadcast_in_dim3A_1124, %broadcast_in_dim3A_1125 : vector<16xi1>, vector<16xi32>
      %sub3A_1127 = arith.subi %add3A_1111, %get3A_1107 : vector<16xi32>
      %swap3A_1128 = arith.constant 0 : index
      %swap3A_1129 = tpu.vector_load %arg7[%swap3A_1128] {strides = array<i32>} : memref<32xi32, #tpu.memory_space<vmem>>, vector<16xi32>,
      tpu.vector_store %arg7[%swap3A_1128], %sub3A_1127 {strides = array<i32>} : memref<32xi32, #tpu.memory_space<vmem>>, vector<16xi32>,
      %swap3A_1130 = arith.constant 16 : index
      %swap3A_1131 = tpu.vector_load %arg7[%swap3A_1130] {strides = array<i32>} : memref<32xi32, #tpu.memory_space<vmem>>, vector<16xi32>,
      tpu.vector_store %arg7[%swap3A_1130], %add3A_1111 {strides = array<i32>} : memref<32xi32, #tpu.memory_space<vmem>>, vector<16xi32>,
      %eq3A_1132 = arith.constant 1 : i32
      %eq3A_1133 = vector.broadcast %eq3A_1132 : i32 to vector<16xi32>
      %eq3A_1134 = arith.cmpi eq, %select_n3A_1126, %eq3A_1133 : vector<16xi32>
      %jit3A_1135 = arith.constant 0 : i32
      %broadcast_in_dim3A_1136 = vector.broadcast %jit3A_1135 : i32 to vector<16xi32>
      %select_n3A_1137 = arith.select %eq3A_1134, %all_reduce_ffs3A_1114, %broadcast_in_dim3A_1136 : vector<16xi1>, vector<16xi32>
      %gather3A_1138 = tpu.vector_load_idx %arg7[%select_n3A_1137] : memref<32xi32, #tpu.memory_space<vmem>>[vector<16xi32>], vector<16xi32>,
      %eq3A_1139 = arith.constant 1 : i32
      %eq3A_1140 = vector.broadcast %eq3A_1139 : i32 to vector<16xi32>
      %eq3A_1141 = arith.cmpi eq, %select_n3A_1126, %eq3A_1140 : vector<16xi32>
      %add3A_1142 = arith.constant 80 : i32
      %add3A_1143 = vector.broadcast %add3A_1142 : i32 to vector<16xi32>
      %add3A_1144 = arith.addi %add3A_1143, %all_reduce_ffs3A_1114 : vector<16xi32>
      %select_n3A_1145 = arith.select %eq3A_1141, %add3A_1144, %select_n3A_1096 : vector<16xi1>, vector<16xi32>
      %eq3A_1146 = arith.constant 1 : i32
      %eq3A_1147 = vector.broadcast %eq3A_1146 : i32 to vector<16xi32>
      %eq3A_1148 = arith.cmpi eq, %select_n3A_1126, %eq3A_1147 : vector<16xi32>
      %select_n3A_1149 = arith.select %eq3A_1148, %gather3A_1138, %select_n3A_1100 : vector<16xi1>, vector<16xi32>
      %or3A_1150 = arith.ori %or3A_1101, %select_n3A_1126 : vector<16xi32>
      %add3A_1151 = arith.constant 31 : i32
      %add3A_1152 = vector.broadcast %add3A_1151 : i32 to vector<16xi32>
      %add3A_1153 = arith.addi %add3A_1152, %broadcast_in_dim3A_5 : vector<16xi32>
      %gather3A_1154 = tpu.vector_load_idx %arg7[%add3A_1153] : memref<32xi32, #tpu.memory_space<vmem>>[vector<16xi32>], vector<16xi32>,
      %get3A_1155 = arith.constant 96 : index
      %get3A_1156 = tpu.vector_load %arg6[%get3A_1155] {strides = array<i32>} : memref<256xi32, #tpu.memory_space<vmem>>, vector<16xi32>,
      %broadcast_in_dim3A_1157 = arith.constant true
      %broadcast_in_dim3A_1158 = vector.broadcast %broadcast_in_dim3A_1157 : i1 to vector<16xi1>
      %masked_cumsum3A_1159 = tpu.scan <sum>, %get3A_1156 masked %broadcast_in_dim3A_1158 : vector<16xi32>, vector<16xi1> -> vector<16xi32>
      %add3A_1160 = arith.addi %masked_cumsum3A_1159, %gather3A_1154 : vector<16xi32>
      %ge3A_1161 = arith.cmpi sge, %add3A_1160, %sub3A_821 : vector<16xi32>
      %all_reduce_population_count3A_1162 = tpu.all_reduce %ge3A_1161 {dim = 0 : i64, kind = #tpu.reduction_kind<sum>} : vector<16xi1> -> vector<16xi32>
      %all_reduce_ffs3A_1163 = tpu.all_reduce %ge3A_1161 {dim = 0 : i64, kind = #tpu.reduction_kind<find_first_set>} : vector<16xi1> -> vector<16xi32>
      %gt3A_1164 = arith.constant 0 : i32
      %gt3A_1165 = vector.broadcast %gt3A_1164 : i32 to vector<16xi32>
      %gt3A_1166 = arith.cmpi sgt, %all_reduce_population_count3A_1162, %gt3A_1165 : vector<16xi32>
      %eq3A_1167 = arith.constant 0 : i32
      %eq3A_1168 = vector.broadcast %eq3A_1167 : i32 to vector<16xi32>
      %eq3A_1169 = arith.cmpi eq, %or3A_1150, %eq3A_1168 : vector<16xi32>
      %and3A_1170 = arith.andi %gt3A_1166, %eq3A_1169 : vector<16xi1>
      %jit3A_1171 = arith.constant 1 : i32
      %jit3A_1172 = arith.constant 0 : i32
      %broadcast_in_dim3A_1173 = vector.broadcast %jit3A_1171 : i32 to vector<16xi32>
      %broadcast_in_dim3A_1174 = vector.broadcast %jit3A_1172 : i32 to vector<16xi32>
      %select_n3A_1175 = arith.select %and3A_1170, %broadcast_in_dim3A_1173, %broadcast_in_dim3A_1174 : vector<16xi1>, vector<16xi32>
      %sub3A_1176 = arith.subi %add3A_1160, %get3A_1156 : vector<16xi32>
      %swap3A_1177 = arith.constant 0 : index
      %swap3A_1178 = tpu.vector_load %arg7[%swap3A_1177] {strides = array<i32>} : memref<32xi32, #tpu.memory_space<vmem>>, vector<16xi32>,
      tpu.vector_store %arg7[%swap3A_1177], %sub3A_1176 {strides = array<i32>} : memref<32xi32, #tpu.memory_space<vmem>>, vector<16xi32>,
      %swap3A_1179 = arith.constant 16 : index
      %swap3A_1180 = tpu.vector_load %arg7[%swap3A_1179] {strides = array<i32>} : memref<32xi32, #tpu.memory_space<vmem>>, vector<16xi32>,
      tpu.vector_store %arg7[%swap3A_1179], %add3A_1160 {strides = array<i32>} : memref<32xi32, #tpu.memory_space<vmem>>, vector<16xi32>,
      %eq3A_1181 = arith.constant 1 : i32
      %eq3A_1182 = vector.broadcast %eq3A_1181 : i32 to vector<16xi32>
      %eq3A_1183 = arith.cmpi eq, %select_n3A_1175, %eq3A_1182 : vector<16xi32>
      %jit3A_1184 = arith.constant 0 : i32
      %broadcast_in_dim3A_1185 = vector.broadcast %jit3A_1184 : i32 to vector<16xi32>
      %select_n3A_1186 = arith.select %eq3A_1183, %all_reduce_ffs3A_1163, %broadcast_in_dim3A_1185 : vector<16xi1>, vector<16xi32>
      %gather3A_1187 = tpu.vector_load_idx %arg7[%select_n3A_1186] : memref<32xi32, #tpu.memory_space<vmem>>[vector<16xi32>], vector<16xi32>,
      %eq3A_1188 = arith.constant 1 : i32
      %eq3A_1189 = vector.broadcast %eq3A_1188 : i32 to vector<16xi32>
      %eq3A_1190 = arith.cmpi eq, %select_n3A_1175, %eq3A_1189 : vector<16xi32>
      %add3A_1191 = arith.constant 96 : i32
      %add3A_1192 = vector.broadcast %add3A_1191 : i32 to vector<16xi32>
      %add3A_1193 = arith.addi %add3A_1192, %all_reduce_ffs3A_1163 : vector<16xi32>
      %select_n3A_1194 = arith.select %eq3A_1190, %add3A_1193, %select_n3A_1145 : vector<16xi1>, vector<16xi32>
      %eq3A_1195 = arith.constant 1 : i32
      %eq3A_1196 = vector.broadcast %eq3A_1195 : i32 to vector<16xi32>
      %eq3A_1197 = arith.cmpi eq, %select_n3A_1175, %eq3A_1196 : vector<16xi32>
      %select_n3A_1198 = arith.select %eq3A_1197, %gather3A_1187, %select_n3A_1149 : vector<16xi1>, vector<16xi32>
      %or3A_1199 = arith.ori %or3A_1150, %select_n3A_1175 : vector<16xi32>
      %add3A_1200 = arith.constant 31 : i32
      %add3A_1201 = vector.broadcast %add3A_1200 : i32 to vector<16xi32>
      %add3A_1202 = arith.addi %add3A_1201, %broadcast_in_dim3A_5 : vector<16xi32>
      %gather3A_1203 = tpu.vector_load_idx %arg7[%add3A_1202] : memref<32xi32, #tpu.memory_space<vmem>>[vector<16xi32>], vector<16xi32>,
      %get3A_1204 = arith.constant 112 : index
      %get3A_1205 = tpu.vector_load %arg6[%get3A_1204] {strides = array<i32>} : memref<256xi32, #tpu.memory_space<vmem>>, vector<16xi32>,
      %broadcast_in_dim3A_1206 = arith.constant true
      %broadcast_in_dim3A_1207 = vector.broadcast %broadcast_in_dim3A_1206 : i1 to vector<16xi1>
      %masked_cumsum3A_1208 = tpu.scan <sum>, %get3A_1205 masked %broadcast_in_dim3A_1207 : vector<16xi32>, vector<16xi1> -> vector<16xi32>
      %add3A_1209 = arith.addi %masked_cumsum3A_1208, %gather3A_1203 : vector<16xi32>
      %ge3A_1210 = arith.cmpi sge, %add3A_1209, %sub3A_821 : vector<16xi32>
      %all_reduce_population_count3A_1211 = tpu.all_reduce %ge3A_1210 {dim = 0 : i64, kind = #tpu.reduction_kind<sum>} : vector<16xi1> -> vector<16xi32>
      %all_reduce_ffs3A_1212 = tpu.all_reduce %ge3A_1210 {dim = 0 : i64, kind = #tpu.reduction_kind<find_first_set>} : vector<16xi1> -> vector<16xi32>
      %gt3A_1213 = arith.constant 0 : i32
      %gt3A_1214 = vector.broadcast %gt3A_1213 : i32 to vector<16xi32>
      %gt3A_1215 = arith.cmpi sgt, %all_reduce_population_count3A_1211, %gt3A_1214 : vector<16xi32>
      %eq3A_1216 = arith.constant 0 : i32
      %eq3A_1217 = vector.broadcast %eq3A_1216 : i32 to vector<16xi32>
      %eq3A_1218 = arith.cmpi eq, %or3A_1199, %eq3A_1217 : vector<16xi32>
      %and3A_1219 = arith.andi %gt3A_1215, %eq3A_1218 : vector<16xi1>
      %jit3A_1220 = arith.constant 1 : i32
      %jit3A_1221 = arith.constant 0 : i32
      %broadcast_in_dim3A_1222 = vector.broadcast %jit3A_1220 : i32 to vector<16xi32>
      %broadcast_in_dim3A_1223 = vector.broadcast %jit3A_1221 : i32 to vector<16xi32>
      %select_n3A_1224 = arith.select %and3A_1219, %broadcast_in_dim3A_1222, %broadcast_in_dim3A_1223 : vector<16xi1>, vector<16xi32>
      %sub3A_1225 = arith.subi %add3A_1209, %get3A_1205 : vector<16xi32>
      %swap3A_1226 = arith.constant 0 : index
      %swap3A_1227 = tpu.vector_load %arg7[%swap3A_1226] {strides = array<i32>} : memref<32xi32, #tpu.memory_space<vmem>>, vector<16xi32>,
      tpu.vector_store %arg7[%swap3A_1226], %sub3A_1225 {strides = array<i32>} : memref<32xi32, #tpu.memory_space<vmem>>, vector<16xi32>,
      %swap3A_1228 = arith.constant 16 : index
      %swap3A_1229 = tpu.vector_load %arg7[%swap3A_1228] {strides = array<i32>} : memref<32xi32, #tpu.memory_space<vmem>>, vector<16xi32>,
      tpu.vector_store %arg7[%swap3A_1228], %add3A_1209 {strides = array<i32>} : memref<32xi32, #tpu.memory_space<vmem>>, vector<16xi32>,
      %eq3A_1230 = arith.constant 1 : i32
      %eq3A_1231 = vector.broadcast %eq3A_1230 : i32 to vector<16xi32>
      %eq3A_1232 = arith.cmpi eq, %select_n3A_1224, %eq3A_1231 : vector<16xi32>
      %jit3A_1233 = arith.constant 0 : i32
      %broadcast_in_dim3A_1234 = vector.broadcast %jit3A_1233 : i32 to vector<16xi32>
      %select_n3A_1235 = arith.select %eq3A_1232, %all_reduce_ffs3A_1212, %broadcast_in_dim3A_1234 : vector<16xi1>, vector<16xi32>
      %gather3A_1236 = tpu.vector_load_idx %arg7[%select_n3A_1235] : memref<32xi32, #tpu.memory_space<vmem>>[vector<16xi32>], vector<16xi32>,
      %eq3A_1237 = arith.constant 1 : i32
      %eq3A_1238 = vector.broadcast %eq3A_1237 : i32 to vector<16xi32>
      %eq3A_1239 = arith.cmpi eq, %select_n3A_1224, %eq3A_1238 : vector<16xi32>
      %add3A_1240 = arith.constant 112 : i32
      %add3A_1241 = vector.broadcast %add3A_1240 : i32 to vector<16xi32>
      %add3A_1242 = arith.addi %add3A_1241, %all_reduce_ffs3A_1212 : vector<16xi32>
      %select_n3A_1243 = arith.select %eq3A_1239, %add3A_1242, %select_n3A_1194 : vector<16xi1>, vector<16xi32>
      %eq3A_1244 = arith.constant 1 : i32
      %eq3A_1245 = vector.broadcast %eq3A_1244 : i32 to vector<16xi32>
      %eq3A_1246 = arith.cmpi eq, %select_n3A_1224, %eq3A_1245 : vector<16xi32>
      %select_n3A_1247 = arith.select %eq3A_1246, %gather3A_1236, %select_n3A_1198 : vector<16xi1>, vector<16xi32>
      %or3A_1248 = arith.ori %or3A_1199, %select_n3A_1224 : vector<16xi32>
      %add3A_1249 = arith.constant 31 : i32
      %add3A_1250 = vector.broadcast %add3A_1249 : i32 to vector<16xi32>
      %add3A_1251 = arith.addi %add3A_1250, %broadcast_in_dim3A_5 : vector<16xi32>
      %gather3A_1252 = tpu.vector_load_idx %arg7[%add3A_1251] : memref<32xi32, #tpu.memory_space<vmem>>[vector<16xi32>], vector<16xi32>,
      %get3A_1253 = arith.constant 128 : index
      %get3A_1254 = tpu.vector_load %arg6[%get3A_1253] {strides = array<i32>} : memref<256xi32, #tpu.memory_space<vmem>>, vector<16xi32>,
      %broadcast_in_dim3A_1255 = arith.constant true
      %broadcast_in_dim3A_1256 = vector.broadcast %broadcast_in_dim3A_1255 : i1 to vector<16xi1>
      %masked_cumsum3A_1257 = tpu.scan <sum>, %get3A_1254 masked %broadcast_in_dim3A_1256 : vector<16xi32>, vector<16xi1> -> vector<16xi32>
      %add3A_1258 = arith.addi %masked_cumsum3A_1257, %gather3A_1252 : vector<16xi32>
      %ge3A_1259 = arith.cmpi sge, %add3A_1258, %sub3A_821 : vector<16xi32>
      %all_reduce_population_count3A_1260 = tpu.all_reduce %ge3A_1259 {dim = 0 : i64, kind = #tpu.reduction_kind<sum>} : vector<16xi1> -> vector<16xi32>
      %all_reduce_ffs3A_1261 = tpu.all_reduce %ge3A_1259 {dim = 0 : i64, kind = #tpu.reduction_kind<find_first_set>} : vector<16xi1> -> vector<16xi32>
      %gt3A_1262 = arith.constant 0 : i32
      %gt3A_1263 = vector.broadcast %gt3A_1262 : i32 to vector<16xi32>
      %gt3A_1264 = arith.cmpi sgt, %all_reduce_population_count3A_1260, %gt3A_1263 : vector<16xi32>
      %eq3A_1265 = arith.constant 0 : i32
      %eq3A_1266 = vector.broadcast %eq3A_1265 : i32 to vector<16xi32>
      %eq3A_1267 = arith.cmpi eq, %or3A_1248, %eq3A_1266 : vector<16xi32>
      %and3A_1268 = arith.andi %gt3A_1264, %eq3A_1267 : vector<16xi1>
      %jit3A_1269 = arith.constant 1 : i32
      %jit3A_1270 = arith.constant 0 : i32
      %broadcast_in_dim3A_1271 = vector.broadcast %jit3A_1269 : i32 to vector<16xi32>
      %broadcast_in_dim3A_1272 = vector.broadcast %jit3A_1270 : i32 to vector<16xi32>
      %select_n3A_1273 = arith.select %and3A_1268, %broadcast_in_dim3A_1271, %broadcast_in_dim3A_1272 : vector<16xi1>, vector<16xi32>
      %sub3A_1274 = arith.subi %add3A_1258, %get3A_1254 : vector<16xi32>
      %swap3A_1275 = arith.constant 0 : index
      %swap3A_1276 = tpu.vector_load %arg7[%swap3A_1275] {strides = array<i32>} : memref<32xi32, #tpu.memory_space<vmem>>, vector<16xi32>,
      tpu.vector_store %arg7[%swap3A_1275], %sub3A_1274 {strides = array<i32>} : memref<32xi32, #tpu.memory_space<vmem>>, vector<16xi32>,
      %swap3A_1277 = arith.constant 16 : index
      %swap3A_1278 = tpu.vector_load %arg7[%swap3A_1277] {strides = array<i32>} : memref<32xi32, #tpu.memory_space<vmem>>, vector<16xi32>,
      tpu.vector_store %arg7[%swap3A_1277], %add3A_1258 {strides = array<i32>} : memref<32xi32, #tpu.memory_space<vmem>>, vector<16xi32>,
      %eq3A_1279 = arith.constant 1 : i32
      %eq3A_1280 = vector.broadcast %eq3A_1279 : i32 to vector<16xi32>
      %eq3A_1281 = arith.cmpi eq, %select_n3A_1273, %eq3A_1280 : vector<16xi32>
      %jit3A_1282 = arith.constant 0 : i32
      %broadcast_in_dim3A_1283 = vector.broadcast %jit3A_1282 : i32 to vector<16xi32>
      %select_n3A_1284 = arith.select %eq3A_1281, %all_reduce_ffs3A_1261, %broadcast_in_dim3A_1283 : vector<16xi1>, vector<16xi32>
      %gather3A_1285 = tpu.vector_load_idx %arg7[%select_n3A_1284] : memref<32xi32, #tpu.memory_space<vmem>>[vector<16xi32>], vector<16xi32>,
      %eq3A_1286 = arith.constant 1 : i32
      %eq3A_1287 = vector.broadcast %eq3A_1286 : i32 to vector<16xi32>
      %eq3A_1288 = arith.cmpi eq, %select_n3A_1273, %eq3A_1287 : vector<16xi32>
      %add3A_1289 = arith.constant 128 : i32
      %add3A_1290 = vector.broadcast %add3A_1289 : i32 to vector<16xi32>
      %add3A_1291 = arith.addi %add3A_1290, %all_reduce_ffs3A_1261 : vector<16xi32>
      %select_n3A_1292 = arith.select %eq3A_1288, %add3A_1291, %select_n3A_1243 : vector<16xi1>, vector<16xi32>
      %eq3A_1293 = arith.constant 1 : i32
      %eq3A_1294 = vector.broadcast %eq3A_1293 : i32 to vector<16xi32>
      %eq3A_1295 = arith.cmpi eq, %select_n3A_1273, %eq3A_1294 : vector<16xi32>
      %select_n3A_1296 = arith.select %eq3A_1295, %gather3A_1285, %select_n3A_1247 : vector<16xi1>, vector<16xi32>
      %or3A_1297 = arith.ori %or3A_1248, %select_n3A_1273 : vector<16xi32>
      %add3A_1298 = arith.constant 31 : i32
      %add3A_1299 = vector.broadcast %add3A_1298 : i32 to vector<16xi32>
      %add3A_1300 = arith.addi %add3A_1299, %broadcast_in_dim3A_5 : vector<16xi32>
      %gather3A_1301 = tpu.vector_load_idx %arg7[%add3A_1300] : memref<32xi32, #tpu.memory_space<vmem>>[vector<16xi32>], vector<16xi32>,
      %get3A_1302 = arith.constant 144 : index
      %get3A_1303 = tpu.vector_load %arg6[%get3A_1302] {strides = array<i32>} : memref<256xi32, #tpu.memory_space<vmem>>, vector<16xi32>,
      %broadcast_in_dim3A_1304 = arith.constant true
      %broadcast_in_dim3A_1305 = vector.broadcast %broadcast_in_dim3A_1304 : i1 to vector<16xi1>
      %masked_cumsum3A_1306 = tpu.scan <sum>, %get3A_1303 masked %broadcast_in_dim3A_1305 : vector<16xi32>, vector<16xi1> -> vector<16xi32>
      %add3A_1307 = arith.addi %masked_cumsum3A_1306, %gather3A_1301 : vector<16xi32>
      %ge3A_1308 = arith.cmpi sge, %add3A_1307, %sub3A_821 : vector<16xi32>
      %all_reduce_population_count3A_1309 = tpu.all_reduce %ge3A_1308 {dim = 0 : i64, kind = #tpu.reduction_kind<sum>} : vector<16xi1> -> vector<16xi32>
      %all_reduce_ffs3A_1310 = tpu.all_reduce %ge3A_1308 {dim = 0 : i64, kind = #tpu.reduction_kind<find_first_set>} : vector<16xi1> -> vector<16xi32>
      %gt3A_1311 = arith.constant 0 : i32
      %gt3A_1312 = vector.broadcast %gt3A_1311 : i32 to vector<16xi32>
      %gt3A_1313 = arith.cmpi sgt, %all_reduce_population_count3A_1309, %gt3A_1312 : vector<16xi32>
      %eq3A_1314 = arith.constant 0 : i32
      %eq3A_1315 = vector.broadcast %eq3A_1314 : i32 to vector<16xi32>
      %eq3A_1316 = arith.cmpi eq, %or3A_1297, %eq3A_1315 : vector<16xi32>
      %and3A_1317 = arith.andi %gt3A_1313, %eq3A_1316 : vector<16xi1>
      %jit3A_1318 = arith.constant 1 : i32
      %jit3A_1319 = arith.constant 0 : i32
      %broadcast_in_dim3A_1320 = vector.broadcast %jit3A_1318 : i32 to vector<16xi32>
      %broadcast_in_dim3A_1321 = vector.broadcast %jit3A_1319 : i32 to vector<16xi32>
      %select_n3A_1322 = arith.select %and3A_1317, %broadcast_in_dim3A_1320, %broadcast_in_dim3A_1321 : vector<16xi1>, vector<16xi32>
      %sub3A_1323 = arith.subi %add3A_1307, %get3A_1303 : vector<16xi32>
      %swap3A_1324 = arith.constant 0 : index
      %swap3A_1325 = tpu.vector_load %arg7[%swap3A_1324] {strides = array<i32>} : memref<32xi32, #tpu.memory_space<vmem>>, vector<16xi32>,
      tpu.vector_store %arg7[%swap3A_1324], %sub3A_1323 {strides = array<i32>} : memref<32xi32, #tpu.memory_space<vmem>>, vector<16xi32>,
      %swap3A_1326 = arith.constant 16 : index
      %swap3A_1327 = tpu.vector_load %arg7[%swap3A_1326] {strides = array<i32>} : memref<32xi32, #tpu.memory_space<vmem>>, vector<16xi32>,
      tpu.vector_store %arg7[%swap3A_1326], %add3A_1307 {strides = array<i32>} : memref<32xi32, #tpu.memory_space<vmem>>, vector<16xi32>,
      %eq3A_1328 = arith.constant 1 : i32
      %eq3A_1329 = vector.broadcast %eq3A_1328 : i32 to vector<16xi32>
      %eq3A_1330 = arith.cmpi eq, %select_n3A_1322, %eq3A_1329 : vector<16xi32>
      %jit3A_1331 = arith.constant 0 : i32
      %broadcast_in_dim3A_1332 = vector.broadcast %jit3A_1331 : i32 to vector<16xi32>
      %select_n3A_1333 = arith.select %eq3A_1330, %all_reduce_ffs3A_1310, %broadcast_in_dim3A_1332 : vector<16xi1>, vector<16xi32>
      %gather3A_1334 = tpu.vector_load_idx %arg7[%select_n3A_1333] : memref<32xi32, #tpu.memory_space<vmem>>[vector<16xi32>], vector<16xi32>,
      %eq3A_1335 = arith.constant 1 : i32
      %eq3A_1336 = vector.broadcast %eq3A_1335 : i32 to vector<16xi32>
      %eq3A_1337 = arith.cmpi eq, %select_n3A_1322, %eq3A_1336 : vector<16xi32>
      %add3A_1338 = arith.constant 144 : i32
      %add3A_1339 = vector.broadcast %add3A_1338 : i32 to vector<16xi32>
      %add3A_1340 = arith.addi %add3A_1339, %all_reduce_ffs3A_1310 : vector<16xi32>
      %select_n3A_1341 = arith.select %eq3A_1337, %add3A_1340, %select_n3A_1292 : vector<16xi1>, vector<16xi32>
      %eq3A_1342 = arith.constant 1 : i32
      %eq3A_1343 = vector.broadcast %eq3A_1342 : i32 to vector<16xi32>
      %eq3A_1344 = arith.cmpi eq, %select_n3A_1322, %eq3A_1343 : vector<16xi32>
      %select_n3A_1345 = arith.select %eq3A_1344, %gather3A_1334, %select_n3A_1296 : vector<16xi1>, vector<16xi32>
      %or3A_1346 = arith.ori %or3A_1297, %select_n3A_1322 : vector<16xi32>
      %add3A_1347 = arith.constant 31 : i32
      %add3A_1348 = vector.broadcast %add3A_1347 : i32 to vector<16xi32>
      %add3A_1349 = arith.addi %add3A_1348, %broadcast_in_dim3A_5 : vector<16xi32>
      %gather3A_1350 = tpu.vector_load_idx %arg7[%add3A_1349] : memref<32xi32, #tpu.memory_space<vmem>>[vector<16xi32>], vector<16xi32>,
      %get3A_1351 = arith.constant 160 : index
      %get3A_1352 = tpu.vector_load %arg6[%get3A_1351] {strides = array<i32>} : memref<256xi32, #tpu.memory_space<vmem>>, vector<16xi32>,
      %broadcast_in_dim3A_1353 = arith.constant true
      %broadcast_in_dim3A_1354 = vector.broadcast %broadcast_in_dim3A_1353 : i1 to vector<16xi1>
      %masked_cumsum3A_1355 = tpu.scan <sum>, %get3A_1352 masked %broadcast_in_dim3A_1354 : vector<16xi32>, vector<16xi1> -> vector<16xi32>
      %add3A_1356 = arith.addi %masked_cumsum3A_1355, %gather3A_1350 : vector<16xi32>
      %ge3A_1357 = arith.cmpi sge, %add3A_1356, %sub3A_821 : vector<16xi32>
      %all_reduce_population_count3A_1358 = tpu.all_reduce %ge3A_1357 {dim = 0 : i64, kind = #tpu.reduction_kind<sum>} : vector<16xi1> -> vector<16xi32>
      %all_reduce_ffs3A_1359 = tpu.all_reduce %ge3A_1357 {dim = 0 : i64, kind = #tpu.reduction_kind<find_first_set>} : vector<16xi1> -> vector<16xi32>
      %gt3A_1360 = arith.constant 0 : i32
      %gt3A_1361 = vector.broadcast %gt3A_1360 : i32 to vector<16xi32>
      %gt3A_1362 = arith.cmpi sgt, %all_reduce_population_count3A_1358, %gt3A_1361 : vector<16xi32>
      %eq3A_1363 = arith.constant 0 : i32
      %eq3A_1364 = vector.broadcast %eq3A_1363 : i32 to vector<16xi32>
      %eq3A_1365 = arith.cmpi eq, %or3A_1346, %eq3A_1364 : vector<16xi32>
      %and3A_1366 = arith.andi %gt3A_1362, %eq3A_1365 : vector<16xi1>
      %jit3A_1367 = arith.constant 1 : i32
      %jit3A_1368 = arith.constant 0 : i32
      %broadcast_in_dim3A_1369 = vector.broadcast %jit3A_1367 : i32 to vector<16xi32>
      %broadcast_in_dim3A_1370 = vector.broadcast %jit3A_1368 : i32 to vector<16xi32>
      %select_n3A_1371 = arith.select %and3A_1366, %broadcast_in_dim3A_1369, %broadcast_in_dim3A_1370 : vector<16xi1>, vector<16xi32>
      %sub3A_1372 = arith.subi %add3A_1356, %get3A_1352 : vector<16xi32>
      %swap3A_1373 = arith.constant 0 : index
      %swap3A_1374 = tpu.vector_load %arg7[%swap3A_1373] {strides = array<i32>} : memref<32xi32, #tpu.memory_space<vmem>>, vector<16xi32>,
      tpu.vector_store %arg7[%swap3A_1373], %sub3A_1372 {strides = array<i32>} : memref<32xi32, #tpu.memory_space<vmem>>, vector<16xi32>,
      %swap3A_1375 = arith.constant 16 : index
      %swap3A_1376 = tpu.vector_load %arg7[%swap3A_1375] {strides = array<i32>} : memref<32xi32, #tpu.memory_space<vmem>>, vector<16xi32>,
      tpu.vector_store %arg7[%swap3A_1375], %add3A_1356 {strides = array<i32>} : memref<32xi32, #tpu.memory_space<vmem>>, vector<16xi32>,
      %eq3A_1377 = arith.constant 1 : i32
      %eq3A_1378 = vector.broadcast %eq3A_1377 : i32 to vector<16xi32>
      %eq3A_1379 = arith.cmpi eq, %select_n3A_1371, %eq3A_1378 : vector<16xi32>
      %jit3A_1380 = arith.constant 0 : i32
      %broadcast_in_dim3A_1381 = vector.broadcast %jit3A_1380 : i32 to vector<16xi32>
      %select_n3A_1382 = arith.select %eq3A_1379, %all_reduce_ffs3A_1359, %broadcast_in_dim3A_1381 : vector<16xi1>, vector<16xi32>
      %gather3A_1383 = tpu.vector_load_idx %arg7[%select_n3A_1382] : memref<32xi32, #tpu.memory_space<vmem>>[vector<16xi32>], vector<16xi32>,
      %eq3A_1384 = arith.constant 1 : i32
      %eq3A_1385 = vector.broadcast %eq3A_1384 : i32 to vector<16xi32>
      %eq3A_1386 = arith.cmpi eq, %select_n3A_1371, %eq3A_1385 : vector<16xi32>
      %add3A_1387 = arith.constant 160 : i32
      %add3A_1388 = vector.broadcast %add3A_1387 : i32 to vector<16xi32>
      %add3A_1389 = arith.addi %add3A_1388, %all_reduce_ffs3A_1359 : vector<16xi32>
      %select_n3A_1390 = arith.select %eq3A_1386, %add3A_1389, %select_n3A_1341 : vector<16xi1>, vector<16xi32>
      %eq3A_1391 = arith.constant 1 : i32
      %eq3A_1392 = vector.broadcast %eq3A_1391 : i32 to vector<16xi32>
      %eq3A_1393 = arith.cmpi eq, %select_n3A_1371, %eq3A_1392 : vector<16xi32>
      %select_n3A_1394 = arith.select %eq3A_1393, %gather3A_1383, %select_n3A_1345 : vector<16xi1>, vector<16xi32>
      %or3A_1395 = arith.ori %or3A_1346, %select_n3A_1371 : vector<16xi32>
      %add3A_1396 = arith.constant 31 : i32
      %add3A_1397 = vector.broadcast %add3A_1396 : i32 to vector<16xi32>
      %add3A_1398 = arith.addi %add3A_1397, %broadcast_in_dim3A_5 : vector<16xi32>
      %gather3A_1399 = tpu.vector_load_idx %arg7[%add3A_1398] : memref<32xi32, #tpu.memory_space<vmem>>[vector<16xi32>], vector<16xi32>,
      %get3A_1400 = arith.constant 176 : index
      %get3A_1401 = tpu.vector_load %arg6[%get3A_1400] {strides = array<i32>} : memref<256xi32, #tpu.memory_space<vmem>>, vector<16xi32>,
      %broadcast_in_dim3A_1402 = arith.constant true
      %broadcast_in_dim3A_1403 = vector.broadcast %broadcast_in_dim3A_1402 : i1 to vector<16xi1>
      %masked_cumsum3A_1404 = tpu.scan <sum>, %get3A_1401 masked %broadcast_in_dim3A_1403 : vector<16xi32>, vector<16xi1> -> vector<16xi32>
      %add3A_1405 = arith.addi %masked_cumsum3A_1404, %gather3A_1399 : vector<16xi32>
      %ge3A_1406 = arith.cmpi sge, %add3A_1405, %sub3A_821 : vector<16xi32>
      %all_reduce_population_count3A_1407 = tpu.all_reduce %ge3A_1406 {dim = 0 : i64, kind = #tpu.reduction_kind<sum>} : vector<16xi1> -> vector<16xi32>
      %all_reduce_ffs3A_1408 = tpu.all_reduce %ge3A_1406 {dim = 0 : i64, kind = #tpu.reduction_kind<find_first_set>} : vector<16xi1> -> vector<16xi32>
      %gt3A_1409 = arith.constant 0 : i32
      %gt3A_1410 = vector.broadcast %gt3A_1409 : i32 to vector<16xi32>
      %gt3A_1411 = arith.cmpi sgt, %all_reduce_population_count3A_1407, %gt3A_1410 : vector<16xi32>
      %eq3A_1412 = arith.constant 0 : i32
      %eq3A_1413 = vector.broadcast %eq3A_1412 : i32 to vector<16xi32>
      %eq3A_1414 = arith.cmpi eq, %or3A_1395, %eq3A_1413 : vector<16xi32>
      %and3A_1415 = arith.andi %gt3A_1411, %eq3A_1414 : vector<16xi1>
      %jit3A_1416 = arith.constant 1 : i32
      %jit3A_1417 = arith.constant 0 : i32
      %broadcast_in_dim3A_1418 = vector.broadcast %jit3A_1416 : i32 to vector<16xi32>
      %broadcast_in_dim3A_1419 = vector.broadcast %jit3A_1417 : i32 to vector<16xi32>
      %select_n3A_1420 = arith.select %and3A_1415, %broadcast_in_dim3A_1418, %broadcast_in_dim3A_1419 : vector<16xi1>, vector<16xi32>
      %sub3A_1421 = arith.subi %add3A_1405, %get3A_1401 : vector<16xi32>
      %swap3A_1422 = arith.constant 0 : index
      %swap3A_1423 = tpu.vector_load %arg7[%swap3A_1422] {strides = array<i32>} : memref<32xi32, #tpu.memory_space<vmem>>, vector<16xi32>,
      tpu.vector_store %arg7[%swap3A_1422], %sub3A_1421 {strides = array<i32>} : memref<32xi32, #tpu.memory_space<vmem>>, vector<16xi32>,
      %swap3A_1424 = arith.constant 16 : index
      %swap3A_1425 = tpu.vector_load %arg7[%swap3A_1424] {strides = array<i32>} : memref<32xi32, #tpu.memory_space<vmem>>, vector<16xi32>,
      tpu.vector_store %arg7[%swap3A_1424], %add3A_1405 {strides = array<i32>} : memref<32xi32, #tpu.memory_space<vmem>>, vector<16xi32>,
      %eq3A_1426 = arith.constant 1 : i32
      %eq3A_1427 = vector.broadcast %eq3A_1426 : i32 to vector<16xi32>
      %eq3A_1428 = arith.cmpi eq, %select_n3A_1420, %eq3A_1427 : vector<16xi32>
      %jit3A_1429 = arith.constant 0 : i32
      %broadcast_in_dim3A_1430 = vector.broadcast %jit3A_1429 : i32 to vector<16xi32>
      %select_n3A_1431 = arith.select %eq3A_1428, %all_reduce_ffs3A_1408, %broadcast_in_dim3A_1430 : vector<16xi1>, vector<16xi32>
      %gather3A_1432 = tpu.vector_load_idx %arg7[%select_n3A_1431] : memref<32xi32, #tpu.memory_space<vmem>>[vector<16xi32>], vector<16xi32>,
      %eq3A_1433 = arith.constant 1 : i32
      %eq3A_1434 = vector.broadcast %eq3A_1433 : i32 to vector<16xi32>
      %eq3A_1435 = arith.cmpi eq, %select_n3A_1420, %eq3A_1434 : vector<16xi32>
      %add3A_1436 = arith.constant 176 : i32
      %add3A_1437 = vector.broadcast %add3A_1436 : i32 to vector<16xi32>
      %add3A_1438 = arith.addi %add3A_1437, %all_reduce_ffs3A_1408 : vector<16xi32>
      %select_n3A_1439 = arith.select %eq3A_1435, %add3A_1438, %select_n3A_1390 : vector<16xi1>, vector<16xi32>
      %eq3A_1440 = arith.constant 1 : i32
      %eq3A_1441 = vector.broadcast %eq3A_1440 : i32 to vector<16xi32>
      %eq3A_1442 = arith.cmpi eq, %select_n3A_1420, %eq3A_1441 : vector<16xi32>
      %select_n3A_1443 = arith.select %eq3A_1442, %gather3A_1432, %select_n3A_1394 : vector<16xi1>, vector<16xi32>
      %or3A_1444 = arith.ori %or3A_1395, %select_n3A_1420 : vector<16xi32>
      %add3A_1445 = arith.constant 31 : i32
      %add3A_1446 = vector.broadcast %add3A_1445 : i32 to vector<16xi32>
      %add3A_1447 = arith.addi %add3A_1446, %broadcast_in_dim3A_5 : vector<16xi32>
      %gather3A_1448 = tpu.vector_load_idx %arg7[%add3A_1447] : memref<32xi32, #tpu.memory_space<vmem>>[vector<16xi32>], vector<16xi32>,
      %get3A_1449 = arith.constant 192 : index
      %get3A_1450 = tpu.vector_load %arg6[%get3A_1449] {strides = array<i32>} : memref<256xi32, #tpu.memory_space<vmem>>, vector<16xi32>,
      %broadcast_in_dim3A_1451 = arith.constant true
      %broadcast_in_dim3A_1452 = vector.broadcast %broadcast_in_dim3A_1451 : i1 to vector<16xi1>
      %masked_cumsum3A_1453 = tpu.scan <sum>, %get3A_1450 masked %broadcast_in_dim3A_1452 : vector<16xi32>, vector<16xi1> -> vector<16xi32>
      %add3A_1454 = arith.addi %masked_cumsum3A_1453, %gather3A_1448 : vector<16xi32>
      %ge3A_1455 = arith.cmpi sge, %add3A_1454, %sub3A_821 : vector<16xi32>
      %all_reduce_population_count3A_1456 = tpu.all_reduce %ge3A_1455 {dim = 0 : i64, kind = #tpu.reduction_kind<sum>} : vector<16xi1> -> vector<16xi32>
      %all_reduce_ffs3A_1457 = tpu.all_reduce %ge3A_1455 {dim = 0 : i64, kind = #tpu.reduction_kind<find_first_set>} : vector<16xi1> -> vector<16xi32>
      %gt3A_1458 = arith.constant 0 : i32
      %gt3A_1459 = vector.broadcast %gt3A_1458 : i32 to vector<16xi32>
      %gt3A_1460 = arith.cmpi sgt, %all_reduce_population_count3A_1456, %gt3A_1459 : vector<16xi32>
      %eq3A_1461 = arith.constant 0 : i32
      %eq3A_1462 = vector.broadcast %eq3A_1461 : i32 to vector<16xi32>
      %eq3A_1463 = arith.cmpi eq, %or3A_1444, %eq3A_1462 : vector<16xi32>
      %and3A_1464 = arith.andi %gt3A_1460, %eq3A_1463 : vector<16xi1>
      %jit3A_1465 = arith.constant 1 : i32
      %jit3A_1466 = arith.constant 0 : i32
      %broadcast_in_dim3A_1467 = vector.broadcast %jit3A_1465 : i32 to vector<16xi32>
      %broadcast_in_dim3A_1468 = vector.broadcast %jit3A_1466 : i32 to vector<16xi32>
      %select_n3A_1469 = arith.select %and3A_1464, %broadcast_in_dim3A_1467, %broadcast_in_dim3A_1468 : vector<16xi1>, vector<16xi32>
      %sub3A_1470 = arith.subi %add3A_1454, %get3A_1450 : vector<16xi32>
      %swap3A_1471 = arith.constant 0 : index
      %swap3A_1472 = tpu.vector_load %arg7[%swap3A_1471] {strides = array<i32>} : memref<32xi32, #tpu.memory_space<vmem>>, vector<16xi32>,
      tpu.vector_store %arg7[%swap3A_1471], %sub3A_1470 {strides = array<i32>} : memref<32xi32, #tpu.memory_space<vmem>>, vector<16xi32>,
      %swap3A_1473 = arith.constant 16 : index
      %swap3A_1474 = tpu.vector_load %arg7[%swap3A_1473] {strides = array<i32>} : memref<32xi32, #tpu.memory_space<vmem>>, vector<16xi32>,
      tpu.vector_store %arg7[%swap3A_1473], %add3A_1454 {strides = array<i32>} : memref<32xi32, #tpu.memory_space<vmem>>, vector<16xi32>,
      %eq3A_1475 = arith.constant 1 : i32
      %eq3A_1476 = vector.broadcast %eq3A_1475 : i32 to vector<16xi32>
      %eq3A_1477 = arith.cmpi eq, %select_n3A_1469, %eq3A_1476 : vector<16xi32>
      %jit3A_1478 = arith.constant 0 : i32
      %broadcast_in_dim3A_1479 = vector.broadcast %jit3A_1478 : i32 to vector<16xi32>
      %select_n3A_1480 = arith.select %eq3A_1477, %all_reduce_ffs3A_1457, %broadcast_in_dim3A_1479 : vector<16xi1>, vector<16xi32>
      %gather3A_1481 = tpu.vector_load_idx %arg7[%select_n3A_1480] : memref<32xi32, #tpu.memory_space<vmem>>[vector<16xi32>], vector<16xi32>,
      %eq3A_1482 = arith.constant 1 : i32
      %eq3A_1483 = vector.broadcast %eq3A_1482 : i32 to vector<16xi32>
      %eq3A_1484 = arith.cmpi eq, %select_n3A_1469, %eq3A_1483 : vector<16xi32>
      %add3A_1485 = arith.constant 192 : i32
      %add3A_1486 = vector.broadcast %add3A_1485 : i32 to vector<16xi32>
      %add3A_1487 = arith.addi %add3A_1486, %all_reduce_ffs3A_1457 : vector<16xi32>
      %select_n3A_1488 = arith.select %eq3A_1484, %add3A_1487, %select_n3A_1439 : vector<16xi1>, vector<16xi32>
      %eq3A_1489 = arith.constant 1 : i32
      %eq3A_1490 = vector.broadcast %eq3A_1489 : i32 to vector<16xi32>
      %eq3A_1491 = arith.cmpi eq, %select_n3A_1469, %eq3A_1490 : vector<16xi32>
      %select_n3A_1492 = arith.select %eq3A_1491, %gather3A_1481, %select_n3A_1443 : vector<16xi1>, vector<16xi32>
      %or3A_1493 = arith.ori %or3A_1444, %select_n3A_1469 : vector<16xi32>
      %add3A_1494 = arith.constant 31 : i32
      %add3A_1495 = vector.broadcast %add3A_1494 : i32 to vector<16xi32>
      %add3A_1496 = arith.addi %add3A_1495, %broadcast_in_dim3A_5 : vector<16xi32>
      %gather3A_1497 = tpu.vector_load_idx %arg7[%add3A_1496] : memref<32xi32, #tpu.memory_space<vmem>>[vector<16xi32>], vector<16xi32>,
      %get3A_1498 = arith.constant 208 : index
      %get3A_1499 = tpu.vector_load %arg6[%get3A_1498] {strides = array<i32>} : memref<256xi32, #tpu.memory_space<vmem>>, vector<16xi32>,
      %broadcast_in_dim3A_1500 = arith.constant true
      %broadcast_in_dim3A_1501 = vector.broadcast %broadcast_in_dim3A_1500 : i1 to vector<16xi1>
      %masked_cumsum3A_1502 = tpu.scan <sum>, %get3A_1499 masked %broadcast_in_dim3A_1501 : vector<16xi32>, vector<16xi1> -> vector<16xi32>
      %add3A_1503 = arith.addi %masked_cumsum3A_1502, %gather3A_1497 : vector<16xi32>
      %ge3A_1504 = arith.cmpi sge, %add3A_1503, %sub3A_821 : vector<16xi32>
      %all_reduce_population_count3A_1505 = tpu.all_reduce %ge3A_1504 {dim = 0 : i64, kind = #tpu.reduction_kind<sum>} : vector<16xi1> -> vector<16xi32>
      %all_reduce_ffs3A_1506 = tpu.all_reduce %ge3A_1504 {dim = 0 : i64, kind = #tpu.reduction_kind<find_first_set>} : vector<16xi1> -> vector<16xi32>
      %gt3A_1507 = arith.constant 0 : i32
      %gt3A_1508 = vector.broadcast %gt3A_1507 : i32 to vector<16xi32>
      %gt3A_1509 = arith.cmpi sgt, %all_reduce_population_count3A_1505, %gt3A_1508 : vector<16xi32>
      %eq3A_1510 = arith.constant 0 : i32
      %eq3A_1511 = vector.broadcast %eq3A_1510 : i32 to vector<16xi32>
      %eq3A_1512 = arith.cmpi eq, %or3A_1493, %eq3A_1511 : vector<16xi32>
      %and3A_1513 = arith.andi %gt3A_1509, %eq3A_1512 : vector<16xi1>
      %jit3A_1514 = arith.constant 1 : i32
      %jit3A_1515 = arith.constant 0 : i32
      %broadcast_in_dim3A_1516 = vector.broadcast %jit3A_1514 : i32 to vector<16xi32>
      %broadcast_in_dim3A_1517 = vector.broadcast %jit3A_1515 : i32 to vector<16xi32>
      %select_n3A_1518 = arith.select %and3A_1513, %broadcast_in_dim3A_1516, %broadcast_in_dim3A_1517 : vector<16xi1>, vector<16xi32>
      %sub3A_1519 = arith.subi %add3A_1503, %get3A_1499 : vector<16xi32>
      %swap3A_1520 = arith.constant 0 : index
      %swap3A_1521 = tpu.vector_load %arg7[%swap3A_1520] {strides = array<i32>} : memref<32xi32, #tpu.memory_space<vmem>>, vector<16xi32>,
      tpu.vector_store %arg7[%swap3A_1520], %sub3A_1519 {strides = array<i32>} : memref<32xi32, #tpu.memory_space<vmem>>, vector<16xi32>,
      %swap3A_1522 = arith.constant 16 : index
      %swap3A_1523 = tpu.vector_load %arg7[%swap3A_1522] {strides = array<i32>} : memref<32xi32, #tpu.memory_space<vmem>>, vector<16xi32>,
      tpu.vector_store %arg7[%swap3A_1522], %add3A_1503 {strides = array<i32>} : memref<32xi32, #tpu.memory_space<vmem>>, vector<16xi32>,
      %eq3A_1524 = arith.constant 1 : i32
      %eq3A_1525 = vector.broadcast %eq3A_1524 : i32 to vector<16xi32>
      %eq3A_1526 = arith.cmpi eq, %select_n3A_1518, %eq3A_1525 : vector<16xi32>
      %jit3A_1527 = arith.constant 0 : i32
      %broadcast_in_dim3A_1528 = vector.broadcast %jit3A_1527 : i32 to vector<16xi32>
      %select_n3A_1529 = arith.select %eq3A_1526, %all_reduce_ffs3A_1506, %broadcast_in_dim3A_1528 : vector<16xi1>, vector<16xi32>
      %gather3A_1530 = tpu.vector_load_idx %arg7[%select_n3A_1529] : memref<32xi32, #tpu.memory_space<vmem>>[vector<16xi32>], vector<16xi32>,
      %eq3A_1531 = arith.constant 1 : i32
      %eq3A_1532 = vector.broadcast %eq3A_1531 : i32 to vector<16xi32>
      %eq3A_1533 = arith.cmpi eq, %select_n3A_1518, %eq3A_1532 : vector<16xi32>
      %add3A_1534 = arith.constant 208 : i32
      %add3A_1535 = vector.broadcast %add3A_1534 : i32 to vector<16xi32>
      %add3A_1536 = arith.addi %add3A_1535, %all_reduce_ffs3A_1506 : vector<16xi32>
      %select_n3A_1537 = arith.select %eq3A_1533, %add3A_1536, %select_n3A_1488 : vector<16xi1>, vector<16xi32>
      %eq3A_1538 = arith.constant 1 : i32
      %eq3A_1539 = vector.broadcast %eq3A_1538 : i32 to vector<16xi32>
      %eq3A_1540 = arith.cmpi eq, %select_n3A_1518, %eq3A_1539 : vector<16xi32>
      %select_n3A_1541 = arith.select %eq3A_1540, %gather3A_1530, %select_n3A_1492 : vector<16xi1>, vector<16xi32>
      %or3A_1542 = arith.ori %or3A_1493, %select_n3A_1518 : vector<16xi32>
      %add3A_1543 = arith.constant 31 : i32
      %add3A_1544 = vector.broadcast %add3A_1543 : i32 to vector<16xi32>
      %add3A_1545 = arith.addi %add3A_1544, %broadcast_in_dim3A_5 : vector<16xi32>
      %gather3A_1546 = tpu.vector_load_idx %arg7[%add3A_1545] : memref<32xi32, #tpu.memory_space<vmem>>[vector<16xi32>], vector<16xi32>,
      %get3A_1547 = arith.constant 224 : index
      %get3A_1548 = tpu.vector_load %arg6[%get3A_1547] {strides = array<i32>} : memref<256xi32, #tpu.memory_space<vmem>>, vector<16xi32>,
      %broadcast_in_dim3A_1549 = arith.constant true
      %broadcast_in_dim3A_1550 = vector.broadcast %broadcast_in_dim3A_1549 : i1 to vector<16xi1>
      %masked_cumsum3A_1551 = tpu.scan <sum>, %get3A_1548 masked %broadcast_in_dim3A_1550 : vector<16xi32>, vector<16xi1> -> vector<16xi32>
      %add3A_1552 = arith.addi %masked_cumsum3A_1551, %gather3A_1546 : vector<16xi32>
      %ge3A_1553 = arith.cmpi sge, %add3A_1552, %sub3A_821 : vector<16xi32>
      %all_reduce_population_count3A_1554 = tpu.all_reduce %ge3A_1553 {dim = 0 : i64, kind = #tpu.reduction_kind<sum>} : vector<16xi1> -> vector<16xi32>
      %all_reduce_ffs3A_1555 = tpu.all_reduce %ge3A_1553 {dim = 0 : i64, kind = #tpu.reduction_kind<find_first_set>} : vector<16xi1> -> vector<16xi32>
      %gt3A_1556 = arith.constant 0 : i32
      %gt3A_1557 = vector.broadcast %gt3A_1556 : i32 to vector<16xi32>
      %gt3A_1558 = arith.cmpi sgt, %all_reduce_population_count3A_1554, %gt3A_1557 : vector<16xi32>
      %eq3A_1559 = arith.constant 0 : i32
      %eq3A_1560 = vector.broadcast %eq3A_1559 : i32 to vector<16xi32>
      %eq3A_1561 = arith.cmpi eq, %or3A_1542, %eq3A_1560 : vector<16xi32>
      %and3A_1562 = arith.andi %gt3A_1558, %eq3A_1561 : vector<16xi1>
      %jit3A_1563 = arith.constant 1 : i32
      %jit3A_1564 = arith.constant 0 : i32
      %broadcast_in_dim3A_1565 = vector.broadcast %jit3A_1563 : i32 to vector<16xi32>
      %broadcast_in_dim3A_1566 = vector.broadcast %jit3A_1564 : i32 to vector<16xi32>
      %select_n3A_1567 = arith.select %and3A_1562, %broadcast_in_dim3A_1565, %broadcast_in_dim3A_1566 : vector<16xi1>, vector<16xi32>
      %sub3A_1568 = arith.subi %add3A_1552, %get3A_1548 : vector<16xi32>
      %swap3A_1569 = arith.constant 0 : index
      %swap3A_1570 = tpu.vector_load %arg7[%swap3A_1569] {strides = array<i32>} : memref<32xi32, #tpu.memory_space<vmem>>, vector<16xi32>,
      tpu.vector_store %arg7[%swap3A_1569], %sub3A_1568 {strides = array<i32>} : memref<32xi32, #tpu.memory_space<vmem>>, vector<16xi32>,
      %swap3A_1571 = arith.constant 16 : index
      %swap3A_1572 = tpu.vector_load %arg7[%swap3A_1571] {strides = array<i32>} : memref<32xi32, #tpu.memory_space<vmem>>, vector<16xi32>,
      tpu.vector_store %arg7[%swap3A_1571], %add3A_1552 {strides = array<i32>} : memref<32xi32, #tpu.memory_space<vmem>>, vector<16xi32>,
      %eq3A_1573 = arith.constant 1 : i32
      %eq3A_1574 = vector.broadcast %eq3A_1573 : i32 to vector<16xi32>
      %eq3A_1575 = arith.cmpi eq, %select_n3A_1567, %eq3A_1574 : vector<16xi32>
      %jit3A_1576 = arith.constant 0 : i32
      %broadcast_in_dim3A_1577 = vector.broadcast %jit3A_1576 : i32 to vector<16xi32>
      %select_n3A_1578 = arith.select %eq3A_1575, %all_reduce_ffs3A_1555, %broadcast_in_dim3A_1577 : vector<16xi1>, vector<16xi32>
      %gather3A_1579 = tpu.vector_load_idx %arg7[%select_n3A_1578] : memref<32xi32, #tpu.memory_space<vmem>>[vector<16xi32>], vector<16xi32>,
      %eq3A_1580 = arith.constant 1 : i32
      %eq3A_1581 = vector.broadcast %eq3A_1580 : i32 to vector<16xi32>
      %eq3A_1582 = arith.cmpi eq, %select_n3A_1567, %eq3A_1581 : vector<16xi32>
      %add3A_1583 = arith.constant 224 : i32
      %add3A_1584 = vector.broadcast %add3A_1583 : i32 to vector<16xi32>
      %add3A_1585 = arith.addi %add3A_1584, %all_reduce_ffs3A_1555 : vector<16xi32>
      %select_n3A_1586 = arith.select %eq3A_1582, %add3A_1585, %select_n3A_1537 : vector<16xi1>, vector<16xi32>
      %eq3A_1587 = arith.constant 1 : i32
      %eq3A_1588 = vector.broadcast %eq3A_1587 : i32 to vector<16xi32>
      %eq3A_1589 = arith.cmpi eq, %select_n3A_1567, %eq3A_1588 : vector<16xi32>
      %select_n3A_1590 = arith.select %eq3A_1589, %gather3A_1579, %select_n3A_1541 : vector<16xi1>, vector<16xi32>
      %or3A_1591 = arith.ori %or3A_1542, %select_n3A_1567 : vector<16xi32>
      %add3A_1592 = arith.constant 31 : i32
      %add3A_1593 = vector.broadcast %add3A_1592 : i32 to vector<16xi32>
      %add3A_1594 = arith.addi %add3A_1593, %broadcast_in_dim3A_5 : vector<16xi32>
      %gather3A_1595 = tpu.vector_load_idx %arg7[%add3A_1594] : memref<32xi32, #tpu.memory_space<vmem>>[vector<16xi32>], vector<16xi32>,
      %get3A_1596 = arith.constant 240 : index
      %get3A_1597 = tpu.vector_load %arg6[%get3A_1596] {strides = array<i32>} : memref<256xi32, #tpu.memory_space<vmem>>, vector<16xi32>,
      %broadcast_in_dim3A_1598 = arith.constant true
      %broadcast_in_dim3A_1599 = vector.broadcast %broadcast_in_dim3A_1598 : i1 to vector<16xi1>
      %masked_cumsum3A_1600 = tpu.scan <sum>, %get3A_1597 masked %broadcast_in_dim3A_1599 : vector<16xi32>, vector<16xi1> -> vector<16xi32>
      %add3A_1601 = arith.addi %masked_cumsum3A_1600, %gather3A_1595 : vector<16xi32>
      %ge3A_1602 = arith.cmpi sge, %add3A_1601, %sub3A_821 : vector<16xi32>
      %all_reduce_population_count3A_1603 = tpu.all_reduce %ge3A_1602 {dim = 0 : i64, kind = #tpu.reduction_kind<sum>} : vector<16xi1> -> vector<16xi32>
      %all_reduce_ffs3A_1604 = tpu.all_reduce %ge3A_1602 {dim = 0 : i64, kind = #tpu.reduction_kind<find_first_set>} : vector<16xi1> -> vector<16xi32>
      %gt3A_1605 = arith.constant 0 : i32
      %gt3A_1606 = vector.broadcast %gt3A_1605 : i32 to vector<16xi32>
      %gt3A_1607 = arith.cmpi sgt, %all_reduce_population_count3A_1603, %gt3A_1606 : vector<16xi32>
      %eq3A_1608 = arith.constant 0 : i32
      %eq3A_1609 = vector.broadcast %eq3A_1608 : i32 to vector<16xi32>
      %eq3A_1610 = arith.cmpi eq, %or3A_1591, %eq3A_1609 : vector<16xi32>
      %and3A_1611 = arith.andi %gt3A_1607, %eq3A_1610 : vector<16xi1>
      %jit3A_1612 = arith.constant 1 : i32
      %jit3A_1613 = arith.constant 0 : i32
      %broadcast_in_dim3A_1614 = vector.broadcast %jit3A_1612 : i32 to vector<16xi32>
      %broadcast_in_dim3A_1615 = vector.broadcast %jit3A_1613 : i32 to vector<16xi32>
      %select_n3A_1616 = arith.select %and3A_1611, %broadcast_in_dim3A_1614, %broadcast_in_dim3A_1615 : vector<16xi1>, vector<16xi32>
      %sub3A_1617 = arith.subi %add3A_1601, %get3A_1597 : vector<16xi32>
      %swap3A_1618 = arith.constant 0 : index
      %swap3A_1619 = tpu.vector_load %arg7[%swap3A_1618] {strides = array<i32>} : memref<32xi32, #tpu.memory_space<vmem>>, vector<16xi32>,
      tpu.vector_store %arg7[%swap3A_1618], %sub3A_1617 {strides = array<i32>} : memref<32xi32, #tpu.memory_space<vmem>>, vector<16xi32>,
      %swap3A_1620 = arith.constant 16 : index
      %swap3A_1621 = tpu.vector_load %arg7[%swap3A_1620] {strides = array<i32>} : memref<32xi32, #tpu.memory_space<vmem>>, vector<16xi32>,
      tpu.vector_store %arg7[%swap3A_1620], %add3A_1601 {strides = array<i32>} : memref<32xi32, #tpu.memory_space<vmem>>, vector<16xi32>,
      %eq3A_1622 = arith.constant 1 : i32
      %eq3A_1623 = vector.broadcast %eq3A_1622 : i32 to vector<16xi32>
      %eq3A_1624 = arith.cmpi eq, %select_n3A_1616, %eq3A_1623 : vector<16xi32>
      %jit3A_1625 = arith.constant 0 : i32
      %broadcast_in_dim3A_1626 = vector.broadcast %jit3A_1625 : i32 to vector<16xi32>
      %select_n3A_1627 = arith.select %eq3A_1624, %all_reduce_ffs3A_1604, %broadcast_in_dim3A_1626 : vector<16xi1>, vector<16xi32>
      %gather3A_1628 = tpu.vector_load_idx %arg7[%select_n3A_1627] : memref<32xi32, #tpu.memory_space<vmem>>[vector<16xi32>], vector<16xi32>,
      %eq3A_1629 = arith.constant 1 : i32
      %eq3A_1630 = vector.broadcast %eq3A_1629 : i32 to vector<16xi32>
      %eq3A_1631 = arith.cmpi eq, %select_n3A_1616, %eq3A_1630 : vector<16xi32>
      %add3A_1632 = arith.constant 240 : i32
      %add3A_1633 = vector.broadcast %add3A_1632 : i32 to vector<16xi32>
      %add3A_1634 = arith.addi %add3A_1633, %all_reduce_ffs3A_1604 : vector<16xi32>
      %select_n3A_1635 = arith.select %eq3A_1631, %add3A_1634, %select_n3A_1586 : vector<16xi1>, vector<16xi32>
      %eq3A_1636 = arith.constant 1 : i32
      %eq3A_1637 = vector.broadcast %eq3A_1636 : i32 to vector<16xi32>
      %eq3A_1638 = arith.cmpi eq, %select_n3A_1616, %eq3A_1637 : vector<16xi32>
      %select_n3A_1639 = arith.select %eq3A_1638, %gather3A_1628, %select_n3A_1590 : vector<16xi1>, vector<16xi32>
      %or3A_1640 = arith.ori %or3A_1591, %select_n3A_1616 : vector<16xi32>
      %add3A_1641 = arith.constant 31 : i32
      %add3A_1642 = vector.broadcast %add3A_1641 : i32 to vector<16xi32>
      %add3A_1643 = arith.addi %add3A_1642, %broadcast_in_dim3A_5 : vector<16xi32>
      %gather3A_1644 = tpu.vector_load_idx %arg7[%add3A_1643] : memref<32xi32, #tpu.memory_space<vmem>>[vector<16xi32>], vector<16xi32>,
      %shift_left3A_1645 = arith.constant 8 : i32
      %shift_left3A_1646 = vector.broadcast %shift_left3A_1645 : i32 to vector<16xi32>
      %shift_left3A_1647 = arith.shli %or3A_820, %shift_left3A_1646 : vector<16xi32>
      %or3A_1648 = arith.ori %shift_left3A_1647, %select_n3A_1635 : vector<16xi32>
      %sub3A_1649 = arith.subi %sub3A_821, %select_n3A_1639 : vector<16xi32>
      %swap3A_1650 = arith.constant 0 : index
      %swap3A_1651 = tpu.vector_load %arg6[%swap3A_1650] {strides = array<i32>} : memref<256xi32, #tpu.memory_space<vmem>>, vector<16xi32>,
      tpu.vector_store %arg6[%swap3A_1650], %broadcast_in_dim3A_5 {strides = array<i32>} : memref<256xi32, #tpu.memory_space<vmem>>, vector<16xi32>,
      %swap3A_1652 = arith.constant 16 : index
      %swap3A_1653 = tpu.vector_load %arg6[%swap3A_1652] {strides = array<i32>} : memref<256xi32, #tpu.memory_space<vmem>>, vector<16xi32>,
      tpu.vector_store %arg6[%swap3A_1652], %broadcast_in_dim3A_5 {strides = array<i32>} : memref<256xi32, #tpu.memory_space<vmem>>, vector<16xi32>,
      %swap3A_1654 = arith.constant 32 : index
      %swap3A_1655 = tpu.vector_load %arg6[%swap3A_1654] {strides = array<i32>} : memref<256xi32, #tpu.memory_space<vmem>>, vector<16xi32>,
      tpu.vector_store %arg6[%swap3A_1654], %broadcast_in_dim3A_5 {strides = array<i32>} : memref<256xi32, #tpu.memory_space<vmem>>, vector<16xi32>,
      %swap3A_1656 = arith.constant 48 : index
      %swap3A_1657 = tpu.vector_load %arg6[%swap3A_1656] {strides = array<i32>} : memref<256xi32, #tpu.memory_space<vmem>>, vector<16xi32>,
      tpu.vector_store %arg6[%swap3A_1656], %broadcast_in_dim3A_5 {strides = array<i32>} : memref<256xi32, #tpu.memory_space<vmem>>, vector<16xi32>,
      %swap3A_1658 = arith.constant 64 : index
      %swap3A_1659 = tpu.vector_load %arg6[%swap3A_1658] {strides = array<i32>} : memref<256xi32, #tpu.memory_space<vmem>>, vector<16xi32>,
      tpu.vector_store %arg6[%swap3A_1658], %broadcast_in_dim3A_5 {strides = array<i32>} : memref<256xi32, #tpu.memory_space<vmem>>, vector<16xi32>,
      %swap3A_1660 = arith.constant 80 : index
      %swap3A_1661 = tpu.vector_load %arg6[%swap3A_1660] {strides = array<i32>} : memref<256xi32, #tpu.memory_space<vmem>>, vector<16xi32>,
      tpu.vector_store %arg6[%swap3A_1660], %broadcast_in_dim3A_5 {strides = array<i32>} : memref<256xi32, #tpu.memory_space<vmem>>, vector<16xi32>,
      %swap3A_1662 = arith.constant 96 : index
      %swap3A_1663 = tpu.vector_load %arg6[%swap3A_1662] {strides = array<i32>} : memref<256xi32, #tpu.memory_space<vmem>>, vector<16xi32>,
      tpu.vector_store %arg6[%swap3A_1662], %broadcast_in_dim3A_5 {strides = array<i32>} : memref<256xi32, #tpu.memory_space<vmem>>, vector<16xi32>,
      %swap3A_1664 = arith.constant 112 : index
      %swap3A_1665 = tpu.vector_load %arg6[%swap3A_1664] {strides = array<i32>} : memref<256xi32, #tpu.memory_space<vmem>>, vector<16xi32>,
      tpu.vector_store %arg6[%swap3A_1664], %broadcast_in_dim3A_5 {strides = array<i32>} : memref<256xi32, #tpu.memory_space<vmem>>, vector<16xi32>,
      %swap3A_1666 = arith.constant 128 : index
      %swap3A_1667 = tpu.vector_load %arg6[%swap3A_1666] {strides = array<i32>} : memref<256xi32, #tpu.memory_space<vmem>>, vector<16xi32>,
      tpu.vector_store %arg6[%swap3A_1666], %broadcast_in_dim3A_5 {strides = array<i32>} : memref<256xi32, #tpu.memory_space<vmem>>, vector<16xi32>,
      %swap3A_1668 = arith.constant 144 : index
      %swap3A_1669 = tpu.vector_load %arg6[%swap3A_1668] {strides = array<i32>} : memref<256xi32, #tpu.memory_space<vmem>>, vector<16xi32>,
      tpu.vector_store %arg6[%swap3A_1668], %broadcast_in_dim3A_5 {strides = array<i32>} : memref<256xi32, #tpu.memory_space<vmem>>, vector<16xi32>,
      %swap3A_1670 = arith.constant 160 : index
      %swap3A_1671 = tpu.vector_load %arg6[%swap3A_1670] {strides = array<i32>} : memref<256xi32, #tpu.memory_space<vmem>>, vector<16xi32>,
      tpu.vector_store %arg6[%swap3A_1670], %broadcast_in_dim3A_5 {strides = array<i32>} : memref<256xi32, #tpu.memory_space<vmem>>, vector<16xi32>,
      %swap3A_1672 = arith.constant 176 : index
      %swap3A_1673 = tpu.vector_load %arg6[%swap3A_1672] {strides = array<i32>} : memref<256xi32, #tpu.memory_space<vmem>>, vector<16xi32>,
      tpu.vector_store %arg6[%swap3A_1672], %broadcast_in_dim3A_5 {strides = array<i32>} : memref<256xi32, #tpu.memory_space<vmem>>, vector<16xi32>,
      %swap3A_1674 = arith.constant 192 : index
      %swap3A_1675 = tpu.vector_load %arg6[%swap3A_1674] {strides = array<i32>} : memref<256xi32, #tpu.memory_space<vmem>>, vector<16xi32>,
      tpu.vector_store %arg6[%swap3A_1674], %broadcast_in_dim3A_5 {strides = array<i32>} : memref<256xi32, #tpu.memory_space<vmem>>, vector<16xi32>,
      %swap3A_1676 = arith.constant 208 : index
      %swap3A_1677 = tpu.vector_load %arg6[%swap3A_1676] {strides = array<i32>} : memref<256xi32, #tpu.memory_space<vmem>>, vector<16xi32>,
      tpu.vector_store %arg6[%swap3A_1676], %broadcast_in_dim3A_5 {strides = array<i32>} : memref<256xi32, #tpu.memory_space<vmem>>, vector<16xi32>,
      %swap3A_1678 = arith.constant 224 : index
      %swap3A_1679 = tpu.vector_load %arg6[%swap3A_1678] {strides = array<i32>} : memref<256xi32, #tpu.memory_space<vmem>>, vector<16xi32>,
      tpu.vector_store %arg6[%swap3A_1678], %broadcast_in_dim3A_5 {strides = array<i32>} : memref<256xi32, #tpu.memory_space<vmem>>, vector<16xi32>,
      %swap3A_1680 = arith.constant 240 : index
      %swap3A_1681 = tpu.vector_load %arg6[%swap3A_1680] {strides = array<i32>} : memref<256xi32, #tpu.memory_space<vmem>>, vector<16xi32>,
      tpu.vector_store %arg6[%swap3A_1680], %broadcast_in_dim3A_5 {strides = array<i32>} : memref<256xi32, #tpu.memory_space<vmem>>, vector<16xi32>,
      %scan3A_1682 = arith.constant 0 : i32
      %scan3A_1683 = arith.constant 0 : i32
      %scan3A_1684 = arith.constant 64 : i32
      %scan3A_1685 = arith.addi %scan3A_1683, %scan3A_1684 : i32
      %scan3A_1686 = arith.constant 1 : i32
      %scan3A_1687 = scf.for %scan3A_2911 = %scan3A_1683 to %scan3A_1685 step %scan3A_1686 iter_args(%scan3A_2912 = %scan3A_1682) -> (i32)  : i32 {
        %mul3A_2913 = arith.constant 4 : i32
        %mul3A_2914 = arith.muli %scan3A_2911, %mul3A_2913 : i32
        %add3A_2915 = arith.constant 0 : i32
        %add3A_2916 = arith.addi %mul3A_2914, %add3A_2915 : i32
        %mul3A_2917 = arith.constant 16 : i32
        %mul3A_2918 = arith.muli %add3A_2916, %mul3A_2917 : i32
        %get3A_2919 = arith.index_cast %mul3A_2918 : i32 to index
        %get3A_2920 = tpu.vector_load %arg4[%get3A_2919] {strides = array<i32>} : memref<4096xf32, #tpu.memory_space<vmem>>, vector<16xf32>,
        %bitcast3A = vector.bitcast %get3A_2920 : vector<16xf32> to vector<16xi32>
        %mul3A_2921 = arith.constant 16 : i32
        %mul3A_2922 = arith.muli %add3A_2916, %mul3A_2921 : i32
        %add3A_2923 = vector.broadcast %mul3A_2922 : i32 to vector<16xi32>
        %add3A_2924 = arith.addi %iota3A, %add3A_2923 : vector<16xi32>
        %ge3A_2925 = arith.constant 4086 : i32
        %ge3A_2926 = vector.broadcast %ge3A_2925 : i32 to vector<16xi32>
        %ge3A_2927 = arith.cmpi sge, %add3A_2924, %ge3A_2926 : vector<16xi32>
        %select_n3A_2928 = arith.select %ge3A_2927, %broadcast_in_dim3A_7, %bitcast3A : vector<16xi1>, vector<16xi32>
        %add3A_2929 = arith.constant 1 : i32
        %add3A_2930 = vector.broadcast %add3A_2929 : i32 to vector<16xi32>
        %add3A_2931 = arith.addi %select_n3A_2928, %add3A_2930 : vector<16xi32>
        %shift_right_arithmetic3A = arith.constant 15 : i32
        %shift_right_arithmetic3A_2932 = vector.broadcast %shift_right_arithmetic3A : i32 to vector<16xi32>
        %shift_right_arithmetic3A_2933 = arith.shrsi %add3A_2931, %shift_right_arithmetic3A_2932 : vector<16xi32>
        %eq3A_2934 = arith.cmpi eq, %shift_right_arithmetic3A_2933, %or3A_1648 : vector<16xi32>
        %shift_right_arithmetic3A_2935 = arith.constant 7 : i32
        %shift_right_arithmetic3A_2936 = vector.broadcast %shift_right_arithmetic3A_2935 : i32 to vector<16xi32>
        %shift_right_arithmetic3A_2937 = arith.shrsi %add3A_2931, %shift_right_arithmetic3A_2936 : vector<16xi32>
        %and3A_2938 = arith.constant 255 : i32
        %and3A_2939 = vector.broadcast %and3A_2938 : i32 to vector<16xi32>
        %and3A_2940 = arith.andi %shift_right_arithmetic3A_2937, %and3A_2939 : vector<16xi32>
        tpu.vector_store_idx %arg6[%and3A_2940], %broadcast_in_dim3A_3 masked %eq3A_2934 {add = true} : memref<256xi32, #tpu.memory_space<vmem>>[vector<16xi32>], vector<16xi32>, vector<16xi1>
        %mul3A_2941 = arith.constant 4 : i32
        %mul3A_2942 = arith.muli %scan3A_2911, %mul3A_2941 : i32
        %add3A_2943 = arith.constant 1 : i32
        %add3A_2944 = arith.addi %mul3A_2942, %add3A_2943 : i32
        %mul3A_2945 = arith.constant 16 : i32
        %mul3A_2946 = arith.muli %add3A_2944, %mul3A_2945 : i32
        %get3A_2947 = arith.index_cast %mul3A_2946 : i32 to index
        %get3A_2948 = tpu.vector_load %arg4[%get3A_2947] {strides = array<i32>} : memref<4096xf32, #tpu.memory_space<vmem>>, vector<16xf32>,
        %bitcast3A_2949 = vector.bitcast %get3A_2948 : vector<16xf32> to vector<16xi32>
        %mul3A_2950 = arith.constant 16 : i32
        %mul3A_2951 = arith.muli %add3A_2944, %mul3A_2950 : i32
        %add3A_2952 = vector.broadcast %mul3A_2951 : i32 to vector<16xi32>
        %add3A_2953 = arith.addi %iota3A, %add3A_2952 : vector<16xi32>
        %ge3A_2954 = arith.constant 4086 : i32
        %ge3A_2955 = vector.broadcast %ge3A_2954 : i32 to vector<16xi32>
        %ge3A_2956 = arith.cmpi sge, %add3A_2953, %ge3A_2955 : vector<16xi32>
        %select_n3A_2957 = arith.select %ge3A_2956, %broadcast_in_dim3A_7, %bitcast3A_2949 : vector<16xi1>, vector<16xi32>
        %add3A_2958 = arith.constant 1 : i32
        %add3A_2959 = vector.broadcast %add3A_2958 : i32 to vector<16xi32>
        %add3A_2960 = arith.addi %select_n3A_2957, %add3A_2959 : vector<16xi32>
        %shift_right_arithmetic3A_2961 = arith.constant 15 : i32
        %shift_right_arithmetic3A_2962 = vector.broadcast %shift_right_arithmetic3A_2961 : i32 to vector<16xi32>
        %shift_right_arithmetic3A_2963 = arith.shrsi %add3A_2960, %shift_right_arithmetic3A_2962 : vector<16xi32>
        %eq3A_2964 = arith.cmpi eq, %shift_right_arithmetic3A_2963, %or3A_1648 : vector<16xi32>
        %shift_right_arithmetic3A_2965 = arith.constant 7 : i32
        %shift_right_arithmetic3A_2966 = vector.broadcast %shift_right_arithmetic3A_2965 : i32 to vector<16xi32>
        %shift_right_arithmetic3A_2967 = arith.shrsi %add3A_2960, %shift_right_arithmetic3A_2966 : vector<16xi32>
        %and3A_2968 = arith.constant 255 : i32
        %and3A_2969 = vector.broadcast %and3A_2968 : i32 to vector<16xi32>
        %and3A_2970 = arith.andi %shift_right_arithmetic3A_2967, %and3A_2969 : vector<16xi32>
        tpu.vector_store_idx %arg6[%and3A_2970], %broadcast_in_dim3A_3 masked %eq3A_2964 {add = true} : memref<256xi32, #tpu.memory_space<vmem>>[vector<16xi32>], vector<16xi32>, vector<16xi1>
        %mul3A_2971 = arith.constant 4 : i32
        %mul3A_2972 = arith.muli %scan3A_2911, %mul3A_2971 : i32
        %add3A_2973 = arith.constant 2 : i32
        %add3A_2974 = arith.addi %mul3A_2972, %add3A_2973 : i32
        %mul3A_2975 = arith.constant 16 : i32
        %mul3A_2976 = arith.muli %add3A_2974, %mul3A_2975 : i32
        %get3A_2977 = arith.index_cast %mul3A_2976 : i32 to index
        %get3A_2978 = tpu.vector_load %arg4[%get3A_2977] {strides = array<i32>} : memref<4096xf32, #tpu.memory_space<vmem>>, vector<16xf32>,
        %bitcast3A_2979 = vector.bitcast %get3A_2978 : vector<16xf32> to vector<16xi32>
        %mul3A_2980 = arith.constant 16 : i32
        %mul3A_2981 = arith.muli %add3A_2974, %mul3A_2980 : i32
        %add3A_2982 = vector.broadcast %mul3A_2981 : i32 to vector<16xi32>
        %add3A_2983 = arith.addi %iota3A, %add3A_2982 : vector<16xi32>
        %ge3A_2984 = arith.constant 4086 : i32
        %ge3A_2985 = vector.broadcast %ge3A_2984 : i32 to vector<16xi32>
        %ge3A_2986 = arith.cmpi sge, %add3A_2983, %ge3A_2985 : vector<16xi32>
        %select_n3A_2987 = arith.select %ge3A_2986, %broadcast_in_dim3A_7, %bitcast3A_2979 : vector<16xi1>, vector<16xi32>
        %add3A_2988 = arith.constant 1 : i32
        %add3A_2989 = vector.broadcast %add3A_2988 : i32 to vector<16xi32>
        %add3A_2990 = arith.addi %select_n3A_2987, %add3A_2989 : vector<16xi32>
        %shift_right_arithmetic3A_2991 = arith.constant 15 : i32
        %shift_right_arithmetic3A_2992 = vector.broadcast %shift_right_arithmetic3A_2991 : i32 to vector<16xi32>
        %shift_right_arithmetic3A_2993 = arith.shrsi %add3A_2990, %shift_right_arithmetic3A_2992 : vector<16xi32>
        %eq3A_2994 = arith.cmpi eq, %shift_right_arithmetic3A_2993, %or3A_1648 : vector<16xi32>
        %shift_right_arithmetic3A_2995 = arith.constant 7 : i32
        %shift_right_arithmetic3A_2996 = vector.broadcast %shift_right_arithmetic3A_2995 : i32 to vector<16xi32>
        %shift_right_arithmetic3A_2997 = arith.shrsi %add3A_2990, %shift_right_arithmetic3A_2996 : vector<16xi32>
        %and3A_2998 = arith.constant 255 : i32
        %and3A_2999 = vector.broadcast %and3A_2998 : i32 to vector<16xi32>
        %and3A_3000 = arith.andi %shift_right_arithmetic3A_2997, %and3A_2999 : vector<16xi32>
        tpu.vector_store_idx %arg6[%and3A_3000], %broadcast_in_dim3A_3 masked %eq3A_2994 {add = true} : memref<256xi32, #tpu.memory_space<vmem>>[vector<16xi32>], vector<16xi32>, vector<16xi1>
        %mul3A_3001 = arith.constant 4 : i32
        %mul3A_3002 = arith.muli %scan3A_2911, %mul3A_3001 : i32
        %add3A_3003 = arith.constant 3 : i32
        %add3A_3004 = arith.addi %mul3A_3002, %add3A_3003 : i32
        %mul3A_3005 = arith.constant 16 : i32
        %mul3A_3006 = arith.muli %add3A_3004, %mul3A_3005 : i32
        %get3A_3007 = arith.index_cast %mul3A_3006 : i32 to index
        %get3A_3008 = tpu.vector_load %arg4[%get3A_3007] {strides = array<i32>} : memref<4096xf32, #tpu.memory_space<vmem>>, vector<16xf32>,
        %bitcast3A_3009 = vector.bitcast %get3A_3008 : vector<16xf32> to vector<16xi32>
        %mul3A_3010 = arith.constant 16 : i32
        %mul3A_3011 = arith.muli %add3A_3004, %mul3A_3010 : i32
        %add3A_3012 = vector.broadcast %mul3A_3011 : i32 to vector<16xi32>
        %add3A_3013 = arith.addi %iota3A, %add3A_3012 : vector<16xi32>
        %ge3A_3014 = arith.constant 4086 : i32
        %ge3A_3015 = vector.broadcast %ge3A_3014 : i32 to vector<16xi32>
        %ge3A_3016 = arith.cmpi sge, %add3A_3013, %ge3A_3015 : vector<16xi32>
        %select_n3A_3017 = arith.select %ge3A_3016, %broadcast_in_dim3A_7, %bitcast3A_3009 : vector<16xi1>, vector<16xi32>
        %add3A_3018 = arith.constant 1 : i32
        %add3A_3019 = vector.broadcast %add3A_3018 : i32 to vector<16xi32>
        %add3A_3020 = arith.addi %select_n3A_3017, %add3A_3019 : vector<16xi32>
        %shift_right_arithmetic3A_3021 = arith.constant 15 : i32
        %shift_right_arithmetic3A_3022 = vector.broadcast %shift_right_arithmetic3A_3021 : i32 to vector<16xi32>
        %shift_right_arithmetic3A_3023 = arith.shrsi %add3A_3020, %shift_right_arithmetic3A_3022 : vector<16xi32>
        %eq3A_3024 = arith.cmpi eq, %shift_right_arithmetic3A_3023, %or3A_1648 : vector<16xi32>
        %shift_right_arithmetic3A_3025 = arith.constant 7 : i32
        %shift_right_arithmetic3A_3026 = vector.broadcast %shift_right_arithmetic3A_3025 : i32 to vector<16xi32>
        %shift_right_arithmetic3A_3027 = arith.shrsi %add3A_3020, %shift_right_arithmetic3A_3026 : vector<16xi32>
        %and3A_3028 = arith.constant 255 : i32
        %and3A_3029 = vector.broadcast %and3A_3028 : i32 to vector<16xi32>
        %and3A_3030 = arith.andi %shift_right_arithmetic3A_3027, %and3A_3029 : vector<16xi32>
        tpu.vector_store_idx %arg6[%and3A_3030], %broadcast_in_dim3A_3 masked %eq3A_3024 {add = true} : memref<256xi32, #tpu.memory_space<vmem>>[vector<16xi32>], vector<16xi32>, vector<16xi1>
        %scan3A_3031 = arith.constant 0 : i32
        scf.yield %scan3A_3031 : i32
      }
      %scan3A_1688 = arith.constant 64 : i32
      %get3A_1689 = arith.constant 0 : index
      %get3A_1690 = tpu.vector_load %arg6[%get3A_1689] {strides = array<i32>} : memref<256xi32, #tpu.memory_space<vmem>>, vector<16xi32>,
      %broadcast_in_dim3A_1691 = arith.constant true
      %broadcast_in_dim3A_1692 = vector.broadcast %broadcast_in_dim3A_1691 : i1 to vector<16xi1>
      %masked_cumsum3A_1693 = tpu.scan <sum>, %get3A_1690 masked %broadcast_in_dim3A_1692 : vector<16xi32>, vector<16xi1> -> vector<16xi32>
      %add3A_1694 = arith.addi %masked_cumsum3A_1693, %broadcast_in_dim3A_5 : vector<16xi32>
      %ge3A_1695 = arith.cmpi sge, %add3A_1694, %sub3A_1649 : vector<16xi32>
      %all_reduce_population_count3A_1696 = tpu.all_reduce %ge3A_1695 {dim = 0 : i64, kind = #tpu.reduction_kind<sum>} : vector<16xi1> -> vector<16xi32>
      %all_reduce_ffs3A_1697 = tpu.all_reduce %ge3A_1695 {dim = 0 : i64, kind = #tpu.reduction_kind<find_first_set>} : vector<16xi1> -> vector<16xi32>
      %gt3A_1698 = arith.constant 0 : i32
      %gt3A_1699 = vector.broadcast %gt3A_1698 : i32 to vector<16xi32>
      %gt3A_1700 = arith.cmpi sgt, %all_reduce_population_count3A_1696, %gt3A_1699 : vector<16xi32>
      %eq3A_1701 = arith.constant 0 : i32
      %eq3A_1702 = vector.broadcast %eq3A_1701 : i32 to vector<16xi32>
      %eq3A_1703 = arith.cmpi eq, %broadcast_in_dim3A_5, %eq3A_1702 : vector<16xi32>
      %and3A_1704 = arith.andi %gt3A_1700, %eq3A_1703 : vector<16xi1>
      %jit3A_1705 = arith.constant 1 : i32
      %jit3A_1706 = arith.constant 0 : i32
      %broadcast_in_dim3A_1707 = vector.broadcast %jit3A_1705 : i32 to vector<16xi32>
      %broadcast_in_dim3A_1708 = vector.broadcast %jit3A_1706 : i32 to vector<16xi32>
      %select_n3A_1709 = arith.select %and3A_1704, %broadcast_in_dim3A_1707, %broadcast_in_dim3A_1708 : vector<16xi1>, vector<16xi32>
      %sub3A_1710 = arith.subi %add3A_1694, %get3A_1690 : vector<16xi32>
      %swap3A_1711 = arith.constant 0 : index
      %swap3A_1712 = tpu.vector_load %arg7[%swap3A_1711] {strides = array<i32>} : memref<32xi32, #tpu.memory_space<vmem>>, vector<16xi32>,
      tpu.vector_store %arg7[%swap3A_1711], %sub3A_1710 {strides = array<i32>} : memref<32xi32, #tpu.memory_space<vmem>>, vector<16xi32>,
      %swap3A_1713 = arith.constant 16 : index
      %swap3A_1714 = tpu.vector_load %arg7[%swap3A_1713] {strides = array<i32>} : memref<32xi32, #tpu.memory_space<vmem>>, vector<16xi32>,
      tpu.vector_store %arg7[%swap3A_1713], %add3A_1694 {strides = array<i32>} : memref<32xi32, #tpu.memory_space<vmem>>, vector<16xi32>,
      %eq3A_1715 = arith.constant 1 : i32
      %eq3A_1716 = vector.broadcast %eq3A_1715 : i32 to vector<16xi32>
      %eq3A_1717 = arith.cmpi eq, %select_n3A_1709, %eq3A_1716 : vector<16xi32>
      %jit3A_1718 = arith.constant 0 : i32
      %broadcast_in_dim3A_1719 = vector.broadcast %jit3A_1718 : i32 to vector<16xi32>
      %select_n3A_1720 = arith.select %eq3A_1717, %all_reduce_ffs3A_1697, %broadcast_in_dim3A_1719 : vector<16xi1>, vector<16xi32>
      %gather3A_1721 = tpu.vector_load_idx %arg7[%select_n3A_1720] : memref<32xi32, #tpu.memory_space<vmem>>[vector<16xi32>], vector<16xi32>,
      %eq3A_1722 = arith.constant 1 : i32
      %eq3A_1723 = vector.broadcast %eq3A_1722 : i32 to vector<16xi32>
      %eq3A_1724 = arith.cmpi eq, %select_n3A_1709, %eq3A_1723 : vector<16xi32>
      %add3A_1725 = arith.constant 0 : i32
      %add3A_1726 = vector.broadcast %add3A_1725 : i32 to vector<16xi32>
      %add3A_1727 = arith.addi %add3A_1726, %all_reduce_ffs3A_1697 : vector<16xi32>
      %select_n3A_1728 = arith.select %eq3A_1724, %add3A_1727, %broadcast_in_dim3A_5 : vector<16xi1>, vector<16xi32>
      %eq3A_1729 = arith.constant 1 : i32
      %eq3A_1730 = vector.broadcast %eq3A_1729 : i32 to vector<16xi32>
      %eq3A_1731 = arith.cmpi eq, %select_n3A_1709, %eq3A_1730 : vector<16xi32>
      %select_n3A_1732 = arith.select %eq3A_1731, %gather3A_1721, %broadcast_in_dim3A_5 : vector<16xi1>, vector<16xi32>
      %or3A_1733 = arith.ori %broadcast_in_dim3A_5, %select_n3A_1709 : vector<16xi32>
      %add3A_1734 = arith.constant 31 : i32
      %add3A_1735 = vector.broadcast %add3A_1734 : i32 to vector<16xi32>
      %add3A_1736 = arith.addi %add3A_1735, %broadcast_in_dim3A_5 : vector<16xi32>
      %gather3A_1737 = tpu.vector_load_idx %arg7[%add3A_1736] : memref<32xi32, #tpu.memory_space<vmem>>[vector<16xi32>], vector<16xi32>,
      %get3A_1738 = arith.constant 16 : index
      %get3A_1739 = tpu.vector_load %arg6[%get3A_1738] {strides = array<i32>} : memref<256xi32, #tpu.memory_space<vmem>>, vector<16xi32>,
      %broadcast_in_dim3A_1740 = arith.constant true
      %broadcast_in_dim3A_1741 = vector.broadcast %broadcast_in_dim3A_1740 : i1 to vector<16xi1>
      %masked_cumsum3A_1742 = tpu.scan <sum>, %get3A_1739 masked %broadcast_in_dim3A_1741 : vector<16xi32>, vector<16xi1> -> vector<16xi32>
      %add3A_1743 = arith.addi %masked_cumsum3A_1742, %gather3A_1737 : vector<16xi32>
      %ge3A_1744 = arith.cmpi sge, %add3A_1743, %sub3A_1649 : vector<16xi32>
      %all_reduce_population_count3A_1745 = tpu.all_reduce %ge3A_1744 {dim = 0 : i64, kind = #tpu.reduction_kind<sum>} : vector<16xi1> -> vector<16xi32>
      %all_reduce_ffs3A_1746 = tpu.all_reduce %ge3A_1744 {dim = 0 : i64, kind = #tpu.reduction_kind<find_first_set>} : vector<16xi1> -> vector<16xi32>
      %gt3A_1747 = arith.constant 0 : i32
      %gt3A_1748 = vector.broadcast %gt3A_1747 : i32 to vector<16xi32>
      %gt3A_1749 = arith.cmpi sgt, %all_reduce_population_count3A_1745, %gt3A_1748 : vector<16xi32>
      %eq3A_1750 = arith.constant 0 : i32
      %eq3A_1751 = vector.broadcast %eq3A_1750 : i32 to vector<16xi32>
      %eq3A_1752 = arith.cmpi eq, %or3A_1733, %eq3A_1751 : vector<16xi32>
      %and3A_1753 = arith.andi %gt3A_1749, %eq3A_1752 : vector<16xi1>
      %jit3A_1754 = arith.constant 1 : i32
      %jit3A_1755 = arith.constant 0 : i32
      %broadcast_in_dim3A_1756 = vector.broadcast %jit3A_1754 : i32 to vector<16xi32>
      %broadcast_in_dim3A_1757 = vector.broadcast %jit3A_1755 : i32 to vector<16xi32>
      %select_n3A_1758 = arith.select %and3A_1753, %broadcast_in_dim3A_1756, %broadcast_in_dim3A_1757 : vector<16xi1>, vector<16xi32>
      %sub3A_1759 = arith.subi %add3A_1743, %get3A_1739 : vector<16xi32>
      %swap3A_1760 = arith.constant 0 : index
      %swap3A_1761 = tpu.vector_load %arg7[%swap3A_1760] {strides = array<i32>} : memref<32xi32, #tpu.memory_space<vmem>>, vector<16xi32>,
      tpu.vector_store %arg7[%swap3A_1760], %sub3A_1759 {strides = array<i32>} : memref<32xi32, #tpu.memory_space<vmem>>, vector<16xi32>,
      %swap3A_1762 = arith.constant 16 : index
      %swap3A_1763 = tpu.vector_load %arg7[%swap3A_1762] {strides = array<i32>} : memref<32xi32, #tpu.memory_space<vmem>>, vector<16xi32>,
      tpu.vector_store %arg7[%swap3A_1762], %add3A_1743 {strides = array<i32>} : memref<32xi32, #tpu.memory_space<vmem>>, vector<16xi32>,
      %eq3A_1764 = arith.constant 1 : i32
      %eq3A_1765 = vector.broadcast %eq3A_1764 : i32 to vector<16xi32>
      %eq3A_1766 = arith.cmpi eq, %select_n3A_1758, %eq3A_1765 : vector<16xi32>
      %jit3A_1767 = arith.constant 0 : i32
      %broadcast_in_dim3A_1768 = vector.broadcast %jit3A_1767 : i32 to vector<16xi32>
      %select_n3A_1769 = arith.select %eq3A_1766, %all_reduce_ffs3A_1746, %broadcast_in_dim3A_1768 : vector<16xi1>, vector<16xi32>
      %gather3A_1770 = tpu.vector_load_idx %arg7[%select_n3A_1769] : memref<32xi32, #tpu.memory_space<vmem>>[vector<16xi32>], vector<16xi32>,
      %eq3A_1771 = arith.constant 1 : i32
      %eq3A_1772 = vector.broadcast %eq3A_1771 : i32 to vector<16xi32>
      %eq3A_1773 = arith.cmpi eq, %select_n3A_1758, %eq3A_1772 : vector<16xi32>
      %add3A_1774 = arith.constant 16 : i32
      %add3A_1775 = vector.broadcast %add3A_1774 : i32 to vector<16xi32>
      %add3A_1776 = arith.addi %add3A_1775, %all_reduce_ffs3A_1746 : vector<16xi32>
      %select_n3A_1777 = arith.select %eq3A_1773, %add3A_1776, %select_n3A_1728 : vector<16xi1>, vector<16xi32>
      %eq3A_1778 = arith.constant 1 : i32
      %eq3A_1779 = vector.broadcast %eq3A_1778 : i32 to vector<16xi32>
      %eq3A_1780 = arith.cmpi eq, %select_n3A_1758, %eq3A_1779 : vector<16xi32>
      %select_n3A_1781 = arith.select %eq3A_1780, %gather3A_1770, %select_n3A_1732 : vector<16xi1>, vector<16xi32>
      %or3A_1782 = arith.ori %or3A_1733, %select_n3A_1758 : vector<16xi32>
      %add3A_1783 = arith.constant 31 : i32
      %add3A_1784 = vector.broadcast %add3A_1783 : i32 to vector<16xi32>
      %add3A_1785 = arith.addi %add3A_1784, %broadcast_in_dim3A_5 : vector<16xi32>
      %gather3A_1786 = tpu.vector_load_idx %arg7[%add3A_1785] : memref<32xi32, #tpu.memory_space<vmem>>[vector<16xi32>], vector<16xi32>,
      %get3A_1787 = arith.constant 32 : index
      %get3A_1788 = tpu.vector_load %arg6[%get3A_1787] {strides = array<i32>} : memref<256xi32, #tpu.memory_space<vmem>>, vector<16xi32>,
      %broadcast_in_dim3A_1789 = arith.constant true
      %broadcast_in_dim3A_1790 = vector.broadcast %broadcast_in_dim3A_1789 : i1 to vector<16xi1>
      %masked_cumsum3A_1791 = tpu.scan <sum>, %get3A_1788 masked %broadcast_in_dim3A_1790 : vector<16xi32>, vector<16xi1> -> vector<16xi32>
      %add3A_1792 = arith.addi %masked_cumsum3A_1791, %gather3A_1786 : vector<16xi32>
      %ge3A_1793 = arith.cmpi sge, %add3A_1792, %sub3A_1649 : vector<16xi32>
      %all_reduce_population_count3A_1794 = tpu.all_reduce %ge3A_1793 {dim = 0 : i64, kind = #tpu.reduction_kind<sum>} : vector<16xi1> -> vector<16xi32>
      %all_reduce_ffs3A_1795 = tpu.all_reduce %ge3A_1793 {dim = 0 : i64, kind = #tpu.reduction_kind<find_first_set>} : vector<16xi1> -> vector<16xi32>
      %gt3A_1796 = arith.constant 0 : i32
      %gt3A_1797 = vector.broadcast %gt3A_1796 : i32 to vector<16xi32>
      %gt3A_1798 = arith.cmpi sgt, %all_reduce_population_count3A_1794, %gt3A_1797 : vector<16xi32>
      %eq3A_1799 = arith.constant 0 : i32
      %eq3A_1800 = vector.broadcast %eq3A_1799 : i32 to vector<16xi32>
      %eq3A_1801 = arith.cmpi eq, %or3A_1782, %eq3A_1800 : vector<16xi32>
      %and3A_1802 = arith.andi %gt3A_1798, %eq3A_1801 : vector<16xi1>
      %jit3A_1803 = arith.constant 1 : i32
      %jit3A_1804 = arith.constant 0 : i32
      %broadcast_in_dim3A_1805 = vector.broadcast %jit3A_1803 : i32 to vector<16xi32>
      %broadcast_in_dim3A_1806 = vector.broadcast %jit3A_1804 : i32 to vector<16xi32>
      %select_n3A_1807 = arith.select %and3A_1802, %broadcast_in_dim3A_1805, %broadcast_in_dim3A_1806 : vector<16xi1>, vector<16xi32>
      %sub3A_1808 = arith.subi %add3A_1792, %get3A_1788 : vector<16xi32>
      %swap3A_1809 = arith.constant 0 : index
      %swap3A_1810 = tpu.vector_load %arg7[%swap3A_1809] {strides = array<i32>} : memref<32xi32, #tpu.memory_space<vmem>>, vector<16xi32>,
      tpu.vector_store %arg7[%swap3A_1809], %sub3A_1808 {strides = array<i32>} : memref<32xi32, #tpu.memory_space<vmem>>, vector<16xi32>,
      %swap3A_1811 = arith.constant 16 : index
      %swap3A_1812 = tpu.vector_load %arg7[%swap3A_1811] {strides = array<i32>} : memref<32xi32, #tpu.memory_space<vmem>>, vector<16xi32>,
      tpu.vector_store %arg7[%swap3A_1811], %add3A_1792 {strides = array<i32>} : memref<32xi32, #tpu.memory_space<vmem>>, vector<16xi32>,
      %eq3A_1813 = arith.constant 1 : i32
      %eq3A_1814 = vector.broadcast %eq3A_1813 : i32 to vector<16xi32>
      %eq3A_1815 = arith.cmpi eq, %select_n3A_1807, %eq3A_1814 : vector<16xi32>
      %jit3A_1816 = arith.constant 0 : i32
      %broadcast_in_dim3A_1817 = vector.broadcast %jit3A_1816 : i32 to vector<16xi32>
      %select_n3A_1818 = arith.select %eq3A_1815, %all_reduce_ffs3A_1795, %broadcast_in_dim3A_1817 : vector<16xi1>, vector<16xi32>
      %gather3A_1819 = tpu.vector_load_idx %arg7[%select_n3A_1818] : memref<32xi32, #tpu.memory_space<vmem>>[vector<16xi32>], vector<16xi32>,
      %eq3A_1820 = arith.constant 1 : i32
      %eq3A_1821 = vector.broadcast %eq3A_1820 : i32 to vector<16xi32>
      %eq3A_1822 = arith.cmpi eq, %select_n3A_1807, %eq3A_1821 : vector<16xi32>
      %add3A_1823 = arith.constant 32 : i32
      %add3A_1824 = vector.broadcast %add3A_1823 : i32 to vector<16xi32>
      %add3A_1825 = arith.addi %add3A_1824, %all_reduce_ffs3A_1795 : vector<16xi32>
      %select_n3A_1826 = arith.select %eq3A_1822, %add3A_1825, %select_n3A_1777 : vector<16xi1>, vector<16xi32>
      %eq3A_1827 = arith.constant 1 : i32
      %eq3A_1828 = vector.broadcast %eq3A_1827 : i32 to vector<16xi32>
      %eq3A_1829 = arith.cmpi eq, %select_n3A_1807, %eq3A_1828 : vector<16xi32>
      %select_n3A_1830 = arith.select %eq3A_1829, %gather3A_1819, %select_n3A_1781 : vector<16xi1>, vector<16xi32>
      %or3A_1831 = arith.ori %or3A_1782, %select_n3A_1807 : vector<16xi32>
      %add3A_1832 = arith.constant 31 : i32
      %add3A_1833 = vector.broadcast %add3A_1832 : i32 to vector<16xi32>
      %add3A_1834 = arith.addi %add3A_1833, %broadcast_in_dim3A_5 : vector<16xi32>
      %gather3A_1835 = tpu.vector_load_idx %arg7[%add3A_1834] : memref<32xi32, #tpu.memory_space<vmem>>[vector<16xi32>], vector<16xi32>,
      %get3A_1836 = arith.constant 48 : index
      %get3A_1837 = tpu.vector_load %arg6[%get3A_1836] {strides = array<i32>} : memref<256xi32, #tpu.memory_space<vmem>>, vector<16xi32>,
      %broadcast_in_dim3A_1838 = arith.constant true
      %broadcast_in_dim3A_1839 = vector.broadcast %broadcast_in_dim3A_1838 : i1 to vector<16xi1>
      %masked_cumsum3A_1840 = tpu.scan <sum>, %get3A_1837 masked %broadcast_in_dim3A_1839 : vector<16xi32>, vector<16xi1> -> vector<16xi32>
      %add3A_1841 = arith.addi %masked_cumsum3A_1840, %gather3A_1835 : vector<16xi32>
      %ge3A_1842 = arith.cmpi sge, %add3A_1841, %sub3A_1649 : vector<16xi32>
      %all_reduce_population_count3A_1843 = tpu.all_reduce %ge3A_1842 {dim = 0 : i64, kind = #tpu.reduction_kind<sum>} : vector<16xi1> -> vector<16xi32>
      %all_reduce_ffs3A_1844 = tpu.all_reduce %ge3A_1842 {dim = 0 : i64, kind = #tpu.reduction_kind<find_first_set>} : vector<16xi1> -> vector<16xi32>
      %gt3A_1845 = arith.constant 0 : i32
      %gt3A_1846 = vector.broadcast %gt3A_1845 : i32 to vector<16xi32>
      %gt3A_1847 = arith.cmpi sgt, %all_reduce_population_count3A_1843, %gt3A_1846 : vector<16xi32>
      %eq3A_1848 = arith.constant 0 : i32
      %eq3A_1849 = vector.broadcast %eq3A_1848 : i32 to vector<16xi32>
      %eq3A_1850 = arith.cmpi eq, %or3A_1831, %eq3A_1849 : vector<16xi32>
      %and3A_1851 = arith.andi %gt3A_1847, %eq3A_1850 : vector<16xi1>
      %jit3A_1852 = arith.constant 1 : i32
      %jit3A_1853 = arith.constant 0 : i32
      %broadcast_in_dim3A_1854 = vector.broadcast %jit3A_1852 : i32 to vector<16xi32>
      %broadcast_in_dim3A_1855 = vector.broadcast %jit3A_1853 : i32 to vector<16xi32>
      %select_n3A_1856 = arith.select %and3A_1851, %broadcast_in_dim3A_1854, %broadcast_in_dim3A_1855 : vector<16xi1>, vector<16xi32>
      %sub3A_1857 = arith.subi %add3A_1841, %get3A_1837 : vector<16xi32>
      %swap3A_1858 = arith.constant 0 : index
      %swap3A_1859 = tpu.vector_load %arg7[%swap3A_1858] {strides = array<i32>} : memref<32xi32, #tpu.memory_space<vmem>>, vector<16xi32>,
      tpu.vector_store %arg7[%swap3A_1858], %sub3A_1857 {strides = array<i32>} : memref<32xi32, #tpu.memory_space<vmem>>, vector<16xi32>,
      %swap3A_1860 = arith.constant 16 : index
      %swap3A_1861 = tpu.vector_load %arg7[%swap3A_1860] {strides = array<i32>} : memref<32xi32, #tpu.memory_space<vmem>>, vector<16xi32>,
      tpu.vector_store %arg7[%swap3A_1860], %add3A_1841 {strides = array<i32>} : memref<32xi32, #tpu.memory_space<vmem>>, vector<16xi32>,
      %eq3A_1862 = arith.constant 1 : i32
      %eq3A_1863 = vector.broadcast %eq3A_1862 : i32 to vector<16xi32>
      %eq3A_1864 = arith.cmpi eq, %select_n3A_1856, %eq3A_1863 : vector<16xi32>
      %jit3A_1865 = arith.constant 0 : i32
      %broadcast_in_dim3A_1866 = vector.broadcast %jit3A_1865 : i32 to vector<16xi32>
      %select_n3A_1867 = arith.select %eq3A_1864, %all_reduce_ffs3A_1844, %broadcast_in_dim3A_1866 : vector<16xi1>, vector<16xi32>
      %gather3A_1868 = tpu.vector_load_idx %arg7[%select_n3A_1867] : memref<32xi32, #tpu.memory_space<vmem>>[vector<16xi32>], vector<16xi32>,
      %eq3A_1869 = arith.constant 1 : i32
      %eq3A_1870 = vector.broadcast %eq3A_1869 : i32 to vector<16xi32>
      %eq3A_1871 = arith.cmpi eq, %select_n3A_1856, %eq3A_1870 : vector<16xi32>
      %add3A_1872 = arith.constant 48 : i32
      %add3A_1873 = vector.broadcast %add3A_1872 : i32 to vector<16xi32>
      %add3A_1874 = arith.addi %add3A_1873, %all_reduce_ffs3A_1844 : vector<16xi32>
      %select_n3A_1875 = arith.select %eq3A_1871, %add3A_1874, %select_n3A_1826 : vector<16xi1>, vector<16xi32>
      %eq3A_1876 = arith.constant 1 : i32
      %eq3A_1877 = vector.broadcast %eq3A_1876 : i32 to vector<16xi32>
      %eq3A_1878 = arith.cmpi eq, %select_n3A_1856, %eq3A_1877 : vector<16xi32>
      %select_n3A_1879 = arith.select %eq3A_1878, %gather3A_1868, %select_n3A_1830 : vector<16xi1>, vector<16xi32>
      %or3A_1880 = arith.ori %or3A_1831, %select_n3A_1856 : vector<16xi32>
      %add3A_1881 = arith.constant 31 : i32
      %add3A_1882 = vector.broadcast %add3A_1881 : i32 to vector<16xi32>
      %add3A_1883 = arith.addi %add3A_1882, %broadcast_in_dim3A_5 : vector<16xi32>
      %gather3A_1884 = tpu.vector_load_idx %arg7[%add3A_1883] : memref<32xi32, #tpu.memory_space<vmem>>[vector<16xi32>], vector<16xi32>,
      %get3A_1885 = arith.constant 64 : index
      %get3A_1886 = tpu.vector_load %arg6[%get3A_1885] {strides = array<i32>} : memref<256xi32, #tpu.memory_space<vmem>>, vector<16xi32>,
      %broadcast_in_dim3A_1887 = arith.constant true
      %broadcast_in_dim3A_1888 = vector.broadcast %broadcast_in_dim3A_1887 : i1 to vector<16xi1>
      %masked_cumsum3A_1889 = tpu.scan <sum>, %get3A_1886 masked %broadcast_in_dim3A_1888 : vector<16xi32>, vector<16xi1> -> vector<16xi32>
      %add3A_1890 = arith.addi %masked_cumsum3A_1889, %gather3A_1884 : vector<16xi32>
      %ge3A_1891 = arith.cmpi sge, %add3A_1890, %sub3A_1649 : vector<16xi32>
      %all_reduce_population_count3A_1892 = tpu.all_reduce %ge3A_1891 {dim = 0 : i64, kind = #tpu.reduction_kind<sum>} : vector<16xi1> -> vector<16xi32>
      %all_reduce_ffs3A_1893 = tpu.all_reduce %ge3A_1891 {dim = 0 : i64, kind = #tpu.reduction_kind<find_first_set>} : vector<16xi1> -> vector<16xi32>
      %gt3A_1894 = arith.constant 0 : i32
      %gt3A_1895 = vector.broadcast %gt3A_1894 : i32 to vector<16xi32>
      %gt3A_1896 = arith.cmpi sgt, %all_reduce_population_count3A_1892, %gt3A_1895 : vector<16xi32>
      %eq3A_1897 = arith.constant 0 : i32
      %eq3A_1898 = vector.broadcast %eq3A_1897 : i32 to vector<16xi32>
      %eq3A_1899 = arith.cmpi eq, %or3A_1880, %eq3A_1898 : vector<16xi32>
      %and3A_1900 = arith.andi %gt3A_1896, %eq3A_1899 : vector<16xi1>
      %jit3A_1901 = arith.constant 1 : i32
      %jit3A_1902 = arith.constant 0 : i32
      %broadcast_in_dim3A_1903 = vector.broadcast %jit3A_1901 : i32 to vector<16xi32>
      %broadcast_in_dim3A_1904 = vector.broadcast %jit3A_1902 : i32 to vector<16xi32>
      %select_n3A_1905 = arith.select %and3A_1900, %broadcast_in_dim3A_1903, %broadcast_in_dim3A_1904 : vector<16xi1>, vector<16xi32>
      %sub3A_1906 = arith.subi %add3A_1890, %get3A_1886 : vector<16xi32>
      %swap3A_1907 = arith.constant 0 : index
      %swap3A_1908 = tpu.vector_load %arg7[%swap3A_1907] {strides = array<i32>} : memref<32xi32, #tpu.memory_space<vmem>>, vector<16xi32>,
      tpu.vector_store %arg7[%swap3A_1907], %sub3A_1906 {strides = array<i32>} : memref<32xi32, #tpu.memory_space<vmem>>, vector<16xi32>,
      %swap3A_1909 = arith.constant 16 : index
      %swap3A_1910 = tpu.vector_load %arg7[%swap3A_1909] {strides = array<i32>} : memref<32xi32, #tpu.memory_space<vmem>>, vector<16xi32>,
      tpu.vector_store %arg7[%swap3A_1909], %add3A_1890 {strides = array<i32>} : memref<32xi32, #tpu.memory_space<vmem>>, vector<16xi32>,
      %eq3A_1911 = arith.constant 1 : i32
      %eq3A_1912 = vector.broadcast %eq3A_1911 : i32 to vector<16xi32>
      %eq3A_1913 = arith.cmpi eq, %select_n3A_1905, %eq3A_1912 : vector<16xi32>
      %jit3A_1914 = arith.constant 0 : i32
      %broadcast_in_dim3A_1915 = vector.broadcast %jit3A_1914 : i32 to vector<16xi32>
      %select_n3A_1916 = arith.select %eq3A_1913, %all_reduce_ffs3A_1893, %broadcast_in_dim3A_1915 : vector<16xi1>, vector<16xi32>
      %gather3A_1917 = tpu.vector_load_idx %arg7[%select_n3A_1916] : memref<32xi32, #tpu.memory_space<vmem>>[vector<16xi32>], vector<16xi32>,
      %eq3A_1918 = arith.constant 1 : i32
      %eq3A_1919 = vector.broadcast %eq3A_1918 : i32 to vector<16xi32>
      %eq3A_1920 = arith.cmpi eq, %select_n3A_1905, %eq3A_1919 : vector<16xi32>
      %add3A_1921 = arith.constant 64 : i32
      %add3A_1922 = vector.broadcast %add3A_1921 : i32 to vector<16xi32>
      %add3A_1923 = arith.addi %add3A_1922, %all_reduce_ffs3A_1893 : vector<16xi32>
      %select_n3A_1924 = arith.select %eq3A_1920, %add3A_1923, %select_n3A_1875 : vector<16xi1>, vector<16xi32>
      %eq3A_1925 = arith.constant 1 : i32
      %eq3A_1926 = vector.broadcast %eq3A_1925 : i32 to vector<16xi32>
      %eq3A_1927 = arith.cmpi eq, %select_n3A_1905, %eq3A_1926 : vector<16xi32>
      %select_n3A_1928 = arith.select %eq3A_1927, %gather3A_1917, %select_n3A_1879 : vector<16xi1>, vector<16xi32>
      %or3A_1929 = arith.ori %or3A_1880, %select_n3A_1905 : vector<16xi32>
      %add3A_1930 = arith.constant 31 : i32
      %add3A_1931 = vector.broadcast %add3A_1930 : i32 to vector<16xi32>
      %add3A_1932 = arith.addi %add3A_1931, %broadcast_in_dim3A_5 : vector<16xi32>
      %gather3A_1933 = tpu.vector_load_idx %arg7[%add3A_1932] : memref<32xi32, #tpu.memory_space<vmem>>[vector<16xi32>], vector<16xi32>,
      %get3A_1934 = arith.constant 80 : index
      %get3A_1935 = tpu.vector_load %arg6[%get3A_1934] {strides = array<i32>} : memref<256xi32, #tpu.memory_space<vmem>>, vector<16xi32>,
      %broadcast_in_dim3A_1936 = arith.constant true
      %broadcast_in_dim3A_1937 = vector.broadcast %broadcast_in_dim3A_1936 : i1 to vector<16xi1>
      %masked_cumsum3A_1938 = tpu.scan <sum>, %get3A_1935 masked %broadcast_in_dim3A_1937 : vector<16xi32>, vector<16xi1> -> vector<16xi32>
      %add3A_1939 = arith.addi %masked_cumsum3A_1938, %gather3A_1933 : vector<16xi32>
      %ge3A_1940 = arith.cmpi sge, %add3A_1939, %sub3A_1649 : vector<16xi32>
      %all_reduce_population_count3A_1941 = tpu.all_reduce %ge3A_1940 {dim = 0 : i64, kind = #tpu.reduction_kind<sum>} : vector<16xi1> -> vector<16xi32>
      %all_reduce_ffs3A_1942 = tpu.all_reduce %ge3A_1940 {dim = 0 : i64, kind = #tpu.reduction_kind<find_first_set>} : vector<16xi1> -> vector<16xi32>
      %gt3A_1943 = arith.constant 0 : i32
      %gt3A_1944 = vector.broadcast %gt3A_1943 : i32 to vector<16xi32>
      %gt3A_1945 = arith.cmpi sgt, %all_reduce_population_count3A_1941, %gt3A_1944 : vector<16xi32>
      %eq3A_1946 = arith.constant 0 : i32
      %eq3A_1947 = vector.broadcast %eq3A_1946 : i32 to vector<16xi32>
      %eq3A_1948 = arith.cmpi eq, %or3A_1929, %eq3A_1947 : vector<16xi32>
      %and3A_1949 = arith.andi %gt3A_1945, %eq3A_1948 : vector<16xi1>
      %jit3A_1950 = arith.constant 1 : i32
      %jit3A_1951 = arith.constant 0 : i32
      %broadcast_in_dim3A_1952 = vector.broadcast %jit3A_1950 : i32 to vector<16xi32>
      %broadcast_in_dim3A_1953 = vector.broadcast %jit3A_1951 : i32 to vector<16xi32>
      %select_n3A_1954 = arith.select %and3A_1949, %broadcast_in_dim3A_1952, %broadcast_in_dim3A_1953 : vector<16xi1>, vector<16xi32>
      %sub3A_1955 = arith.subi %add3A_1939, %get3A_1935 : vector<16xi32>
      %swap3A_1956 = arith.constant 0 : index
      %swap3A_1957 = tpu.vector_load %arg7[%swap3A_1956] {strides = array<i32>} : memref<32xi32, #tpu.memory_space<vmem>>, vector<16xi32>,
      tpu.vector_store %arg7[%swap3A_1956], %sub3A_1955 {strides = array<i32>} : memref<32xi32, #tpu.memory_space<vmem>>, vector<16xi32>,
      %swap3A_1958 = arith.constant 16 : index
      %swap3A_1959 = tpu.vector_load %arg7[%swap3A_1958] {strides = array<i32>} : memref<32xi32, #tpu.memory_space<vmem>>, vector<16xi32>,
      tpu.vector_store %arg7[%swap3A_1958], %add3A_1939 {strides = array<i32>} : memref<32xi32, #tpu.memory_space<vmem>>, vector<16xi32>,
      %eq3A_1960 = arith.constant 1 : i32
      %eq3A_1961 = vector.broadcast %eq3A_1960 : i32 to vector<16xi32>
      %eq3A_1962 = arith.cmpi eq, %select_n3A_1954, %eq3A_1961 : vector<16xi32>
      %jit3A_1963 = arith.constant 0 : i32
      %broadcast_in_dim3A_1964 = vector.broadcast %jit3A_1963 : i32 to vector<16xi32>
      %select_n3A_1965 = arith.select %eq3A_1962, %all_reduce_ffs3A_1942, %broadcast_in_dim3A_1964 : vector<16xi1>, vector<16xi32>
      %gather3A_1966 = tpu.vector_load_idx %arg7[%select_n3A_1965] : memref<32xi32, #tpu.memory_space<vmem>>[vector<16xi32>], vector<16xi32>,
      %eq3A_1967 = arith.constant 1 : i32
      %eq3A_1968 = vector.broadcast %eq3A_1967 : i32 to vector<16xi32>
      %eq3A_1969 = arith.cmpi eq, %select_n3A_1954, %eq3A_1968 : vector<16xi32>
      %add3A_1970 = arith.constant 80 : i32
      %add3A_1971 = vector.broadcast %add3A_1970 : i32 to vector<16xi32>
      %add3A_1972 = arith.addi %add3A_1971, %all_reduce_ffs3A_1942 : vector<16xi32>
      %select_n3A_1973 = arith.select %eq3A_1969, %add3A_1972, %select_n3A_1924 : vector<16xi1>, vector<16xi32>
      %eq3A_1974 = arith.constant 1 : i32
      %eq3A_1975 = vector.broadcast %eq3A_1974 : i32 to vector<16xi32>
      %eq3A_1976 = arith.cmpi eq, %select_n3A_1954, %eq3A_1975 : vector<16xi32>
      %select_n3A_1977 = arith.select %eq3A_1976, %gather3A_1966, %select_n3A_1928 : vector<16xi1>, vector<16xi32>
      %or3A_1978 = arith.ori %or3A_1929, %select_n3A_1954 : vector<16xi32>
      %add3A_1979 = arith.constant 31 : i32
      %add3A_1980 = vector.broadcast %add3A_1979 : i32 to vector<16xi32>
      %add3A_1981 = arith.addi %add3A_1980, %broadcast_in_dim3A_5 : vector<16xi32>
      %gather3A_1982 = tpu.vector_load_idx %arg7[%add3A_1981] : memref<32xi32, #tpu.memory_space<vmem>>[vector<16xi32>], vector<16xi32>,
      %get3A_1983 = arith.constant 96 : index
      %get3A_1984 = tpu.vector_load %arg6[%get3A_1983] {strides = array<i32>} : memref<256xi32, #tpu.memory_space<vmem>>, vector<16xi32>,
      %broadcast_in_dim3A_1985 = arith.constant true
      %broadcast_in_dim3A_1986 = vector.broadcast %broadcast_in_dim3A_1985 : i1 to vector<16xi1>
      %masked_cumsum3A_1987 = tpu.scan <sum>, %get3A_1984 masked %broadcast_in_dim3A_1986 : vector<16xi32>, vector<16xi1> -> vector<16xi32>
      %add3A_1988 = arith.addi %masked_cumsum3A_1987, %gather3A_1982 : vector<16xi32>
      %ge3A_1989 = arith.cmpi sge, %add3A_1988, %sub3A_1649 : vector<16xi32>
      %all_reduce_population_count3A_1990 = tpu.all_reduce %ge3A_1989 {dim = 0 : i64, kind = #tpu.reduction_kind<sum>} : vector<16xi1> -> vector<16xi32>
      %all_reduce_ffs3A_1991 = tpu.all_reduce %ge3A_1989 {dim = 0 : i64, kind = #tpu.reduction_kind<find_first_set>} : vector<16xi1> -> vector<16xi32>
      %gt3A_1992 = arith.constant 0 : i32
      %gt3A_1993 = vector.broadcast %gt3A_1992 : i32 to vector<16xi32>
      %gt3A_1994 = arith.cmpi sgt, %all_reduce_population_count3A_1990, %gt3A_1993 : vector<16xi32>
      %eq3A_1995 = arith.constant 0 : i32
      %eq3A_1996 = vector.broadcast %eq3A_1995 : i32 to vector<16xi32>
      %eq3A_1997 = arith.cmpi eq, %or3A_1978, %eq3A_1996 : vector<16xi32>
      %and3A_1998 = arith.andi %gt3A_1994, %eq3A_1997 : vector<16xi1>
      %jit3A_1999 = arith.constant 1 : i32
      %jit3A_2000 = arith.constant 0 : i32
      %broadcast_in_dim3A_2001 = vector.broadcast %jit3A_1999 : i32 to vector<16xi32>
      %broadcast_in_dim3A_2002 = vector.broadcast %jit3A_2000 : i32 to vector<16xi32>
      %select_n3A_2003 = arith.select %and3A_1998, %broadcast_in_dim3A_2001, %broadcast_in_dim3A_2002 : vector<16xi1>, vector<16xi32>
      %sub3A_2004 = arith.subi %add3A_1988, %get3A_1984 : vector<16xi32>
      %swap3A_2005 = arith.constant 0 : index
      %swap3A_2006 = tpu.vector_load %arg7[%swap3A_2005] {strides = array<i32>} : memref<32xi32, #tpu.memory_space<vmem>>, vector<16xi32>,
      tpu.vector_store %arg7[%swap3A_2005], %sub3A_2004 {strides = array<i32>} : memref<32xi32, #tpu.memory_space<vmem>>, vector<16xi32>,
      %swap3A_2007 = arith.constant 16 : index
      %swap3A_2008 = tpu.vector_load %arg7[%swap3A_2007] {strides = array<i32>} : memref<32xi32, #tpu.memory_space<vmem>>, vector<16xi32>,
      tpu.vector_store %arg7[%swap3A_2007], %add3A_1988 {strides = array<i32>} : memref<32xi32, #tpu.memory_space<vmem>>, vector<16xi32>,
      %eq3A_2009 = arith.constant 1 : i32
      %eq3A_2010 = vector.broadcast %eq3A_2009 : i32 to vector<16xi32>
      %eq3A_2011 = arith.cmpi eq, %select_n3A_2003, %eq3A_2010 : vector<16xi32>
      %jit3A_2012 = arith.constant 0 : i32
      %broadcast_in_dim3A_2013 = vector.broadcast %jit3A_2012 : i32 to vector<16xi32>
      %select_n3A_2014 = arith.select %eq3A_2011, %all_reduce_ffs3A_1991, %broadcast_in_dim3A_2013 : vector<16xi1>, vector<16xi32>
      %gather3A_2015 = tpu.vector_load_idx %arg7[%select_n3A_2014] : memref<32xi32, #tpu.memory_space<vmem>>[vector<16xi32>], vector<16xi32>,
      %eq3A_2016 = arith.constant 1 : i32
      %eq3A_2017 = vector.broadcast %eq3A_2016 : i32 to vector<16xi32>
      %eq3A_2018 = arith.cmpi eq, %select_n3A_2003, %eq3A_2017 : vector<16xi32>
      %add3A_2019 = arith.constant 96 : i32
      %add3A_2020 = vector.broadcast %add3A_2019 : i32 to vector<16xi32>
      %add3A_2021 = arith.addi %add3A_2020, %all_reduce_ffs3A_1991 : vector<16xi32>
      %select_n3A_2022 = arith.select %eq3A_2018, %add3A_2021, %select_n3A_1973 : vector<16xi1>, vector<16xi32>
      %eq3A_2023 = arith.constant 1 : i32
      %eq3A_2024 = vector.broadcast %eq3A_2023 : i32 to vector<16xi32>
      %eq3A_2025 = arith.cmpi eq, %select_n3A_2003, %eq3A_2024 : vector<16xi32>
      %select_n3A_2026 = arith.select %eq3A_2025, %gather3A_2015, %select_n3A_1977 : vector<16xi1>, vector<16xi32>
      %or3A_2027 = arith.ori %or3A_1978, %select_n3A_2003 : vector<16xi32>
      %add3A_2028 = arith.constant 31 : i32
      %add3A_2029 = vector.broadcast %add3A_2028 : i32 to vector<16xi32>
      %add3A_2030 = arith.addi %add3A_2029, %broadcast_in_dim3A_5 : vector<16xi32>
      %gather3A_2031 = tpu.vector_load_idx %arg7[%add3A_2030] : memref<32xi32, #tpu.memory_space<vmem>>[vector<16xi32>], vector<16xi32>,
      %get3A_2032 = arith.constant 112 : index
      %get3A_2033 = tpu.vector_load %arg6[%get3A_2032] {strides = array<i32>} : memref<256xi32, #tpu.memory_space<vmem>>, vector<16xi32>,
      %broadcast_in_dim3A_2034 = arith.constant true
      %broadcast_in_dim3A_2035 = vector.broadcast %broadcast_in_dim3A_2034 : i1 to vector<16xi1>
      %masked_cumsum3A_2036 = tpu.scan <sum>, %get3A_2033 masked %broadcast_in_dim3A_2035 : vector<16xi32>, vector<16xi1> -> vector<16xi32>
      %add3A_2037 = arith.addi %masked_cumsum3A_2036, %gather3A_2031 : vector<16xi32>
      %ge3A_2038 = arith.cmpi sge, %add3A_2037, %sub3A_1649 : vector<16xi32>
      %all_reduce_population_count3A_2039 = tpu.all_reduce %ge3A_2038 {dim = 0 : i64, kind = #tpu.reduction_kind<sum>} : vector<16xi1> -> vector<16xi32>
      %all_reduce_ffs3A_2040 = tpu.all_reduce %ge3A_2038 {dim = 0 : i64, kind = #tpu.reduction_kind<find_first_set>} : vector<16xi1> -> vector<16xi32>
      %gt3A_2041 = arith.constant 0 : i32
      %gt3A_2042 = vector.broadcast %gt3A_2041 : i32 to vector<16xi32>
      %gt3A_2043 = arith.cmpi sgt, %all_reduce_population_count3A_2039, %gt3A_2042 : vector<16xi32>
      %eq3A_2044 = arith.constant 0 : i32
      %eq3A_2045 = vector.broadcast %eq3A_2044 : i32 to vector<16xi32>
      %eq3A_2046 = arith.cmpi eq, %or3A_2027, %eq3A_2045 : vector<16xi32>
      %and3A_2047 = arith.andi %gt3A_2043, %eq3A_2046 : vector<16xi1>
      %jit3A_2048 = arith.constant 1 : i32
      %jit3A_2049 = arith.constant 0 : i32
      %broadcast_in_dim3A_2050 = vector.broadcast %jit3A_2048 : i32 to vector<16xi32>
      %broadcast_in_dim3A_2051 = vector.broadcast %jit3A_2049 : i32 to vector<16xi32>
      %select_n3A_2052 = arith.select %and3A_2047, %broadcast_in_dim3A_2050, %broadcast_in_dim3A_2051 : vector<16xi1>, vector<16xi32>
      %sub3A_2053 = arith.subi %add3A_2037, %get3A_2033 : vector<16xi32>
      %swap3A_2054 = arith.constant 0 : index
      %swap3A_2055 = tpu.vector_load %arg7[%swap3A_2054] {strides = array<i32>} : memref<32xi32, #tpu.memory_space<vmem>>, vector<16xi32>,
      tpu.vector_store %arg7[%swap3A_2054], %sub3A_2053 {strides = array<i32>} : memref<32xi32, #tpu.memory_space<vmem>>, vector<16xi32>,
      %swap3A_2056 = arith.constant 16 : index
      %swap3A_2057 = tpu.vector_load %arg7[%swap3A_2056] {strides = array<i32>} : memref<32xi32, #tpu.memory_space<vmem>>, vector<16xi32>,
      tpu.vector_store %arg7[%swap3A_2056], %add3A_2037 {strides = array<i32>} : memref<32xi32, #tpu.memory_space<vmem>>, vector<16xi32>,
      %eq3A_2058 = arith.constant 1 : i32
      %eq3A_2059 = vector.broadcast %eq3A_2058 : i32 to vector<16xi32>
      %eq3A_2060 = arith.cmpi eq, %select_n3A_2052, %eq3A_2059 : vector<16xi32>
      %jit3A_2061 = arith.constant 0 : i32
      %broadcast_in_dim3A_2062 = vector.broadcast %jit3A_2061 : i32 to vector<16xi32>
      %select_n3A_2063 = arith.select %eq3A_2060, %all_reduce_ffs3A_2040, %broadcast_in_dim3A_2062 : vector<16xi1>, vector<16xi32>
      %gather3A_2064 = tpu.vector_load_idx %arg7[%select_n3A_2063] : memref<32xi32, #tpu.memory_space<vmem>>[vector<16xi32>], vector<16xi32>,
      %eq3A_2065 = arith.constant 1 : i32
      %eq3A_2066 = vector.broadcast %eq3A_2065 : i32 to vector<16xi32>
      %eq3A_2067 = arith.cmpi eq, %select_n3A_2052, %eq3A_2066 : vector<16xi32>
      %add3A_2068 = arith.constant 112 : i32
      %add3A_2069 = vector.broadcast %add3A_2068 : i32 to vector<16xi32>
      %add3A_2070 = arith.addi %add3A_2069, %all_reduce_ffs3A_2040 : vector<16xi32>
      %select_n3A_2071 = arith.select %eq3A_2067, %add3A_2070, %select_n3A_2022 : vector<16xi1>, vector<16xi32>
      %eq3A_2072 = arith.constant 1 : i32
      %eq3A_2073 = vector.broadcast %eq3A_2072 : i32 to vector<16xi32>
      %eq3A_2074 = arith.cmpi eq, %select_n3A_2052, %eq3A_2073 : vector<16xi32>
      %select_n3A_2075 = arith.select %eq3A_2074, %gather3A_2064, %select_n3A_2026 : vector<16xi1>, vector<16xi32>
      %or3A_2076 = arith.ori %or3A_2027, %select_n3A_2052 : vector<16xi32>
      %add3A_2077 = arith.constant 31 : i32
      %add3A_2078 = vector.broadcast %add3A_2077 : i32 to vector<16xi32>
      %add3A_2079 = arith.addi %add3A_2078, %broadcast_in_dim3A_5 : vector<16xi32>
      %gather3A_2080 = tpu.vector_load_idx %arg7[%add3A_2079] : memref<32xi32, #tpu.memory_space<vmem>>[vector<16xi32>], vector<16xi32>,
      %get3A_2081 = arith.constant 128 : index
      %get3A_2082 = tpu.vector_load %arg6[%get3A_2081] {strides = array<i32>} : memref<256xi32, #tpu.memory_space<vmem>>, vector<16xi32>,
      %broadcast_in_dim3A_2083 = arith.constant true
      %broadcast_in_dim3A_2084 = vector.broadcast %broadcast_in_dim3A_2083 : i1 to vector<16xi1>
      %masked_cumsum3A_2085 = tpu.scan <sum>, %get3A_2082 masked %broadcast_in_dim3A_2084 : vector<16xi32>, vector<16xi1> -> vector<16xi32>
      %add3A_2086 = arith.addi %masked_cumsum3A_2085, %gather3A_2080 : vector<16xi32>
      %ge3A_2087 = arith.cmpi sge, %add3A_2086, %sub3A_1649 : vector<16xi32>
      %all_reduce_population_count3A_2088 = tpu.all_reduce %ge3A_2087 {dim = 0 : i64, kind = #tpu.reduction_kind<sum>} : vector<16xi1> -> vector<16xi32>
      %all_reduce_ffs3A_2089 = tpu.all_reduce %ge3A_2087 {dim = 0 : i64, kind = #tpu.reduction_kind<find_first_set>} : vector<16xi1> -> vector<16xi32>
      %gt3A_2090 = arith.constant 0 : i32
      %gt3A_2091 = vector.broadcast %gt3A_2090 : i32 to vector<16xi32>
      %gt3A_2092 = arith.cmpi sgt, %all_reduce_population_count3A_2088, %gt3A_2091 : vector<16xi32>
      %eq3A_2093 = arith.constant 0 : i32
      %eq3A_2094 = vector.broadcast %eq3A_2093 : i32 to vector<16xi32>
      %eq3A_2095 = arith.cmpi eq, %or3A_2076, %eq3A_2094 : vector<16xi32>
      %and3A_2096 = arith.andi %gt3A_2092, %eq3A_2095 : vector<16xi1>
      %jit3A_2097 = arith.constant 1 : i32
      %jit3A_2098 = arith.constant 0 : i32
      %broadcast_in_dim3A_2099 = vector.broadcast %jit3A_2097 : i32 to vector<16xi32>
      %broadcast_in_dim3A_2100 = vector.broadcast %jit3A_2098 : i32 to vector<16xi32>
      %select_n3A_2101 = arith.select %and3A_2096, %broadcast_in_dim3A_2099, %broadcast_in_dim3A_2100 : vector<16xi1>, vector<16xi32>
      %sub3A_2102 = arith.subi %add3A_2086, %get3A_2082 : vector<16xi32>
      %swap3A_2103 = arith.constant 0 : index
      %swap3A_2104 = tpu.vector_load %arg7[%swap3A_2103] {strides = array<i32>} : memref<32xi32, #tpu.memory_space<vmem>>, vector<16xi32>,
      tpu.vector_store %arg7[%swap3A_2103], %sub3A_2102 {strides = array<i32>} : memref<32xi32, #tpu.memory_space<vmem>>, vector<16xi32>,
      %swap3A_2105 = arith.constant 16 : index
      %swap3A_2106 = tpu.vector_load %arg7[%swap3A_2105] {strides = array<i32>} : memref<32xi32, #tpu.memory_space<vmem>>, vector<16xi32>,
      tpu.vector_store %arg7[%swap3A_2105], %add3A_2086 {strides = array<i32>} : memref<32xi32, #tpu.memory_space<vmem>>, vector<16xi32>,
      %eq3A_2107 = arith.constant 1 : i32
      %eq3A_2108 = vector.broadcast %eq3A_2107 : i32 to vector<16xi32>
      %eq3A_2109 = arith.cmpi eq, %select_n3A_2101, %eq3A_2108 : vector<16xi32>
      %jit3A_2110 = arith.constant 0 : i32
      %broadcast_in_dim3A_2111 = vector.broadcast %jit3A_2110 : i32 to vector<16xi32>
      %select_n3A_2112 = arith.select %eq3A_2109, %all_reduce_ffs3A_2089, %broadcast_in_dim3A_2111 : vector<16xi1>, vector<16xi32>
      %gather3A_2113 = tpu.vector_load_idx %arg7[%select_n3A_2112] : memref<32xi32, #tpu.memory_space<vmem>>[vector<16xi32>], vector<16xi32>,
      %eq3A_2114 = arith.constant 1 : i32
      %eq3A_2115 = vector.broadcast %eq3A_2114 : i32 to vector<16xi32>
      %eq3A_2116 = arith.cmpi eq, %select_n3A_2101, %eq3A_2115 : vector<16xi32>
      %add3A_2117 = arith.constant 128 : i32
      %add3A_2118 = vector.broadcast %add3A_2117 : i32 to vector<16xi32>
      %add3A_2119 = arith.addi %add3A_2118, %all_reduce_ffs3A_2089 : vector<16xi32>
      %select_n3A_2120 = arith.select %eq3A_2116, %add3A_2119, %select_n3A_2071 : vector<16xi1>, vector<16xi32>
      %eq3A_2121 = arith.constant 1 : i32
      %eq3A_2122 = vector.broadcast %eq3A_2121 : i32 to vector<16xi32>
      %eq3A_2123 = arith.cmpi eq, %select_n3A_2101, %eq3A_2122 : vector<16xi32>
      %select_n3A_2124 = arith.select %eq3A_2123, %gather3A_2113, %select_n3A_2075 : vector<16xi1>, vector<16xi32>
      %or3A_2125 = arith.ori %or3A_2076, %select_n3A_2101 : vector<16xi32>
      %add3A_2126 = arith.constant 31 : i32
      %add3A_2127 = vector.broadcast %add3A_2126 : i32 to vector<16xi32>
      %add3A_2128 = arith.addi %add3A_2127, %broadcast_in_dim3A_5 : vector<16xi32>
      %gather3A_2129 = tpu.vector_load_idx %arg7[%add3A_2128] : memref<32xi32, #tpu.memory_space<vmem>>[vector<16xi32>], vector<16xi32>,
      %get3A_2130 = arith.constant 144 : index
      %get3A_2131 = tpu.vector_load %arg6[%get3A_2130] {strides = array<i32>} : memref<256xi32, #tpu.memory_space<vmem>>, vector<16xi32>,
      %broadcast_in_dim3A_2132 = arith.constant true
      %broadcast_in_dim3A_2133 = vector.broadcast %broadcast_in_dim3A_2132 : i1 to vector<16xi1>
      %masked_cumsum3A_2134 = tpu.scan <sum>, %get3A_2131 masked %broadcast_in_dim3A_2133 : vector<16xi32>, vector<16xi1> -> vector<16xi32>
      %add3A_2135 = arith.addi %masked_cumsum3A_2134, %gather3A_2129 : vector<16xi32>
      %ge3A_2136 = arith.cmpi sge, %add3A_2135, %sub3A_1649 : vector<16xi32>
      %all_reduce_population_count3A_2137 = tpu.all_reduce %ge3A_2136 {dim = 0 : i64, kind = #tpu.reduction_kind<sum>} : vector<16xi1> -> vector<16xi32>
      %all_reduce_ffs3A_2138 = tpu.all_reduce %ge3A_2136 {dim = 0 : i64, kind = #tpu.reduction_kind<find_first_set>} : vector<16xi1> -> vector<16xi32>
      %gt3A_2139 = arith.constant 0 : i32
      %gt3A_2140 = vector.broadcast %gt3A_2139 : i32 to vector<16xi32>
      %gt3A_2141 = arith.cmpi sgt, %all_reduce_population_count3A_2137, %gt3A_2140 : vector<16xi32>
      %eq3A_2142 = arith.constant 0 : i32
      %eq3A_2143 = vector.broadcast %eq3A_2142 : i32 to vector<16xi32>
      %eq3A_2144 = arith.cmpi eq, %or3A_2125, %eq3A_2143 : vector<16xi32>
      %and3A_2145 = arith.andi %gt3A_2141, %eq3A_2144 : vector<16xi1>
      %jit3A_2146 = arith.constant 1 : i32
      %jit3A_2147 = arith.constant 0 : i32
      %broadcast_in_dim3A_2148 = vector.broadcast %jit3A_2146 : i32 to vector<16xi32>
      %broadcast_in_dim3A_2149 = vector.broadcast %jit3A_2147 : i32 to vector<16xi32>
      %select_n3A_2150 = arith.select %and3A_2145, %broadcast_in_dim3A_2148, %broadcast_in_dim3A_2149 : vector<16xi1>, vector<16xi32>
      %sub3A_2151 = arith.subi %add3A_2135, %get3A_2131 : vector<16xi32>
      %swap3A_2152 = arith.constant 0 : index
      %swap3A_2153 = tpu.vector_load %arg7[%swap3A_2152] {strides = array<i32>} : memref<32xi32, #tpu.memory_space<vmem>>, vector<16xi32>,
      tpu.vector_store %arg7[%swap3A_2152], %sub3A_2151 {strides = array<i32>} : memref<32xi32, #tpu.memory_space<vmem>>, vector<16xi32>,
      %swap3A_2154 = arith.constant 16 : index
      %swap3A_2155 = tpu.vector_load %arg7[%swap3A_2154] {strides = array<i32>} : memref<32xi32, #tpu.memory_space<vmem>>, vector<16xi32>,
      tpu.vector_store %arg7[%swap3A_2154], %add3A_2135 {strides = array<i32>} : memref<32xi32, #tpu.memory_space<vmem>>, vector<16xi32>,
      %eq3A_2156 = arith.constant 1 : i32
      %eq3A_2157 = vector.broadcast %eq3A_2156 : i32 to vector<16xi32>
      %eq3A_2158 = arith.cmpi eq, %select_n3A_2150, %eq3A_2157 : vector<16xi32>
      %jit3A_2159 = arith.constant 0 : i32
      %broadcast_in_dim3A_2160 = vector.broadcast %jit3A_2159 : i32 to vector<16xi32>
      %select_n3A_2161 = arith.select %eq3A_2158, %all_reduce_ffs3A_2138, %broadcast_in_dim3A_2160 : vector<16xi1>, vector<16xi32>
      %gather3A_2162 = tpu.vector_load_idx %arg7[%select_n3A_2161] : memref<32xi32, #tpu.memory_space<vmem>>[vector<16xi32>], vector<16xi32>,
      %eq3A_2163 = arith.constant 1 : i32
      %eq3A_2164 = vector.broadcast %eq3A_2163 : i32 to vector<16xi32>
      %eq3A_2165 = arith.cmpi eq, %select_n3A_2150, %eq3A_2164 : vector<16xi32>
      %add3A_2166 = arith.constant 144 : i32
      %add3A_2167 = vector.broadcast %add3A_2166 : i32 to vector<16xi32>
      %add3A_2168 = arith.addi %add3A_2167, %all_reduce_ffs3A_2138 : vector<16xi32>
      %select_n3A_2169 = arith.select %eq3A_2165, %add3A_2168, %select_n3A_2120 : vector<16xi1>, vector<16xi32>
      %eq3A_2170 = arith.constant 1 : i32
      %eq3A_2171 = vector.broadcast %eq3A_2170 : i32 to vector<16xi32>
      %eq3A_2172 = arith.cmpi eq, %select_n3A_2150, %eq3A_2171 : vector<16xi32>
      %select_n3A_2173 = arith.select %eq3A_2172, %gather3A_2162, %select_n3A_2124 : vector<16xi1>, vector<16xi32>
      %or3A_2174 = arith.ori %or3A_2125, %select_n3A_2150 : vector<16xi32>
      %add3A_2175 = arith.constant 31 : i32
      %add3A_2176 = vector.broadcast %add3A_2175 : i32 to vector<16xi32>
      %add3A_2177 = arith.addi %add3A_2176, %broadcast_in_dim3A_5 : vector<16xi32>
      %gather3A_2178 = tpu.vector_load_idx %arg7[%add3A_2177] : memref<32xi32, #tpu.memory_space<vmem>>[vector<16xi32>], vector<16xi32>,
      %get3A_2179 = arith.constant 160 : index
      %get3A_2180 = tpu.vector_load %arg6[%get3A_2179] {strides = array<i32>} : memref<256xi32, #tpu.memory_space<vmem>>, vector<16xi32>,
      %broadcast_in_dim3A_2181 = arith.constant true
      %broadcast_in_dim3A_2182 = vector.broadcast %broadcast_in_dim3A_2181 : i1 to vector<16xi1>
      %masked_cumsum3A_2183 = tpu.scan <sum>, %get3A_2180 masked %broadcast_in_dim3A_2182 : vector<16xi32>, vector<16xi1> -> vector<16xi32>
      %add3A_2184 = arith.addi %masked_cumsum3A_2183, %gather3A_2178 : vector<16xi32>
      %ge3A_2185 = arith.cmpi sge, %add3A_2184, %sub3A_1649 : vector<16xi32>
      %all_reduce_population_count3A_2186 = tpu.all_reduce %ge3A_2185 {dim = 0 : i64, kind = #tpu.reduction_kind<sum>} : vector<16xi1> -> vector<16xi32>
      %all_reduce_ffs3A_2187 = tpu.all_reduce %ge3A_2185 {dim = 0 : i64, kind = #tpu.reduction_kind<find_first_set>} : vector<16xi1> -> vector<16xi32>
      %gt3A_2188 = arith.constant 0 : i32
      %gt3A_2189 = vector.broadcast %gt3A_2188 : i32 to vector<16xi32>
      %gt3A_2190 = arith.cmpi sgt, %all_reduce_population_count3A_2186, %gt3A_2189 : vector<16xi32>
      %eq3A_2191 = arith.constant 0 : i32
      %eq3A_2192 = vector.broadcast %eq3A_2191 : i32 to vector<16xi32>
      %eq3A_2193 = arith.cmpi eq, %or3A_2174, %eq3A_2192 : vector<16xi32>
      %and3A_2194 = arith.andi %gt3A_2190, %eq3A_2193 : vector<16xi1>
      %jit3A_2195 = arith.constant 1 : i32
      %jit3A_2196 = arith.constant 0 : i32
      %broadcast_in_dim3A_2197 = vector.broadcast %jit3A_2195 : i32 to vector<16xi32>
      %broadcast_in_dim3A_2198 = vector.broadcast %jit3A_2196 : i32 to vector<16xi32>
      %select_n3A_2199 = arith.select %and3A_2194, %broadcast_in_dim3A_2197, %broadcast_in_dim3A_2198 : vector<16xi1>, vector<16xi32>
      %sub3A_2200 = arith.subi %add3A_2184, %get3A_2180 : vector<16xi32>
      %swap3A_2201 = arith.constant 0 : index
      %swap3A_2202 = tpu.vector_load %arg7[%swap3A_2201] {strides = array<i32>} : memref<32xi32, #tpu.memory_space<vmem>>, vector<16xi32>,
      tpu.vector_store %arg7[%swap3A_2201], %sub3A_2200 {strides = array<i32>} : memref<32xi32, #tpu.memory_space<vmem>>, vector<16xi32>,
      %swap3A_2203 = arith.constant 16 : index
      %swap3A_2204 = tpu.vector_load %arg7[%swap3A_2203] {strides = array<i32>} : memref<32xi32, #tpu.memory_space<vmem>>, vector<16xi32>,
      tpu.vector_store %arg7[%swap3A_2203], %add3A_2184 {strides = array<i32>} : memref<32xi32, #tpu.memory_space<vmem>>, vector<16xi32>,
      %eq3A_2205 = arith.constant 1 : i32
      %eq3A_2206 = vector.broadcast %eq3A_2205 : i32 to vector<16xi32>
      %eq3A_2207 = arith.cmpi eq, %select_n3A_2199, %eq3A_2206 : vector<16xi32>
      %jit3A_2208 = arith.constant 0 : i32
      %broadcast_in_dim3A_2209 = vector.broadcast %jit3A_2208 : i32 to vector<16xi32>
      %select_n3A_2210 = arith.select %eq3A_2207, %all_reduce_ffs3A_2187, %broadcast_in_dim3A_2209 : vector<16xi1>, vector<16xi32>
      %gather3A_2211 = tpu.vector_load_idx %arg7[%select_n3A_2210] : memref<32xi32, #tpu.memory_space<vmem>>[vector<16xi32>], vector<16xi32>,
      %eq3A_2212 = arith.constant 1 : i32
      %eq3A_2213 = vector.broadcast %eq3A_2212 : i32 to vector<16xi32>
      %eq3A_2214 = arith.cmpi eq, %select_n3A_2199, %eq3A_2213 : vector<16xi32>
      %add3A_2215 = arith.constant 160 : i32
      %add3A_2216 = vector.broadcast %add3A_2215 : i32 to vector<16xi32>
      %add3A_2217 = arith.addi %add3A_2216, %all_reduce_ffs3A_2187 : vector<16xi32>
      %select_n3A_2218 = arith.select %eq3A_2214, %add3A_2217, %select_n3A_2169 : vector<16xi1>, vector<16xi32>
      %eq3A_2219 = arith.constant 1 : i32
      %eq3A_2220 = vector.broadcast %eq3A_2219 : i32 to vector<16xi32>
      %eq3A_2221 = arith.cmpi eq, %select_n3A_2199, %eq3A_2220 : vector<16xi32>
      %select_n3A_2222 = arith.select %eq3A_2221, %gather3A_2211, %select_n3A_2173 : vector<16xi1>, vector<16xi32>
      %or3A_2223 = arith.ori %or3A_2174, %select_n3A_2199 : vector<16xi32>
      %add3A_2224 = arith.constant 31 : i32
      %add3A_2225 = vector.broadcast %add3A_2224 : i32 to vector<16xi32>
      %add3A_2226 = arith.addi %add3A_2225, %broadcast_in_dim3A_5 : vector<16xi32>
      %gather3A_2227 = tpu.vector_load_idx %arg7[%add3A_2226] : memref<32xi32, #tpu.memory_space<vmem>>[vector<16xi32>], vector<16xi32>,
      %get3A_2228 = arith.constant 176 : index
      %get3A_2229 = tpu.vector_load %arg6[%get3A_2228] {strides = array<i32>} : memref<256xi32, #tpu.memory_space<vmem>>, vector<16xi32>,
      %broadcast_in_dim3A_2230 = arith.constant true
      %broadcast_in_dim3A_2231 = vector.broadcast %broadcast_in_dim3A_2230 : i1 to vector<16xi1>
      %masked_cumsum3A_2232 = tpu.scan <sum>, %get3A_2229 masked %broadcast_in_dim3A_2231 : vector<16xi32>, vector<16xi1> -> vector<16xi32>
      %add3A_2233 = arith.addi %masked_cumsum3A_2232, %gather3A_2227 : vector<16xi32>
      %ge3A_2234 = arith.cmpi sge, %add3A_2233, %sub3A_1649 : vector<16xi32>
      %all_reduce_population_count3A_2235 = tpu.all_reduce %ge3A_2234 {dim = 0 : i64, kind = #tpu.reduction_kind<sum>} : vector<16xi1> -> vector<16xi32>
      %all_reduce_ffs3A_2236 = tpu.all_reduce %ge3A_2234 {dim = 0 : i64, kind = #tpu.reduction_kind<find_first_set>} : vector<16xi1> -> vector<16xi32>
      %gt3A_2237 = arith.constant 0 : i32
      %gt3A_2238 = vector.broadcast %gt3A_2237 : i32 to vector<16xi32>
      %gt3A_2239 = arith.cmpi sgt, %all_reduce_population_count3A_2235, %gt3A_2238 : vector<16xi32>
      %eq3A_2240 = arith.constant 0 : i32
      %eq3A_2241 = vector.broadcast %eq3A_2240 : i32 to vector<16xi32>
      %eq3A_2242 = arith.cmpi eq, %or3A_2223, %eq3A_2241 : vector<16xi32>
      %and3A_2243 = arith.andi %gt3A_2239, %eq3A_2242 : vector<16xi1>
      %jit3A_2244 = arith.constant 1 : i32
      %jit3A_2245 = arith.constant 0 : i32
      %broadcast_in_dim3A_2246 = vector.broadcast %jit3A_2244 : i32 to vector<16xi32>
      %broadcast_in_dim3A_2247 = vector.broadcast %jit3A_2245 : i32 to vector<16xi32>
      %select_n3A_2248 = arith.select %and3A_2243, %broadcast_in_dim3A_2246, %broadcast_in_dim3A_2247 : vector<16xi1>, vector<16xi32>
      %sub3A_2249 = arith.subi %add3A_2233, %get3A_2229 : vector<16xi32>
      %swap3A_2250 = arith.constant 0 : index
      %swap3A_2251 = tpu.vector_load %arg7[%swap3A_2250] {strides = array<i32>} : memref<32xi32, #tpu.memory_space<vmem>>, vector<16xi32>,
      tpu.vector_store %arg7[%swap3A_2250], %sub3A_2249 {strides = array<i32>} : memref<32xi32, #tpu.memory_space<vmem>>, vector<16xi32>,
      %swap3A_2252 = arith.constant 16 : index
      %swap3A_2253 = tpu.vector_load %arg7[%swap3A_2252] {strides = array<i32>} : memref<32xi32, #tpu.memory_space<vmem>>, vector<16xi32>,
      tpu.vector_store %arg7[%swap3A_2252], %add3A_2233 {strides = array<i32>} : memref<32xi32, #tpu.memory_space<vmem>>, vector<16xi32>,
      %eq3A_2254 = arith.constant 1 : i32
      %eq3A_2255 = vector.broadcast %eq3A_2254 : i32 to vector<16xi32>
      %eq3A_2256 = arith.cmpi eq, %select_n3A_2248, %eq3A_2255 : vector<16xi32>
      %jit3A_2257 = arith.constant 0 : i32
      %broadcast_in_dim3A_2258 = vector.broadcast %jit3A_2257 : i32 to vector<16xi32>
      %select_n3A_2259 = arith.select %eq3A_2256, %all_reduce_ffs3A_2236, %broadcast_in_dim3A_2258 : vector<16xi1>, vector<16xi32>
      %gather3A_2260 = tpu.vector_load_idx %arg7[%select_n3A_2259] : memref<32xi32, #tpu.memory_space<vmem>>[vector<16xi32>], vector<16xi32>,
      %eq3A_2261 = arith.constant 1 : i32
      %eq3A_2262 = vector.broadcast %eq3A_2261 : i32 to vector<16xi32>
      %eq3A_2263 = arith.cmpi eq, %select_n3A_2248, %eq3A_2262 : vector<16xi32>
      %add3A_2264 = arith.constant 176 : i32
      %add3A_2265 = vector.broadcast %add3A_2264 : i32 to vector<16xi32>
      %add3A_2266 = arith.addi %add3A_2265, %all_reduce_ffs3A_2236 : vector<16xi32>
      %select_n3A_2267 = arith.select %eq3A_2263, %add3A_2266, %select_n3A_2218 : vector<16xi1>, vector<16xi32>
      %eq3A_2268 = arith.constant 1 : i32
      %eq3A_2269 = vector.broadcast %eq3A_2268 : i32 to vector<16xi32>
      %eq3A_2270 = arith.cmpi eq, %select_n3A_2248, %eq3A_2269 : vector<16xi32>
      %select_n3A_2271 = arith.select %eq3A_2270, %gather3A_2260, %select_n3A_2222 : vector<16xi1>, vector<16xi32>
      %or3A_2272 = arith.ori %or3A_2223, %select_n3A_2248 : vector<16xi32>
      %add3A_2273 = arith.constant 31 : i32
      %add3A_2274 = vector.broadcast %add3A_2273 : i32 to vector<16xi32>
      %add3A_2275 = arith.addi %add3A_2274, %broadcast_in_dim3A_5 : vector<16xi32>
      %gather3A_2276 = tpu.vector_load_idx %arg7[%add3A_2275] : memref<32xi32, #tpu.memory_space<vmem>>[vector<16xi32>], vector<16xi32>,
      %get3A_2277 = arith.constant 192 : index
      %get3A_2278 = tpu.vector_load %arg6[%get3A_2277] {strides = array<i32>} : memref<256xi32, #tpu.memory_space<vmem>>, vector<16xi32>,
      %broadcast_in_dim3A_2279 = arith.constant true
      %broadcast_in_dim3A_2280 = vector.broadcast %broadcast_in_dim3A_2279 : i1 to vector<16xi1>
      %masked_cumsum3A_2281 = tpu.scan <sum>, %get3A_2278 masked %broadcast_in_dim3A_2280 : vector<16xi32>, vector<16xi1> -> vector<16xi32>
      %add3A_2282 = arith.addi %masked_cumsum3A_2281, %gather3A_2276 : vector<16xi32>
      %ge3A_2283 = arith.cmpi sge, %add3A_2282, %sub3A_1649 : vector<16xi32>
      %all_reduce_population_count3A_2284 = tpu.all_reduce %ge3A_2283 {dim = 0 : i64, kind = #tpu.reduction_kind<sum>} : vector<16xi1> -> vector<16xi32>
      %all_reduce_ffs3A_2285 = tpu.all_reduce %ge3A_2283 {dim = 0 : i64, kind = #tpu.reduction_kind<find_first_set>} : vector<16xi1> -> vector<16xi32>
      %gt3A_2286 = arith.constant 0 : i32
      %gt3A_2287 = vector.broadcast %gt3A_2286 : i32 to vector<16xi32>
      %gt3A_2288 = arith.cmpi sgt, %all_reduce_population_count3A_2284, %gt3A_2287 : vector<16xi32>
      %eq3A_2289 = arith.constant 0 : i32
      %eq3A_2290 = vector.broadcast %eq3A_2289 : i32 to vector<16xi32>
      %eq3A_2291 = arith.cmpi eq, %or3A_2272, %eq3A_2290 : vector<16xi32>
      %and3A_2292 = arith.andi %gt3A_2288, %eq3A_2291 : vector<16xi1>
      %jit3A_2293 = arith.constant 1 : i32
      %jit3A_2294 = arith.constant 0 : i32
      %broadcast_in_dim3A_2295 = vector.broadcast %jit3A_2293 : i32 to vector<16xi32>
      %broadcast_in_dim3A_2296 = vector.broadcast %jit3A_2294 : i32 to vector<16xi32>
      %select_n3A_2297 = arith.select %and3A_2292, %broadcast_in_dim3A_2295, %broadcast_in_dim3A_2296 : vector<16xi1>, vector<16xi32>
      %sub3A_2298 = arith.subi %add3A_2282, %get3A_2278 : vector<16xi32>
      %swap3A_2299 = arith.constant 0 : index
      %swap3A_2300 = tpu.vector_load %arg7[%swap3A_2299] {strides = array<i32>} : memref<32xi32, #tpu.memory_space<vmem>>, vector<16xi32>,
      tpu.vector_store %arg7[%swap3A_2299], %sub3A_2298 {strides = array<i32>} : memref<32xi32, #tpu.memory_space<vmem>>, vector<16xi32>,
      %swap3A_2301 = arith.constant 16 : index
      %swap3A_2302 = tpu.vector_load %arg7[%swap3A_2301] {strides = array<i32>} : memref<32xi32, #tpu.memory_space<vmem>>, vector<16xi32>,
      tpu.vector_store %arg7[%swap3A_2301], %add3A_2282 {strides = array<i32>} : memref<32xi32, #tpu.memory_space<vmem>>, vector<16xi32>,
      %eq3A_2303 = arith.constant 1 : i32
      %eq3A_2304 = vector.broadcast %eq3A_2303 : i32 to vector<16xi32>
      %eq3A_2305 = arith.cmpi eq, %select_n3A_2297, %eq3A_2304 : vector<16xi32>
      %jit3A_2306 = arith.constant 0 : i32
      %broadcast_in_dim3A_2307 = vector.broadcast %jit3A_2306 : i32 to vector<16xi32>
      %select_n3A_2308 = arith.select %eq3A_2305, %all_reduce_ffs3A_2285, %broadcast_in_dim3A_2307 : vector<16xi1>, vector<16xi32>
      %gather3A_2309 = tpu.vector_load_idx %arg7[%select_n3A_2308] : memref<32xi32, #tpu.memory_space<vmem>>[vector<16xi32>], vector<16xi32>,
      %eq3A_2310 = arith.constant 1 : i32
      %eq3A_2311 = vector.broadcast %eq3A_2310 : i32 to vector<16xi32>
      %eq3A_2312 = arith.cmpi eq, %select_n3A_2297, %eq3A_2311 : vector<16xi32>
      %add3A_2313 = arith.constant 192 : i32
      %add3A_2314 = vector.broadcast %add3A_2313 : i32 to vector<16xi32>
      %add3A_2315 = arith.addi %add3A_2314, %all_reduce_ffs3A_2285 : vector<16xi32>
      %select_n3A_2316 = arith.select %eq3A_2312, %add3A_2315, %select_n3A_2267 : vector<16xi1>, vector<16xi32>
      %eq3A_2317 = arith.constant 1 : i32
      %eq3A_2318 = vector.broadcast %eq3A_2317 : i32 to vector<16xi32>
      %eq3A_2319 = arith.cmpi eq, %select_n3A_2297, %eq3A_2318 : vector<16xi32>
      %select_n3A_2320 = arith.select %eq3A_2319, %gather3A_2309, %select_n3A_2271 : vector<16xi1>, vector<16xi32>
      %or3A_2321 = arith.ori %or3A_2272, %select_n3A_2297 : vector<16xi32>
      %add3A_2322 = arith.constant 31 : i32
      %add3A_2323 = vector.broadcast %add3A_2322 : i32 to vector<16xi32>
      %add3A_2324 = arith.addi %add3A_2323, %broadcast_in_dim3A_5 : vector<16xi32>
      %gather3A_2325 = tpu.vector_load_idx %arg7[%add3A_2324] : memref<32xi32, #tpu.memory_space<vmem>>[vector<16xi32>], vector<16xi32>,
      %get3A_2326 = arith.constant 208 : index
      %get3A_2327 = tpu.vector_load %arg6[%get3A_2326] {strides = array<i32>} : memref<256xi32, #tpu.memory_space<vmem>>, vector<16xi32>,
      %broadcast_in_dim3A_2328 = arith.constant true
      %broadcast_in_dim3A_2329 = vector.broadcast %broadcast_in_dim3A_2328 : i1 to vector<16xi1>
      %masked_cumsum3A_2330 = tpu.scan <sum>, %get3A_2327 masked %broadcast_in_dim3A_2329 : vector<16xi32>, vector<16xi1> -> vector<16xi32>
      %add3A_2331 = arith.addi %masked_cumsum3A_2330, %gather3A_2325 : vector<16xi32>
      %ge3A_2332 = arith.cmpi sge, %add3A_2331, %sub3A_1649 : vector<16xi32>
      %all_reduce_population_count3A_2333 = tpu.all_reduce %ge3A_2332 {dim = 0 : i64, kind = #tpu.reduction_kind<sum>} : vector<16xi1> -> vector<16xi32>
      %all_reduce_ffs3A_2334 = tpu.all_reduce %ge3A_2332 {dim = 0 : i64, kind = #tpu.reduction_kind<find_first_set>} : vector<16xi1> -> vector<16xi32>
      %gt3A_2335 = arith.constant 0 : i32
      %gt3A_2336 = vector.broadcast %gt3A_2335 : i32 to vector<16xi32>
      %gt3A_2337 = arith.cmpi sgt, %all_reduce_population_count3A_2333, %gt3A_2336 : vector<16xi32>
      %eq3A_2338 = arith.constant 0 : i32
      %eq3A_2339 = vector.broadcast %eq3A_2338 : i32 to vector<16xi32>
      %eq3A_2340 = arith.cmpi eq, %or3A_2321, %eq3A_2339 : vector<16xi32>
      %and3A_2341 = arith.andi %gt3A_2337, %eq3A_2340 : vector<16xi1>
      %jit3A_2342 = arith.constant 1 : i32
      %jit3A_2343 = arith.constant 0 : i32
      %broadcast_in_dim3A_2344 = vector.broadcast %jit3A_2342 : i32 to vector<16xi32>
      %broadcast_in_dim3A_2345 = vector.broadcast %jit3A_2343 : i32 to vector<16xi32>
      %select_n3A_2346 = arith.select %and3A_2341, %broadcast_in_dim3A_2344, %broadcast_in_dim3A_2345 : vector<16xi1>, vector<16xi32>
      %sub3A_2347 = arith.subi %add3A_2331, %get3A_2327 : vector<16xi32>
      %swap3A_2348 = arith.constant 0 : index
      %swap3A_2349 = tpu.vector_load %arg7[%swap3A_2348] {strides = array<i32>} : memref<32xi32, #tpu.memory_space<vmem>>, vector<16xi32>,
      tpu.vector_store %arg7[%swap3A_2348], %sub3A_2347 {strides = array<i32>} : memref<32xi32, #tpu.memory_space<vmem>>, vector<16xi32>,
      %swap3A_2350 = arith.constant 16 : index
      %swap3A_2351 = tpu.vector_load %arg7[%swap3A_2350] {strides = array<i32>} : memref<32xi32, #tpu.memory_space<vmem>>, vector<16xi32>,
      tpu.vector_store %arg7[%swap3A_2350], %add3A_2331 {strides = array<i32>} : memref<32xi32, #tpu.memory_space<vmem>>, vector<16xi32>,
      %eq3A_2352 = arith.constant 1 : i32
      %eq3A_2353 = vector.broadcast %eq3A_2352 : i32 to vector<16xi32>
      %eq3A_2354 = arith.cmpi eq, %select_n3A_2346, %eq3A_2353 : vector<16xi32>
      %jit3A_2355 = arith.constant 0 : i32
      %broadcast_in_dim3A_2356 = vector.broadcast %jit3A_2355 : i32 to vector<16xi32>
      %select_n3A_2357 = arith.select %eq3A_2354, %all_reduce_ffs3A_2334, %broadcast_in_dim3A_2356 : vector<16xi1>, vector<16xi32>
      %gather3A_2358 = tpu.vector_load_idx %arg7[%select_n3A_2357] : memref<32xi32, #tpu.memory_space<vmem>>[vector<16xi32>], vector<16xi32>,
      %eq3A_2359 = arith.constant 1 : i32
      %eq3A_2360 = vector.broadcast %eq3A_2359 : i32 to vector<16xi32>
      %eq3A_2361 = arith.cmpi eq, %select_n3A_2346, %eq3A_2360 : vector<16xi32>
      %add3A_2362 = arith.constant 208 : i32
      %add3A_2363 = vector.broadcast %add3A_2362 : i32 to vector<16xi32>
      %add3A_2364 = arith.addi %add3A_2363, %all_reduce_ffs3A_2334 : vector<16xi32>
      %select_n3A_2365 = arith.select %eq3A_2361, %add3A_2364, %select_n3A_2316 : vector<16xi1>, vector<16xi32>
      %eq3A_2366 = arith.constant 1 : i32
      %eq3A_2367 = vector.broadcast %eq3A_2366 : i32 to vector<16xi32>
      %eq3A_2368 = arith.cmpi eq, %select_n3A_2346, %eq3A_2367 : vector<16xi32>
      %select_n3A_2369 = arith.select %eq3A_2368, %gather3A_2358, %select_n3A_2320 : vector<16xi1>, vector<16xi32>
      %or3A_2370 = arith.ori %or3A_2321, %select_n3A_2346 : vector<16xi32>
      %add3A_2371 = arith.constant 31 : i32
      %add3A_2372 = vector.broadcast %add3A_2371 : i32 to vector<16xi32>
      %add3A_2373 = arith.addi %add3A_2372, %broadcast_in_dim3A_5 : vector<16xi32>
      %gather3A_2374 = tpu.vector_load_idx %arg7[%add3A_2373] : memref<32xi32, #tpu.memory_space<vmem>>[vector<16xi32>], vector<16xi32>,
      %get3A_2375 = arith.constant 224 : index
      %get3A_2376 = tpu.vector_load %arg6[%get3A_2375] {strides = array<i32>} : memref<256xi32, #tpu.memory_space<vmem>>, vector<16xi32>,
      %broadcast_in_dim3A_2377 = arith.constant true
      %broadcast_in_dim3A_2378 = vector.broadcast %broadcast_in_dim3A_2377 : i1 to vector<16xi1>
      %masked_cumsum3A_2379 = tpu.scan <sum>, %get3A_2376 masked %broadcast_in_dim3A_2378 : vector<16xi32>, vector<16xi1> -> vector<16xi32>
      %add3A_2380 = arith.addi %masked_cumsum3A_2379, %gather3A_2374 : vector<16xi32>
      %ge3A_2381 = arith.cmpi sge, %add3A_2380, %sub3A_1649 : vector<16xi32>
      %all_reduce_population_count3A_2382 = tpu.all_reduce %ge3A_2381 {dim = 0 : i64, kind = #tpu.reduction_kind<sum>} : vector<16xi1> -> vector<16xi32>
      %all_reduce_ffs3A_2383 = tpu.all_reduce %ge3A_2381 {dim = 0 : i64, kind = #tpu.reduction_kind<find_first_set>} : vector<16xi1> -> vector<16xi32>
      %gt3A_2384 = arith.constant 0 : i32
      %gt3A_2385 = vector.broadcast %gt3A_2384 : i32 to vector<16xi32>
      %gt3A_2386 = arith.cmpi sgt, %all_reduce_population_count3A_2382, %gt3A_2385 : vector<16xi32>
      %eq3A_2387 = arith.constant 0 : i32
      %eq3A_2388 = vector.broadcast %eq3A_2387 : i32 to vector<16xi32>
      %eq3A_2389 = arith.cmpi eq, %or3A_2370, %eq3A_2388 : vector<16xi32>
      %and3A_2390 = arith.andi %gt3A_2386, %eq3A_2389 : vector<16xi1>
      %jit3A_2391 = arith.constant 1 : i32
      %jit3A_2392 = arith.constant 0 : i32
      %broadcast_in_dim3A_2393 = vector.broadcast %jit3A_2391 : i32 to vector<16xi32>
      %broadcast_in_dim3A_2394 = vector.broadcast %jit3A_2392 : i32 to vector<16xi32>
      %select_n3A_2395 = arith.select %and3A_2390, %broadcast_in_dim3A_2393, %broadcast_in_dim3A_2394 : vector<16xi1>, vector<16xi32>
      %sub3A_2396 = arith.subi %add3A_2380, %get3A_2376 : vector<16xi32>
      %swap3A_2397 = arith.constant 0 : index
      %swap3A_2398 = tpu.vector_load %arg7[%swap3A_2397] {strides = array<i32>} : memref<32xi32, #tpu.memory_space<vmem>>, vector<16xi32>,
      tpu.vector_store %arg7[%swap3A_2397], %sub3A_2396 {strides = array<i32>} : memref<32xi32, #tpu.memory_space<vmem>>, vector<16xi32>,
      %swap3A_2399 = arith.constant 16 : index
      %swap3A_2400 = tpu.vector_load %arg7[%swap3A_2399] {strides = array<i32>} : memref<32xi32, #tpu.memory_space<vmem>>, vector<16xi32>,
      tpu.vector_store %arg7[%swap3A_2399], %add3A_2380 {strides = array<i32>} : memref<32xi32, #tpu.memory_space<vmem>>, vector<16xi32>,
      %eq3A_2401 = arith.constant 1 : i32
      %eq3A_2402 = vector.broadcast %eq3A_2401 : i32 to vector<16xi32>
      %eq3A_2403 = arith.cmpi eq, %select_n3A_2395, %eq3A_2402 : vector<16xi32>
      %jit3A_2404 = arith.constant 0 : i32
      %broadcast_in_dim3A_2405 = vector.broadcast %jit3A_2404 : i32 to vector<16xi32>
      %select_n3A_2406 = arith.select %eq3A_2403, %all_reduce_ffs3A_2383, %broadcast_in_dim3A_2405 : vector<16xi1>, vector<16xi32>
      %gather3A_2407 = tpu.vector_load_idx %arg7[%select_n3A_2406] : memref<32xi32, #tpu.memory_space<vmem>>[vector<16xi32>], vector<16xi32>,
      %eq3A_2408 = arith.constant 1 : i32
      %eq3A_2409 = vector.broadcast %eq3A_2408 : i32 to vector<16xi32>
      %eq3A_2410 = arith.cmpi eq, %select_n3A_2395, %eq3A_2409 : vector<16xi32>
      %add3A_2411 = arith.constant 224 : i32
      %add3A_2412 = vector.broadcast %add3A_2411 : i32 to vector<16xi32>
      %add3A_2413 = arith.addi %add3A_2412, %all_reduce_ffs3A_2383 : vector<16xi32>
      %select_n3A_2414 = arith.select %eq3A_2410, %add3A_2413, %select_n3A_2365 : vector<16xi1>, vector<16xi32>
      %eq3A_2415 = arith.constant 1 : i32
      %eq3A_2416 = vector.broadcast %eq3A_2415 : i32 to vector<16xi32>
      %eq3A_2417 = arith.cmpi eq, %select_n3A_2395, %eq3A_2416 : vector<16xi32>
      %select_n3A_2418 = arith.select %eq3A_2417, %gather3A_2407, %select_n3A_2369 : vector<16xi1>, vector<16xi32>
      %or3A_2419 = arith.ori %or3A_2370, %select_n3A_2395 : vector<16xi32>
      %add3A_2420 = arith.constant 31 : i32
      %add3A_2421 = vector.broadcast %add3A_2420 : i32 to vector<16xi32>
      %add3A_2422 = arith.addi %add3A_2421, %broadcast_in_dim3A_5 : vector<16xi32>
      %gather3A_2423 = tpu.vector_load_idx %arg7[%add3A_2422] : memref<32xi32, #tpu.memory_space<vmem>>[vector<16xi32>], vector<16xi32>,
      %get3A_2424 = arith.constant 240 : index
      %get3A_2425 = tpu.vector_load %arg6[%get3A_2424] {strides = array<i32>} : memref<256xi32, #tpu.memory_space<vmem>>, vector<16xi32>,
      %broadcast_in_dim3A_2426 = arith.constant true
      %broadcast_in_dim3A_2427 = vector.broadcast %broadcast_in_dim3A_2426 : i1 to vector<16xi1>
      %masked_cumsum3A_2428 = tpu.scan <sum>, %get3A_2425 masked %broadcast_in_dim3A_2427 : vector<16xi32>, vector<16xi1> -> vector<16xi32>
      %add3A_2429 = arith.addi %masked_cumsum3A_2428, %gather3A_2423 : vector<16xi32>
      %ge3A_2430 = arith.cmpi sge, %add3A_2429, %sub3A_1649 : vector<16xi32>
      %all_reduce_population_count3A_2431 = tpu.all_reduce %ge3A_2430 {dim = 0 : i64, kind = #tpu.reduction_kind<sum>} : vector<16xi1> -> vector<16xi32>
      %all_reduce_ffs3A_2432 = tpu.all_reduce %ge3A_2430 {dim = 0 : i64, kind = #tpu.reduction_kind<find_first_set>} : vector<16xi1> -> vector<16xi32>
      %gt3A_2433 = arith.constant 0 : i32
      %gt3A_2434 = vector.broadcast %gt3A_2433 : i32 to vector<16xi32>
      %gt3A_2435 = arith.cmpi sgt, %all_reduce_population_count3A_2431, %gt3A_2434 : vector<16xi32>
      %eq3A_2436 = arith.constant 0 : i32
      %eq3A_2437 = vector.broadcast %eq3A_2436 : i32 to vector<16xi32>
      %eq3A_2438 = arith.cmpi eq, %or3A_2419, %eq3A_2437 : vector<16xi32>
      %and3A_2439 = arith.andi %gt3A_2435, %eq3A_2438 : vector<16xi1>
      %jit3A_2440 = arith.constant 1 : i32
      %jit3A_2441 = arith.constant 0 : i32
      %broadcast_in_dim3A_2442 = vector.broadcast %jit3A_2440 : i32 to vector<16xi32>
      %broadcast_in_dim3A_2443 = vector.broadcast %jit3A_2441 : i32 to vector<16xi32>
      %select_n3A_2444 = arith.select %and3A_2439, %broadcast_in_dim3A_2442, %broadcast_in_dim3A_2443 : vector<16xi1>, vector<16xi32>
      %sub3A_2445 = arith.subi %add3A_2429, %get3A_2425 : vector<16xi32>
      %swap3A_2446 = arith.constant 0 : index
      %swap3A_2447 = tpu.vector_load %arg7[%swap3A_2446] {strides = array<i32>} : memref<32xi32, #tpu.memory_space<vmem>>, vector<16xi32>,
      tpu.vector_store %arg7[%swap3A_2446], %sub3A_2445 {strides = array<i32>} : memref<32xi32, #tpu.memory_space<vmem>>, vector<16xi32>,
      %swap3A_2448 = arith.constant 16 : index
      %swap3A_2449 = tpu.vector_load %arg7[%swap3A_2448] {strides = array<i32>} : memref<32xi32, #tpu.memory_space<vmem>>, vector<16xi32>,
      tpu.vector_store %arg7[%swap3A_2448], %add3A_2429 {strides = array<i32>} : memref<32xi32, #tpu.memory_space<vmem>>, vector<16xi32>,
      %eq3A_2450 = arith.constant 1 : i32
      %eq3A_2451 = vector.broadcast %eq3A_2450 : i32 to vector<16xi32>
      %eq3A_2452 = arith.cmpi eq, %select_n3A_2444, %eq3A_2451 : vector<16xi32>
      %jit3A_2453 = arith.constant 0 : i32
      %broadcast_in_dim3A_2454 = vector.broadcast %jit3A_2453 : i32 to vector<16xi32>
      %select_n3A_2455 = arith.select %eq3A_2452, %all_reduce_ffs3A_2432, %broadcast_in_dim3A_2454 : vector<16xi1>, vector<16xi32>
      %gather3A_2456 = tpu.vector_load_idx %arg7[%select_n3A_2455] : memref<32xi32, #tpu.memory_space<vmem>>[vector<16xi32>], vector<16xi32>,
      %eq3A_2457 = arith.constant 1 : i32
      %eq3A_2458 = vector.broadcast %eq3A_2457 : i32 to vector<16xi32>
      %eq3A_2459 = arith.cmpi eq, %select_n3A_2444, %eq3A_2458 : vector<16xi32>
      %add3A_2460 = arith.constant 240 : i32
      %add3A_2461 = vector.broadcast %add3A_2460 : i32 to vector<16xi32>
      %add3A_2462 = arith.addi %add3A_2461, %all_reduce_ffs3A_2432 : vector<16xi32>
      %select_n3A_2463 = arith.select %eq3A_2459, %add3A_2462, %select_n3A_2414 : vector<16xi1>, vector<16xi32>
      %eq3A_2464 = arith.constant 1 : i32
      %eq3A_2465 = vector.broadcast %eq3A_2464 : i32 to vector<16xi32>
      %eq3A_2466 = arith.cmpi eq, %select_n3A_2444, %eq3A_2465 : vector<16xi32>
      %select_n3A_2467 = arith.select %eq3A_2466, %gather3A_2456, %select_n3A_2418 : vector<16xi1>, vector<16xi32>
      %or3A_2468 = arith.ori %or3A_2419, %select_n3A_2444 : vector<16xi32>
      %add3A_2469 = arith.constant 31 : i32
      %add3A_2470 = vector.broadcast %add3A_2469 : i32 to vector<16xi32>
      %add3A_2471 = arith.addi %add3A_2470, %broadcast_in_dim3A_5 : vector<16xi32>
      %gather3A_2472 = tpu.vector_load_idx %arg7[%add3A_2471] : memref<32xi32, #tpu.memory_space<vmem>>[vector<16xi32>], vector<16xi32>,
      %shift_left3A_2473 = arith.constant 8 : i32
      %shift_left3A_2474 = vector.broadcast %shift_left3A_2473 : i32 to vector<16xi32>
      %shift_left3A_2475 = arith.shli %or3A_1648, %shift_left3A_2474 : vector<16xi32>
      %or3A_2476 = arith.ori %shift_left3A_2475, %select_n3A_2463 : vector<16xi32>
      %sub3A_2477 = arith.subi %sub3A_1649, %select_n3A_2467 : vector<16xi32>
      %swap3A_2478 = arith.constant 0 : index
      %swap3A_2479 = tpu.vector_load %arg6[%swap3A_2478] {strides = array<i32>} : memref<256xi32, #tpu.memory_space<vmem>>, vector<16xi32>,
      tpu.vector_store %arg6[%swap3A_2478], %broadcast_in_dim3A_5 {strides = array<i32>} : memref<256xi32, #tpu.memory_space<vmem>>, vector<16xi32>,
      %swap3A_2480 = arith.constant 16 : index
      %swap3A_2481 = tpu.vector_load %arg6[%swap3A_2480] {strides = array<i32>} : memref<256xi32, #tpu.memory_space<vmem>>, vector<16xi32>,
      tpu.vector_store %arg6[%swap3A_2480], %broadcast_in_dim3A_5 {strides = array<i32>} : memref<256xi32, #tpu.memory_space<vmem>>, vector<16xi32>,
      %swap3A_2482 = arith.constant 32 : index
      %swap3A_2483 = tpu.vector_load %arg6[%swap3A_2482] {strides = array<i32>} : memref<256xi32, #tpu.memory_space<vmem>>, vector<16xi32>,
      tpu.vector_store %arg6[%swap3A_2482], %broadcast_in_dim3A_5 {strides = array<i32>} : memref<256xi32, #tpu.memory_space<vmem>>, vector<16xi32>,
      %swap3A_2484 = arith.constant 48 : index
      %swap3A_2485 = tpu.vector_load %arg6[%swap3A_2484] {strides = array<i32>} : memref<256xi32, #tpu.memory_space<vmem>>, vector<16xi32>,
      tpu.vector_store %arg6[%swap3A_2484], %broadcast_in_dim3A_5 {strides = array<i32>} : memref<256xi32, #tpu.memory_space<vmem>>, vector<16xi32>,
      %swap3A_2486 = arith.constant 64 : index
      %swap3A_2487 = tpu.vector_load %arg6[%swap3A_2486] {strides = array<i32>} : memref<256xi32, #tpu.memory_space<vmem>>, vector<16xi32>,
      tpu.vector_store %arg6[%swap3A_2486], %broadcast_in_dim3A_5 {strides = array<i32>} : memref<256xi32, #tpu.memory_space<vmem>>, vector<16xi32>,
      %swap3A_2488 = arith.constant 80 : index
      %swap3A_2489 = tpu.vector_load %arg6[%swap3A_2488] {strides = array<i32>} : memref<256xi32, #tpu.memory_space<vmem>>, vector<16xi32>,
      tpu.vector_store %arg6[%swap3A_2488], %broadcast_in_dim3A_5 {strides = array<i32>} : memref<256xi32, #tpu.memory_space<vmem>>, vector<16xi32>,
      %swap3A_2490 = arith.constant 96 : index
      %swap3A_2491 = tpu.vector_load %arg6[%swap3A_2490] {strides = array<i32>} : memref<256xi32, #tpu.memory_space<vmem>>, vector<16xi32>,
      tpu.vector_store %arg6[%swap3A_2490], %broadcast_in_dim3A_5 {strides = array<i32>} : memref<256xi32, #tpu.memory_space<vmem>>, vector<16xi32>,
      %swap3A_2492 = arith.constant 112 : index
      %swap3A_2493 = tpu.vector_load %arg6[%swap3A_2492] {strides = array<i32>} : memref<256xi32, #tpu.memory_space<vmem>>, vector<16xi32>,
      tpu.vector_store %arg6[%swap3A_2492], %broadcast_in_dim3A_5 {strides = array<i32>} : memref<256xi32, #tpu.memory_space<vmem>>, vector<16xi32>,
      %scan3A_2494 = arith.constant 0 : i32
      %scan3A_2495 = arith.constant 0 : i32
      %scan3A_2496 = arith.constant 64 : i32
      %scan3A_2497 = arith.addi %scan3A_2495, %scan3A_2496 : i32
      %scan3A_2498 = arith.constant 1 : i32
      %scan3A_2499 = scf.for %scan3A_2911 = %scan3A_2495 to %scan3A_2497 step %scan3A_2498 iter_args(%scan3A_2912 = %scan3A_2494) -> (i32)  : i32 {
        %mul3A_2913 = arith.constant 4 : i32
        %mul3A_2914 = arith.muli %scan3A_2911, %mul3A_2913 : i32
        %add3A_2915 = arith.constant 0 : i32
        %add3A_2916 = arith.addi %mul3A_2914, %add3A_2915 : i32
        %mul3A_2917 = arith.constant 16 : i32
        %mul3A_2918 = arith.muli %add3A_2916, %mul3A_2917 : i32
        %get3A_2919 = arith.index_cast %mul3A_2918 : i32 to index
        %get3A_2920 = tpu.vector_load %arg4[%get3A_2919] {strides = array<i32>} : memref<4096xf32, #tpu.memory_space<vmem>>, vector<16xf32>,
        %bitcast3A = vector.bitcast %get3A_2920 : vector<16xf32> to vector<16xi32>
        %mul3A_2921 = arith.constant 16 : i32
        %mul3A_2922 = arith.muli %add3A_2916, %mul3A_2921 : i32
        %add3A_2923 = vector.broadcast %mul3A_2922 : i32 to vector<16xi32>
        %add3A_2924 = arith.addi %iota3A, %add3A_2923 : vector<16xi32>
        %ge3A_2925 = arith.constant 4086 : i32
        %ge3A_2926 = vector.broadcast %ge3A_2925 : i32 to vector<16xi32>
        %ge3A_2927 = arith.cmpi sge, %add3A_2924, %ge3A_2926 : vector<16xi32>
        %select_n3A_2928 = arith.select %ge3A_2927, %broadcast_in_dim3A_7, %bitcast3A : vector<16xi1>, vector<16xi32>
        %add3A_2929 = arith.constant 1 : i32
        %add3A_2930 = vector.broadcast %add3A_2929 : i32 to vector<16xi32>
        %add3A_2931 = arith.addi %select_n3A_2928, %add3A_2930 : vector<16xi32>
        %shift_right_arithmetic3A = arith.constant 7 : i32
        %shift_right_arithmetic3A_2932 = vector.broadcast %shift_right_arithmetic3A : i32 to vector<16xi32>
        %shift_right_arithmetic3A_2933 = arith.shrsi %add3A_2931, %shift_right_arithmetic3A_2932 : vector<16xi32>
        %eq3A_2934 = arith.cmpi eq, %shift_right_arithmetic3A_2933, %or3A_2476 : vector<16xi32>
        %shift_right_arithmetic3A_2935 = arith.constant 0 : i32
        %shift_right_arithmetic3A_2936 = vector.broadcast %shift_right_arithmetic3A_2935 : i32 to vector<16xi32>
        %shift_right_arithmetic3A_2937 = arith.shrsi %add3A_2931, %shift_right_arithmetic3A_2936 : vector<16xi32>
        %and3A_2938 = arith.constant 127 : i32
        %and3A_2939 = vector.broadcast %and3A_2938 : i32 to vector<16xi32>
        %and3A_2940 = arith.andi %shift_right_arithmetic3A_2937, %and3A_2939 : vector<16xi32>
        tpu.vector_store_idx %arg6[%and3A_2940], %broadcast_in_dim3A_3 masked %eq3A_2934 {add = true} : memref<256xi32, #tpu.memory_space<vmem>>[vector<16xi32>], vector<16xi32>, vector<16xi1>
        %mul3A_2941 = arith.constant 4 : i32
        %mul3A_2942 = arith.muli %scan3A_2911, %mul3A_2941 : i32
        %add3A_2943 = arith.constant 1 : i32
        %add3A_2944 = arith.addi %mul3A_2942, %add3A_2943 : i32
        %mul3A_2945 = arith.constant 16 : i32
        %mul3A_2946 = arith.muli %add3A_2944, %mul3A_2945 : i32
        %get3A_2947 = arith.index_cast %mul3A_2946 : i32 to index
        %get3A_2948 = tpu.vector_load %arg4[%get3A_2947] {strides = array<i32>} : memref<4096xf32, #tpu.memory_space<vmem>>, vector<16xf32>,
        %bitcast3A_2949 = vector.bitcast %get3A_2948 : vector<16xf32> to vector<16xi32>
        %mul3A_2950 = arith.constant 16 : i32
        %mul3A_2951 = arith.muli %add3A_2944, %mul3A_2950 : i32
        %add3A_2952 = vector.broadcast %mul3A_2951 : i32 to vector<16xi32>
        %add3A_2953 = arith.addi %iota3A, %add3A_2952 : vector<16xi32>
        %ge3A_2954 = arith.constant 4086 : i32
        %ge3A_2955 = vector.broadcast %ge3A_2954 : i32 to vector<16xi32>
        %ge3A_2956 = arith.cmpi sge, %add3A_2953, %ge3A_2955 : vector<16xi32>
        %select_n3A_2957 = arith.select %ge3A_2956, %broadcast_in_dim3A_7, %bitcast3A_2949 : vector<16xi1>, vector<16xi32>
        %add3A_2958 = arith.constant 1 : i32
        %add3A_2959 = vector.broadcast %add3A_2958 : i32 to vector<16xi32>
        %add3A_2960 = arith.addi %select_n3A_2957, %add3A_2959 : vector<16xi32>
        %shift_right_arithmetic3A_2961 = arith.constant 7 : i32
        %shift_right_arithmetic3A_2962 = vector.broadcast %shift_right_arithmetic3A_2961 : i32 to vector<16xi32>
        %shift_right_arithmetic3A_2963 = arith.shrsi %add3A_2960, %shift_right_arithmetic3A_2962 : vector<16xi32>
        %eq3A_2964 = arith.cmpi eq, %shift_right_arithmetic3A_2963, %or3A_2476 : vector<16xi32>
        %shift_right_arithmetic3A_2965 = arith.constant 0 : i32
        %shift_right_arithmetic3A_2966 = vector.broadcast %shift_right_arithmetic3A_2965 : i32 to vector<16xi32>
        %shift_right_arithmetic3A_2967 = arith.shrsi %add3A_2960, %shift_right_arithmetic3A_2966 : vector<16xi32>
        %and3A_2968 = arith.constant 127 : i32
        %and3A_2969 = vector.broadcast %and3A_2968 : i32 to vector<16xi32>
        %and3A_2970 = arith.andi %shift_right_arithmetic3A_2967, %and3A_2969 : vector<16xi32>
        tpu.vector_store_idx %arg6[%and3A_2970], %broadcast_in_dim3A_3 masked %eq3A_2964 {add = true} : memref<256xi32, #tpu.memory_space<vmem>>[vector<16xi32>], vector<16xi32>, vector<16xi1>
        %mul3A_2971 = arith.constant 4 : i32
        %mul3A_2972 = arith.muli %scan3A_2911, %mul3A_2971 : i32
        %add3A_2973 = arith.constant 2 : i32
        %add3A_2974 = arith.addi %mul3A_2972, %add3A_2973 : i32
        %mul3A_2975 = arith.constant 16 : i32
        %mul3A_2976 = arith.muli %add3A_2974, %mul3A_2975 : i32
        %get3A_2977 = arith.index_cast %mul3A_2976 : i32 to index
        %get3A_2978 = tpu.vector_load %arg4[%get3A_2977] {strides = array<i32>} : memref<4096xf32, #tpu.memory_space<vmem>>, vector<16xf32>,
        %bitcast3A_2979 = vector.bitcast %get3A_2978 : vector<16xf32> to vector<16xi32>
        %mul3A_2980 = arith.constant 16 : i32
        %mul3A_2981 = arith.muli %add3A_2974, %mul3A_2980 : i32
        %add3A_2982 = vector.broadcast %mul3A_2981 : i32 to vector<16xi32>
        %add3A_2983 = arith.addi %iota3A, %add3A_2982 : vector<16xi32>
        %ge3A_2984 = arith.constant 4086 : i32
        %ge3A_2985 = vector.broadcast %ge3A_2984 : i32 to vector<16xi32>
        %ge3A_2986 = arith.cmpi sge, %add3A_2983, %ge3A_2985 : vector<16xi32>
        %select_n3A_2987 = arith.select %ge3A_2986, %broadcast_in_dim3A_7, %bitcast3A_2979 : vector<16xi1>, vector<16xi32>
        %add3A_2988 = arith.constant 1 : i32
        %add3A_2989 = vector.broadcast %add3A_2988 : i32 to vector<16xi32>
        %add3A_2990 = arith.addi %select_n3A_2987, %add3A_2989 : vector<16xi32>
        %shift_right_arithmetic3A_2991 = arith.constant 7 : i32
        %shift_right_arithmetic3A_2992 = vector.broadcast %shift_right_arithmetic3A_2991 : i32 to vector<16xi32>
        %shift_right_arithmetic3A_2993 = arith.shrsi %add3A_2990, %shift_right_arithmetic3A_2992 : vector<16xi32>
        %eq3A_2994 = arith.cmpi eq, %shift_right_arithmetic3A_2993, %or3A_2476 : vector<16xi32>
        %shift_right_arithmetic3A_2995 = arith.constant 0 : i32
        %shift_right_arithmetic3A_2996 = vector.broadcast %shift_right_arithmetic3A_2995 : i32 to vector<16xi32>
        %shift_right_arithmetic3A_2997 = arith.shrsi %add3A_2990, %shift_right_arithmetic3A_2996 : vector<16xi32>
        %and3A_2998 = arith.constant 127 : i32
        %and3A_2999 = vector.broadcast %and3A_2998 : i32 to vector<16xi32>
        %and3A_3000 = arith.andi %shift_right_arithmetic3A_2997, %and3A_2999 : vector<16xi32>
        tpu.vector_store_idx %arg6[%and3A_3000], %broadcast_in_dim3A_3 masked %eq3A_2994 {add = true} : memref<256xi32, #tpu.memory_space<vmem>>[vector<16xi32>], vector<16xi32>, vector<16xi1>
        %mul3A_3001 = arith.constant 4 : i32
        %mul3A_3002 = arith.muli %scan3A_2911, %mul3A_3001 : i32
        %add3A_3003 = arith.constant 3 : i32
        %add3A_3004 = arith.addi %mul3A_3002, %add3A_3003 : i32
        %mul3A_3005 = arith.constant 16 : i32
        %mul3A_3006 = arith.muli %add3A_3004, %mul3A_3005 : i32
        %get3A_3007 = arith.index_cast %mul3A_3006 : i32 to index
        %get3A_3008 = tpu.vector_load %arg4[%get3A_3007] {strides = array<i32>} : memref<4096xf32, #tpu.memory_space<vmem>>, vector<16xf32>,
        %bitcast3A_3009 = vector.bitcast %get3A_3008 : vector<16xf32> to vector<16xi32>
        %mul3A_3010 = arith.constant 16 : i32
        %mul3A_3011 = arith.muli %add3A_3004, %mul3A_3010 : i32
        %add3A_3012 = vector.broadcast %mul3A_3011 : i32 to vector<16xi32>
        %add3A_3013 = arith.addi %iota3A, %add3A_3012 : vector<16xi32>
        %ge3A_3014 = arith.constant 4086 : i32
        %ge3A_3015 = vector.broadcast %ge3A_3014 : i32 to vector<16xi32>
        %ge3A_3016 = arith.cmpi sge, %add3A_3013, %ge3A_3015 : vector<16xi32>
        %select_n3A_3017 = arith.select %ge3A_3016, %broadcast_in_dim3A_7, %bitcast3A_3009 : vector<16xi1>, vector<16xi32>
        %add3A_3018 = arith.constant 1 : i32
        %add3A_3019 = vector.broadcast %add3A_3018 : i32 to vector<16xi32>
        %add3A_3020 = arith.addi %select_n3A_3017, %add3A_3019 : vector<16xi32>
        %shift_right_arithmetic3A_3021 = arith.constant 7 : i32
        %shift_right_arithmetic3A_3022 = vector.broadcast %shift_right_arithmetic3A_3021 : i32 to vector<16xi32>
        %shift_right_arithmetic3A_3023 = arith.shrsi %add3A_3020, %shift_right_arithmetic3A_3022 : vector<16xi32>
        %eq3A_3024 = arith.cmpi eq, %shift_right_arithmetic3A_3023, %or3A_2476 : vector<16xi32>
        %shift_right_arithmetic3A_3025 = arith.constant 0 : i32
        %shift_right_arithmetic3A_3026 = vector.broadcast %shift_right_arithmetic3A_3025 : i32 to vector<16xi32>
        %shift_right_arithmetic3A_3027 = arith.shrsi %add3A_3020, %shift_right_arithmetic3A_3026 : vector<16xi32>
        %and3A_3028 = arith.constant 127 : i32
        %and3A_3029 = vector.broadcast %and3A_3028 : i32 to vector<16xi32>
        %and3A_3030 = arith.andi %shift_right_arithmetic3A_3027, %and3A_3029 : vector<16xi32>
        tpu.vector_store_idx %arg6[%and3A_3030], %broadcast_in_dim3A_3 masked %eq3A_3024 {add = true} : memref<256xi32, #tpu.memory_space<vmem>>[vector<16xi32>], vector<16xi32>, vector<16xi1>
        %scan3A_3031 = arith.constant 0 : i32
        scf.yield %scan3A_3031 : i32
      }
      %scan3A_2500 = arith.constant 64 : i32
      %get3A_2501 = arith.constant 0 : index
      %get3A_2502 = tpu.vector_load %arg6[%get3A_2501] {strides = array<i32>} : memref<256xi32, #tpu.memory_space<vmem>>, vector<16xi32>,
      %broadcast_in_dim3A_2503 = arith.constant true
      %broadcast_in_dim3A_2504 = vector.broadcast %broadcast_in_dim3A_2503 : i1 to vector<16xi1>
      %masked_cumsum3A_2505 = tpu.scan <sum>, %get3A_2502 masked %broadcast_in_dim3A_2504 : vector<16xi32>, vector<16xi1> -> vector<16xi32>
      %add3A_2506 = arith.addi %masked_cumsum3A_2505, %broadcast_in_dim3A_5 : vector<16xi32>
      %ge3A_2507 = arith.cmpi sge, %add3A_2506, %sub3A_2477 : vector<16xi32>
      %all_reduce_population_count3A_2508 = tpu.all_reduce %ge3A_2507 {dim = 0 : i64, kind = #tpu.reduction_kind<sum>} : vector<16xi1> -> vector<16xi32>
      %all_reduce_ffs3A_2509 = tpu.all_reduce %ge3A_2507 {dim = 0 : i64, kind = #tpu.reduction_kind<find_first_set>} : vector<16xi1> -> vector<16xi32>
      %gt3A_2510 = arith.constant 0 : i32
      %gt3A_2511 = vector.broadcast %gt3A_2510 : i32 to vector<16xi32>
      %gt3A_2512 = arith.cmpi sgt, %all_reduce_population_count3A_2508, %gt3A_2511 : vector<16xi32>
      %eq3A_2513 = arith.constant 0 : i32
      %eq3A_2514 = vector.broadcast %eq3A_2513 : i32 to vector<16xi32>
      %eq3A_2515 = arith.cmpi eq, %broadcast_in_dim3A_5, %eq3A_2514 : vector<16xi32>
      %and3A_2516 = arith.andi %gt3A_2512, %eq3A_2515 : vector<16xi1>
      %jit3A_2517 = arith.constant 1 : i32
      %jit3A_2518 = arith.constant 0 : i32
      %broadcast_in_dim3A_2519 = vector.broadcast %jit3A_2517 : i32 to vector<16xi32>
      %broadcast_in_dim3A_2520 = vector.broadcast %jit3A_2518 : i32 to vector<16xi32>
      %select_n3A_2521 = arith.select %and3A_2516, %broadcast_in_dim3A_2519, %broadcast_in_dim3A_2520 : vector<16xi1>, vector<16xi32>
      %sub3A_2522 = arith.subi %add3A_2506, %get3A_2502 : vector<16xi32>
      %swap3A_2523 = arith.constant 0 : index
      %swap3A_2524 = tpu.vector_load %arg7[%swap3A_2523] {strides = array<i32>} : memref<32xi32, #tpu.memory_space<vmem>>, vector<16xi32>,
      tpu.vector_store %arg7[%swap3A_2523], %sub3A_2522 {strides = array<i32>} : memref<32xi32, #tpu.memory_space<vmem>>, vector<16xi32>,
      %swap3A_2525 = arith.constant 16 : index
      %swap3A_2526 = tpu.vector_load %arg7[%swap3A_2525] {strides = array<i32>} : memref<32xi32, #tpu.memory_space<vmem>>, vector<16xi32>,
      tpu.vector_store %arg7[%swap3A_2525], %add3A_2506 {strides = array<i32>} : memref<32xi32, #tpu.memory_space<vmem>>, vector<16xi32>,
      %eq3A_2527 = arith.constant 1 : i32
      %eq3A_2528 = vector.broadcast %eq3A_2527 : i32 to vector<16xi32>
      %eq3A_2529 = arith.cmpi eq, %select_n3A_2521, %eq3A_2528 : vector<16xi32>
      %jit3A_2530 = arith.constant 0 : i32
      %broadcast_in_dim3A_2531 = vector.broadcast %jit3A_2530 : i32 to vector<16xi32>
      %select_n3A_2532 = arith.select %eq3A_2529, %all_reduce_ffs3A_2509, %broadcast_in_dim3A_2531 : vector<16xi1>, vector<16xi32>
      %gather3A_2533 = tpu.vector_load_idx %arg7[%select_n3A_2532] : memref<32xi32, #tpu.memory_space<vmem>>[vector<16xi32>], vector<16xi32>,
      %eq3A_2534 = arith.constant 1 : i32
      %eq3A_2535 = vector.broadcast %eq3A_2534 : i32 to vector<16xi32>
      %eq3A_2536 = arith.cmpi eq, %select_n3A_2521, %eq3A_2535 : vector<16xi32>
      %add3A_2537 = arith.constant 0 : i32
      %add3A_2538 = vector.broadcast %add3A_2537 : i32 to vector<16xi32>
      %add3A_2539 = arith.addi %add3A_2538, %all_reduce_ffs3A_2509 : vector<16xi32>
      %select_n3A_2540 = arith.select %eq3A_2536, %add3A_2539, %broadcast_in_dim3A_5 : vector<16xi1>, vector<16xi32>
      %eq3A_2541 = arith.constant 1 : i32
      %eq3A_2542 = vector.broadcast %eq3A_2541 : i32 to vector<16xi32>
      %eq3A_2543 = arith.cmpi eq, %select_n3A_2521, %eq3A_2542 : vector<16xi32>
      %select_n3A_2544 = arith.select %eq3A_2543, %gather3A_2533, %broadcast_in_dim3A_5 : vector<16xi1>, vector<16xi32>
      %or3A_2545 = arith.ori %broadcast_in_dim3A_5, %select_n3A_2521 : vector<16xi32>
      %add3A_2546 = arith.constant 31 : i32
      %add3A_2547 = vector.broadcast %add3A_2546 : i32 to vector<16xi32>
      %add3A_2548 = arith.addi %add3A_2547, %broadcast_in_dim3A_5 : vector<16xi32>
      %gather3A_2549 = tpu.vector_load_idx %arg7[%add3A_2548] : memref<32xi32, #tpu.memory_space<vmem>>[vector<16xi32>], vector<16xi32>,
      %get3A_2550 = arith.constant 16 : index
      %get3A_2551 = tpu.vector_load %arg6[%get3A_2550] {strides = array<i32>} : memref<256xi32, #tpu.memory_space<vmem>>, vector<16xi32>,
      %broadcast_in_dim3A_2552 = arith.constant true
      %broadcast_in_dim3A_2553 = vector.broadcast %broadcast_in_dim3A_2552 : i1 to vector<16xi1>
      %masked_cumsum3A_2554 = tpu.scan <sum>, %get3A_2551 masked %broadcast_in_dim3A_2553 : vector<16xi32>, vector<16xi1> -> vector<16xi32>
      %add3A_2555 = arith.addi %masked_cumsum3A_2554, %gather3A_2549 : vector<16xi32>
      %ge3A_2556 = arith.cmpi sge, %add3A_2555, %sub3A_2477 : vector<16xi32>
      %all_reduce_population_count3A_2557 = tpu.all_reduce %ge3A_2556 {dim = 0 : i64, kind = #tpu.reduction_kind<sum>} : vector<16xi1> -> vector<16xi32>
      %all_reduce_ffs3A_2558 = tpu.all_reduce %ge3A_2556 {dim = 0 : i64, kind = #tpu.reduction_kind<find_first_set>} : vector<16xi1> -> vector<16xi32>
      %gt3A_2559 = arith.constant 0 : i32
      %gt3A_2560 = vector.broadcast %gt3A_2559 : i32 to vector<16xi32>
      %gt3A_2561 = arith.cmpi sgt, %all_reduce_population_count3A_2557, %gt3A_2560 : vector<16xi32>
      %eq3A_2562 = arith.constant 0 : i32
      %eq3A_2563 = vector.broadcast %eq3A_2562 : i32 to vector<16xi32>
      %eq3A_2564 = arith.cmpi eq, %or3A_2545, %eq3A_2563 : vector<16xi32>
      %and3A_2565 = arith.andi %gt3A_2561, %eq3A_2564 : vector<16xi1>
      %jit3A_2566 = arith.constant 1 : i32
      %jit3A_2567 = arith.constant 0 : i32
      %broadcast_in_dim3A_2568 = vector.broadcast %jit3A_2566 : i32 to vector<16xi32>
      %broadcast_in_dim3A_2569 = vector.broadcast %jit3A_2567 : i32 to vector<16xi32>
      %select_n3A_2570 = arith.select %and3A_2565, %broadcast_in_dim3A_2568, %broadcast_in_dim3A_2569 : vector<16xi1>, vector<16xi32>
      %sub3A_2571 = arith.subi %add3A_2555, %get3A_2551 : vector<16xi32>
      %swap3A_2572 = arith.constant 0 : index
      %swap3A_2573 = tpu.vector_load %arg7[%swap3A_2572] {strides = array<i32>} : memref<32xi32, #tpu.memory_space<vmem>>, vector<16xi32>,
      tpu.vector_store %arg7[%swap3A_2572], %sub3A_2571 {strides = array<i32>} : memref<32xi32, #tpu.memory_space<vmem>>, vector<16xi32>,
      %swap3A_2574 = arith.constant 16 : index
      %swap3A_2575 = tpu.vector_load %arg7[%swap3A_2574] {strides = array<i32>} : memref<32xi32, #tpu.memory_space<vmem>>, vector<16xi32>,
      tpu.vector_store %arg7[%swap3A_2574], %add3A_2555 {strides = array<i32>} : memref<32xi32, #tpu.memory_space<vmem>>, vector<16xi32>,
      %eq3A_2576 = arith.constant 1 : i32
      %eq3A_2577 = vector.broadcast %eq3A_2576 : i32 to vector<16xi32>
      %eq3A_2578 = arith.cmpi eq, %select_n3A_2570, %eq3A_2577 : vector<16xi32>
      %jit3A_2579 = arith.constant 0 : i32
      %broadcast_in_dim3A_2580 = vector.broadcast %jit3A_2579 : i32 to vector<16xi32>
      %select_n3A_2581 = arith.select %eq3A_2578, %all_reduce_ffs3A_2558, %broadcast_in_dim3A_2580 : vector<16xi1>, vector<16xi32>
      %gather3A_2582 = tpu.vector_load_idx %arg7[%select_n3A_2581] : memref<32xi32, #tpu.memory_space<vmem>>[vector<16xi32>], vector<16xi32>,
      %eq3A_2583 = arith.constant 1 : i32
      %eq3A_2584 = vector.broadcast %eq3A_2583 : i32 to vector<16xi32>
      %eq3A_2585 = arith.cmpi eq, %select_n3A_2570, %eq3A_2584 : vector<16xi32>
      %add3A_2586 = arith.constant 16 : i32
      %add3A_2587 = vector.broadcast %add3A_2586 : i32 to vector<16xi32>
      %add3A_2588 = arith.addi %add3A_2587, %all_reduce_ffs3A_2558 : vector<16xi32>
      %select_n3A_2589 = arith.select %eq3A_2585, %add3A_2588, %select_n3A_2540 : vector<16xi1>, vector<16xi32>
      %eq3A_2590 = arith.constant 1 : i32
      %eq3A_2591 = vector.broadcast %eq3A_2590 : i32 to vector<16xi32>
      %eq3A_2592 = arith.cmpi eq, %select_n3A_2570, %eq3A_2591 : vector<16xi32>
      %select_n3A_2593 = arith.select %eq3A_2592, %gather3A_2582, %select_n3A_2544 : vector<16xi1>, vector<16xi32>
      %or3A_2594 = arith.ori %or3A_2545, %select_n3A_2570 : vector<16xi32>
      %add3A_2595 = arith.constant 31 : i32
      %add3A_2596 = vector.broadcast %add3A_2595 : i32 to vector<16xi32>
      %add3A_2597 = arith.addi %add3A_2596, %broadcast_in_dim3A_5 : vector<16xi32>
      %gather3A_2598 = tpu.vector_load_idx %arg7[%add3A_2597] : memref<32xi32, #tpu.memory_space<vmem>>[vector<16xi32>], vector<16xi32>,
      %get3A_2599 = arith.constant 32 : index
      %get3A_2600 = tpu.vector_load %arg6[%get3A_2599] {strides = array<i32>} : memref<256xi32, #tpu.memory_space<vmem>>, vector<16xi32>,
      %broadcast_in_dim3A_2601 = arith.constant true
      %broadcast_in_dim3A_2602 = vector.broadcast %broadcast_in_dim3A_2601 : i1 to vector<16xi1>
      %masked_cumsum3A_2603 = tpu.scan <sum>, %get3A_2600 masked %broadcast_in_dim3A_2602 : vector<16xi32>, vector<16xi1> -> vector<16xi32>
      %add3A_2604 = arith.addi %masked_cumsum3A_2603, %gather3A_2598 : vector<16xi32>
      %ge3A_2605 = arith.cmpi sge, %add3A_2604, %sub3A_2477 : vector<16xi32>
      %all_reduce_population_count3A_2606 = tpu.all_reduce %ge3A_2605 {dim = 0 : i64, kind = #tpu.reduction_kind<sum>} : vector<16xi1> -> vector<16xi32>
      %all_reduce_ffs3A_2607 = tpu.all_reduce %ge3A_2605 {dim = 0 : i64, kind = #tpu.reduction_kind<find_first_set>} : vector<16xi1> -> vector<16xi32>
      %gt3A_2608 = arith.constant 0 : i32
      %gt3A_2609 = vector.broadcast %gt3A_2608 : i32 to vector<16xi32>
      %gt3A_2610 = arith.cmpi sgt, %all_reduce_population_count3A_2606, %gt3A_2609 : vector<16xi32>
      %eq3A_2611 = arith.constant 0 : i32
      %eq3A_2612 = vector.broadcast %eq3A_2611 : i32 to vector<16xi32>
      %eq3A_2613 = arith.cmpi eq, %or3A_2594, %eq3A_2612 : vector<16xi32>
      %and3A_2614 = arith.andi %gt3A_2610, %eq3A_2613 : vector<16xi1>
      %jit3A_2615 = arith.constant 1 : i32
      %jit3A_2616 = arith.constant 0 : i32
      %broadcast_in_dim3A_2617 = vector.broadcast %jit3A_2615 : i32 to vector<16xi32>
      %broadcast_in_dim3A_2618 = vector.broadcast %jit3A_2616 : i32 to vector<16xi32>
      %select_n3A_2619 = arith.select %and3A_2614, %broadcast_in_dim3A_2617, %broadcast_in_dim3A_2618 : vector<16xi1>, vector<16xi32>
      %sub3A_2620 = arith.subi %add3A_2604, %get3A_2600 : vector<16xi32>
      %swap3A_2621 = arith.constant 0 : index
      %swap3A_2622 = tpu.vector_load %arg7[%swap3A_2621] {strides = array<i32>} : memref<32xi32, #tpu.memory_space<vmem>>, vector<16xi32>,
      tpu.vector_store %arg7[%swap3A_2621], %sub3A_2620 {strides = array<i32>} : memref<32xi32, #tpu.memory_space<vmem>>, vector<16xi32>,
      %swap3A_2623 = arith.constant 16 : index
      %swap3A_2624 = tpu.vector_load %arg7[%swap3A_2623] {strides = array<i32>} : memref<32xi32, #tpu.memory_space<vmem>>, vector<16xi32>,
      tpu.vector_store %arg7[%swap3A_2623], %add3A_2604 {strides = array<i32>} : memref<32xi32, #tpu.memory_space<vmem>>, vector<16xi32>,
      %eq3A_2625 = arith.constant 1 : i32
      %eq3A_2626 = vector.broadcast %eq3A_2625 : i32 to vector<16xi32>
      %eq3A_2627 = arith.cmpi eq, %select_n3A_2619, %eq3A_2626 : vector<16xi32>
      %jit3A_2628 = arith.constant 0 : i32
      %broadcast_in_dim3A_2629 = vector.broadcast %jit3A_2628 : i32 to vector<16xi32>
      %select_n3A_2630 = arith.select %eq3A_2627, %all_reduce_ffs3A_2607, %broadcast_in_dim3A_2629 : vector<16xi1>, vector<16xi32>
      %gather3A_2631 = tpu.vector_load_idx %arg7[%select_n3A_2630] : memref<32xi32, #tpu.memory_space<vmem>>[vector<16xi32>], vector<16xi32>,
      %eq3A_2632 = arith.constant 1 : i32
      %eq3A_2633 = vector.broadcast %eq3A_2632 : i32 to vector<16xi32>
      %eq3A_2634 = arith.cmpi eq, %select_n3A_2619, %eq3A_2633 : vector<16xi32>
      %add3A_2635 = arith.constant 32 : i32
      %add3A_2636 = vector.broadcast %add3A_2635 : i32 to vector<16xi32>
      %add3A_2637 = arith.addi %add3A_2636, %all_reduce_ffs3A_2607 : vector<16xi32>
      %select_n3A_2638 = arith.select %eq3A_2634, %add3A_2637, %select_n3A_2589 : vector<16xi1>, vector<16xi32>
      %eq3A_2639 = arith.constant 1 : i32
      %eq3A_2640 = vector.broadcast %eq3A_2639 : i32 to vector<16xi32>
      %eq3A_2641 = arith.cmpi eq, %select_n3A_2619, %eq3A_2640 : vector<16xi32>
      %select_n3A_2642 = arith.select %eq3A_2641, %gather3A_2631, %select_n3A_2593 : vector<16xi1>, vector<16xi32>
      %or3A_2643 = arith.ori %or3A_2594, %select_n3A_2619 : vector<16xi32>
      %add3A_2644 = arith.constant 31 : i32
      %add3A_2645 = vector.broadcast %add3A_2644 : i32 to vector<16xi32>
      %add3A_2646 = arith.addi %add3A_2645, %broadcast_in_dim3A_5 : vector<16xi32>
      %gather3A_2647 = tpu.vector_load_idx %arg7[%add3A_2646] : memref<32xi32, #tpu.memory_space<vmem>>[vector<16xi32>], vector<16xi32>,
      %get3A_2648 = arith.constant 48 : index
      %get3A_2649 = tpu.vector_load %arg6[%get3A_2648] {strides = array<i32>} : memref<256xi32, #tpu.memory_space<vmem>>, vector<16xi32>,
      %broadcast_in_dim3A_2650 = arith.constant true
      %broadcast_in_dim3A_2651 = vector.broadcast %broadcast_in_dim3A_2650 : i1 to vector<16xi1>
      %masked_cumsum3A_2652 = tpu.scan <sum>, %get3A_2649 masked %broadcast_in_dim3A_2651 : vector<16xi32>, vector<16xi1> -> vector<16xi32>
      %add3A_2653 = arith.addi %masked_cumsum3A_2652, %gather3A_2647 : vector<16xi32>
      %ge3A_2654 = arith.cmpi sge, %add3A_2653, %sub3A_2477 : vector<16xi32>
      %all_reduce_population_count3A_2655 = tpu.all_reduce %ge3A_2654 {dim = 0 : i64, kind = #tpu.reduction_kind<sum>} : vector<16xi1> -> vector<16xi32>
      %all_reduce_ffs3A_2656 = tpu.all_reduce %ge3A_2654 {dim = 0 : i64, kind = #tpu.reduction_kind<find_first_set>} : vector<16xi1> -> vector<16xi32>
      %gt3A_2657 = arith.constant 0 : i32
      %gt3A_2658 = vector.broadcast %gt3A_2657 : i32 to vector<16xi32>
      %gt3A_2659 = arith.cmpi sgt, %all_reduce_population_count3A_2655, %gt3A_2658 : vector<16xi32>
      %eq3A_2660 = arith.constant 0 : i32
      %eq3A_2661 = vector.broadcast %eq3A_2660 : i32 to vector<16xi32>
      %eq3A_2662 = arith.cmpi eq, %or3A_2643, %eq3A_2661 : vector<16xi32>
      %and3A_2663 = arith.andi %gt3A_2659, %eq3A_2662 : vector<16xi1>
      %jit3A_2664 = arith.constant 1 : i32
      %jit3A_2665 = arith.constant 0 : i32
      %broadcast_in_dim3A_2666 = vector.broadcast %jit3A_2664 : i32 to vector<16xi32>
      %broadcast_in_dim3A_2667 = vector.broadcast %jit3A_2665 : i32 to vector<16xi32>
      %select_n3A_2668 = arith.select %and3A_2663, %broadcast_in_dim3A_2666, %broadcast_in_dim3A_2667 : vector<16xi1>, vector<16xi32>
      %sub3A_2669 = arith.subi %add3A_2653, %get3A_2649 : vector<16xi32>
      %swap3A_2670 = arith.constant 0 : index
      %swap3A_2671 = tpu.vector_load %arg7[%swap3A_2670] {strides = array<i32>} : memref<32xi32, #tpu.memory_space<vmem>>, vector<16xi32>,
      tpu.vector_store %arg7[%swap3A_2670], %sub3A_2669 {strides = array<i32>} : memref<32xi32, #tpu.memory_space<vmem>>, vector<16xi32>,
      %swap3A_2672 = arith.constant 16 : index
      %swap3A_2673 = tpu.vector_load %arg7[%swap3A_2672] {strides = array<i32>} : memref<32xi32, #tpu.memory_space<vmem>>, vector<16xi32>,
      tpu.vector_store %arg7[%swap3A_2672], %add3A_2653 {strides = array<i32>} : memref<32xi32, #tpu.memory_space<vmem>>, vector<16xi32>,
      %eq3A_2674 = arith.constant 1 : i32
      %eq3A_2675 = vector.broadcast %eq3A_2674 : i32 to vector<16xi32>
      %eq3A_2676 = arith.cmpi eq, %select_n3A_2668, %eq3A_2675 : vector<16xi32>
      %jit3A_2677 = arith.constant 0 : i32
      %broadcast_in_dim3A_2678 = vector.broadcast %jit3A_2677 : i32 to vector<16xi32>
      %select_n3A_2679 = arith.select %eq3A_2676, %all_reduce_ffs3A_2656, %broadcast_in_dim3A_2678 : vector<16xi1>, vector<16xi32>
      %gather3A_2680 = tpu.vector_load_idx %arg7[%select_n3A_2679] : memref<32xi32, #tpu.memory_space<vmem>>[vector<16xi32>], vector<16xi32>,
      %eq3A_2681 = arith.constant 1 : i32
      %eq3A_2682 = vector.broadcast %eq3A_2681 : i32 to vector<16xi32>
      %eq3A_2683 = arith.cmpi eq, %select_n3A_2668, %eq3A_2682 : vector<16xi32>
      %add3A_2684 = arith.constant 48 : i32
      %add3A_2685 = vector.broadcast %add3A_2684 : i32 to vector<16xi32>
      %add3A_2686 = arith.addi %add3A_2685, %all_reduce_ffs3A_2656 : vector<16xi32>
      %select_n3A_2687 = arith.select %eq3A_2683, %add3A_2686, %select_n3A_2638 : vector<16xi1>, vector<16xi32>
      %eq3A_2688 = arith.constant 1 : i32
      %eq3A_2689 = vector.broadcast %eq3A_2688 : i32 to vector<16xi32>
      %eq3A_2690 = arith.cmpi eq, %select_n3A_2668, %eq3A_2689 : vector<16xi32>
      %select_n3A_2691 = arith.select %eq3A_2690, %gather3A_2680, %select_n3A_2642 : vector<16xi1>, vector<16xi32>
      %or3A_2692 = arith.ori %or3A_2643, %select_n3A_2668 : vector<16xi32>
      %add3A_2693 = arith.constant 31 : i32
      %add3A_2694 = vector.broadcast %add3A_2693 : i32 to vector<16xi32>
      %add3A_2695 = arith.addi %add3A_2694, %broadcast_in_dim3A_5 : vector<16xi32>
      %gather3A_2696 = tpu.vector_load_idx %arg7[%add3A_2695] : memref<32xi32, #tpu.memory_space<vmem>>[vector<16xi32>], vector<16xi32>,
      %get3A_2697 = arith.constant 64 : index
      %get3A_2698 = tpu.vector_load %arg6[%get3A_2697] {strides = array<i32>} : memref<256xi32, #tpu.memory_space<vmem>>, vector<16xi32>,
      %broadcast_in_dim3A_2699 = arith.constant true
      %broadcast_in_dim3A_2700 = vector.broadcast %broadcast_in_dim3A_2699 : i1 to vector<16xi1>
      %masked_cumsum3A_2701 = tpu.scan <sum>, %get3A_2698 masked %broadcast_in_dim3A_2700 : vector<16xi32>, vector<16xi1> -> vector<16xi32>
      %add3A_2702 = arith.addi %masked_cumsum3A_2701, %gather3A_2696 : vector<16xi32>
      %ge3A_2703 = arith.cmpi sge, %add3A_2702, %sub3A_2477 : vector<16xi32>
      %all_reduce_population_count3A_2704 = tpu.all_reduce %ge3A_2703 {dim = 0 : i64, kind = #tpu.reduction_kind<sum>} : vector<16xi1> -> vector<16xi32>
      %all_reduce_ffs3A_2705 = tpu.all_reduce %ge3A_2703 {dim = 0 : i64, kind = #tpu.reduction_kind<find_first_set>} : vector<16xi1> -> vector<16xi32>
      %gt3A_2706 = arith.constant 0 : i32
      %gt3A_2707 = vector.broadcast %gt3A_2706 : i32 to vector<16xi32>
      %gt3A_2708 = arith.cmpi sgt, %all_reduce_population_count3A_2704, %gt3A_2707 : vector<16xi32>
      %eq3A_2709 = arith.constant 0 : i32
      %eq3A_2710 = vector.broadcast %eq3A_2709 : i32 to vector<16xi32>
      %eq3A_2711 = arith.cmpi eq, %or3A_2692, %eq3A_2710 : vector<16xi32>
      %and3A_2712 = arith.andi %gt3A_2708, %eq3A_2711 : vector<16xi1>
      %jit3A_2713 = arith.constant 1 : i32
      %jit3A_2714 = arith.constant 0 : i32
      %broadcast_in_dim3A_2715 = vector.broadcast %jit3A_2713 : i32 to vector<16xi32>
      %broadcast_in_dim3A_2716 = vector.broadcast %jit3A_2714 : i32 to vector<16xi32>
      %select_n3A_2717 = arith.select %and3A_2712, %broadcast_in_dim3A_2715, %broadcast_in_dim3A_2716 : vector<16xi1>, vector<16xi32>
      %sub3A_2718 = arith.subi %add3A_2702, %get3A_2698 : vector<16xi32>
      %swap3A_2719 = arith.constant 0 : index
      %swap3A_2720 = tpu.vector_load %arg7[%swap3A_2719] {strides = array<i32>} : memref<32xi32, #tpu.memory_space<vmem>>, vector<16xi32>,
      tpu.vector_store %arg7[%swap3A_2719], %sub3A_2718 {strides = array<i32>} : memref<32xi32, #tpu.memory_space<vmem>>, vector<16xi32>,
      %swap3A_2721 = arith.constant 16 : index
      %swap3A_2722 = tpu.vector_load %arg7[%swap3A_2721] {strides = array<i32>} : memref<32xi32, #tpu.memory_space<vmem>>, vector<16xi32>,
      tpu.vector_store %arg7[%swap3A_2721], %add3A_2702 {strides = array<i32>} : memref<32xi32, #tpu.memory_space<vmem>>, vector<16xi32>,
      %eq3A_2723 = arith.constant 1 : i32
      %eq3A_2724 = vector.broadcast %eq3A_2723 : i32 to vector<16xi32>
      %eq3A_2725 = arith.cmpi eq, %select_n3A_2717, %eq3A_2724 : vector<16xi32>
      %jit3A_2726 = arith.constant 0 : i32
      %broadcast_in_dim3A_2727 = vector.broadcast %jit3A_2726 : i32 to vector<16xi32>
      %select_n3A_2728 = arith.select %eq3A_2725, %all_reduce_ffs3A_2705, %broadcast_in_dim3A_2727 : vector<16xi1>, vector<16xi32>
      %gather3A_2729 = tpu.vector_load_idx %arg7[%select_n3A_2728] : memref<32xi32, #tpu.memory_space<vmem>>[vector<16xi32>], vector<16xi32>,
      %eq3A_2730 = arith.constant 1 : i32
      %eq3A_2731 = vector.broadcast %eq3A_2730 : i32 to vector<16xi32>
      %eq3A_2732 = arith.cmpi eq, %select_n3A_2717, %eq3A_2731 : vector<16xi32>
      %add3A_2733 = arith.constant 64 : i32
      %add3A_2734 = vector.broadcast %add3A_2733 : i32 to vector<16xi32>
      %add3A_2735 = arith.addi %add3A_2734, %all_reduce_ffs3A_2705 : vector<16xi32>
      %select_n3A_2736 = arith.select %eq3A_2732, %add3A_2735, %select_n3A_2687 : vector<16xi1>, vector<16xi32>
      %eq3A_2737 = arith.constant 1 : i32
      %eq3A_2738 = vector.broadcast %eq3A_2737 : i32 to vector<16xi32>
      %eq3A_2739 = arith.cmpi eq, %select_n3A_2717, %eq3A_2738 : vector<16xi32>
      %select_n3A_2740 = arith.select %eq3A_2739, %gather3A_2729, %select_n3A_2691 : vector<16xi1>, vector<16xi32>
      %or3A_2741 = arith.ori %or3A_2692, %select_n3A_2717 : vector<16xi32>
      %add3A_2742 = arith.constant 31 : i32
      %add3A_2743 = vector.broadcast %add3A_2742 : i32 to vector<16xi32>
      %add3A_2744 = arith.addi %add3A_2743, %broadcast_in_dim3A_5 : vector<16xi32>
      %gather3A_2745 = tpu.vector_load_idx %arg7[%add3A_2744] : memref<32xi32, #tpu.memory_space<vmem>>[vector<16xi32>], vector<16xi32>,
      %get3A_2746 = arith.constant 80 : index
      %get3A_2747 = tpu.vector_load %arg6[%get3A_2746] {strides = array<i32>} : memref<256xi32, #tpu.memory_space<vmem>>, vector<16xi32>,
      %broadcast_in_dim3A_2748 = arith.constant true
      %broadcast_in_dim3A_2749 = vector.broadcast %broadcast_in_dim3A_2748 : i1 to vector<16xi1>
      %masked_cumsum3A_2750 = tpu.scan <sum>, %get3A_2747 masked %broadcast_in_dim3A_2749 : vector<16xi32>, vector<16xi1> -> vector<16xi32>
      %add3A_2751 = arith.addi %masked_cumsum3A_2750, %gather3A_2745 : vector<16xi32>
      %ge3A_2752 = arith.cmpi sge, %add3A_2751, %sub3A_2477 : vector<16xi32>
      %all_reduce_population_count3A_2753 = tpu.all_reduce %ge3A_2752 {dim = 0 : i64, kind = #tpu.reduction_kind<sum>} : vector<16xi1> -> vector<16xi32>
      %all_reduce_ffs3A_2754 = tpu.all_reduce %ge3A_2752 {dim = 0 : i64, kind = #tpu.reduction_kind<find_first_set>} : vector<16xi1> -> vector<16xi32>
      %gt3A_2755 = arith.constant 0 : i32
      %gt3A_2756 = vector.broadcast %gt3A_2755 : i32 to vector<16xi32>
      %gt3A_2757 = arith.cmpi sgt, %all_reduce_population_count3A_2753, %gt3A_2756 : vector<16xi32>
      %eq3A_2758 = arith.constant 0 : i32
      %eq3A_2759 = vector.broadcast %eq3A_2758 : i32 to vector<16xi32>
      %eq3A_2760 = arith.cmpi eq, %or3A_2741, %eq3A_2759 : vector<16xi32>
      %and3A_2761 = arith.andi %gt3A_2757, %eq3A_2760 : vector<16xi1>
      %jit3A_2762 = arith.constant 1 : i32
      %jit3A_2763 = arith.constant 0 : i32
      %broadcast_in_dim3A_2764 = vector.broadcast %jit3A_2762 : i32 to vector<16xi32>
      %broadcast_in_dim3A_2765 = vector.broadcast %jit3A_2763 : i32 to vector<16xi32>
      %select_n3A_2766 = arith.select %and3A_2761, %broadcast_in_dim3A_2764, %broadcast_in_dim3A_2765 : vector<16xi1>, vector<16xi32>
      %sub3A_2767 = arith.subi %add3A_2751, %get3A_2747 : vector<16xi32>
      %swap3A_2768 = arith.constant 0 : index
      %swap3A_2769 = tpu.vector_load %arg7[%swap3A_2768] {strides = array<i32>} : memref<32xi32, #tpu.memory_space<vmem>>, vector<16xi32>,
      tpu.vector_store %arg7[%swap3A_2768], %sub3A_2767 {strides = array<i32>} : memref<32xi32, #tpu.memory_space<vmem>>, vector<16xi32>,
      %swap3A_2770 = arith.constant 16 : index
      %swap3A_2771 = tpu.vector_load %arg7[%swap3A_2770] {strides = array<i32>} : memref<32xi32, #tpu.memory_space<vmem>>, vector<16xi32>,
      tpu.vector_store %arg7[%swap3A_2770], %add3A_2751 {strides = array<i32>} : memref<32xi32, #tpu.memory_space<vmem>>, vector<16xi32>,
      %eq3A_2772 = arith.constant 1 : i32
      %eq3A_2773 = vector.broadcast %eq3A_2772 : i32 to vector<16xi32>
      %eq3A_2774 = arith.cmpi eq, %select_n3A_2766, %eq3A_2773 : vector<16xi32>
      %jit3A_2775 = arith.constant 0 : i32
      %broadcast_in_dim3A_2776 = vector.broadcast %jit3A_2775 : i32 to vector<16xi32>
      %select_n3A_2777 = arith.select %eq3A_2774, %all_reduce_ffs3A_2754, %broadcast_in_dim3A_2776 : vector<16xi1>, vector<16xi32>
      %gather3A_2778 = tpu.vector_load_idx %arg7[%select_n3A_2777] : memref<32xi32, #tpu.memory_space<vmem>>[vector<16xi32>], vector<16xi32>,
      %eq3A_2779 = arith.constant 1 : i32
      %eq3A_2780 = vector.broadcast %eq3A_2779 : i32 to vector<16xi32>
      %eq3A_2781 = arith.cmpi eq, %select_n3A_2766, %eq3A_2780 : vector<16xi32>
      %add3A_2782 = arith.constant 80 : i32
      %add3A_2783 = vector.broadcast %add3A_2782 : i32 to vector<16xi32>
      %add3A_2784 = arith.addi %add3A_2783, %all_reduce_ffs3A_2754 : vector<16xi32>
      %select_n3A_2785 = arith.select %eq3A_2781, %add3A_2784, %select_n3A_2736 : vector<16xi1>, vector<16xi32>
      %eq3A_2786 = arith.constant 1 : i32
      %eq3A_2787 = vector.broadcast %eq3A_2786 : i32 to vector<16xi32>
      %eq3A_2788 = arith.cmpi eq, %select_n3A_2766, %eq3A_2787 : vector<16xi32>
      %select_n3A_2789 = arith.select %eq3A_2788, %gather3A_2778, %select_n3A_2740 : vector<16xi1>, vector<16xi32>
      %or3A_2790 = arith.ori %or3A_2741, %select_n3A_2766 : vector<16xi32>
      %add3A_2791 = arith.constant 31 : i32
      %add3A_2792 = vector.broadcast %add3A_2791 : i32 to vector<16xi32>
      %add3A_2793 = arith.addi %add3A_2792, %broadcast_in_dim3A_5 : vector<16xi32>
      %gather3A_2794 = tpu.vector_load_idx %arg7[%add3A_2793] : memref<32xi32, #tpu.memory_space<vmem>>[vector<16xi32>], vector<16xi32>,
      %get3A_2795 = arith.constant 96 : index
      %get3A_2796 = tpu.vector_load %arg6[%get3A_2795] {strides = array<i32>} : memref<256xi32, #tpu.memory_space<vmem>>, vector<16xi32>,
      %broadcast_in_dim3A_2797 = arith.constant true
      %broadcast_in_dim3A_2798 = vector.broadcast %broadcast_in_dim3A_2797 : i1 to vector<16xi1>
      %masked_cumsum3A_2799 = tpu.scan <sum>, %get3A_2796 masked %broadcast_in_dim3A_2798 : vector<16xi32>, vector<16xi1> -> vector<16xi32>
      %add3A_2800 = arith.addi %masked_cumsum3A_2799, %gather3A_2794 : vector<16xi32>
      %ge3A_2801 = arith.cmpi sge, %add3A_2800, %sub3A_2477 : vector<16xi32>
      %all_reduce_population_count3A_2802 = tpu.all_reduce %ge3A_2801 {dim = 0 : i64, kind = #tpu.reduction_kind<sum>} : vector<16xi1> -> vector<16xi32>
      %all_reduce_ffs3A_2803 = tpu.all_reduce %ge3A_2801 {dim = 0 : i64, kind = #tpu.reduction_kind<find_first_set>} : vector<16xi1> -> vector<16xi32>
      %gt3A_2804 = arith.constant 0 : i32
      %gt3A_2805 = vector.broadcast %gt3A_2804 : i32 to vector<16xi32>
      %gt3A_2806 = arith.cmpi sgt, %all_reduce_population_count3A_2802, %gt3A_2805 : vector<16xi32>
      %eq3A_2807 = arith.constant 0 : i32
      %eq3A_2808 = vector.broadcast %eq3A_2807 : i32 to vector<16xi32>
      %eq3A_2809 = arith.cmpi eq, %or3A_2790, %eq3A_2808 : vector<16xi32>
      %and3A_2810 = arith.andi %gt3A_2806, %eq3A_2809 : vector<16xi1>
      %jit3A_2811 = arith.constant 1 : i32
      %jit3A_2812 = arith.constant 0 : i32
      %broadcast_in_dim3A_2813 = vector.broadcast %jit3A_2811 : i32 to vector<16xi32>
      %broadcast_in_dim3A_2814 = vector.broadcast %jit3A_2812 : i32 to vector<16xi32>
      %select_n3A_2815 = arith.select %and3A_2810, %broadcast_in_dim3A_2813, %broadcast_in_dim3A_2814 : vector<16xi1>, vector<16xi32>
      %sub3A_2816 = arith.subi %add3A_2800, %get3A_2796 : vector<16xi32>
      %swap3A_2817 = arith.constant 0 : index
      %swap3A_2818 = tpu.vector_load %arg7[%swap3A_2817] {strides = array<i32>} : memref<32xi32, #tpu.memory_space<vmem>>, vector<16xi32>,
      tpu.vector_store %arg7[%swap3A_2817], %sub3A_2816 {strides = array<i32>} : memref<32xi32, #tpu.memory_space<vmem>>, vector<16xi32>,
      %swap3A_2819 = arith.constant 16 : index
      %swap3A_2820 = tpu.vector_load %arg7[%swap3A_2819] {strides = array<i32>} : memref<32xi32, #tpu.memory_space<vmem>>, vector<16xi32>,
      tpu.vector_store %arg7[%swap3A_2819], %add3A_2800 {strides = array<i32>} : memref<32xi32, #tpu.memory_space<vmem>>, vector<16xi32>,
      %eq3A_2821 = arith.constant 1 : i32
      %eq3A_2822 = vector.broadcast %eq3A_2821 : i32 to vector<16xi32>
      %eq3A_2823 = arith.cmpi eq, %select_n3A_2815, %eq3A_2822 : vector<16xi32>
      %jit3A_2824 = arith.constant 0 : i32
      %broadcast_in_dim3A_2825 = vector.broadcast %jit3A_2824 : i32 to vector<16xi32>
      %select_n3A_2826 = arith.select %eq3A_2823, %all_reduce_ffs3A_2803, %broadcast_in_dim3A_2825 : vector<16xi1>, vector<16xi32>
      %gather3A_2827 = tpu.vector_load_idx %arg7[%select_n3A_2826] : memref<32xi32, #tpu.memory_space<vmem>>[vector<16xi32>], vector<16xi32>,
      %eq3A_2828 = arith.constant 1 : i32
      %eq3A_2829 = vector.broadcast %eq3A_2828 : i32 to vector<16xi32>
      %eq3A_2830 = arith.cmpi eq, %select_n3A_2815, %eq3A_2829 : vector<16xi32>
      %add3A_2831 = arith.constant 96 : i32
      %add3A_2832 = vector.broadcast %add3A_2831 : i32 to vector<16xi32>
      %add3A_2833 = arith.addi %add3A_2832, %all_reduce_ffs3A_2803 : vector<16xi32>
      %select_n3A_2834 = arith.select %eq3A_2830, %add3A_2833, %select_n3A_2785 : vector<16xi1>, vector<16xi32>
      %eq3A_2835 = arith.constant 1 : i32
      %eq3A_2836 = vector.broadcast %eq3A_2835 : i32 to vector<16xi32>
      %eq3A_2837 = arith.cmpi eq, %select_n3A_2815, %eq3A_2836 : vector<16xi32>
      %select_n3A_2838 = arith.select %eq3A_2837, %gather3A_2827, %select_n3A_2789 : vector<16xi1>, vector<16xi32>
      %or3A_2839 = arith.ori %or3A_2790, %select_n3A_2815 : vector<16xi32>
      %add3A_2840 = arith.constant 31 : i32
      %add3A_2841 = vector.broadcast %add3A_2840 : i32 to vector<16xi32>
      %add3A_2842 = arith.addi %add3A_2841, %broadcast_in_dim3A_5 : vector<16xi32>
      %gather3A_2843 = tpu.vector_load_idx %arg7[%add3A_2842] : memref<32xi32, #tpu.memory_space<vmem>>[vector<16xi32>], vector<16xi32>,
      %get3A_2844 = arith.constant 112 : index
      %get3A_2845 = tpu.vector_load %arg6[%get3A_2844] {strides = array<i32>} : memref<256xi32, #tpu.memory_space<vmem>>, vector<16xi32>,
      %broadcast_in_dim3A_2846 = arith.constant true
      %broadcast_in_dim3A_2847 = vector.broadcast %broadcast_in_dim3A_2846 : i1 to vector<16xi1>
      %masked_cumsum3A_2848 = tpu.scan <sum>, %get3A_2845 masked %broadcast_in_dim3A_2847 : vector<16xi32>, vector<16xi1> -> vector<16xi32>
      %add3A_2849 = arith.addi %masked_cumsum3A_2848, %gather3A_2843 : vector<16xi32>
      %ge3A_2850 = arith.cmpi sge, %add3A_2849, %sub3A_2477 : vector<16xi32>
      %all_reduce_population_count3A_2851 = tpu.all_reduce %ge3A_2850 {dim = 0 : i64, kind = #tpu.reduction_kind<sum>} : vector<16xi1> -> vector<16xi32>
      %all_reduce_ffs3A_2852 = tpu.all_reduce %ge3A_2850 {dim = 0 : i64, kind = #tpu.reduction_kind<find_first_set>} : vector<16xi1> -> vector<16xi32>
      %gt3A_2853 = arith.constant 0 : i32
      %gt3A_2854 = vector.broadcast %gt3A_2853 : i32 to vector<16xi32>
      %gt3A_2855 = arith.cmpi sgt, %all_reduce_population_count3A_2851, %gt3A_2854 : vector<16xi32>
      %eq3A_2856 = arith.constant 0 : i32
      %eq3A_2857 = vector.broadcast %eq3A_2856 : i32 to vector<16xi32>
      %eq3A_2858 = arith.cmpi eq, %or3A_2839, %eq3A_2857 : vector<16xi32>
      %and3A_2859 = arith.andi %gt3A_2855, %eq3A_2858 : vector<16xi1>
      %jit3A_2860 = arith.constant 1 : i32
      %jit3A_2861 = arith.constant 0 : i32
      %broadcast_in_dim3A_2862 = vector.broadcast %jit3A_2860 : i32 to vector<16xi32>
      %broadcast_in_dim3A_2863 = vector.broadcast %jit3A_2861 : i32 to vector<16xi32>
      %select_n3A_2864 = arith.select %and3A_2859, %broadcast_in_dim3A_2862, %broadcast_in_dim3A_2863 : vector<16xi1>, vector<16xi32>
      %sub3A_2865 = arith.subi %add3A_2849, %get3A_2845 : vector<16xi32>
      %swap3A_2866 = arith.constant 0 : index
      %swap3A_2867 = tpu.vector_load %arg7[%swap3A_2866] {strides = array<i32>} : memref<32xi32, #tpu.memory_space<vmem>>, vector<16xi32>,
      tpu.vector_store %arg7[%swap3A_2866], %sub3A_2865 {strides = array<i32>} : memref<32xi32, #tpu.memory_space<vmem>>, vector<16xi32>,
      %swap3A_2868 = arith.constant 16 : index
      %swap3A_2869 = tpu.vector_load %arg7[%swap3A_2868] {strides = array<i32>} : memref<32xi32, #tpu.memory_space<vmem>>, vector<16xi32>,
      tpu.vector_store %arg7[%swap3A_2868], %add3A_2849 {strides = array<i32>} : memref<32xi32, #tpu.memory_space<vmem>>, vector<16xi32>,
      %eq3A_2870 = arith.constant 1 : i32
      %eq3A_2871 = vector.broadcast %eq3A_2870 : i32 to vector<16xi32>
      %eq3A_2872 = arith.cmpi eq, %select_n3A_2864, %eq3A_2871 : vector<16xi32>
      %jit3A_2873 = arith.constant 0 : i32
      %broadcast_in_dim3A_2874 = vector.broadcast %jit3A_2873 : i32 to vector<16xi32>
      %select_n3A_2875 = arith.select %eq3A_2872, %all_reduce_ffs3A_2852, %broadcast_in_dim3A_2874 : vector<16xi1>, vector<16xi32>
      %gather3A_2876 = tpu.vector_load_idx %arg7[%select_n3A_2875] : memref<32xi32, #tpu.memory_space<vmem>>[vector<16xi32>], vector<16xi32>,
      %eq3A_2877 = arith.constant 1 : i32
      %eq3A_2878 = vector.broadcast %eq3A_2877 : i32 to vector<16xi32>
      %eq3A_2879 = arith.cmpi eq, %select_n3A_2864, %eq3A_2878 : vector<16xi32>
      %add3A_2880 = arith.constant 112 : i32
      %add3A_2881 = vector.broadcast %add3A_2880 : i32 to vector<16xi32>
      %add3A_2882 = arith.addi %add3A_2881, %all_reduce_ffs3A_2852 : vector<16xi32>
      %select_n3A_2883 = arith.select %eq3A_2879, %add3A_2882, %select_n3A_2834 : vector<16xi1>, vector<16xi32>
      %eq3A_2884 = arith.constant 1 : i32
      %eq3A_2885 = vector.broadcast %eq3A_2884 : i32 to vector<16xi32>
      %eq3A_2886 = arith.cmpi eq, %select_n3A_2864, %eq3A_2885 : vector<16xi32>
      %select_n3A_2887 = arith.select %eq3A_2886, %gather3A_2876, %select_n3A_2838 : vector<16xi1>, vector<16xi32>
      %or3A_2888 = arith.ori %or3A_2839, %select_n3A_2864 : vector<16xi32>
      %add3A_2889 = arith.constant 31 : i32
      %add3A_2890 = vector.broadcast %add3A_2889 : i32 to vector<16xi32>
      %add3A_2891 = arith.addi %add3A_2890, %broadcast_in_dim3A_5 : vector<16xi32>
      %gather3A_2892 = tpu.vector_load_idx %arg7[%add3A_2891] : memref<32xi32, #tpu.memory_space<vmem>>[vector<16xi32>], vector<16xi32>,
      %shift_left3A_2893 = arith.constant 7 : i32
      %shift_left3A_2894 = vector.broadcast %shift_left3A_2893 : i32 to vector<16xi32>
      %shift_left3A_2895 = arith.shli %or3A_2476, %shift_left3A_2894 : vector<16xi32>
      %or3A_2896 = arith.ori %shift_left3A_2895, %select_n3A_2883 : vector<16xi32>
      %sub3A_2897 = arith.subi %sub3A_2477, %select_n3A_2887 : vector<16xi32>
      %sub3A_2898 = arith.constant 1 : i32
      %sub3A_2899 = vector.broadcast %sub3A_2898 : i32 to vector<16xi32>
      %sub3A_2900 = arith.subi %or3A_2896, %sub3A_2899 : vector<16xi32>
      %mul3A_2901 = arith.constant 4096 : i32
      %mul3A_2902 = arith.muli %add3A, %mul3A_2901 : i32
      %broadcast_in_dim3A_2903 = arith.constant 0 : i32
      %broadcast_in_dim3A_2904 = vector.broadcast %broadcast_in_dim3A_2903 : i32 to vector<16xi32>
      %scan3A_2905 = arith.constant 0 : i32
      %scan3A_2906 = arith.constant 64 : i32
      %scan3A_2907 = arith.addi %scan3A_2905, %scan3A_2906 : i32
      %scan3A_2908 = arith.constant 1 : i32
      %scan3A_2909:2 = scf.for %scan3A_2911 = %scan3A_2905 to %scan3A_2907 step %scan3A_2908 iter_args(%scan3A_2912 = %broadcast_in_dim3A_2904, %scan3A_2913 = %broadcast_in_dim3A_2904) -> (vector<16xi32>, vector<16xi32>)  : i32 {
        %mul3A_2914 = arith.constant 4 : i32
        %mul3A_2915 = arith.muli %scan3A_2911, %mul3A_2914 : i32
        %add3A_2916 = arith.constant 0 : i32
        %add3A_2917 = arith.addi %mul3A_2915, %add3A_2916 : i32
        %mul3A_2918 = arith.constant 16 : i32
        %mul3A_2919 = arith.muli %add3A_2917, %mul3A_2918 : i32
        %get3A_2920 = arith.index_cast %mul3A_2919 : i32 to index
        %get3A_2921 = tpu.vector_load %arg4[%get3A_2920] {strides = array<i32>} : memref<4096xf32, #tpu.memory_space<vmem>>, vector<16xf32>,
        %bitcast3A = vector.bitcast %get3A_2921 : vector<16xf32> to vector<16xi32>
        %mul3A_2922 = arith.constant 16 : i32
        %mul3A_2923 = arith.muli %add3A_2917, %mul3A_2922 : i32
        %add3A_2924 = vector.broadcast %mul3A_2923 : i32 to vector<16xi32>
        %add3A_2925 = arith.addi %iota3A, %add3A_2924 : vector<16xi32>
        %ge3A_2926 = arith.constant 4086 : i32
        %ge3A_2927 = vector.broadcast %ge3A_2926 : i32 to vector<16xi32>
        %ge3A_2928 = arith.cmpi sge, %add3A_2925, %ge3A_2927 : vector<16xi32>
        %select_n3A_2929 = arith.select %ge3A_2928, %broadcast_in_dim3A_7, %bitcast3A : vector<16xi1>, vector<16xi32>
        %mul3A_2930 = arith.constant 16 : i32
        %mul3A_2931 = arith.muli %add3A_2917, %mul3A_2930 : i32
        %add3A_2932 = arith.addi %mul3A_2902, %mul3A_2931 : i32
        %add3A_2933 = vector.broadcast %add3A_2932 : i32 to vector<16xi32>
        %add3A_2934 = arith.addi %iota3A, %add3A_2933 : vector<16xi32>
        %lt3A_2935 = arith.cmpi slt, %select_n3A_2929, %sub3A_2900 : vector<16xi32>
        %eq3A_2936 = arith.cmpi eq, %select_n3A_2929, %sub3A_2900 : vector<16xi32>
        %jit3A_2937 = arith.constant 1 : i32
        %jit3A_2938 = arith.constant 0 : i32
        %broadcast_in_dim3A_2939 = vector.broadcast %jit3A_2937 : i32 to vector<16xi32>
        %broadcast_in_dim3A_2940 = vector.broadcast %jit3A_2938 : i32 to vector<16xi32>
        %select_n3A_2941 = arith.select %eq3A_2936, %broadcast_in_dim3A_2939, %broadcast_in_dim3A_2940 : vector<16xi1>, vector<16xi32>
        %broadcast_in_dim3A_2942 = arith.constant true
        %broadcast_in_dim3A_2943 = vector.broadcast %broadcast_in_dim3A_2942 : i1 to vector<16xi1>
        %masked_cumsum3A_2944 = tpu.scan <sum>, %select_n3A_2941 masked %broadcast_in_dim3A_2943 : vector<16xi32>, vector<16xi1> -> vector<16xi32>
        %add3A_2945 = arith.addi %masked_cumsum3A_2944, %scan3A_2913 : vector<16xi32>
        %le3A = arith.cmpi sle, %add3A_2945, %sub3A_2897 : vector<16xi32>
        %and3A_2946 = arith.andi %eq3A_2936, %le3A : vector<16xi1>
        %or3A_2947 = arith.ori %lt3A_2935, %and3A_2946 : vector<16xi1>
        %jit3A_2948 = arith.constant 1 : i32
        %jit3A_2949 = arith.constant 0 : i32
        %broadcast_in_dim3A_2950 = vector.broadcast %jit3A_2948 : i32 to vector<16xi32>
        %broadcast_in_dim3A_2951 = vector.broadcast %jit3A_2949 : i32 to vector<16xi32>
        %select_n3A_2952 = arith.select %or3A_2947, %broadcast_in_dim3A_2950, %broadcast_in_dim3A_2951 : vector<16xi1>, vector<16xi32>
        %broadcast_in_dim3A_2953 = arith.constant true
        %broadcast_in_dim3A_2954 = vector.broadcast %broadcast_in_dim3A_2953 : i1 to vector<16xi1>
        %masked_cumsum3A_2955 = tpu.scan <sum>, %select_n3A_2952 masked %broadcast_in_dim3A_2954 : vector<16xi32>, vector<16xi1> -> vector<16xi32>
        %add3A_2956 = arith.addi %scan3A_2912, %masked_cumsum3A_2955 : vector<16xi32>
        %sub3A_2957 = arith.subi %add3A_2956, %select_n3A_2952 : vector<16xi32>
        tpu.vector_store_idx %arg5[%sub3A_2957], %add3A_2934 masked %or3A_2947 : memref<2064xi32, #tpu.memory_space<vmem>>[vector<16xi32>], vector<16xi32>, vector<16xi1>
        %all_reduce_population_count3A_2958 = tpu.all_reduce %or3A_2947 {dim = 0 : i64, kind = #tpu.reduction_kind<sum>} : vector<16xi1> -> vector<16xi32>
        %add3A_2959 = arith.addi %scan3A_2912, %all_reduce_population_count3A_2958 : vector<16xi32>
        %all_reduce_population_count3A_2960 = tpu.all_reduce %eq3A_2936 {dim = 0 : i64, kind = #tpu.reduction_kind<sum>} : vector<16xi1> -> vector<16xi32>
        %add3A_2961 = arith.addi %scan3A_2913, %all_reduce_population_count3A_2960 : vector<16xi32>
        %mul3A_2962 = arith.constant 4 : i32
        %mul3A_2963 = arith.muli %scan3A_2911, %mul3A_2962 : i32
        %add3A_2964 = arith.constant 1 : i32
        %add3A_2965 = arith.addi %mul3A_2963, %add3A_2964 : i32
        %mul3A_2966 = arith.constant 16 : i32
        %mul3A_2967 = arith.muli %add3A_2965, %mul3A_2966 : i32
        %get3A_2968 = arith.index_cast %mul3A_2967 : i32 to index
        %get3A_2969 = tpu.vector_load %arg4[%get3A_2968] {strides = array<i32>} : memref<4096xf32, #tpu.memory_space<vmem>>, vector<16xf32>,
        %bitcast3A_2970 = vector.bitcast %get3A_2969 : vector<16xf32> to vector<16xi32>
        %mul3A_2971 = arith.constant 16 : i32
        %mul3A_2972 = arith.muli %add3A_2965, %mul3A_2971 : i32
        %add3A_2973 = vector.broadcast %mul3A_2972 : i32 to vector<16xi32>
        %add3A_2974 = arith.addi %iota3A, %add3A_2973 : vector<16xi32>
        %ge3A_2975 = arith.constant 4086 : i32
        %ge3A_2976 = vector.broadcast %ge3A_2975 : i32 to vector<16xi32>
        %ge3A_2977 = arith.cmpi sge, %add3A_2974, %ge3A_2976 : vector<16xi32>
        %select_n3A_2978 = arith.select %ge3A_2977, %broadcast_in_dim3A_7, %bitcast3A_2970 : vector<16xi1>, vector<16xi32>
        %mul3A_2979 = arith.constant 16 : i32
        %mul3A_2980 = arith.muli %add3A_2965, %mul3A_2979 : i32
        %add3A_2981 = arith.addi %mul3A_2902, %mul3A_2980 : i32
        %add3A_2982 = vector.broadcast %add3A_2981 : i32 to vector<16xi32>
        %add3A_2983 = arith.addi %iota3A, %add3A_2982 : vector<16xi32>
        %lt3A_2984 = arith.cmpi slt, %select_n3A_2978, %sub3A_2900 : vector<16xi32>
        %eq3A_2985 = arith.cmpi eq, %select_n3A_2978, %sub3A_2900 : vector<16xi32>
        %jit3A_2986 = arith.constant 1 : i32
        %jit3A_2987 = arith.constant 0 : i32
        %broadcast_in_dim3A_2988 = vector.broadcast %jit3A_2986 : i32 to vector<16xi32>
        %broadcast_in_dim3A_2989 = vector.broadcast %jit3A_2987 : i32 to vector<16xi32>
        %select_n3A_2990 = arith.select %eq3A_2985, %broadcast_in_dim3A_2988, %broadcast_in_dim3A_2989 : vector<16xi1>, vector<16xi32>
        %broadcast_in_dim3A_2991 = arith.constant true
        %broadcast_in_dim3A_2992 = vector.broadcast %broadcast_in_dim3A_2991 : i1 to vector<16xi1>
        %masked_cumsum3A_2993 = tpu.scan <sum>, %select_n3A_2990 masked %broadcast_in_dim3A_2992 : vector<16xi32>, vector<16xi1> -> vector<16xi32>
        %add3A_2994 = arith.addi %masked_cumsum3A_2993, %add3A_2961 : vector<16xi32>
        %le3A_2995 = arith.cmpi sle, %add3A_2994, %sub3A_2897 : vector<16xi32>
        %and3A_2996 = arith.andi %eq3A_2985, %le3A_2995 : vector<16xi1>
        %or3A_2997 = arith.ori %lt3A_2984, %and3A_2996 : vector<16xi1>
        %jit3A_2998 = arith.constant 1 : i32
        %jit3A_2999 = arith.constant 0 : i32
        %broadcast_in_dim3A_3000 = vector.broadcast %jit3A_2998 : i32 to vector<16xi32>
        %broadcast_in_dim3A_3001 = vector.broadcast %jit3A_2999 : i32 to vector<16xi32>
        %select_n3A_3002 = arith.select %or3A_2997, %broadcast_in_dim3A_3000, %broadcast_in_dim3A_3001 : vector<16xi1>, vector<16xi32>
        %broadcast_in_dim3A_3003 = arith.constant true
        %broadcast_in_dim3A_3004 = vector.broadcast %broadcast_in_dim3A_3003 : i1 to vector<16xi1>
        %masked_cumsum3A_3005 = tpu.scan <sum>, %select_n3A_3002 masked %broadcast_in_dim3A_3004 : vector<16xi32>, vector<16xi1> -> vector<16xi32>
        %add3A_3006 = arith.addi %add3A_2959, %masked_cumsum3A_3005 : vector<16xi32>
        %sub3A_3007 = arith.subi %add3A_3006, %select_n3A_3002 : vector<16xi32>
        tpu.vector_store_idx %arg5[%sub3A_3007], %add3A_2983 masked %or3A_2997 : memref<2064xi32, #tpu.memory_space<vmem>>[vector<16xi32>], vector<16xi32>, vector<16xi1>
        %all_reduce_population_count3A_3008 = tpu.all_reduce %or3A_2997 {dim = 0 : i64, kind = #tpu.reduction_kind<sum>} : vector<16xi1> -> vector<16xi32>
        %add3A_3009 = arith.addi %add3A_2959, %all_reduce_population_count3A_3008 : vector<16xi32>
        %all_reduce_population_count3A_3010 = tpu.all_reduce %eq3A_2985 {dim = 0 : i64, kind = #tpu.reduction_kind<sum>} : vector<16xi1> -> vector<16xi32>
        %add3A_3011 = arith.addi %add3A_2961, %all_reduce_population_count3A_3010 : vector<16xi32>
        %mul3A_3012 = arith.constant 4 : i32
        %mul3A_3013 = arith.muli %scan3A_2911, %mul3A_3012 : i32
        %add3A_3014 = arith.constant 2 : i32
        %add3A_3015 = arith.addi %mul3A_3013, %add3A_3014 : i32
        %mul3A_3016 = arith.constant 16 : i32
        %mul3A_3017 = arith.muli %add3A_3015, %mul3A_3016 : i32
        %get3A_3018 = arith.index_cast %mul3A_3017 : i32 to index
        %get3A_3019 = tpu.vector_load %arg4[%get3A_3018] {strides = array<i32>} : memref<4096xf32, #tpu.memory_space<vmem>>, vector<16xf32>,
        %bitcast3A_3020 = vector.bitcast %get3A_3019 : vector<16xf32> to vector<16xi32>
        %mul3A_3021 = arith.constant 16 : i32
        %mul3A_3022 = arith.muli %add3A_3015, %mul3A_3021 : i32
        %add3A_3023 = vector.broadcast %mul3A_3022 : i32 to vector<16xi32>
        %add3A_3024 = arith.addi %iota3A, %add3A_3023 : vector<16xi32>
        %ge3A_3025 = arith.constant 4086 : i32
        %ge3A_3026 = vector.broadcast %ge3A_3025 : i32 to vector<16xi32>
        %ge3A_3027 = arith.cmpi sge, %add3A_3024, %ge3A_3026 : vector<16xi32>
        %select_n3A_3028 = arith.select %ge3A_3027, %broadcast_in_dim3A_7, %bitcast3A_3020 : vector<16xi1>, vector<16xi32>
        %mul3A_3029 = arith.constant 16 : i32
        %mul3A_3030 = arith.muli %add3A_3015, %mul3A_3029 : i32
        %add3A_3031 = arith.addi %mul3A_2902, %mul3A_3030 : i32
        %add3A_3032 = vector.broadcast %add3A_3031 : i32 to vector<16xi32>
        %add3A_3033 = arith.addi %iota3A, %add3A_3032 : vector<16xi32>
        %lt3A_3034 = arith.cmpi slt, %select_n3A_3028, %sub3A_2900 : vector<16xi32>
        %eq3A_3035 = arith.cmpi eq, %select_n3A_3028, %sub3A_2900 : vector<16xi32>
        %jit3A_3036 = arith.constant 1 : i32
        %jit3A_3037 = arith.constant 0 : i32
        %broadcast_in_dim3A_3038 = vector.broadcast %jit3A_3036 : i32 to vector<16xi32>
        %broadcast_in_dim3A_3039 = vector.broadcast %jit3A_3037 : i32 to vector<16xi32>
        %select_n3A_3040 = arith.select %eq3A_3035, %broadcast_in_dim3A_3038, %broadcast_in_dim3A_3039 : vector<16xi1>, vector<16xi32>
        %broadcast_in_dim3A_3041 = arith.constant true
        %broadcast_in_dim3A_3042 = vector.broadcast %broadcast_in_dim3A_3041 : i1 to vector<16xi1>
        %masked_cumsum3A_3043 = tpu.scan <sum>, %select_n3A_3040 masked %broadcast_in_dim3A_3042 : vector<16xi32>, vector<16xi1> -> vector<16xi32>
        %add3A_3044 = arith.addi %masked_cumsum3A_3043, %add3A_3011 : vector<16xi32>
        %le3A_3045 = arith.cmpi sle, %add3A_3044, %sub3A_2897 : vector<16xi32>
        %and3A_3046 = arith.andi %eq3A_3035, %le3A_3045 : vector<16xi1>
        %or3A_3047 = arith.ori %lt3A_3034, %and3A_3046 : vector<16xi1>
        %jit3A_3048 = arith.constant 1 : i32
        %jit3A_3049 = arith.constant 0 : i32
        %broadcast_in_dim3A_3050 = vector.broadcast %jit3A_3048 : i32 to vector<16xi32>
        %broadcast_in_dim3A_3051 = vector.broadcast %jit3A_3049 : i32 to vector<16xi32>
        %select_n3A_3052 = arith.select %or3A_3047, %broadcast_in_dim3A_3050, %broadcast_in_dim3A_3051 : vector<16xi1>, vector<16xi32>
        %broadcast_in_dim3A_3053 = arith.constant true
        %broadcast_in_dim3A_3054 = vector.broadcast %broadcast_in_dim3A_3053 : i1 to vector<16xi1>
        %masked_cumsum3A_3055 = tpu.scan <sum>, %select_n3A_3052 masked %broadcast_in_dim3A_3054 : vector<16xi32>, vector<16xi1> -> vector<16xi32>
        %add3A_3056 = arith.addi %add3A_3009, %masked_cumsum3A_3055 : vector<16xi32>
        %sub3A_3057 = arith.subi %add3A_3056, %select_n3A_3052 : vector<16xi32>
        tpu.vector_store_idx %arg5[%sub3A_3057], %add3A_3033 masked %or3A_3047 : memref<2064xi32, #tpu.memory_space<vmem>>[vector<16xi32>], vector<16xi32>, vector<16xi1>
        %all_reduce_population_count3A_3058 = tpu.all_reduce %or3A_3047 {dim = 0 : i64, kind = #tpu.reduction_kind<sum>} : vector<16xi1> -> vector<16xi32>
        %add3A_3059 = arith.addi %add3A_3009, %all_reduce_population_count3A_3058 : vector<16xi32>
        %all_reduce_population_count3A_3060 = tpu.all_reduce %eq3A_3035 {dim = 0 : i64, kind = #tpu.reduction_kind<sum>} : vector<16xi1> -> vector<16xi32>
        %add3A_3061 = arith.addi %add3A_3011, %all_reduce_population_count3A_3060 : vector<16xi32>
        %mul3A_3062 = arith.constant 4 : i32
        %mul3A_3063 = arith.muli %scan3A_2911, %mul3A_3062 : i32
        %add3A_3064 = arith.constant 3 : i32
        %add3A_3065 = arith.addi %mul3A_3063, %add3A_3064 : i32
        %mul3A_3066 = arith.constant 16 : i32
        %mul3A_3067 = arith.muli %add3A_3065, %mul3A_3066 : i32
        %get3A_3068 = arith.index_cast %mul3A_3067 : i32 to index
        %get3A_3069 = tpu.vector_load %arg4[%get3A_3068] {strides = array<i32>} : memref<4096xf32, #tpu.memory_space<vmem>>, vector<16xf32>,
        %bitcast3A_3070 = vector.bitcast %get3A_3069 : vector<16xf32> to vector<16xi32>
        %mul3A_3071 = arith.constant 16 : i32
        %mul3A_3072 = arith.muli %add3A_3065, %mul3A_3071 : i32
        %add3A_3073 = vector.broadcast %mul3A_3072 : i32 to vector<16xi32>
        %add3A_3074 = arith.addi %iota3A, %add3A_3073 : vector<16xi32>
        %ge3A_3075 = arith.constant 4086 : i32
        %ge3A_3076 = vector.broadcast %ge3A_3075 : i32 to vector<16xi32>
        %ge3A_3077 = arith.cmpi sge, %add3A_3074, %ge3A_3076 : vector<16xi32>
        %select_n3A_3078 = arith.select %ge3A_3077, %broadcast_in_dim3A_7, %bitcast3A_3070 : vector<16xi1>, vector<16xi32>
        %mul3A_3079 = arith.constant 16 : i32
        %mul3A_3080 = arith.muli %add3A_3065, %mul3A_3079 : i32
        %add3A_3081 = arith.addi %mul3A_2902, %mul3A_3080 : i32
        %add3A_3082 = vector.broadcast %add3A_3081 : i32 to vector<16xi32>
        %add3A_3083 = arith.addi %iota3A, %add3A_3082 : vector<16xi32>
        %lt3A_3084 = arith.cmpi slt, %select_n3A_3078, %sub3A_2900 : vector<16xi32>
        %eq3A_3085 = arith.cmpi eq, %select_n3A_3078, %sub3A_2900 : vector<16xi32>
        %jit3A_3086 = arith.constant 1 : i32
        %jit3A_3087 = arith.constant 0 : i32
        %broadcast_in_dim3A_3088 = vector.broadcast %jit3A_3086 : i32 to vector<16xi32>
        %broadcast_in_dim3A_3089 = vector.broadcast %jit3A_3087 : i32 to vector<16xi32>
        %select_n3A_3090 = arith.select %eq3A_3085, %broadcast_in_dim3A_3088, %broadcast_in_dim3A_3089 : vector<16xi1>, vector<16xi32>
        %broadcast_in_dim3A_3091 = arith.constant true
        %broadcast_in_dim3A_3092 = vector.broadcast %broadcast_in_dim3A_3091 : i1 to vector<16xi1>
        %masked_cumsum3A_3093 = tpu.scan <sum>, %select_n3A_3090 masked %broadcast_in_dim3A_3092 : vector<16xi32>, vector<16xi1> -> vector<16xi32>
        %add3A_3094 = arith.addi %masked_cumsum3A_3093, %add3A_3061 : vector<16xi32>
        %le3A_3095 = arith.cmpi sle, %add3A_3094, %sub3A_2897 : vector<16xi32>
        %and3A_3096 = arith.andi %eq3A_3085, %le3A_3095 : vector<16xi1>
        %or3A_3097 = arith.ori %lt3A_3084, %and3A_3096 : vector<16xi1>
        %jit3A_3098 = arith.constant 1 : i32
        %jit3A_3099 = arith.constant 0 : i32
        %broadcast_in_dim3A_3100 = vector.broadcast %jit3A_3098 : i32 to vector<16xi32>
        %broadcast_in_dim3A_3101 = vector.broadcast %jit3A_3099 : i32 to vector<16xi32>
        %select_n3A_3102 = arith.select %or3A_3097, %broadcast_in_dim3A_3100, %broadcast_in_dim3A_3101 : vector<16xi1>, vector<16xi32>
        %broadcast_in_dim3A_3103 = arith.constant true
        %broadcast_in_dim3A_3104 = vector.broadcast %broadcast_in_dim3A_3103 : i1 to vector<16xi1>
        %masked_cumsum3A_3105 = tpu.scan <sum>, %select_n3A_3102 masked %broadcast_in_dim3A_3104 : vector<16xi32>, vector<16xi1> -> vector<16xi32>
        %add3A_3106 = arith.addi %add3A_3059, %masked_cumsum3A_3105 : vector<16xi32>
        %sub3A_3107 = arith.subi %add3A_3106, %select_n3A_3102 : vector<16xi32>
        tpu.vector_store_idx %arg5[%sub3A_3107], %add3A_3083 masked %or3A_3097 : memref<2064xi32, #tpu.memory_space<vmem>>[vector<16xi32>], vector<16xi32>, vector<16xi1>
        %all_reduce_population_count3A_3108 = tpu.all_reduce %or3A_3097 {dim = 0 : i64, kind = #tpu.reduction_kind<sum>} : vector<16xi1> -> vector<16xi32>
        %add3A_3109 = arith.addi %add3A_3059, %all_reduce_population_count3A_3108 : vector<16xi32>
        %all_reduce_population_count3A_3110 = tpu.all_reduce %eq3A_3085 {dim = 0 : i64, kind = #tpu.reduction_kind<sum>} : vector<16xi1> -> vector<16xi32>
        %add3A_3111 = arith.addi %add3A_3061, %all_reduce_population_count3A_3110 : vector<16xi32>
        scf.yield %add3A_3109, %add3A_3111 : vector<16xi32>, vector<16xi32>
      }
      %scan3A_2910 = arith.constant 64 : i32
      "tpu.region"() ({
        %run_scoped3A = tpu.sem_alloc : memref<!tpu.dma_semaphore, #tpu.memory_space<semaphore_mem>>
        %dma_start3A = arith.constant 0 : i32
        %dma_start3A_2911 = tpu.memref_slice %arg5[%dma_start3A] : memref<2064xi32, #tpu.memory_space<vmem>> -> memref<2048xi32, #tpu.memory_space<vmem>>
        %dma_start3A_2912 = arith.constant 0 : i32
        %dma_start3A_2913 = tpu.memref_slice %arg3[%add3A, %dma_start3A_2912] : memref<16x2048xi32, #tpu.memory_space<hbm>> -> memref<1x2048xi32, #tpu.memory_space<hbm>>
        %dma_start3A_2914 = tpu.memref_squeeze %dma_start3A_2913 : memref<1x2048xi32, #tpu.memory_space<hbm>> -> memref<2048xi32, #tpu.memory_space<hbm>>
        %dma_start3A_2915 = arith.constant 0 : i32
        %dma_start3A_2916 = tpu.memref_slice %arg3[%add3A, %dma_start3A_2915] : memref<16x2048xi32, #tpu.memory_space<hbm>> -> memref<1x2048xi32, #tpu.memory_space<hbm>>
        %dma_start3A_2917 = tpu.memref_squeeze %dma_start3A_2916 : memref<1x2048xi32, #tpu.memory_space<hbm>> -> memref<2048xi32, #tpu.memory_space<hbm>>
        %dma_start3A_2918 = arith.constant 0 : i32
        %dma_start3A_2919 = tpu.memref_slice %arg5[%dma_start3A_2918] : memref<2064xi32, #tpu.memory_space<vmem>> -> memref<2048xi32, #tpu.memory_space<vmem>>
        tpu.enqueue_dma source(%dma_start3A_2919 : memref<2048xi32, #tpu.memory_space<vmem>>) target(%dma_start3A_2917 : memref<2048xi32, #tpu.memory_space<hbm>>) target_semaphore(%run_scoped3A : memref<!tpu.dma_semaphore, #tpu.memory_space<semaphore_mem>>)
        %dma_wait3A = arith.constant 0 : i32
        %dma_wait3A_2920 = tpu.memref_slice %arg5[%dma_wait3A] : memref<2064xi32, #tpu.memory_space<vmem>> -> memref<2048xi32, #tpu.memory_space<vmem>>
        %dma_wait3A_2921 = arith.constant 0 : i32
        %dma_wait3A_2922 = tpu.memref_slice %arg3[%add3A, %dma_wait3A_2921] : memref<16x2048xi32, #tpu.memory_space<hbm>> -> memref<1x2048xi32, #tpu.memory_space<hbm>>
        %dma_wait3A_2923 = tpu.memref_squeeze %dma_wait3A_2922 : memref<1x2048xi32, #tpu.memory_space<hbm>> -> memref<2048xi32, #tpu.memory_space<hbm>>
        %dma_wait3A_2924 = arith.constant 0 : i32
        %dma_wait3A_2925 = tpu.memref_slice %arg3[%add3A, %dma_wait3A_2924] : memref<16x2048xi32, #tpu.memory_space<hbm>> -> memref<1x2048xi32, #tpu.memory_space<hbm>>
        %dma_wait3A_2926 = tpu.memref_squeeze %dma_wait3A_2925 : memref<1x2048xi32, #tpu.memory_space<hbm>> -> memref<2048xi32, #tpu.memory_space<hbm>>
        %dma_wait3A_2927 = arith.constant 0 : i32
        %dma_wait3A_2928 = tpu.memref_slice %arg5[%dma_wait3A_2927] : memref<2064xi32, #tpu.memory_space<vmem>> -> memref<2048xi32, #tpu.memory_space<vmem>>
        tpu.wait_dma2 semaphore(%run_scoped3A : memref<!tpu.dma_semaphore, #tpu.memory_space<semaphore_mem>>) src(%dma_wait3A_2928 : memref<2048xi32, #tpu.memory_space<vmem>>) dst(%dma_wait3A_2926 : memref<2048xi32, #tpu.memory_space<hbm>>)
        tpu.yield
      }) : () -> ()
    } else {
    }
    return
  }
}

#map = affine_map<(d0, d1) -> (0, 0)>
#map1 = affine_map<(d0, d1) -> (0)>
module attributes {stable_mosaic.version = 14 : i64} {
  func.func @_gather_body(%arg0: i32, %arg1: i32, %arg2: memref<65536x1024xf32, #tpu.memory_space<hbm>>, %arg3: memref<65536x1024xf32, #tpu.memory_space<hbm>>, %arg4: memref<32768xi32, #tpu.memory_space<hbm>>, %arg5: memref<32768x1024xf32, #tpu.memory_space<hbm>>, %arg6: memref<32768x1024xf32, #tpu.memory_space<hbm>>, %arg7: memref<1024xi32, #tpu.memory_space<vmem>>, %arg8: memref<8x1024xf32, #tpu.memory_space<vmem>>, %arg9: memref<8x1024xf32, #tpu.memory_space<vmem>>, %arg10: memref<8x1024xf32, #tpu.memory_space<vmem>>, %arg11: memref<8x1024xf32, #tpu.memory_space<vmem>>, %arg12: memref<8x1024xf32, #tpu.memory_space<vmem>>, %arg13: memref<8x1024xf32, #tpu.memory_space<vmem>>, %arg14: memref<8x1024xf32, #tpu.memory_space<vmem>>, %arg15: memref<8x1024xf32, #tpu.memory_space<vmem>>, %arg16: memref<!tpu.dma_semaphore, #tpu.memory_space<semaphore_mem>>, %arg17: memref<!tpu.dma_semaphore, #tpu.memory_space<semaphore_mem>>, %arg18: memref<!tpu.dma_semaphore, #tpu.memory_space<semaphore_mem>>, %arg19: memref<!tpu.dma_semaphore, #tpu.memory_space<semaphore_mem>>, %arg20: memref<!tpu.dma_semaphore, #tpu.memory_space<semaphore_mem>>, %arg21: memref<!tpu.dma_semaphore, #tpu.memory_space<semaphore_mem>>, %arg22: memref<!tpu.dma_semaphore, #tpu.memory_space<semaphore_mem>>, %arg23: memref<!tpu.dma_semaphore, #tpu.memory_space<semaphore_mem>>, %arg24: memref<!tpu.dma_semaphore, #tpu.memory_space<semaphore_mem>>, %arg25: memref<!tpu.dma_semaphore, #tpu.memory_space<semaphore_mem>>, %arg26: memref<!tpu.dma_semaphore, #tpu.memory_space<semaphore_mem>>, %arg27: memref<!tpu.dma_semaphore, #tpu.memory_space<semaphore_mem>>, %arg28: memref<!tpu.dma_semaphore, #tpu.memory_space<semaphore_mem>>, %arg29: memref<!tpu.dma_semaphore, #tpu.memory_space<semaphore_mem>>, %arg30: memref<!tpu.dma_semaphore, #tpu.memory_space<semaphore_mem>>, %arg31: memref<!tpu.dma_semaphore, #tpu.memory_space<semaphore_mem>>) attributes {dimension_semantics = [#tpu.dimension_semantics<core_parallel>, #tpu.dimension_semantics<subcore_parallel>], iteration_bounds = array<i64: 2, 16>, scalar_prefetch = 0 : i64, scratch_operands = 25 : i64, tpu.core_type = #tpu.core_type<sc_vector_subcore>, window_params = [{transform_indices = #map}, {transform_indices = #map}, {transform_indices = #map1}, {transform_indices = #map}, {transform_indices = #map}]} {
    %mul3A = arith.constant 2 : i32
    %mul3A_0 = arith.muli %arg1, %mul3A : i32
    %add3A = arith.addi %mul3A_0, %arg0 : i32
    %mul3A_1 = arith.constant 1024 : i32
    %mul3A_2 = arith.muli %add3A, %mul3A_1 : i32
    "tpu.region"() ({
      %run_scoped3A = tpu.sem_alloc : memref<!tpu.dma_semaphore, #tpu.memory_space<semaphore_mem>>
      %dma_start3A_43 = tpu.memref_slice %arg4[%mul3A_2] : memref<32768xi32, #tpu.memory_space<hbm>> -> memref<1024xi32, #tpu.memory_space<hbm>>
      %dma_start3A_44 = tpu.memref_slice %arg4[%mul3A_2] : memref<32768xi32, #tpu.memory_space<hbm>> -> memref<1024xi32, #tpu.memory_space<hbm>>
      tpu.enqueue_dma source(%dma_start3A_44 : memref<1024xi32, #tpu.memory_space<hbm>>) target(%arg7 : memref<1024xi32, #tpu.memory_space<vmem>>) target_semaphore(%run_scoped3A : memref<!tpu.dma_semaphore, #tpu.memory_space<semaphore_mem>>)
      %dma_wait3A_45 = tpu.memref_slice %arg4[%mul3A_2] : memref<32768xi32, #tpu.memory_space<hbm>> -> memref<1024xi32, #tpu.memory_space<hbm>>
      %dma_wait3A_46 = tpu.memref_slice %arg4[%mul3A_2] : memref<32768xi32, #tpu.memory_space<hbm>> -> memref<1024xi32, #tpu.memory_space<hbm>>
      tpu.wait_dma2 semaphore(%run_scoped3A : memref<!tpu.dma_semaphore, #tpu.memory_space<semaphore_mem>>) src(%dma_wait3A_46 : memref<1024xi32, #tpu.memory_space<hbm>>) dst(%arg7 : memref<1024xi32, #tpu.memory_space<vmem>>)
      tpu.yield
    }) : () -> ()
    %dma_start3A = arith.constant 0 : i32
    %dma_start3A_3 = tpu.memref_slice %arg7[%dma_start3A] : memref<1024xi32, #tpu.memory_space<vmem>> -> memref<8xi32, #tpu.memory_space<vmem>>
    %dma_start3A_4 = arith.constant 0 : i32
    %dma_start3A_5 = arith.constant 0 : i32
    %dma_start3A_6 = tpu.memref_slice %arg2[%dma_start3A_4, %dma_start3A_5] : memref<65536x1024xf32, #tpu.memory_space<hbm>> -> memref<65536x1024xf32, #tpu.memory_space<hbm>>
    tpu.enqueue_indirect_dma source(%dma_start3A_6 : memref<65536x1024xf32, #tpu.memory_space<hbm>>) target(%arg8 : memref<8x1024xf32, #tpu.memory_space<vmem>>) offsets(%dma_start3A_3 : memref<8xi32, #tpu.memory_space<vmem>>) semaphore(%arg16 : memref<!tpu.dma_semaphore, #tpu.memory_space<semaphore_mem>>)
    %dma_start3A_7 = arith.constant 0 : i32
    %dma_start3A_8 = tpu.memref_slice %arg7[%dma_start3A_7] : memref<1024xi32, #tpu.memory_space<vmem>> -> memref<8xi32, #tpu.memory_space<vmem>>
    %dma_start3A_9 = arith.constant 0 : i32
    %dma_start3A_10 = arith.constant 0 : i32
    %dma_start3A_11 = tpu.memref_slice %arg3[%dma_start3A_9, %dma_start3A_10] : memref<65536x1024xf32, #tpu.memory_space<hbm>> -> memref<65536x1024xf32, #tpu.memory_space<hbm>>
    tpu.enqueue_indirect_dma source(%dma_start3A_11 : memref<65536x1024xf32, #tpu.memory_space<hbm>>) target(%arg12 : memref<8x1024xf32, #tpu.memory_space<vmem>>) offsets(%dma_start3A_8 : memref<8xi32, #tpu.memory_space<vmem>>) semaphore(%arg20 : memref<!tpu.dma_semaphore, #tpu.memory_space<semaphore_mem>>)
    %dma_start3A_12 = arith.constant 8 : i32
    %dma_start3A_13 = tpu.memref_slice %arg7[%dma_start3A_12] : memref<1024xi32, #tpu.memory_space<vmem>> -> memref<8xi32, #tpu.memory_space<vmem>>
    %dma_start3A_14 = arith.constant 0 : i32
    %dma_start3A_15 = arith.constant 0 : i32
    %dma_start3A_16 = tpu.memref_slice %arg2[%dma_start3A_14, %dma_start3A_15] : memref<65536x1024xf32, #tpu.memory_space<hbm>> -> memref<65536x1024xf32, #tpu.memory_space<hbm>>
    tpu.enqueue_indirect_dma source(%dma_start3A_16 : memref<65536x1024xf32, #tpu.memory_space<hbm>>) target(%arg9 : memref<8x1024xf32, #tpu.memory_space<vmem>>) offsets(%dma_start3A_13 : memref<8xi32, #tpu.memory_space<vmem>>) semaphore(%arg17 : memref<!tpu.dma_semaphore, #tpu.memory_space<semaphore_mem>>)
    %dma_start3A_17 = arith.constant 8 : i32
    %dma_start3A_18 = tpu.memref_slice %arg7[%dma_start3A_17] : memref<1024xi32, #tpu.memory_space<vmem>> -> memref<8xi32, #tpu.memory_space<vmem>>
    %dma_start3A_19 = arith.constant 0 : i32
    %dma_start3A_20 = arith.constant 0 : i32
    %dma_start3A_21 = tpu.memref_slice %arg3[%dma_start3A_19, %dma_start3A_20] : memref<65536x1024xf32, #tpu.memory_space<hbm>> -> memref<65536x1024xf32, #tpu.memory_space<hbm>>
    tpu.enqueue_indirect_dma source(%dma_start3A_21 : memref<65536x1024xf32, #tpu.memory_space<hbm>>) target(%arg13 : memref<8x1024xf32, #tpu.memory_space<vmem>>) offsets(%dma_start3A_18 : memref<8xi32, #tpu.memory_space<vmem>>) semaphore(%arg21 : memref<!tpu.dma_semaphore, #tpu.memory_space<semaphore_mem>>)
    %scan3A = arith.constant 0 : i32
    %scan3A_22 = arith.constant 0 : i32
    %scan3A_23 = arith.constant 32 : i32
    %scan3A_24 = arith.addi %scan3A_22, %scan3A_23 : i32
    %scan3A_25 = arith.constant 1 : i32
    %scan3A_26 = scf.for %scan3A_43 = %scan3A_22 to %scan3A_24 step %scan3A_25 iter_args(%scan3A_44 = %scan3A) -> (i32)  : i32 {
      %mul3A_45 = arith.constant 4 : i32
      %mul3A_46 = arith.muli %scan3A_43, %mul3A_45 : i32
      %add3A_47 = arith.constant 0 : i32
      %add3A_48 = arith.addi %mul3A_46, %add3A_47 : i32
      %mul3A_49 = arith.constant 8 : i32
      %mul3A_50 = arith.muli %add3A_48, %mul3A_49 : i32
      %add3A_51 = arith.addi %mul3A_2, %mul3A_50 : i32
      %dma_wait3A_52 = arith.constant 0 : i32
      %dma_wait3A_53 = tpu.memref_slice %arg7[%dma_wait3A_52] : memref<1024xi32, #tpu.memory_space<vmem>> -> memref<8xi32, #tpu.memory_space<vmem>>
      %dma_wait3A_54 = arith.constant 0 : i32
      %dma_wait3A_55 = arith.constant 0 : i32
      %dma_wait3A_56 = tpu.memref_slice %arg2[%dma_wait3A_54, %dma_wait3A_55] : memref<65536x1024xf32, #tpu.memory_space<hbm>> -> memref<65536x1024xf32, #tpu.memory_space<hbm>>
      tpu.wait_indirect_dma semaphore(%arg16 : memref<!tpu.dma_semaphore, #tpu.memory_space<semaphore_mem>>) src(%dma_wait3A_56 : memref<65536x1024xf32, #tpu.memory_space<hbm>>) dst(%arg8 : memref<8x1024xf32, #tpu.memory_space<vmem>>)
      %dma_wait3A_57 = arith.constant 0 : i32
      %dma_wait3A_58 = tpu.memref_slice %arg7[%dma_wait3A_57] : memref<1024xi32, #tpu.memory_space<vmem>> -> memref<8xi32, #tpu.memory_space<vmem>>
      %dma_wait3A_59 = arith.constant 0 : i32
      %dma_wait3A_60 = arith.constant 0 : i32
      %dma_wait3A_61 = tpu.memref_slice %arg3[%dma_wait3A_59, %dma_wait3A_60] : memref<65536x1024xf32, #tpu.memory_space<hbm>> -> memref<65536x1024xf32, #tpu.memory_space<hbm>>
      tpu.wait_indirect_dma semaphore(%arg20 : memref<!tpu.dma_semaphore, #tpu.memory_space<semaphore_mem>>) src(%dma_wait3A_61 : memref<65536x1024xf32, #tpu.memory_space<hbm>>) dst(%arg12 : memref<8x1024xf32, #tpu.memory_space<vmem>>)
      %dma_start3A_62 = arith.constant 0 : i32
      %dma_start3A_63 = tpu.memref_slice %arg5[%add3A_51, %dma_start3A_62] : memref<32768x1024xf32, #tpu.memory_space<hbm>> -> memref<8x1024xf32, #tpu.memory_space<hbm>>
      %dma_start3A_64 = arith.constant 0 : i32
      %dma_start3A_65 = tpu.memref_slice %arg5[%add3A_51, %dma_start3A_64] : memref<32768x1024xf32, #tpu.memory_space<hbm>> -> memref<8x1024xf32, #tpu.memory_space<hbm>>
      tpu.enqueue_dma source(%arg8 : memref<8x1024xf32, #tpu.memory_space<vmem>>) target(%dma_start3A_65 : memref<8x1024xf32, #tpu.memory_space<hbm>>) target_semaphore(%arg24 : memref<!tpu.dma_semaphore, #tpu.memory_space<semaphore_mem>>)
      %dma_start3A_66 = arith.constant 0 : i32
      %dma_start3A_67 = tpu.memref_slice %arg6[%add3A_51, %dma_start3A_66] : memref<32768x1024xf32, #tpu.memory_space<hbm>> -> memref<8x1024xf32, #tpu.memory_space<hbm>>
      %dma_start3A_68 = arith.constant 0 : i32
      %dma_start3A_69 = tpu.memref_slice %arg6[%add3A_51, %dma_start3A_68] : memref<32768x1024xf32, #tpu.memory_space<hbm>> -> memref<8x1024xf32, #tpu.memory_space<hbm>>
      tpu.enqueue_dma source(%arg12 : memref<8x1024xf32, #tpu.memory_space<vmem>>) target(%dma_start3A_69 : memref<8x1024xf32, #tpu.memory_space<hbm>>) target_semaphore(%arg28 : memref<!tpu.dma_semaphore, #tpu.memory_space<semaphore_mem>>)
      %ge3A = arith.constant 2 : i32
      %ge3A_70 = arith.cmpi sge, %add3A_48, %ge3A : i32
      %convert_element_type3A = arith.extui %ge3A_70 : i1 to i32
      %cond3A = arith.constant 0 : i32
      %cond3A_71 = arith.cmpi ne, %convert_element_type3A, %cond3A : i32
      scf.if %cond3A_71 {
        %dma_wait3A_190 = arith.constant 0 : i32
        %dma_wait3A_191 = tpu.memref_slice %arg5[%mul3A_2, %dma_wait3A_190] : memref<32768x1024xf32, #tpu.memory_space<hbm>> -> memref<8x1024xf32, #tpu.memory_space<hbm>>
        %dma_wait3A_192 = arith.constant 0 : i32
        %dma_wait3A_193 = tpu.memref_slice %arg5[%mul3A_2, %dma_wait3A_192] : memref<32768x1024xf32, #tpu.memory_space<hbm>> -> memref<8x1024xf32, #tpu.memory_space<hbm>>
        tpu.wait_dma2 semaphore(%arg26 : memref<!tpu.dma_semaphore, #tpu.memory_space<semaphore_mem>>) src(%arg10 : memref<8x1024xf32, #tpu.memory_space<vmem>>) dst(%dma_wait3A_193 : memref<8x1024xf32, #tpu.memory_space<hbm>>)
        %dma_wait3A_194 = arith.constant 0 : i32
        %dma_wait3A_195 = tpu.memref_slice %arg6[%mul3A_2, %dma_wait3A_194] : memref<32768x1024xf32, #tpu.memory_space<hbm>> -> memref<8x1024xf32, #tpu.memory_space<hbm>>
        %dma_wait3A_196 = arith.constant 0 : i32
        %dma_wait3A_197 = tpu.memref_slice %arg6[%mul3A_2, %dma_wait3A_196] : memref<32768x1024xf32, #tpu.memory_space<hbm>> -> memref<8x1024xf32, #tpu.memory_space<hbm>>
        tpu.wait_dma2 semaphore(%arg30 : memref<!tpu.dma_semaphore, #tpu.memory_space<semaphore_mem>>) src(%arg14 : memref<8x1024xf32, #tpu.memory_space<vmem>>) dst(%dma_wait3A_197 : memref<8x1024xf32, #tpu.memory_space<hbm>>)
      } else {
      }
      %add3A_72 = arith.constant 2 : i32
      %add3A_73 = arith.addi %add3A_48, %add3A_72 : i32
      %lt3A = arith.constant 128 : i32
      %lt3A_74 = arith.cmpi slt, %add3A_73, %lt3A : i32
      %convert_element_type3A_75 = arith.extui %lt3A_74 : i1 to i32
      %cond3A_76 = arith.constant 0 : i32
      %cond3A_77 = arith.cmpi ne, %convert_element_type3A_75, %cond3A_76 : i32
      scf.if %cond3A_77 {
        %add3A_190 = arith.constant 2 : i32
        %add3A_191 = arith.addi %add3A_48, %add3A_190 : i32
        %mul3A_192 = arith.constant 8 : i32
        %mul3A_193 = arith.muli %add3A_191, %mul3A_192 : i32
        %dma_start3A_194 = tpu.memref_slice %arg7[%mul3A_193] : memref<1024xi32, #tpu.memory_space<vmem>> -> memref<8xi32, #tpu.memory_space<vmem>>
        %dma_start3A_195 = arith.constant 0 : i32
        %dma_start3A_196 = arith.constant 0 : i32
        %dma_start3A_197 = tpu.memref_slice %arg2[%dma_start3A_195, %dma_start3A_196] : memref<65536x1024xf32, #tpu.memory_space<hbm>> -> memref<65536x1024xf32, #tpu.memory_space<hbm>>
        tpu.enqueue_indirect_dma source(%dma_start3A_197 : memref<65536x1024xf32, #tpu.memory_space<hbm>>) target(%arg10 : memref<8x1024xf32, #tpu.memory_space<vmem>>) offsets(%dma_start3A_194 : memref<8xi32, #tpu.memory_space<vmem>>) semaphore(%arg18 : memref<!tpu.dma_semaphore, #tpu.memory_space<semaphore_mem>>)
        %mul3A_198 = arith.constant 8 : i32
        %mul3A_199 = arith.muli %add3A_191, %mul3A_198 : i32
        %dma_start3A_200 = tpu.memref_slice %arg7[%mul3A_199] : memref<1024xi32, #tpu.memory_space<vmem>> -> memref<8xi32, #tpu.memory_space<vmem>>
        %dma_start3A_201 = arith.constant 0 : i32
        %dma_start3A_202 = arith.constant 0 : i32
        %dma_start3A_203 = tpu.memref_slice %arg3[%dma_start3A_201, %dma_start3A_202] : memref<65536x1024xf32, #tpu.memory_space<hbm>> -> memref<65536x1024xf32, #tpu.memory_space<hbm>>
        tpu.enqueue_indirect_dma source(%dma_start3A_203 : memref<65536x1024xf32, #tpu.memory_space<hbm>>) target(%arg14 : memref<8x1024xf32, #tpu.memory_space<vmem>>) offsets(%dma_start3A_200 : memref<8xi32, #tpu.memory_space<vmem>>) semaphore(%arg22 : memref<!tpu.dma_semaphore, #tpu.memory_space<semaphore_mem>>)
      } else {
      }
      %mul3A_78 = arith.constant 4 : i32
      %mul3A_79 = arith.muli %scan3A_43, %mul3A_78 : i32
      %add3A_80 = arith.constant 1 : i32
      %add3A_81 = arith.addi %mul3A_79, %add3A_80 : i32
      %mul3A_82 = arith.constant 8 : i32
      %mul3A_83 = arith.muli %add3A_81, %mul3A_82 : i32
      %add3A_84 = arith.addi %mul3A_2, %mul3A_83 : i32
      %dma_wait3A_85 = arith.constant 0 : i32
      %dma_wait3A_86 = tpu.memref_slice %arg7[%dma_wait3A_85] : memref<1024xi32, #tpu.memory_space<vmem>> -> memref<8xi32, #tpu.memory_space<vmem>>
      %dma_wait3A_87 = arith.constant 0 : i32
      %dma_wait3A_88 = arith.constant 0 : i32
      %dma_wait3A_89 = tpu.memref_slice %arg2[%dma_wait3A_87, %dma_wait3A_88] : memref<65536x1024xf32, #tpu.memory_space<hbm>> -> memref<65536x1024xf32, #tpu.memory_space<hbm>>
      tpu.wait_indirect_dma semaphore(%arg17 : memref<!tpu.dma_semaphore, #tpu.memory_space<semaphore_mem>>) src(%dma_wait3A_89 : memref<65536x1024xf32, #tpu.memory_space<hbm>>) dst(%arg9 : memref<8x1024xf32, #tpu.memory_space<vmem>>)
      %dma_wait3A_90 = arith.constant 0 : i32
      %dma_wait3A_91 = tpu.memref_slice %arg7[%dma_wait3A_90] : memref<1024xi32, #tpu.memory_space<vmem>> -> memref<8xi32, #tpu.memory_space<vmem>>
      %dma_wait3A_92 = arith.constant 0 : i32
      %dma_wait3A_93 = arith.constant 0 : i32
      %dma_wait3A_94 = tpu.memref_slice %arg3[%dma_wait3A_92, %dma_wait3A_93] : memref<65536x1024xf32, #tpu.memory_space<hbm>> -> memref<65536x1024xf32, #tpu.memory_space<hbm>>
      tpu.wait_indirect_dma semaphore(%arg21 : memref<!tpu.dma_semaphore, #tpu.memory_space<semaphore_mem>>) src(%dma_wait3A_94 : memref<65536x1024xf32, #tpu.memory_space<hbm>>) dst(%arg13 : memref<8x1024xf32, #tpu.memory_space<vmem>>)
      %dma_start3A_95 = arith.constant 0 : i32
      %dma_start3A_96 = tpu.memref_slice %arg5[%add3A_84, %dma_start3A_95] : memref<32768x1024xf32, #tpu.memory_space<hbm>> -> memref<8x1024xf32, #tpu.memory_space<hbm>>
      %dma_start3A_97 = arith.constant 0 : i32
      %dma_start3A_98 = tpu.memref_slice %arg5[%add3A_84, %dma_start3A_97] : memref<32768x1024xf32, #tpu.memory_space<hbm>> -> memref<8x1024xf32, #tpu.memory_space<hbm>>
      tpu.enqueue_dma source(%arg9 : memref<8x1024xf32, #tpu.memory_space<vmem>>) target(%dma_start3A_98 : memref<8x1024xf32, #tpu.memory_space<hbm>>) target_semaphore(%arg25 : memref<!tpu.dma_semaphore, #tpu.memory_space<semaphore_mem>>)
      %dma_start3A_99 = arith.constant 0 : i32
      %dma_start3A_100 = tpu.memref_slice %arg6[%add3A_84, %dma_start3A_99] : memref<32768x1024xf32, #tpu.memory_space<hbm>> -> memref<8x1024xf32, #tpu.memory_space<hbm>>
      %dma_start3A_101 = arith.constant 0 : i32
      %dma_start3A_102 = tpu.memref_slice %arg6[%add3A_84, %dma_start3A_101] : memref<32768x1024xf32, #tpu.memory_space<hbm>> -> memref<8x1024xf32, #tpu.memory_space<hbm>>
      tpu.enqueue_dma source(%arg13 : memref<8x1024xf32, #tpu.memory_space<vmem>>) target(%dma_start3A_102 : memref<8x1024xf32, #tpu.memory_space<hbm>>) target_semaphore(%arg29 : memref<!tpu.dma_semaphore, #tpu.memory_space<semaphore_mem>>)
      %ge3A_103 = arith.constant 2 : i32
      %ge3A_104 = arith.cmpi sge, %add3A_81, %ge3A_103 : i32
      %convert_element_type3A_105 = arith.extui %ge3A_104 : i1 to i32
      %cond3A_106 = arith.constant 0 : i32
      %cond3A_107 = arith.cmpi ne, %convert_element_type3A_105, %cond3A_106 : i32
      scf.if %cond3A_107 {
        %dma_wait3A_190 = arith.constant 0 : i32
        %dma_wait3A_191 = tpu.memref_slice %arg5[%mul3A_2, %dma_wait3A_190] : memref<32768x1024xf32, #tpu.memory_space<hbm>> -> memref<8x1024xf32, #tpu.memory_space<hbm>>
        %dma_wait3A_192 = arith.constant 0 : i32
        %dma_wait3A_193 = tpu.memref_slice %arg5[%mul3A_2, %dma_wait3A_192] : memref<32768x1024xf32, #tpu.memory_space<hbm>> -> memref<8x1024xf32, #tpu.memory_space<hbm>>
        tpu.wait_dma2 semaphore(%arg27 : memref<!tpu.dma_semaphore, #tpu.memory_space<semaphore_mem>>) src(%arg11 : memref<8x1024xf32, #tpu.memory_space<vmem>>) dst(%dma_wait3A_193 : memref<8x1024xf32, #tpu.memory_space<hbm>>)
        %dma_wait3A_194 = arith.constant 0 : i32
        %dma_wait3A_195 = tpu.memref_slice %arg6[%mul3A_2, %dma_wait3A_194] : memref<32768x1024xf32, #tpu.memory_space<hbm>> -> memref<8x1024xf32, #tpu.memory_space<hbm>>
        %dma_wait3A_196 = arith.constant 0 : i32
        %dma_wait3A_197 = tpu.memref_slice %arg6[%mul3A_2, %dma_wait3A_196] : memref<32768x1024xf32, #tpu.memory_space<hbm>> -> memref<8x1024xf32, #tpu.memory_space<hbm>>
        tpu.wait_dma2 semaphore(%arg31 : memref<!tpu.dma_semaphore, #tpu.memory_space<semaphore_mem>>) src(%arg15 : memref<8x1024xf32, #tpu.memory_space<vmem>>) dst(%dma_wait3A_197 : memref<8x1024xf32, #tpu.memory_space<hbm>>)
      } else {
      }
      %add3A_108 = arith.constant 2 : i32
      %add3A_109 = arith.addi %add3A_81, %add3A_108 : i32
      %lt3A_110 = arith.constant 128 : i32
      %lt3A_111 = arith.cmpi slt, %add3A_109, %lt3A_110 : i32
      %convert_element_type3A_112 = arith.extui %lt3A_111 : i1 to i32
      %cond3A_113 = arith.constant 0 : i32
      %cond3A_114 = arith.cmpi ne, %convert_element_type3A_112, %cond3A_113 : i32
      scf.if %cond3A_114 {
        %add3A_190 = arith.constant 2 : i32
        %add3A_191 = arith.addi %add3A_81, %add3A_190 : i32
        %mul3A_192 = arith.constant 8 : i32
        %mul3A_193 = arith.muli %add3A_191, %mul3A_192 : i32
        %dma_start3A_194 = tpu.memref_slice %arg7[%mul3A_193] : memref<1024xi32, #tpu.memory_space<vmem>> -> memref<8xi32, #tpu.memory_space<vmem>>
        %dma_start3A_195 = arith.constant 0 : i32
        %dma_start3A_196 = arith.constant 0 : i32
        %dma_start3A_197 = tpu.memref_slice %arg2[%dma_start3A_195, %dma_start3A_196] : memref<65536x1024xf32, #tpu.memory_space<hbm>> -> memref<65536x1024xf32, #tpu.memory_space<hbm>>
        tpu.enqueue_indirect_dma source(%dma_start3A_197 : memref<65536x1024xf32, #tpu.memory_space<hbm>>) target(%arg11 : memref<8x1024xf32, #tpu.memory_space<vmem>>) offsets(%dma_start3A_194 : memref<8xi32, #tpu.memory_space<vmem>>) semaphore(%arg19 : memref<!tpu.dma_semaphore, #tpu.memory_space<semaphore_mem>>)
        %mul3A_198 = arith.constant 8 : i32
        %mul3A_199 = arith.muli %add3A_191, %mul3A_198 : i32
        %dma_start3A_200 = tpu.memref_slice %arg7[%mul3A_199] : memref<1024xi32, #tpu.memory_space<vmem>> -> memref<8xi32, #tpu.memory_space<vmem>>
        %dma_start3A_201 = arith.constant 0 : i32
        %dma_start3A_202 = arith.constant 0 : i32
        %dma_start3A_203 = tpu.memref_slice %arg3[%dma_start3A_201, %dma_start3A_202] : memref<65536x1024xf32, #tpu.memory_space<hbm>> -> memref<65536x1024xf32, #tpu.memory_space<hbm>>
        tpu.enqueue_indirect_dma source(%dma_start3A_203 : memref<65536x1024xf32, #tpu.memory_space<hbm>>) target(%arg15 : memref<8x1024xf32, #tpu.memory_space<vmem>>) offsets(%dma_start3A_200 : memref<8xi32, #tpu.memory_space<vmem>>) semaphore(%arg23 : memref<!tpu.dma_semaphore, #tpu.memory_space<semaphore_mem>>)
      } else {
      }
      %mul3A_115 = arith.constant 4 : i32
      %mul3A_116 = arith.muli %scan3A_43, %mul3A_115 : i32
      %add3A_117 = arith.constant 2 : i32
      %add3A_118 = arith.addi %mul3A_116, %add3A_117 : i32
      %mul3A_119 = arith.constant 8 : i32
      %mul3A_120 = arith.muli %add3A_118, %mul3A_119 : i32
      %add3A_121 = arith.addi %mul3A_2, %mul3A_120 : i32
      %dma_wait3A_122 = arith.constant 0 : i32
      %dma_wait3A_123 = tpu.memref_slice %arg7[%dma_wait3A_122] : memref<1024xi32, #tpu.memory_space<vmem>> -> memref<8xi32, #tpu.memory_space<vmem>>
      %dma_wait3A_124 = arith.constant 0 : i32
      %dma_wait3A_125 = arith.constant 0 : i32
      %dma_wait3A_126 = tpu.memref_slice %arg2[%dma_wait3A_124, %dma_wait3A_125] : memref<65536x1024xf32, #tpu.memory_space<hbm>> -> memref<65536x1024xf32, #tpu.memory_space<hbm>>
      tpu.wait_indirect_dma semaphore(%arg18 : memref<!tpu.dma_semaphore, #tpu.memory_space<semaphore_mem>>) src(%dma_wait3A_126 : memref<65536x1024xf32, #tpu.memory_space<hbm>>) dst(%arg10 : memref<8x1024xf32, #tpu.memory_space<vmem>>)
      %dma_wait3A_127 = arith.constant 0 : i32
      %dma_wait3A_128 = tpu.memref_slice %arg7[%dma_wait3A_127] : memref<1024xi32, #tpu.memory_space<vmem>> -> memref<8xi32, #tpu.memory_space<vmem>>
      %dma_wait3A_129 = arith.constant 0 : i32
      %dma_wait3A_130 = arith.constant 0 : i32
      %dma_wait3A_131 = tpu.memref_slice %arg3[%dma_wait3A_129, %dma_wait3A_130] : memref<65536x1024xf32, #tpu.memory_space<hbm>> -> memref<65536x1024xf32, #tpu.memory_space<hbm>>
      tpu.wait_indirect_dma semaphore(%arg22 : memref<!tpu.dma_semaphore, #tpu.memory_space<semaphore_mem>>) src(%dma_wait3A_131 : memref<65536x1024xf32, #tpu.memory_space<hbm>>) dst(%arg14 : memref<8x1024xf32, #tpu.memory_space<vmem>>)
      %dma_start3A_132 = arith.constant 0 : i32
      %dma_start3A_133 = tpu.memref_slice %arg5[%add3A_121, %dma_start3A_132] : memref<32768x1024xf32, #tpu.memory_space<hbm>> -> memref<8x1024xf32, #tpu.memory_space<hbm>>
      %dma_start3A_134 = arith.constant 0 : i32
      %dma_start3A_135 = tpu.memref_slice %arg5[%add3A_121, %dma_start3A_134] : memref<32768x1024xf32, #tpu.memory_space<hbm>> -> memref<8x1024xf32, #tpu.memory_space<hbm>>
      tpu.enqueue_dma source(%arg10 : memref<8x1024xf32, #tpu.memory_space<vmem>>) target(%dma_start3A_135 : memref<8x1024xf32, #tpu.memory_space<hbm>>) target_semaphore(%arg26 : memref<!tpu.dma_semaphore, #tpu.memory_space<semaphore_mem>>)
      %dma_start3A_136 = arith.constant 0 : i32
      %dma_start3A_137 = tpu.memref_slice %arg6[%add3A_121, %dma_start3A_136] : memref<32768x1024xf32, #tpu.memory_space<hbm>> -> memref<8x1024xf32, #tpu.memory_space<hbm>>
      %dma_start3A_138 = arith.constant 0 : i32
      %dma_start3A_139 = tpu.memref_slice %arg6[%add3A_121, %dma_start3A_138] : memref<32768x1024xf32, #tpu.memory_space<hbm>> -> memref<8x1024xf32, #tpu.memory_space<hbm>>
      tpu.enqueue_dma source(%arg14 : memref<8x1024xf32, #tpu.memory_space<vmem>>) target(%dma_start3A_139 : memref<8x1024xf32, #tpu.memory_space<hbm>>) target_semaphore(%arg30 : memref<!tpu.dma_semaphore, #tpu.memory_space<semaphore_mem>>)
      %ge3A_140 = arith.constant 2 : i32
      %ge3A_141 = arith.cmpi sge, %add3A_118, %ge3A_140 : i32
      %convert_element_type3A_142 = arith.extui %ge3A_141 : i1 to i32
      %cond3A_143 = arith.constant 0 : i32
      %cond3A_144 = arith.cmpi ne, %convert_element_type3A_142, %cond3A_143 : i32
      scf.if %cond3A_144 {
        %dma_wait3A_190 = arith.constant 0 : i32
        %dma_wait3A_191 = tpu.memref_slice %arg5[%mul3A_2, %dma_wait3A_190] : memref<32768x1024xf32, #tpu.memory_space<hbm>> -> memref<8x1024xf32, #tpu.memory_space<hbm>>
        %dma_wait3A_192 = arith.constant 0 : i32
        %dma_wait3A_193 = tpu.memref_slice %arg5[%mul3A_2, %dma_wait3A_192] : memref<32768x1024xf32, #tpu.memory_space<hbm>> -> memref<8x1024xf32, #tpu.memory_space<hbm>>
        tpu.wait_dma2 semaphore(%arg24 : memref<!tpu.dma_semaphore, #tpu.memory_space<semaphore_mem>>) src(%arg8 : memref<8x1024xf32, #tpu.memory_space<vmem>>) dst(%dma_wait3A_193 : memref<8x1024xf32, #tpu.memory_space<hbm>>)
        %dma_wait3A_194 = arith.constant 0 : i32
        %dma_wait3A_195 = tpu.memref_slice %arg6[%mul3A_2, %dma_wait3A_194] : memref<32768x1024xf32, #tpu.memory_space<hbm>> -> memref<8x1024xf32, #tpu.memory_space<hbm>>
        %dma_wait3A_196 = arith.constant 0 : i32
        %dma_wait3A_197 = tpu.memref_slice %arg6[%mul3A_2, %dma_wait3A_196] : memref<32768x1024xf32, #tpu.memory_space<hbm>> -> memref<8x1024xf32, #tpu.memory_space<hbm>>
        tpu.wait_dma2 semaphore(%arg28 : memref<!tpu.dma_semaphore, #tpu.memory_space<semaphore_mem>>) src(%arg12 : memref<8x1024xf32, #tpu.memory_space<vmem>>) dst(%dma_wait3A_197 : memref<8x1024xf32, #tpu.memory_space<hbm>>)
      } else {
      }
      %add3A_145 = arith.constant 2 : i32
      %add3A_146 = arith.addi %add3A_118, %add3A_145 : i32
      %lt3A_147 = arith.constant 128 : i32
      %lt3A_148 = arith.cmpi slt, %add3A_146, %lt3A_147 : i32
      %convert_element_type3A_149 = arith.extui %lt3A_148 : i1 to i32
      %cond3A_150 = arith.constant 0 : i32
      %cond3A_151 = arith.cmpi ne, %convert_element_type3A_149, %cond3A_150 : i32
      scf.if %cond3A_151 {
        %add3A_190 = arith.constant 2 : i32
        %add3A_191 = arith.addi %add3A_118, %add3A_190 : i32
        %mul3A_192 = arith.constant 8 : i32
        %mul3A_193 = arith.muli %add3A_191, %mul3A_192 : i32
        %dma_start3A_194 = tpu.memref_slice %arg7[%mul3A_193] : memref<1024xi32, #tpu.memory_space<vmem>> -> memref<8xi32, #tpu.memory_space<vmem>>
        %dma_start3A_195 = arith.constant 0 : i32
        %dma_start3A_196 = arith.constant 0 : i32
        %dma_start3A_197 = tpu.memref_slice %arg2[%dma_start3A_195, %dma_start3A_196] : memref<65536x1024xf32, #tpu.memory_space<hbm>> -> memref<65536x1024xf32, #tpu.memory_space<hbm>>
        tpu.enqueue_indirect_dma source(%dma_start3A_197 : memref<65536x1024xf32, #tpu.memory_space<hbm>>) target(%arg8 : memref<8x1024xf32, #tpu.memory_space<vmem>>) offsets(%dma_start3A_194 : memref<8xi32, #tpu.memory_space<vmem>>) semaphore(%arg16 : memref<!tpu.dma_semaphore, #tpu.memory_space<semaphore_mem>>)
        %mul3A_198 = arith.constant 8 : i32
        %mul3A_199 = arith.muli %add3A_191, %mul3A_198 : i32
        %dma_start3A_200 = tpu.memref_slice %arg7[%mul3A_199] : memref<1024xi32, #tpu.memory_space<vmem>> -> memref<8xi32, #tpu.memory_space<vmem>>
        %dma_start3A_201 = arith.constant 0 : i32
        %dma_start3A_202 = arith.constant 0 : i32
        %dma_start3A_203 = tpu.memref_slice %arg3[%dma_start3A_201, %dma_start3A_202] : memref<65536x1024xf32, #tpu.memory_space<hbm>> -> memref<65536x1024xf32, #tpu.memory_space<hbm>>
        tpu.enqueue_indirect_dma source(%dma_start3A_203 : memref<65536x1024xf32, #tpu.memory_space<hbm>>) target(%arg12 : memref<8x1024xf32, #tpu.memory_space<vmem>>) offsets(%dma_start3A_200 : memref<8xi32, #tpu.memory_space<vmem>>) semaphore(%arg20 : memref<!tpu.dma_semaphore, #tpu.memory_space<semaphore_mem>>)
      } else {
      }
      %mul3A_152 = arith.constant 4 : i32
      %mul3A_153 = arith.muli %scan3A_43, %mul3A_152 : i32
      %add3A_154 = arith.constant 3 : i32
      %add3A_155 = arith.addi %mul3A_153, %add3A_154 : i32
      %mul3A_156 = arith.constant 8 : i32
      %mul3A_157 = arith.muli %add3A_155, %mul3A_156 : i32
      %add3A_158 = arith.addi %mul3A_2, %mul3A_157 : i32
      %dma_wait3A_159 = arith.constant 0 : i32
      %dma_wait3A_160 = tpu.memref_slice %arg7[%dma_wait3A_159] : memref<1024xi32, #tpu.memory_space<vmem>> -> memref<8xi32, #tpu.memory_space<vmem>>
      %dma_wait3A_161 = arith.constant 0 : i32
      %dma_wait3A_162 = arith.constant 0 : i32
      %dma_wait3A_163 = tpu.memref_slice %arg2[%dma_wait3A_161, %dma_wait3A_162] : memref<65536x1024xf32, #tpu.memory_space<hbm>> -> memref<65536x1024xf32, #tpu.memory_space<hbm>>
      tpu.wait_indirect_dma semaphore(%arg19 : memref<!tpu.dma_semaphore, #tpu.memory_space<semaphore_mem>>) src(%dma_wait3A_163 : memref<65536x1024xf32, #tpu.memory_space<hbm>>) dst(%arg11 : memref<8x1024xf32, #tpu.memory_space<vmem>>)
      %dma_wait3A_164 = arith.constant 0 : i32
      %dma_wait3A_165 = tpu.memref_slice %arg7[%dma_wait3A_164] : memref<1024xi32, #tpu.memory_space<vmem>> -> memref<8xi32, #tpu.memory_space<vmem>>
      %dma_wait3A_166 = arith.constant 0 : i32
      %dma_wait3A_167 = arith.constant 0 : i32
      %dma_wait3A_168 = tpu.memref_slice %arg3[%dma_wait3A_166, %dma_wait3A_167] : memref<65536x1024xf32, #tpu.memory_space<hbm>> -> memref<65536x1024xf32, #tpu.memory_space<hbm>>
      tpu.wait_indirect_dma semaphore(%arg23 : memref<!tpu.dma_semaphore, #tpu.memory_space<semaphore_mem>>) src(%dma_wait3A_168 : memref<65536x1024xf32, #tpu.memory_space<hbm>>) dst(%arg15 : memref<8x1024xf32, #tpu.memory_space<vmem>>)
      %dma_start3A_169 = arith.constant 0 : i32
      %dma_start3A_170 = tpu.memref_slice %arg5[%add3A_158, %dma_start3A_169] : memref<32768x1024xf32, #tpu.memory_space<hbm>> -> memref<8x1024xf32, #tpu.memory_space<hbm>>
      %dma_start3A_171 = arith.constant 0 : i32
      %dma_start3A_172 = tpu.memref_slice %arg5[%add3A_158, %dma_start3A_171] : memref<32768x1024xf32, #tpu.memory_space<hbm>> -> memref<8x1024xf32, #tpu.memory_space<hbm>>
      tpu.enqueue_dma source(%arg11 : memref<8x1024xf32, #tpu.memory_space<vmem>>) target(%dma_start3A_172 : memref<8x1024xf32, #tpu.memory_space<hbm>>) target_semaphore(%arg27 : memref<!tpu.dma_semaphore, #tpu.memory_space<semaphore_mem>>)
      %dma_start3A_173 = arith.constant 0 : i32
      %dma_start3A_174 = tpu.memref_slice %arg6[%add3A_158, %dma_start3A_173] : memref<32768x1024xf32, #tpu.memory_space<hbm>> -> memref<8x1024xf32, #tpu.memory_space<hbm>>
      %dma_start3A_175 = arith.constant 0 : i32
      %dma_start3A_176 = tpu.memref_slice %arg6[%add3A_158, %dma_start3A_175] : memref<32768x1024xf32, #tpu.memory_space<hbm>> -> memref<8x1024xf32, #tpu.memory_space<hbm>>
      tpu.enqueue_dma source(%arg15 : memref<8x1024xf32, #tpu.memory_space<vmem>>) target(%dma_start3A_176 : memref<8x1024xf32, #tpu.memory_space<hbm>>) target_semaphore(%arg31 : memref<!tpu.dma_semaphore, #tpu.memory_space<semaphore_mem>>)
      %ge3A_177 = arith.constant 2 : i32
      %ge3A_178 = arith.cmpi sge, %add3A_155, %ge3A_177 : i32
      %convert_element_type3A_179 = arith.extui %ge3A_178 : i1 to i32
      %cond3A_180 = arith.constant 0 : i32
      %cond3A_181 = arith.cmpi ne, %convert_element_type3A_179, %cond3A_180 : i32
      scf.if %cond3A_181 {
        %dma_wait3A_190 = arith.constant 0 : i32
        %dma_wait3A_191 = tpu.memref_slice %arg5[%mul3A_2, %dma_wait3A_190] : memref<32768x1024xf32, #tpu.memory_space<hbm>> -> memref<8x1024xf32, #tpu.memory_space<hbm>>
        %dma_wait3A_192 = arith.constant 0 : i32
        %dma_wait3A_193 = tpu.memref_slice %arg5[%mul3A_2, %dma_wait3A_192] : memref<32768x1024xf32, #tpu.memory_space<hbm>> -> memref<8x1024xf32, #tpu.memory_space<hbm>>
        tpu.wait_dma2 semaphore(%arg25 : memref<!tpu.dma_semaphore, #tpu.memory_space<semaphore_mem>>) src(%arg9 : memref<8x1024xf32, #tpu.memory_space<vmem>>) dst(%dma_wait3A_193 : memref<8x1024xf32, #tpu.memory_space<hbm>>)
        %dma_wait3A_194 = arith.constant 0 : i32
        %dma_wait3A_195 = tpu.memref_slice %arg6[%mul3A_2, %dma_wait3A_194] : memref<32768x1024xf32, #tpu.memory_space<hbm>> -> memref<8x1024xf32, #tpu.memory_space<hbm>>
        %dma_wait3A_196 = arith.constant 0 : i32
        %dma_wait3A_197 = tpu.memref_slice %arg6[%mul3A_2, %dma_wait3A_196] : memref<32768x1024xf32, #tpu.memory_space<hbm>> -> memref<8x1024xf32, #tpu.memory_space<hbm>>
        tpu.wait_dma2 semaphore(%arg29 : memref<!tpu.dma_semaphore, #tpu.memory_space<semaphore_mem>>) src(%arg13 : memref<8x1024xf32, #tpu.memory_space<vmem>>) dst(%dma_wait3A_197 : memref<8x1024xf32, #tpu.memory_space<hbm>>)
      } else {
      }
      %add3A_182 = arith.constant 2 : i32
      %add3A_183 = arith.addi %add3A_155, %add3A_182 : i32
      %lt3A_184 = arith.constant 128 : i32
      %lt3A_185 = arith.cmpi slt, %add3A_183, %lt3A_184 : i32
      %convert_element_type3A_186 = arith.extui %lt3A_185 : i1 to i32
      %cond3A_187 = arith.constant 0 : i32
      %cond3A_188 = arith.cmpi ne, %convert_element_type3A_186, %cond3A_187 : i32
      scf.if %cond3A_188 {
        %add3A_190 = arith.constant 2 : i32
        %add3A_191 = arith.addi %add3A_155, %add3A_190 : i32
        %mul3A_192 = arith.constant 8 : i32
        %mul3A_193 = arith.muli %add3A_191, %mul3A_192 : i32
        %dma_start3A_194 = tpu.memref_slice %arg7[%mul3A_193] : memref<1024xi32, #tpu.memory_space<vmem>> -> memref<8xi32, #tpu.memory_space<vmem>>
        %dma_start3A_195 = arith.constant 0 : i32
        %dma_start3A_196 = arith.constant 0 : i32
        %dma_start3A_197 = tpu.memref_slice %arg2[%dma_start3A_195, %dma_start3A_196] : memref<65536x1024xf32, #tpu.memory_space<hbm>> -> memref<65536x1024xf32, #tpu.memory_space<hbm>>
        tpu.enqueue_indirect_dma source(%dma_start3A_197 : memref<65536x1024xf32, #tpu.memory_space<hbm>>) target(%arg9 : memref<8x1024xf32, #tpu.memory_space<vmem>>) offsets(%dma_start3A_194 : memref<8xi32, #tpu.memory_space<vmem>>) semaphore(%arg17 : memref<!tpu.dma_semaphore, #tpu.memory_space<semaphore_mem>>)
        %mul3A_198 = arith.constant 8 : i32
        %mul3A_199 = arith.muli %add3A_191, %mul3A_198 : i32
        %dma_start3A_200 = tpu.memref_slice %arg7[%mul3A_199] : memref<1024xi32, #tpu.memory_space<vmem>> -> memref<8xi32, #tpu.memory_space<vmem>>
        %dma_start3A_201 = arith.constant 0 : i32
        %dma_start3A_202 = arith.constant 0 : i32
        %dma_start3A_203 = tpu.memref_slice %arg3[%dma_start3A_201, %dma_start3A_202] : memref<65536x1024xf32, #tpu.memory_space<hbm>> -> memref<65536x1024xf32, #tpu.memory_space<hbm>>
        tpu.enqueue_indirect_dma source(%dma_start3A_203 : memref<65536x1024xf32, #tpu.memory_space<hbm>>) target(%arg13 : memref<8x1024xf32, #tpu.memory_space<vmem>>) offsets(%dma_start3A_200 : memref<8xi32, #tpu.memory_space<vmem>>) semaphore(%arg21 : memref<!tpu.dma_semaphore, #tpu.memory_space<semaphore_mem>>)
      } else {
      }
      %scan3A_189 = arith.constant 0 : i32
      scf.yield %scan3A_189 : i32
    }
    %scan3A_27 = arith.constant 32 : i32
    %dma_wait3A = arith.constant 0 : i32
    %dma_wait3A_28 = tpu.memref_slice %arg5[%mul3A_2, %dma_wait3A] : memref<32768x1024xf32, #tpu.memory_space<hbm>> -> memref<8x1024xf32, #tpu.memory_space<hbm>>
    %dma_wait3A_29 = arith.constant 0 : i32
    %dma_wait3A_30 = tpu.memref_slice %arg5[%mul3A_2, %dma_wait3A_29] : memref<32768x1024xf32, #tpu.memory_space<hbm>> -> memref<8x1024xf32, #tpu.memory_space<hbm>>
    tpu.wait_dma2 semaphore(%arg26 : memref<!tpu.dma_semaphore, #tpu.memory_space<semaphore_mem>>) src(%arg10 : memref<8x1024xf32, #tpu.memory_space<vmem>>) dst(%dma_wait3A_30 : memref<8x1024xf32, #tpu.memory_space<hbm>>)
    %dma_wait3A_31 = arith.constant 0 : i32
    %dma_wait3A_32 = tpu.memref_slice %arg6[%mul3A_2, %dma_wait3A_31] : memref<32768x1024xf32, #tpu.memory_space<hbm>> -> memref<8x1024xf32, #tpu.memory_space<hbm>>
    %dma_wait3A_33 = arith.constant 0 : i32
    %dma_wait3A_34 = tpu.memref_slice %arg6[%mul3A_2, %dma_wait3A_33] : memref<32768x1024xf32, #tpu.memory_space<hbm>> -> memref<8x1024xf32, #tpu.memory_space<hbm>>
    tpu.wait_dma2 semaphore(%arg30 : memref<!tpu.dma_semaphore, #tpu.memory_space<semaphore_mem>>) src(%arg14 : memref<8x1024xf32, #tpu.memory_space<vmem>>) dst(%dma_wait3A_34 : memref<8x1024xf32, #tpu.memory_space<hbm>>)
    %dma_wait3A_35 = arith.constant 0 : i32
    %dma_wait3A_36 = tpu.memref_slice %arg5[%mul3A_2, %dma_wait3A_35] : memref<32768x1024xf32, #tpu.memory_space<hbm>> -> memref<8x1024xf32, #tpu.memory_space<hbm>>
    %dma_wait3A_37 = arith.constant 0 : i32
    %dma_wait3A_38 = tpu.memref_slice %arg5[%mul3A_2, %dma_wait3A_37] : memref<32768x1024xf32, #tpu.memory_space<hbm>> -> memref<8x1024xf32, #tpu.memory_space<hbm>>
    tpu.wait_dma2 semaphore(%arg27 : memref<!tpu.dma_semaphore, #tpu.memory_space<semaphore_mem>>) src(%arg11 : memref<8x1024xf32, #tpu.memory_space<vmem>>) dst(%dma_wait3A_38 : memref<8x1024xf32, #tpu.memory_space<hbm>>)
    %dma_wait3A_39 = arith.constant 0 : i32
    %dma_wait3A_40 = tpu.memref_slice %arg6[%mul3A_2, %dma_wait3A_39] : memref<32768x1024xf32, #tpu.memory_space<hbm>> -> memref<8x1024xf32, #tpu.memory_space<hbm>>
    %dma_wait3A_41 = arith.constant 0 : i32
    %dma_wait3A_42 = tpu.memref_slice %arg6[%mul3A_2, %dma_wait3A_41] : memref<32768x1024xf32, #tpu.memory_space<hbm>> -> memref<8x1024xf32, #tpu.memory_space<hbm>>
    tpu.wait_dma2 semaphore(%arg31 : memref<!tpu.dma_semaphore, #tpu.memory_space<semaphore_mem>>) src(%arg15 : memref<8x1024xf32, #tpu.memory_space<vmem>>) dst(%dma_wait3A_42 : memref<8x1024xf32, #tpu.memory_space<hbm>>)
    return
  }
}

</mosaic_0001>

<sc_bundles>
// kernel: kernel.4.cloned.1.call-start
scs
__scs_entry_jumppad:
0x0: {  	(pc) =	sbr.rel $0x88, $3  }
0x1: {  	(tag) =	ssettag $0x0;
	lr =	simm.s32 $0x1  }
0x2: {  	[smem:$0x3F9F] =	sst lr;
	_ =	strace $0xD0000000  }
0x3: {  	_ = 	snop  }
0x4: {  	_ = 	snop  }
0x5: {  	_ = 	snop  }
0x6: {  	_ = 	snop  }
0x7: {  	_ = 	snop  }
__scs_overlays_trampoline_lowered:
0x8: {  	[smem:$0x3FAE] =	sst s0  }
0x9: {  	[smem:$0x3FAF] =	sst s1  }
0xa: {  	[smem:$0x3FB0] =	sst s2  }
0xb: {  	[smem:$0x3FB1] =	sst s3  }
0xc: {  	[smem:$0x3FB2] =	sst s4  }
0xd: {  	[smem:$0x3FB3] =	sst s5  }
0xe: {  	[smem:$0x3FB4] =	sst s6  }
0xf: {  	[smem:$0x3FB5] =	sst s7  }
0x10: {  	[smem:$0x3FB6] =	sst s8  }
0x11: {  	[smem:$0x3FB7] =	sst s9;
	s0 =	simm.s32 @!p0 $0x0  }
0x12: {  	s1 =	sld [smem:$0x3F9D];
	s0 =	simm.s32 @p0 $0x1  }
0x13: {  	[smem:$0x3FB8] =	sst s0;
	s0 =	simm.s32 @!p1 $0x0  }
0x14: {  	s2 =	sld [smem:$0x3F9C];
	s0 =	simm.s32 @p1 $0x1  }
0x15: {  	[smem:$0x3FB9] =	sst s0;
	s0 =	simm.s32 @!p2 $0x0  }
0x16: {  	s3 =	sld [smem:$0x3FDB];
	s0 =	simm.s32 @p2 $0x1  }
0x17: {  	s4 =	simm.s32 $0x1BF5;
	[smem:$0x3FBB] =	sst s0  }
0x18: {  	s0 =	sld [smem:$0x3F9E];
	_ =	swait.ge [sflag:s4], $0x0  }
0x19: {  	s7 =	sld [smem:$0x3F9F]  }
0x1a: {  	s8 =	sadd.s32 $0xFFFFE003, lr  }
0x1b: {  	s9 =	sadd.s32 $0xFFFFFEF7, lr;
	s5 =	simm.s32 $0xFFFFFFFF;
	p2 =	slt.u32 s8, $0xFFFFF086  }
0x1c: {  	p1 =	slt.u32 s9, $0xF7A;
	s5 =	simm.s32 @!p2 $0x0  }
0x1d: {  	s5 =	simm.s32 @p1 $0x1;
	p0 =	seq.s32 s7, s2  }
0x1e: {  	s7 =	smul.u32 @!p0 $0xF7A, s2;
	p2 =	seq.s32 @!p0 s5, $0x0  }
0x1f: {  	s9 =	smul.u32 $0xF7A, s1;
	s8 =	simm.s32 @!p0 $0x1BF5;
	p2 =	por !p2, p0  }
0x20: {  	[sflag:s8] =	ssyncset.s32 @!p0 $0xFFFFF086;
	s6 =	sadd.s32 @!p0 s3, s7;
	s7 =	simm.s32 @!p0 $0x108  }
0x21: {  	s3 =	sadd.s32 s3, s9;
	s6 =	sadd.s32 @!p0 $0x88, s6;
	s7 =	simm.s32 @p2 $0x1082  }
0x22: {  	[simem:s7], [sflag:s8] =	dma.local @!p0 [hbm:s6], $0xF7A  }
0x23: {  	s9 =	sor.u32 $0xD0000000, s2;
	s6 =	simm.s32 $0x108;
	_ =	swait.ge @!p0 [sflag:s8], $0x0  }
0x24: {  	s3 =	sadd.s32 $0x88, s3;
	s6 =	simm.s32 @!p1 $0x1082;
	[sflag:s4] =	ssyncset.s32 $0xFFFFF086  }
0x25: {  	[simem:s6], [sflag:s4] =	dma.local [hbm:s3], $0xF7A  }
0x26: {  	[smem:$0x3F9F] =	sst s1;
	(tag) =	ssettag s2;
	_ =	strace s9  }
0x27: {  	s1 =	sld [smem:$0x3FAF]  }
0x28: {  	s2 =	sld [smem:$0x3FB0]  }
0x29: {  	s4 =	sld [smem:$0x3FB2]  }
0x2a: {  	p0 =	seq.s32 s5, $0x0;
	s5 =	sld [smem:$0x3FB3]  }
0x2b: {  	s6 =	sld [smem:$0x3FB4]  }
0x2c: {  	s7 =	sld [smem:$0x3FB5]  }
0x2d: {  	s3 =	simm.s32 $0x108;
	s8 =	sld [smem:$0x3FB6]  }
0x2e: {  	s3 =	simm.s32 @!p0 $0x1082;
	s9 =	sld [smem:$0x3FB7]  }
0x2f: {  	lr =	sadd.s32 s0, s3;
	s0 =	sld [smem:$0x3FAE]  }
0x30: {  	s3 =	sld [smem:$0x3FB1]  }
0x31: {  	[smem:$0x3FBA] =	sst s10  }
0x32: {  	s10 =	sld [smem:$0x3FB8];
	_ =	sdelay $0x3  }
0x33: {  	p0 =	seq.s32 s10, $0x1;
	s10 =	sld [smem:$0x3FBA];
	_ =	sdelay $0x3  }
0x34: {  	[smem:$0x3FBA] =	sst s10  }
0x35: {  	s10 =	sld [smem:$0x3FB9];
	_ =	sdelay $0x3  }
0x36: {  	p1 =	seq.s32 s10, $0x1;
	s10 =	sld [smem:$0x3FBA];
	_ =	sdelay $0x3  }
0x37: {  	[smem:$0x3FBA] =	sst s10  }
0x38: {  	s10 =	sld [smem:$0x3FBB]  }
0x39: {  	_ = 	snop;
	(pc) =	sbr.ind lr, $3  }
0x3a: {  	_ = 	snop  }
0x3b: {  	_ = 	snop  }
0x3c: {  	p2 =	seq.s32 s10, $0x1;
	s10 =	sld [smem:$0x3FBA]  }
0x3d: {  	_ =	shalt  }
0x3e: {  	_ =	shalt  }
0x3f: {  	_ =	shalt  }
0x40: {  	_ =	shalt  }
0x41: {  	_ =	shalt  }
0x42: {  	_ =	shalt  }
0x43: {  	_ =	shalt  }
0x44: {  	_ =	shalt  }
0x45: {  	_ =	shalt  }
0x46: {  	_ =	shalt  }
0x47: {  	_ =	shalt  }
0x48: {  	_ =	shalt  }
0x49: {  	_ =	shalt  }
0x4a: {  	_ =	shalt  }
0x4b: {  	_ =	shalt  }
0x4c: {  	_ =	shalt  }
0x4d: {  	_ =	shalt  }
0x4e: {  	_ =	shalt  }
0x4f: {  	_ =	shalt  }
0x50: {  	_ =	shalt  }
0x51: {  	_ =	shalt  }
0x52: {  	_ =	shalt  }
0x53: {  	_ =	shalt  }
0x54: {  	_ =	shalt  }
0x55: {  	_ =	shalt  }
0x56: {  	_ =	shalt  }
0x57: {  	_ =	shalt  }
0x58: {  	_ =	shalt  }
0x59: {  	_ =	shalt  }
0x5a: {  	_ =	shalt  }
0x5b: {  	_ =	shalt  }
0x5c: {  	_ =	shalt  }
0x5d: {  	_ =	shalt  }
0x5e: {  	_ =	shalt  }
0x5f: {  	_ =	shalt  }
0x60: {  	_ =	shalt  }
0x61: {  	_ =	shalt  }
0x62: {  	_ =	shalt  }
0x63: {  	_ =	shalt  }
0x64: {  	_ =	shalt  }
0x65: {  	_ =	shalt  }
0x66: {  	_ =	shalt  }
0x67: {  	_ =	shalt  }
0x68: {  	_ =	shalt  }
0x69: {  	_ =	shalt  }
0x6a: {  	_ =	shalt  }
0x6b: {  	_ =	shalt  }
0x6c: {  	_ =	shalt  }
0x6d: {  	_ =	shalt  }
0x6e: {  	_ =	shalt  }
0x6f: {  	_ =	shalt  }
0x70: {  	_ =	shalt  }
0x71: {  	_ =	shalt  }
0x72: {  	_ =	shalt  }
0x73: {  	_ =	shalt  }
0x74: {  	_ =	shalt  }
0x75: {  	_ =	shalt  }
0x76: {  	_ =	shalt  }
0x77: {  	_ =	shalt  }
0x78: {  	_ =	shalt  }
0x79: {  	_ =	shalt  }
0x7a: {  	_ =	shalt  }
0x7b: {  	_ =	shalt  }
0x7c: {  	_ =	shalt  }
0x7d: {  	_ =	shalt  }
0x7e: {  	_ =	shalt  }
0x7f: {  	_ =	shalt  }
0x80: {  	_ =	shalt  }
0x81: {  	_ =	shalt  }
0x82: {  	_ =	shalt  }
0x83: {  	_ =	shalt  }
0x84: {  	_ =	shalt  }
0x85: {  	_ =	shalt  }
0x86: {  	_ =	shalt  }
0x87: {  	_ =	shalt  }
.Lfunc_end0:
.L_simem_size_0:
called_computation_lowered:
.L_overlay_start_0:
0x88: {  	s2 =	sld [smem:$0x3FD9]  }
0x89: {  	s3 =	sld [smem:$0x3FFE];
	_ =	sdelay $0x1  }
0x8a: {  	s1 =	srdreg.scid  }
0x8b: {  	s0 =	sand.u32 $0x1, s1  }
0x8c: {  	s15 =	sshll.u32 s0, $0xA;
	s2 =	sadd.s32 s3, s2  }
0x8d: {  	s2 =	sadd.s32 s2, s15  }
0x8e: {  	[smem:$0x3FC6] =	sst s2  }
0x8f: {  	_ = 	snop  }
0x90: {  	s2 =	sld [smem:$0x3FD0];
	_ =	sdelay $0x2  }
0x91: {  	s16 =	simm.s32 $0xA;
	s4 =	simm.s32 $0x10  }
0x92: {  	[smem:s4], [sflag:s16] =	dma.local [hbm:s2], $0x1  }
0x93: {  	_ =	swait.eq [sflag:s16], $0x1  }
0x94: {  	[sflag:s16] =	ssyncset.done $0x0  }
0x95: {  	s17 =	sld [smem:$0x10];
	[sflag:s16] =	ssyncadd.s32 $0xFFFFFFFF  }
0x96: {  	s18 =	sld [smem:$0x11];
	(tm) =	ssettm $0x1  }
0x97: {  	s19 =	sld [smem:$0x3FFB];
	_ =	sdelay $0x3  }
0x98: {  	_ =	strace s19  }
0x99: {  	s4 =	sld [smem:$0x3FFC];
	_ =	sdelay $0x3  }
0x9a: {  	_ =	strace s4  }
0x9b: {  	s4 =	sld [smem:$0x3FFD];
	_ =	sdelay $0x3  }
0x9c: {  	_ =	strace s4  }
0x9d: {  	_ =	strace $0x8FFFFFFF  }
0x9e: {  	s20 =	sld [smem:$0x3FDB];
	_ =	sdelay $0x1  }
0x9f: {  	s5 =	simm.s32 $_scs_section_size  }
0xa0: {  	s6 =	simm.s32 $_size__tile_overlayer_lowered;
	s7 =	simm.s32 $_tile_overlayer_lowered  }
0xa1: {  	s23 =	simm.s32 $0x1BFF;
	s22 =	sshll.u32 s7, $0x1;
	s4 =	sadd.s32 s5, s20  }
0xa2: {  	s8 =	simm.s32 $0x0;
	s21 =	sshll.u32 s6, $0x1;
	s6 =	sadd.s32 s22, s4  }
0xa3: {  	[timem:s8], [sflag:s23] =	dma.local [hbm:s6], s21  }
0xa4: {  	_ =	swait.ge [sflag:s23], s21  }
0xa5: {  	s5 =	ssub.s32 $0x0, s21;
	[sflag:s23] =	ssyncset.done $0x0  }
0xa6: {  	[sflag:s23] =	ssyncadd.s32 s5;
	_ =	sdelay $0x1  }
0xa7: {  	s24 =	simm.s32 $0x1B8B  }
0xa8: {  	_ =	swait.ge [sflag:s24], $0x1  }
0xa9: {  	[sflag:s24] =	ssyncset.done $0x0  }
0xaa: {  	s25 =	simm.s32 $0x1B8E;
	[sflag:s24] =	ssyncadd.s32 $0xFFFFFFFF  }
0xab: {  	s26 =	simm.s32 $execute0_lowered;
	[smem:$0x3FD2] =	sst s25  }
0xac: {  	s5 =	sshll.u32 s26, $0x1;
	_ =	strace $0x80000046;
	[dreg:$0x1] =	wrdreg $0xFFFFFFFF  }
0xad: {  	s28 =	simm.s32 $_size_execute0_lowered;
	s4 =	sadd.s32 s4, s5;
	[dreg:$0x0] =	wrdreg $0x0  }
0xae: {  	s5 =	sshll.u32 s28, $0x1;
	[dreg:$0x2] =	wrdreg s4  }
0xaf: {  	[dreg:$0x3] =	wrdreg s5  }
0xb0: {  	[dreg:$0x4] =	wrdreg $0xC0  }
0xb1: {  	_ =	task [dreg:s8], $0x5FFFF  }
0xb2: {  	[dreg:$0x1] =	wrdreg $0xFFFFFFFF  }
0xb3: {  	[dreg:$0x0] =	wrdreg $0x60  }
0xb4: {  	[dreg:$0x2] =	wrdreg s18  }
0xb5: {  	[dreg:$0x3] =	wrdreg s17  }
0xb6: {  	[dreg:$0x4] =	wrdreg $0x9  }
0xb7: {  	_ =	task.clear_ibuf [dreg:s8], $0x5FFFF;
	_ =	strace $0x90000046  }
0xb8: {  	s29 =	simm.s32 $0x9;
	_ =	strace $0x80000048  }
0xb9: {  	_ =	swait.ge [sflag:s29], $0x1  }
0xba: {  	[sflag:s29] =	ssyncadd.s32 $0xFFFFFFFF  }
0xbb: {  	_ =	strace $0x90000048  }
0xbc: {  	_ =	sfence  }
0xbd: {  	s30 =	sld [smem:$0x0];
	_ =	sdelay $0x2  }
0xbe: {  	s31 =	sshll.u32 s1, $0xD;
	s1 =	sshrl.u32 s1, $0x2  }
0xbf: {  	s3 =	sand.u32 $0x4000, s31;
	s1 =	sadd.s32 s1, s30  }
0xc0: {  	s0 =	sor.u32 s3, s0;
	s1 =	sshll.u32 s1, $0x11  }
0xc1: {  	s0 =	sor.u32 s1, s0  }
0xc2: {  	s0 =	sadd.s32 $0x8F2B, s0  }
0xc3: {  	[sflag:s0] =	ssyncadd.remote.s32 $0x1  }
0xc4: {  	_ =	sfence.sel $0xFFFF  }
0xc5: {  	[dreg:$0x0] =	wrdreg $0xFFFFFFFF;
	(pc) =	sbr.abs _section_cstart, $3  }
0xc6: {  	[dreg:$0x1] =	wrdreg $0xFFFFFFFF  }
0xc7: {  	_ =	task.clear_ibuf [dreg:s8], $0x2FFFF;
	_ =	strace $0x9FFFFFFF  }
0xc8: {  	(tm) =	ssettm $0x7FFFFFFF  }
0xc9: {  	_ =	shalt  }
tec
execute0_lowered:
.L_overlay_start_1:
0x0: {  	(tag) =	ssettag $0x1  }
0x1: {  	s1 =	stileid.u32  }
0x2: {  	p0 =	sgt.u32 s1, $0x7  }
.Ltmp0:
0x3: {  	_ = 	snop;
	(pc) =	sbr.rel @p0 .LBB2_13-.Ltmp0, $4  }
0x4: {  	s4 =	rddreg [dreg:$0x0]  }
0x5: {  	s3 =	rddreg [dreg:$0x1];
	s2 =	simm.s32 $0x0  }
0x6: {  	[smem:$0x7FF] =	sst s2  }
0x7: {  	s0 =	rddreg [dreg:$0x2];
	_ =	strace $0x80000047  }
0x8: {  	s5 =	srdreg.scid  }
0x9: {  	s6 =	sshll.u32 s1, $0x8;
	s8 =	sshrl.u32 s1, $0x2;
	s30 =	sshll.u32 s1, $0xD  }
0xa: {  	s11 =	simm.s32 $0x1980;
	s12 =	simm.s32 $0x1000;
	s5 =	sand.u32 $0x1, s5  }
0xb: {  	s28 =	sshll.u32 s8, $0xE;
	s7 =	sshll.u32 s5, $0x7;
	s9 =	ssub.s32 $0x2, s5  }
0xc: {  	s8 =	sshll.u32 s8, $0xF;
	s6 =	sor.u32 s7, s6;
	s10 =	sshrl.u32 s9, $0x1  }
0xd: {  	s31 =	sshll.u32 s5, $0xC;
	s6 =	sand.u32 $0x380, s6;
	s29 =	ssub.s32 s9, s10  }
0xe: {  	v0 =	vlaneseq.u32;
	s9 =	simm.s32 $0x1;
	s10 =	simm.s32 $0x1880;
	s7 =	sor.u32 s28, s6  }
0xf: {  	v2 =	vmul.u32 $0xFFFFFFFF, v0;
	s6 =	sor.u32 s8, s6;
	s5 =	smax.u32 s29, $0x1;
	s7 =	sshrl.u32 s7, $0x3  }
0x10: {  	v1 =	vimm.s32 $0x0;
	s8 =	simm.s32 $0x400;
	s6 =	sshrl.u32 s6, $0x3;
	s3 =	sadd.s32 s3, s7  }
0x11: {  	v3 =	vimm.s32 $0x1;
	v4 =	vimm.s32 $0x1F;
	v2 =	vadd.s32 $0xFF5, v2;
	s4 =	sadd.s32 s4, s6;
	s6 =	sor.u32 s31, s30;
	s7 =	simm.s32 $0x80  }
.LBB2_2:
0x12: {  	s13 =	simm.s32 $0x0  }
0x13: {  	[tilespmem:s13], [sflag:$0x1] =	stream.strided.gather [hbm4b:s4+s7], $0x1000, s8, s7, $0x38;
	[tilespmem:$0x1A00] =	vst v63  }
0x14: {  	_ =	swait.ge [sflag:s9], $0x1000  }
0x15: {  	[sflag:s9] =	ssyncset.done $0x0  }
0x16: {  	[sflag:s9] =	ssyncadd.s32 $0xFFFFF000  }
0x17: {  	[tilespmem:$0x1880] =	vst v1  }
0x18: {  	[tilespmem:$0x1890] =	vst v1  }
0x19: {  	[tilespmem:$0x18A0] =	vst v1  }
0x1a: {  	[tilespmem:$0x18B0] =	vst v1  }
0x1b: {  	[tilespmem:$0x18C0] =	vst v1  }
0x1c: {  	[tilespmem:$0x18D0] =	vst v1  }
0x1d: {  	[tilespmem:$0x18E0] =	vst v1  }
0x1e: {  	[tilespmem:$0x18F0] =	vst v1  }
0x1f: {  	[tilespmem:$0x1900] =	vst v1  }
0x20: {  	[tilespmem:$0x1910] =	vst v1  }
0x21: {  	[tilespmem:$0x1920] =	vst v1  }
0x22: {  	[tilespmem:$0x1930] =	vst v1  }
0x23: {  	[tilespmem:$0x1940] =	vst v1  }
0x24: {  	[tilespmem:$0x1950] =	vst v1  }
0x25: {  	[tilespmem:$0x1960] =	vst v1  }
0x26: {  	s14 =	simm.s32 $0x20;
	[tilespmem:$0x1970] =	vst v1  }
.LBB2_3:
0x27: {  	v5 =	vld [tilespmem:s14+$0xFFFFFFE0];
	_ =	sdelay $0x3  }
0x28: {  	v6 =	vmov s13  }
0x29: {  	vm0 =	vgt.u32 v6, v2;
	v5 =	vadd.s32 $0x1, v5  }
0x2a: {  	v5 =	vsel vm0, $0x0, v5  }
0x2b: {  	vm0 =	vgt.s32 v5, $0xFFFFFFFF;
	v5 =	vshrl.u32 v5, $0x17  }
0x2c: {  	v5 =	vand.u32 $0xFF, v5;
	_ =	sdelay $0x4  }
0x2d: {  	[tilespmem:v5+s10+$0x0] =	vst.idx.add.s32.msk vm0, v3  }
0x2e: {  	v5 =	vld [tilespmem:s14+$0xFFFFFFF0];
	_ =	sdelay $0x2  }
0x2f: {  	s15 =	sadd.s32 $0x10, s13  }
0x30: {  	v6 =	vmov s15  }
0x31: {  	vm13 =	vgt.u32 v6, v2;
	v5 =	vadd.s32 $0x1, v5  }
0x32: {  	v5 =	vsel vm13, $0x0, v5  }
0x33: {  	vm0 =	vgt.s32 v5, $0xFFFFFFFF;
	v5 =	vshrl.u32 v5, $0x17  }
0x34: {  	v5 =	vand.u32 $0xFF, v5;
	_ =	sdelay $0x4  }
0x35: {  	[tilespmem:v5+s10+$0x0] =	vst.idx.add.s32.msk vm0, v3  }
0x36: {  	v5 =	vld [tilespmem:s14+$0x0];
	_ =	sdelay $0x2  }
0x37: {  	s30 =	sadd.s32 $0x20, s13  }
0x38: {  	v6 =	vmov s30  }
0x39: {  	vm14 =	vgt.u32 v6, v2;
	v5 =	vadd.s32 $0x1, v5  }
0x3a: {  	v5 =	vsel vm14, $0x0, v5  }
0x3b: {  	vm0 =	vgt.s32 v5, $0xFFFFFFFF;
	v5 =	vshrl.u32 v5, $0x17  }
0x3c: {  	v5 =	vand.u32 $0xFF, v5;
	_ =	sdelay $0x4  }
0x3d: {  	[tilespmem:v5+s10+$0x0] =	vst.idx.add.s32.msk vm0, v3  }
0x3e: {  	v5 =	vld [tilespmem:s14+$0x10];
	_ =	sdelay $0x2  }
0x3f: {  	s31 =	sadd.s32 $0x30, s13  }
0x40: {  	v6 =	vmov s31  }
0x41: {  	vm15 =	vgt.u32 v6, v2;
	v5 =	vadd.s32 $0x1, v5  }
0x42: {  	v5 =	vsel vm15, $0x0, v5  }
0x43: {  	vm0 =	vgt.s32 v5, $0xFFFFFFFF;
	v5 =	vshrl.u32 v5, $0x17  }
0x44: {  	p0 =	sne.s32 s13, $0xFC0;
	v5 =	vand.u32 $0xFF, v5  }
.Ltmp1:
0x45: {  	_ = 	snop;
	(pc) =	sbr.rel @p0 .LBB2_3-.Ltmp1, $2  }
0x46: {  	_ =	sdelay $0x2  }
0x47: {  	s13 =	sadd.s32 $0x40, s13;
	s14 =	sadd.s32 $0x40, s14;
	[tilespmem:v5+s10+$0x0] =	vst.idx.add.s32.msk vm0, v3  }
0x48: {  	v5 =	vld [tilespmem:$0x1880];
	_ =	sdelay $0x4  }
0x49: {  	(xrf0) =	vadd.scan.msk.s32 $0xffff, v5;
	_ =	sdelay $0x1  }
0x4a: {  	v7 =	vld [tilespmem:$0x1890];
	_ =	sdelay $0x3  }
0x4b: {  	v6, _, _ =	vpop (xrf0)  }
0x4c: {  	(xrf0) =	vadd.scan.msk.s32 $0xffff, v7;
	v5 =	vsub.s32 v6, v5;
	[tilespmem:$0x1990] =	vst v6  }
0x4d: {  	vm0 =	vgt.s32 v6, $0x7FF;
	[tilespmem:$0x1980] =	vst v5  }
0x4e: {  	v5 =	vmpcnt.ones.xlane vm0;
	v8 =	vld.idx.msk [tilespmem:v4+s11+$0x0], $0xffff;
	_ =	sdelay $0x1  }
0x4f: {  	v6 =	vmctz.xlane vm0  }
0x50: {  	vm0 =	vgt.s32 v5, $0x0  }
0x51: {  	v6 =	vnsel vm0, $0x0, v6;
	v5, _, _ =	vpop (xrf0)  }
0x52: {  	v8 =	vadd.s32 v8, v5  }
0x53: {  	v9 =	vld [tilespmem:$0x18A0];
	vm1 =	vgt.s32 v8, $0x7FF  }
0x54: {  	v10 =	vmpcnt.ones.xlane vm1  }
0x55: {  	v7 =	vsub.s32 v8, v7  }
0x56: {  	v5 =	vld.idx.msk [tilespmem:v6+s11+$0x0], $0xffff;
	[tilespmem:$0x1980] =	vst v7;
	v13 =	vmctz.xlane vm1;
	v7 =	vimm.s32 $0x0;
	vm1 =	vlt.s32 v10, $0x1  }
0x57: {  	v7 =	vsel vm1, $0xFFFFFFFF, v7  }
0x58: {  	(xrf0) =	vadd.scan.msk.s32 $0xffff, v9;
	vm1 =	vmor vm0, vm1;
	[tilespmem:$0x1FFC0] =	vst v7;
	v7 =	vimm.s32 $0x0  }
0x59: {  	[tilespmem:$0x1990] =	vst v8;
	v7 =	vsel vm1, $0xFFFFFFFF, v7  }
0x5a: {  	[tilespmem:$0x1FFF0] =	vst v7;
	v7 =	vld.idx.msk [tilespmem:v4+s11+$0x0], $0xffff;
	_ =	sdelay $0x1  }
0x5b: {  	v8 =	vsel vm1, $0x0, v13  }
0x5c: {  	v11 =	vld [tilespmem:$0x18B0]  }
0x5d: {  	v12, _, _ =	vpop (xrf0)  }
0x5e: {  	v12 =	vadd.s32 v7, v12  }
0x5f: {  	vm1 =	vgt.s32 v12, $0x7FF  }
0x60: {  	vm2 =	vge.s32 v10, $0x1;
	v7 =	vld.idx.msk [tilespmem:v8+s11+$0x0], $0xffff;
	v8 =	vsub.s32 v12, v9;
	v9 =	vmpcnt.ones.xlane vm1  }
0x61: {  	(xrf0) =	vadd.scan.msk.s32 $0xffff, v11;
	vm3 =	vmor vm0, vm2;
	[tilespmem:$0x1980] =	vst v8;
	v8 =	vimm.s32 $0x0  }
0x62: {  	[tilespmem:$0x1990] =	vst v12;
	v15 =	vmctz.xlane vm1;
	v8 =	vsel vm0, $0xFFFFFFFF, v8;
	vm1 =	vlt.s32 v9, $0x1  }
0x63: {  	v10 =	vimm.s32 $0x0;
	[tilespmem:$0x1FFD0] =	vst v8;
	v8 =	vld.idx.msk [tilespmem:v4+s11+$0x0], $0xffff;
	vm0 =	vmor vm3, vm1  }
0x64: {  	v10 =	vsel vm0, $0xFFFFFFFF, v10  }
0x65: {  	v12 =	vld [tilespmem:$0x18C0];
	[tilespmem:$0x1FFE0] =	vst v10;
	v10 =	vsel vm0, $0x0, v15;
	_ =	sdelay $0x1  }
0x66: {  	v14, _, _ =	vpop (xrf0)  }
0x67: {  	v14 =	vadd.s32 v8, v14  }
0x68: {  	vm1 =	vgt.s32 v14, $0x7FF;
	v11 =	vsub.s32 v14, v11  }
0x69: {  	(xrf0) =	vadd.scan.msk.s32 $0xffff, v12;
	v8 =	vld.idx.msk [tilespmem:v10+s11+$0x0], $0xffff;
	v10 =	vmpcnt.ones.xlane vm1;
	[tilespmem:$0x1980] =	vst v11  }
0x6a: {  	vm4 =	vge.s32 v9, $0x1;
	[tilespmem:$0x1990] =	vst v14  }
0x6b: {  	vm4 =	vmor vm3, vm4;
	v17 =	vmctz.xlane vm1;
	v9 =	vld.idx.msk [tilespmem:v4+s11+$0x0], $0xffff;
	vm1 =	vlt.s32 v10, $0x1  }
0x6c: {  	vm0 =	vmor vm4, vm1  }
0x6d: {  	v14 =	vld [tilespmem:$0x18D0];
	v11 =	vsel vm0, $0x0, v17;
	_ =	sdelay $0x1  }
0x6e: {  	v16, _, _ =	vpop (xrf0)  }
0x6f: {  	v16 =	vadd.s32 v9, v16  }
0x70: {  	vm1 =	vgt.s32 v16, $0x7FF  }
0x71: {  	(xrf0) =	vadd.scan.msk.s32 $0xffff, v14;
	v9 =	vld.idx.msk [tilespmem:v11+s11+$0x0], $0xffff;
	v11 =	vsub.s32 v16, v12;
	v12 =	vmpcnt.ones.xlane vm1;
	[tilespmem:$0x1990] =	vst v16  }
0x72: {  	vm5 =	vge.s32 v10, $0x1;
	[tilespmem:$0x1980] =	vst v11  }
0x73: {  	vm5 =	vmor vm4, vm5;
	v19 =	vmctz.xlane vm1;
	vm1 =	vlt.s32 v12, $0x1;
	v10 =	vld.idx.msk [tilespmem:v4+s11+$0x0], $0xffff  }
0x74: {  	vm4 =	vmor vm5, vm1  }
0x75: {  	v16 =	vld [tilespmem:$0x18E0];
	v11 =	vsel vm4, $0x0, v19;
	_ =	sdelay $0x1  }
0x76: {  	v18, _, _ =	vpop (xrf0)  }
0x77: {  	v18 =	vadd.s32 v10, v18  }
0x78: {  	vm1 =	vgt.s32 v18, $0x7FF  }
0x79: {  	(xrf0) =	vadd.scan.msk.s32 $0xffff, v16;
	v10 =	vld.idx.msk [tilespmem:v11+s11+$0x0], $0xffff;
	v20 =	vmpcnt.ones.xlane vm1;
	v11 =	vsub.s32 v18, v14;
	[tilespmem:$0x1990] =	vst v18  }
0x7a: {  	vm6 =	vge.s32 v12, $0x1;
	[tilespmem:$0x1980] =	vst v11  }
0x7b: {  	vm6 =	vmor vm5, vm6;
	v21 =	vmctz.xlane vm1;
	vm1 =	vlt.s32 v20, $0x1;
	v11 =	vld.idx.msk [tilespmem:v4+s11+$0x0], $0xffff  }
0x7c: {  	vm5 =	vmor vm6, vm1  }
0x7d: {  	v14 =	vld [tilespmem:$0x18F0];
	v12 =	vsel vm5, $0x0, v21;
	_ =	sdelay $0x1  }
0x7e: {  	v18, _, _ =	vpop (xrf0)  }
0x7f: {  	v18 =	vadd.s32 v11, v18  }
0x80: {  	vm1 =	vgt.s32 v18, $0x7FF  }
0x81: {  	(xrf0) =	vadd.scan.msk.s32 $0xffff, v14;
	v11 =	vld.idx.msk [tilespmem:v12+s11+$0x0], $0xffff;
	v12 =	vsub.s32 v18, v16;
	v16 =	vmpcnt.ones.xlane vm1;
	[tilespmem:$0x1990] =	vst v18  }
0x82: {  	vm7 =	vge.s32 v20, $0x1;
	[tilespmem:$0x1980] =	vst v12  }
0x83: {  	vm7 =	vmor vm6, vm7;
	v23 =	vmctz.xlane vm1;
	vm1 =	vlt.s32 v16, $0x1;
	v12 =	vld.idx.msk [tilespmem:v4+s11+$0x0], $0xffff  }
0x84: {  	vm6 =	vmor vm7, vm1  }
0x85: {  	v20 =	vld [tilespmem:$0x1900];
	v18 =	vsel vm6, $0x0, v23;
	_ =	sdelay $0x1  }
0x86: {  	v22, _, _ =	vpop (xrf0)  }
0x87: {  	v22 =	vadd.s32 v12, v22  }
0x88: {  	vm1 =	vgt.s32 v22, $0x7FF;
	v14 =	vsub.s32 v22, v14  }
0x89: {  	(xrf0) =	vadd.scan.msk.s32 $0xffff, v20;
	v12 =	vld.idx.msk [tilespmem:v18+s11+$0x0], $0xffff;
	v18 =	vmpcnt.ones.xlane vm1;
	[tilespmem:$0x1980] =	vst v14  }
0x8a: {  	vm9 =	vge.s32 v16, $0x1;
	[tilespmem:$0x1990] =	vst v22  }
0x8b: {  	vm9 =	vmor vm7, vm9;
	v24 =	vmctz.xlane vm1;
	v14 =	vld.idx.msk [tilespmem:v4+s11+$0x0], $0xffff;
	vm1 =	vlt.s32 v18, $0x1  }
0x8c: {  	vm7 =	vmor vm9, vm1  }
0x8d: {  	v22 =	vld [tilespmem:$0x1910];
	v16 =	vsel vm7, $0x0, v24;
	_ =	sdelay $0x1  }
0x8e: {  	v25, _, _ =	vpop (xrf0)  }
0x8f: {  	v25 =	vadd.s32 v14, v25  }
0x90: {  	vm1 =	vgt.s32 v25, $0x7FF  }
0x91: {  	(xrf0) =	vadd.scan.msk.s32 $0xffff, v22;
	v14 =	vld.idx.msk [tilespmem:v16+s11+$0x0], $0xffff;
	v16 =	vsub.s32 v25, v20;
	v20 =	vmpcnt.ones.xlane vm1;
	[tilespmem:$0x1990] =	vst v25  }
0x92: {  	vm10 =	vge.s32 v18, $0x1;
	[tilespmem:$0x1980] =	vst v16  }
0x93: {  	vm10 =	vmor vm9, vm10;
	v27 =	vmctz.xlane vm1;
	vm1 =	vlt.s32 v20, $0x1;
	v16 =	vld.idx.msk [tilespmem:v4+s11+$0x0], $0xffff  }
0x94: {  	vm9 =	vmor vm10, vm1  }
0x95: {  	v25 =	vld [tilespmem:$0x1920];
	v18 =	vsel vm9, $0x0, v27;
	_ =	sdelay $0x1  }
0x96: {  	v26, _, _ =	vpop (xrf0)  }
0x97: {  	v26 =	vadd.s32 v16, v26  }
0x98: {  	vm1 =	vgt.s32 v26, $0x7FF  }
0x99: {  	(xrf0) =	vadd.scan.msk.s32 $0xffff, v25;
	v16 =	vld.idx.msk [tilespmem:v18+s11+$0x0], $0xffff;
	v29 =	vmpcnt.ones.xlane vm1;
	v18 =	vsub.s32 v26, v22;
	[tilespmem:$0x1990] =	vst v26  }
0x9a: {  	vm11 =	vge.s32 v20, $0x1;
	[tilespmem:$0x1980] =	vst v18  }
0x9b: {  	vm11 =	vmor vm10, vm11;
	v28 =	vmctz.xlane vm1;
	vm1 =	vlt.s32 v29, $0x1;
	v18 =	vld.idx.msk [tilespmem:v4+s11+$0x0], $0xffff  }
0x9c: {  	vm10 =	vmor vm11, vm1  }
0x9d: {  	v22 =	vld [tilespmem:$0x1930];
	v20 =	vsel vm10, $0x0, v28;
	_ =	sdelay $0x1  }
0x9e: {  	v26, _, _ =	vpop (xrf0)  }
0x9f: {  	v26 =	vadd.s32 v18, v26  }
0xa0: {  	vm1 =	vgt.s32 v26, $0x7FF  }
0xa1: {  	(xrf0) =	vadd.scan.msk.s32 $0xffff, v22;
	v18 =	vld.idx.msk [tilespmem:v20+s11+$0x0], $0xffff;
	v20 =	vsub.s32 v26, v25;
	v25 =	vmpcnt.ones.xlane vm1;
	[tilespmem:$0x1990] =	vst v26  }
0xa2: {  	vm12 =	vge.s32 v29, $0x1;
	[tilespmem:$0x1980] =	vst v20  }
0xa3: {  	vm12 =	vmor vm11, vm12;
	v31 =	vmctz.xlane vm1;
	vm1 =	vlt.s32 v25, $0x1;
	v20 =	vld.idx.msk [tilespmem:v4+s11+$0x0], $0xffff  }
0xa4: {  	vm11 =	vmor vm12, vm1  }
0xa5: {  	v26 =	vsel vm11, $0x0, v31  }
0xa6: {  	v29 =	vld [tilespmem:$0x1940]  }
0xa7: {  	v30, _, _ =	vpop (xrf0)  }
0xa8: {  	v30 =	vadd.s32 v20, v30  }
0xa9: {  	vm1 =	vgt.s32 v30, $0x7FF  }
0xaa: {  	v22 =	vsub.s32 v30, v22;
	v20 =	vld.idx.msk [tilespmem:v26+s11+$0x0], $0xffff;
	v26 =	vmpcnt.ones.xlane vm1  }
0xab: {  	vm13 =	vge.s32 v25, $0x1;
	(xrf0) =	vadd.scan.msk.s32 $0xffff, v29;
	[tilespmem:$0x1980] =	vst v22  }
0xac: {  	vm13 =	vmor vm12, vm13;
	v32 =	vmctz.xlane vm1;
	[tilespmem:$0x1990] =	vst v30;
	vm1 =	vlt.s32 v26, $0x1  }
0xad: {  	v22 =	vld.idx.msk [tilespmem:v4+s11+$0x0], $0xffff;
	vm12 =	vmor vm13, vm1  }
0xae: {  	v30 =	vld [tilespmem:$0x1950];
	v25 =	vsel vm12, $0x0, v32;
	_ =	sdelay $0x2  }
0xaf: {  	v33, _, _ =	vpop (xrf0)  }
0xb0: {  	v33 =	vadd.s32 v22, v33  }
0xb1: {  	(xrf0) =	vadd.scan.msk.s32 $0xffff, v30;
	vm1 =	vgt.s32 v33, $0x7FF;
	v22 =	vld.idx.msk [tilespmem:v25+s11+$0x0], $0xffff;
	v25 =	vsub.s32 v33, v29;
	[tilespmem:$0x1990] =	vst v33  }
0xb2: {  	v29 =	vmpcnt.ones.xlane vm1;
	[tilespmem:$0x1980] =	vst v25  }
0xb3: {  	vm14 =	vge.s32 v26, $0x1;
	v25 =	vld.idx.msk [tilespmem:v4+s11+$0x0], $0xffff  }
0xb4: {  	vm14 =	vmor vm13, vm14;
	v58 =	vmctz.xlane vm1;
	vm1 =	vlt.s32 v29, $0x1  }
0xb5: {  	vm13 =	vmor vm14, vm1  }
0xb6: {  	v34 =	vld [tilespmem:$0x1960];
	v26 =	vsel vm13, $0x0, v58  }
0xb7: {  	v35, _, _ =	vpop (xrf0)  }
0xb8: {  	v35 =	vadd.s32 v25, v35  }
0xb9: {  	vm1 =	vgt.s32 v35, $0x7FF  }
0xba: {  	v36 =	vmpcnt.ones.xlane vm1  }
0xbb: {  	(xrf0) =	vadd.scan.msk.s32 $0xffff, v34;
	vm15 =	vge.s32 v29, $0x1;
	v25 =	vld.idx.msk [tilespmem:v26+s11+$0x0], $0xffff;
	v26 =	vsub.s32 v35, v30;
	[tilespmem:$0x1990] =	vst v35  }
0xbc: {  	vm15 =	vmor vm14, vm15;
	v37 =	vmctz.xlane vm1;
	[tilespmem:$0x1980] =	vst v26;
	vm1 =	vlt.s32 v36, $0x1  }
0xbd: {  	v26 =	vld.idx.msk [tilespmem:v4+s11+$0x0], $0xffff;
	vm14 =	vmor vm15, vm1  }
0xbe: {  	v30 =	vld [tilespmem:$0x1970];
	v29 =	vsel vm14, $0x0, v37;
	_ =	sdelay $0x2  }
0xbf: {  	v59, _, _ =	vpop (xrf0)  }
0xc0: {  	v35 =	vadd.s32 v26, v59  }
0xc1: {  	(xrf0) =	vadd.scan.msk.s32 $0xffff, v30;
	v26 =	vld.idx.msk [tilespmem:v29+s11+$0x0], $0xffff;
	v29 =	vsub.s32 v35, v34;
	[tilespmem:$0x1990] =	vst v35  }
0xc2: {  	[tilespmem:$0x1980] =	vst v29  }
0xc3: {  	v29 =	vld.idx.msk [tilespmem:v4+s11+$0x0], $0xffff;
	_ =	sdelay $0x3  }
0xc4: {  	v60, _, _ =	vpop (xrf0)  }
0xc5: {  	vm1 =	vgt.s32 v35, $0x7FF;
	v34 =	vadd.s32 v29, v60  }
0xc6: {  	v35 =	vmpcnt.ones.xlane vm1;
	vm2 =	vgt.s32 v34, $0x7FF  }
0xc7: {  	vm8 =	vge.s32 v36, $0x1;
	v29 =	vmpcnt.ones.xlane vm2  }
0xc8: {  	vm8 =	vmor vm15, vm8;
	v61 =	vmctz.xlane vm1;
	vm1 =	vlt.s32 v35, $0x1  }
0xc9: {  	vm15 =	vmor vm8, vm1;
	vm8 =	vmneg vm8;
	vm3 =	vgt.s32 v29, $0x0  }
0xca: {  	v62 =	vsel vm15, $0x0, v61;
	v38 =	vmctz.xlane vm2;
	v29 =	vld [tilespmem:$0x1FFE0];
	vm2 =	vmand vm3, vm8  }
0xcb: {  	vm1 =	vmand vm1, vm2  }
0xcc: {  	v63 =	vld [tilespmem:$0x1FFF0];
	v39 =	vnsel vm1, $0x0, v38;
	_ =	sdelay $0x1  }
0xcd: {  	v30 =	vsub.s32 v34, v30  }
0xce: {  	vm3 =	vnez.u8 v29;
	v29 =	vld.idx.msk [tilespmem:v62+s11+$0x0], $0xffff;
	[tilespmem:$0x1980] =	vst v30  }
0xcf: {  	[tilespmem:$0x1990] =	vst v34  }
0xd0: {  	v13 =	vadd.s32 $0x10, v13;
	vm2 =	vnez.u8 v63;
	v30 =	vld.idx.msk [tilespmem:v39+s11+$0x0], $0xffff;
	[tilespmem:$0x1880] =	vst v1  }
0xd1: {  	v6 =	vsel vm2, v6, v13;
	v13 =	vadd.s32 $0x20, v15;
	[tilespmem:$0x1890] =	vst v1  }
0xd2: {  	v6 =	vsel vm3, v6, v13;
	v13 =	vadd.s32 $0x30, v17;
	[tilespmem:$0x18A0] =	vst v1  }
0xd3: {  	v6 =	vsel vm0, v6, v13;
	v13 =	vadd.s32 $0x40, v19;
	[tilespmem:$0x18B0] =	vst v1  }
0xd4: {  	v6 =	vsel vm4, v6, v13;
	v13 =	vadd.s32 $0x50, v21;
	[tilespmem:$0x18C0] =	vst v1  }
0xd5: {  	[tilespmem:$0x18D0] =	vst v1;
	v6 =	vsel vm5, v6, v13;
	v13 =	vadd.s32 $0x60, v23  }
0xd6: {  	[tilespmem:$0x18E0] =	vst v1;
	v6 =	vsel vm6, v6, v13;
	v13 =	vadd.s32 $0x70, v24  }
0xd7: {  	[tilespmem:$0x18F0] =	vst v1;
	v6 =	vsel vm7, v6, v13;
	v13 =	vadd.s32 $0x80, v27  }
0xd8: {  	[tilespmem:$0x1900] =	vst v1;
	v6 =	vsel vm9, v6, v13;
	v13 =	vadd.s32 $0x90, v28  }
0xd9: {  	[tilespmem:$0x1910] =	vst v1;
	v6 =	vsel vm10, v6, v13;
	v13 =	vadd.s32 $0xA0, v31  }
0xda: {  	[tilespmem:$0x1920] =	vst v1;
	v6 =	vsel vm11, v6, v13;
	v13 =	vadd.s32 $0xB0, v32  }
0xdb: {  	[tilespmem:$0x1930] =	vst v1;
	v6 =	vsel vm12, v6, v13;
	v13 =	vadd.s32 $0xC0, v58  }
0xdc: {  	[tilespmem:$0x1940] =	vst v1;
	v6 =	vsel vm13, v6, v13;
	v13 =	vadd.s32 $0xD0, v37  }
0xdd: {  	[tilespmem:$0x1950] =	vst v1;
	v6 =	vsel vm14, v6, v13;
	v13 =	vadd.s32 $0xE0, v61  }
0xde: {  	[tilespmem:$0x1960] =	vst v1;
	v6 =	vsel vm15, v6, v13;
	v13 =	vadd.s32 $0xF0, v38  }
0xdf: {  	s13 =	simm.s32 $0x0;
	s14 =	simm.s32 $0x20;
	[tilespmem:$0x1970] =	vst v1;
	v6 =	vsel vm1, v13, v6  }
.LBB2_5:
0xe0: {  	v13 =	vld [tilespmem:s14+$0xFFFFFFE0];
	_ =	sdelay $0x3  }
0xe1: {  	v15 =	vmov s13  }
0xe2: {  	vm2 =	vgt.u32 v15, v2;
	v13 =	vadd.s32 $0x1, v13  }
0xe3: {  	v13 =	vsel vm2, $0x0, v13  }
0xe4: {  	v15 =	vshra.s32 v13, $0x17  }
0xe5: {  	v13 =	vshrl.u32 v13, $0xF;
	vm2 =	veq.s32 v15, v6  }
0xe6: {  	v13 =	vand.u32 $0xFF, v13;
	_ =	sdelay $0x4  }
0xe7: {  	[tilespmem:v13+s10+$0x0] =	vst.idx.add.s32.msk vm2, v3  }
0xe8: {  	v13 =	vld [tilespmem:s14+$0xFFFFFFF0];
	_ =	sdelay $0x2  }
0xe9: {  	s15 =	sadd.s32 $0x10, s13  }
0xea: {  	v15 =	vmov s15  }
0xeb: {  	vm2 =	vgt.u32 v15, v2;
	v13 =	vadd.s32 $0x1, v13  }
0xec: {  	v13 =	vsel vm2, $0x0, v13  }
0xed: {  	v15 =	vshra.s32 v13, $0x17  }
0xee: {  	v13 =	vshrl.u32 v13, $0xF;
	vm2 =	veq.s32 v15, v6  }
0xef: {  	v13 =	vand.u32 $0xFF, v13;
	_ =	sdelay $0x4  }
0xf0: {  	[tilespmem:v13+s10+$0x0] =	vst.idx.add.s32.msk vm2, v3  }
0xf1: {  	v13 =	vld [tilespmem:s14+$0x0];
	_ =	sdelay $0x2  }
0xf2: {  	s30 =	sadd.s32 $0x20, s13  }
0xf3: {  	v15 =	vmov s30  }
0xf4: {  	vm2 =	vgt.u32 v15, v2;
	v13 =	vadd.s32 $0x1, v13  }
0xf5: {  	v13 =	vsel vm2, $0x0, v13  }
0xf6: {  	v15 =	vshra.s32 v13, $0x17  }
0xf7: {  	v13 =	vshrl.u32 v13, $0xF;
	vm2 =	veq.s32 v15, v6  }
0xf8: {  	v13 =	vand.u32 $0xFF, v13;
	_ =	sdelay $0x4  }
0xf9: {  	[tilespmem:v13+s10+$0x0] =	vst.idx.add.s32.msk vm2, v3  }
0xfa: {  	v13 =	vld [tilespmem:s14+$0x10];
	_ =	sdelay $0x2  }
0xfb: {  	s31 =	sadd.s32 $0x30, s13  }
0xfc: {  	v15 =	vmov s31  }
0xfd: {  	vm2 =	vgt.u32 v15, v2;
	v13 =	vadd.s32 $0x1, v13  }
0xfe: {  	v13 =	vsel vm2, $0x0, v13  }
0xff: {  	v15 =	vshra.s32 v13, $0x17  }
0x100: {  	v13 =	vshrl.u32 v13, $0xF;
	vm2 =	veq.s32 v15, v6  }
0x101: {  	p0 =	sne.s32 s13, $0xFC0;
	v13 =	vand.u32 $0xFF, v13  }
.Ltmp2:
0x102: {  	_ = 	snop;
	(pc) =	sbr.rel @p0 .LBB2_5-.Ltmp2, $2  }
0x103: {  	_ =	sdelay $0x2  }
0x104: {  	s13 =	sadd.s32 $0x40, s13;
	s14 =	sadd.s32 $0x40, s14;
	[tilespmem:v13+s10+$0x0] =	vst.idx.add.s32.msk vm2, v3  }
0x105: {  	v13 =	vld [tilespmem:$0x1FFC0];
	_ =	sdelay $0x4  }
0x106: {  	vm2 =	vnez.u8 v13;
	v13 =	vld [tilespmem:$0x1FFD0];
	_ =	sdelay $0x4  }
0x107: {  	v7 =	vsel vm2, $0x0, v7;
	vm2 =	vnez.u8 v13  }
0x108: {  	v5 =	vsel vm2, v5, v7  }
0x109: {  	v5 =	vsel vm3, v5, v8  }
0x10a: {  	v5 =	vsel vm0, v5, v9  }
0x10b: {  	v7 =	vld [tilespmem:$0x1880];
	v5 =	vsel vm4, v5, v10  }
0x10c: {  	v5 =	vsel vm5, v5, v11  }
0x10d: {  	v5 =	vsel vm6, v5, v12  }
0x10e: {  	v5 =	vsel vm7, v5, v14  }
0x10f: {  	v5 =	vsel vm9, v5, v16  }
0x110: {  	(xrf0) =	vadd.scan.msk.s32 $0xffff, v7;
	v5 =	vsel vm10, v5, v18  }
0x111: {  	v5 =	vsel vm11, v5, v20  }
0x112: {  	v8 =	vld [tilespmem:$0x1890];
	v5 =	vsel vm12, v5, v22  }
0x113: {  	v5 =	vsel vm13, v5, v25  }
0x114: {  	v5 =	vsel vm14, v5, v26  }
0x115: {  	v5 =	vsel vm15, v5, v29  }
0x116: {  	v9, _, _ =	vpop (xrf0);
	v5 =	vsel vm1, v30, v5  }
0x117: {  	(xrf0) =	vadd.scan.msk.s32 $0xffff, v8;
	v7 =	vsub.s32 v9, v7;
	[tilespmem:$0x1990] =	vst v9;
	v5 =	vsub.s32 $0x800, v5  }
0x118: {  	[tilespmem:$0x1980] =	vst v7;
	vm0 =	vge.s32 v9, v5  }
0x119: {  	v10 =	vld.idx.msk [tilespmem:v4+s11+$0x0], $0xffff;
	v7 =	vmpcnt.ones.xlane vm0;
	_ =	sdelay $0x1  }
0x11a: {  	v9 =	vmctz.xlane vm0  }
0x11b: {  	vm0 =	vgt.s32 v7, $0x0  }
0x11c: {  	v14 =	vnsel vm0, $0x0, v9;
	v7, _, _ =	vpop (xrf0)  }
0x11d: {  	v10 =	vadd.s32 v10, v7  }
0x11e: {  	v9 =	vld [tilespmem:$0x18A0];
	vm1 =	vge.s32 v10, v5  }
0x11f: {  	v11 =	vmpcnt.ones.xlane vm1  }
0x120: {  	v8 =	vsub.s32 v10, v8  }
0x121: {  	v15 =	vmctz.xlane vm1;
	v7 =	vld.idx.msk [tilespmem:v14+s11+$0x0], $0xffff;
	[tilespmem:$0x1980] =	vst v8;
	v8 =	vimm.s32 $0x0;
	vm1 =	vlt.s32 v11, $0x1  }
0x122: {  	v8 =	vsel vm1, $0xFFFFFFFF, v8  }
0x123: {  	(xrf0) =	vadd.scan.msk.s32 $0xffff, v9;
	vm1 =	vmor vm0, vm1;
	[tilespmem:$0x1FF80] =	vst v8;
	v8 =	vimm.s32 $0x0  }
0x124: {  	[tilespmem:$0x1990] =	vst v10;
	v8 =	vsel vm1, $0xFFFFFFFF, v8  }
0x125: {  	[tilespmem:$0x1FFB0] =	vst v8;
	v8 =	vld.idx.msk [tilespmem:v4+s11+$0x0], $0xffff;
	_ =	sdelay $0x1  }
0x126: {  	v10 =	vsel vm1, $0x0, v15  }
0x127: {  	v12 =	vld [tilespmem:$0x18B0]  }
0x128: {  	v13, _, _ =	vpop (xrf0)  }
0x129: {  	v13 =	vadd.s32 v8, v13  }
0x12a: {  	vm1 =	vge.s32 v13, v5  }
0x12b: {  	vm2 =	vge.s32 v11, $0x1;
	v8 =	vld.idx.msk [tilespmem:v10+s11+$0x0], $0xffff;
	v9 =	vsub.s32 v13, v9;
	v10 =	vmpcnt.ones.xlane vm1  }
0x12c: {  	vm3 =	vmor vm0, vm2;
	(xrf0) =	vadd.scan.msk.s32 $0xffff, v12;
	[tilespmem:$0x1980] =	vst v9;
	v9 =	vimm.s32 $0x0  }
0x12d: {  	[tilespmem:$0x1990] =	vst v13;
	v17 =	vmctz.xlane vm1;
	v9 =	vsel vm0, $0xFFFFFFFF, v9;
	vm1 =	vlt.s32 v10, $0x1  }
0x12e: {  	v11 =	vimm.s32 $0x0;
	[tilespmem:$0x1FF90] =	vst v9;
	v9 =	vld.idx.msk [tilespmem:v4+s11+$0x0], $0xffff;
	vm0 =	vmor vm3, vm1  }
0x12f: {  	v11 =	vsel vm0, $0xFFFFFFFF, v11  }
0x130: {  	v13 =	vld [tilespmem:$0x18C0];
	[tilespmem:$0x1FFA0] =	vst v11;
	v11 =	vsel vm0, $0x0, v17;
	_ =	sdelay $0x1  }
0x131: {  	v16, _, _ =	vpop (xrf0)  }
0x132: {  	v16 =	vadd.s32 v9, v16  }
0x133: {  	vm1 =	vge.s32 v16, v5;
	v12 =	vsub.s32 v16, v12  }
0x134: {  	(xrf0) =	vadd.scan.msk.s32 $0xffff, v13;
	v9 =	vld.idx.msk [tilespmem:v11+s11+$0x0], $0xffff;
	v11 =	vmpcnt.ones.xlane vm1;
	[tilespmem:$0x1980] =	vst v12  }
0x135: {  	vm4 =	vge.s32 v10, $0x1;
	[tilespmem:$0x1990] =	vst v16  }
0x136: {  	vm4 =	vmor vm3, vm4;
	v19 =	vmctz.xlane vm1;
	v10 =	vld.idx.msk [tilespmem:v4+s11+$0x0], $0xffff;
	vm1 =	vlt.s32 v11, $0x1  }
0x137: {  	vm0 =	vmor vm4, vm1  }
0x138: {  	v16 =	vld [tilespmem:$0x18D0];
	v12 =	vsel vm0, $0x0, v19;
	_ =	sdelay $0x1  }
0x139: {  	v18, _, _ =	vpop (xrf0)  }
0x13a: {  	v18 =	vadd.s32 v10, v18  }
0x13b: {  	vm1 =	vge.s32 v18, v5  }
0x13c: {  	(xrf0) =	vadd.scan.msk.s32 $0xffff, v16;
	v10 =	vld.idx.msk [tilespmem:v12+s11+$0x0], $0xffff;
	v12 =	vsub.s32 v18, v13;
	v13 =	vmpcnt.ones.xlane vm1;
	[tilespmem:$0x1990] =	vst v18  }
0x13d: {  	vm5 =	vge.s32 v11, $0x1;
	[tilespmem:$0x1980] =	vst v12  }
0x13e: {  	vm5 =	vmor vm4, vm5;
	v21 =	vmctz.xlane vm1;
	vm1 =	vlt.s32 v13, $0x1;
	v11 =	vld.idx.msk [tilespmem:v4+s11+$0x0], $0xffff  }
0x13f: {  	vm4 =	vmor vm5, vm1  }
0x140: {  	v18 =	vld [tilespmem:$0x18E0];
	v12 =	vsel vm4, $0x0, v21;
	_ =	sdelay $0x1  }
0x141: {  	v20, _, _ =	vpop (xrf0)  }
0x142: {  	v20 =	vadd.s32 v11, v20  }
0x143: {  	vm1 =	vge.s32 v20, v5  }
0x144: {  	(xrf0) =	vadd.scan.msk.s32 $0xffff, v18;
	v11 =	vld.idx.msk [tilespmem:v12+s11+$0x0], $0xffff;
	v22 =	vmpcnt.ones.xlane vm1;
	v12 =	vsub.s32 v20, v16;
	[tilespmem:$0x1990] =	vst v20  }
0x145: {  	vm6 =	vge.s32 v13, $0x1;
	[tilespmem:$0x1980] =	vst v12  }
0x146: {  	vm6 =	vmor vm5, vm6;
	v23 =	vmctz.xlane vm1;
	vm1 =	vlt.s32 v22, $0x1;
	v12 =	vld.idx.msk [tilespmem:v4+s11+$0x0], $0xffff  }
0x147: {  	vm5 =	vmor vm6, vm1  }
0x148: {  	v16 =	vld [tilespmem:$0x18F0];
	v13 =	vsel vm5, $0x0, v23;
	_ =	sdelay $0x1  }
0x149: {  	v20, _, _ =	vpop (xrf0)  }
0x14a: {  	v20 =	vadd.s32 v12, v20  }
0x14b: {  	vm1 =	vge.s32 v20, v5  }
0x14c: {  	(xrf0) =	vadd.scan.msk.s32 $0xffff, v16;
	v12 =	vld.idx.msk [tilespmem:v13+s11+$0x0], $0xffff;
	v13 =	vsub.s32 v20, v18;
	v18 =	vmpcnt.ones.xlane vm1;
	[tilespmem:$0x1990] =	vst v20  }
0x14d: {  	vm7 =	vge.s32 v22, $0x1;
	[tilespmem:$0x1980] =	vst v13  }
0x14e: {  	vm7 =	vmor vm6, vm7;
	v25 =	vmctz.xlane vm1;
	vm1 =	vlt.s32 v18, $0x1;
	v13 =	vld.idx.msk [tilespmem:v4+s11+$0x0], $0xffff  }
0x14f: {  	vm6 =	vmor vm7, vm1  }
0x150: {  	v22 =	vld [tilespmem:$0x1900];
	v20 =	vsel vm6, $0x0, v25;
	_ =	sdelay $0x1  }
0x151: {  	v24, _, _ =	vpop (xrf0)  }
0x152: {  	v24 =	vadd.s32 v13, v24  }
0x153: {  	vm1 =	vge.s32 v24, v5;
	v16 =	vsub.s32 v24, v16  }
0x154: {  	(xrf0) =	vadd.scan.msk.s32 $0xffff, v22;
	v13 =	vld.idx.msk [tilespmem:v20+s11+$0x0], $0xffff;
	v20 =	vmpcnt.ones.xlane vm1;
	[tilespmem:$0x1980] =	vst v16  }
0x155: {  	vm9 =	vge.s32 v18, $0x1;
	[tilespmem:$0x1990] =	vst v24  }
0x156: {  	vm9 =	vmor vm7, vm9;
	v27 =	vmctz.xlane vm1;
	v16 =	vld.idx.msk [tilespmem:v4+s11+$0x0], $0xffff;
	vm1 =	vlt.s32 v20, $0x1  }
0x157: {  	vm7 =	vmor vm9, vm1  }
0x158: {  	v24 =	vld [tilespmem:$0x1910];
	v18 =	vsel vm7, $0x0, v27;
	_ =	sdelay $0x1  }
0x159: {  	v26, _, _ =	vpop (xrf0)  }
0x15a: {  	v26 =	vadd.s32 v16, v26  }
0x15b: {  	vm1 =	vge.s32 v26, v5  }
0x15c: {  	(xrf0) =	vadd.scan.msk.s32 $0xffff, v24;
	v16 =	vld.idx.msk [tilespmem:v18+s11+$0x0], $0xffff;
	v18 =	vsub.s32 v26, v22;
	v22 =	vmpcnt.ones.xlane vm1;
	[tilespmem:$0x1990] =	vst v26  }
0x15d: {  	vm10 =	vge.s32 v20, $0x1;
	[tilespmem:$0x1980] =	vst v18  }
0x15e: {  	vm10 =	vmor vm9, vm10;
	v29 =	vmctz.xlane vm1;
	vm1 =	vlt.s32 v22, $0x1;
	v18 =	vld.idx.msk [tilespmem:v4+s11+$0x0], $0xffff  }
0x15f: {  	vm9 =	vmor vm10, vm1  }
0x160: {  	v26 =	vld [tilespmem:$0x1920];
	v20 =	vsel vm9, $0x0, v29;
	_ =	sdelay $0x1  }
0x161: {  	v28, _, _ =	vpop (xrf0)  }
0x162: {  	v28 =	vadd.s32 v18, v28  }
0x163: {  	vm1 =	vge.s32 v28, v5  }
0x164: {  	(xrf0) =	vadd.scan.msk.s32 $0xffff, v26;
	v18 =	vld.idx.msk [tilespmem:v20+s11+$0x0], $0xffff;
	v31 =	vmpcnt.ones.xlane vm1;
	v20 =	vsub.s32 v28, v24;
	[tilespmem:$0x1990] =	vst v28  }
0x165: {  	vm11 =	vge.s32 v22, $0x1;
	[tilespmem:$0x1980] =	vst v20  }
0x166: {  	vm11 =	vmor vm10, vm11;
	v30 =	vmctz.xlane vm1;
	vm1 =	vlt.s32 v31, $0x1;
	v20 =	vld.idx.msk [tilespmem:v4+s11+$0x0], $0xffff  }
0x167: {  	vm10 =	vmor vm11, vm1  }
0x168: {  	v24 =	vld [tilespmem:$0x1930];
	v22 =	vsel vm10, $0x0, v30;
	_ =	sdelay $0x1  }
0x169: {  	v28, _, _ =	vpop (xrf0)  }
0x16a: {  	v28 =	vadd.s32 v20, v28  }
0x16b: {  	vm1 =	vge.s32 v28, v5  }
0x16c: {  	(xrf0) =	vadd.scan.msk.s32 $0xffff, v24;
	v20 =	vld.idx.msk [tilespmem:v22+s11+$0x0], $0xffff;
	v22 =	vsub.s32 v28, v26;
	v26 =	vmpcnt.ones.xlane vm1;
	[tilespmem:$0x1990] =	vst v28  }
0x16d: {  	vm12 =	vge.s32 v31, $0x1;
	[tilespmem:$0x1980] =	vst v22  }
0x16e: {  	vm12 =	vmor vm11, vm12;
	v32 =	vmctz.xlane vm1;
	vm1 =	vlt.s32 v26, $0x1;
	v22 =	vld.idx.msk [tilespmem:v4+s11+$0x0], $0xffff  }
0x16f: {  	vm11 =	vmor vm12, vm1  }
0x170: {  	v28 =	vsel vm11, $0x0, v32  }
0x171: {  	v31 =	vld [tilespmem:$0x1940]  }
0x172: {  	v33, _, _ =	vpop (xrf0)  }
0x173: {  	v33 =	vadd.s32 v22, v33  }
0x174: {  	vm1 =	vge.s32 v33, v5  }
0x175: {  	v24 =	vsub.s32 v33, v24;
	v22 =	vld.idx.msk [tilespmem:v28+s11+$0x0], $0xffff;
	v28 =	vmpcnt.ones.xlane vm1  }
0x176: {  	vm13 =	vge.s32 v26, $0x1;
	(xrf0) =	vadd.scan.msk.s32 $0xffff, v31;
	[tilespmem:$0x1980] =	vst v24  }
0x177: {  	vm13 =	vmor vm12, vm13;
	v34 =	vmctz.xlane vm1;
	[tilespmem:$0x1990] =	vst v33;
	vm1 =	vlt.s32 v28, $0x1  }
0x178: {  	v24 =	vld.idx.msk [tilespmem:v4+s11+$0x0], $0xffff;
	vm12 =	vmor vm13, vm1  }
0x179: {  	v55 =	vld [tilespmem:$0x1950];
	v26 =	vsel vm12, $0x0, v34;
	_ =	sdelay $0x2  }
0x17a: {  	v35, _, _ =	vpop (xrf0)  }
0x17b: {  	v35 =	vadd.s32 v24, v35  }
0x17c: {  	(xrf0) =	vadd.scan.msk.s32 $0xffff, v55;
	vm1 =	vge.s32 v35, v5;
	v24 =	vld.idx.msk [tilespmem:v26+s11+$0x0], $0xffff;
	v26 =	vsub.s32 v35, v31;
	[tilespmem:$0x1990] =	vst v35  }
0x17d: {  	v31 =	vmpcnt.ones.xlane vm1;
	[tilespmem:$0x1980] =	vst v26  }
0x17e: {  	vm14 =	vge.s32 v28, $0x1;
	v26 =	vld.idx.msk [tilespmem:v4+s11+$0x0], $0xffff  }
0x17f: {  	vm14 =	vmor vm13, vm14;
	v56 =	vmctz.xlane vm1;
	vm1 =	vlt.s32 v31, $0x1  }
0x180: {  	vm13 =	vmor vm14, vm1  }
0x181: {  	v36 =	vld [tilespmem:$0x1960];
	v28 =	vsel vm13, $0x0, v56  }
0x182: {  	v37, _, _ =	vpop (xrf0)  }
0x183: {  	v37 =	vadd.s32 v26, v37  }
0x184: {  	vm1 =	vge.s32 v37, v5  }
0x185: {  	v38 =	vmpcnt.ones.xlane vm1  }
0x186: {  	(xrf0) =	vadd.scan.msk.s32 $0xffff, v36;
	vm15 =	vge.s32 v31, $0x1;
	v26 =	vld.idx.msk [tilespmem:v28+s11+$0x0], $0xffff;
	v28 =	vsub.s32 v37, v55;
	[tilespmem:$0x1990] =	vst v37  }
0x187: {  	vm15 =	vmor vm14, vm15;
	v57 =	vmctz.xlane vm1;
	[tilespmem:$0x1980] =	vst v28;
	vm1 =	vlt.s32 v38, $0x1  }
0x188: {  	v28 =	vld.idx.msk [tilespmem:v4+s11+$0x0], $0xffff;
	vm14 =	vmor vm15, vm1  }
0x189: {  	v58 =	vld [tilespmem:$0x1970];
	v31 =	vsel vm14, $0x0, v57;
	_ =	sdelay $0x2  }
0x18a: {  	v39, _, _ =	vpop (xrf0)  }
0x18b: {  	v39 =	vadd.s32 v28, v39  }
0x18c: {  	(xrf0) =	vadd.scan.msk.s32 $0xffff, v58;
	v28 =	vld.idx.msk [tilespmem:v31+s11+$0x0], $0xffff;
	v31 =	vsub.s32 v39, v36;
	[tilespmem:$0x1990] =	vst v39  }
0x18d: {  	[tilespmem:$0x1980] =	vst v31  }
0x18e: {  	v31 =	vld.idx.msk [tilespmem:v4+s11+$0x0], $0xffff;
	_ =	sdelay $0x3  }
0x18f: {  	v59, _, _ =	vpop (xrf0)  }
0x190: {  	vm1 =	vge.s32 v39, v5;
	v36 =	vadd.s32 v31, v59  }
0x191: {  	v39 =	vmpcnt.ones.xlane vm1;
	vm2 =	vge.s32 v36, v5  }
0x192: {  	vm8 =	vge.s32 v38, $0x1;
	v31 =	vmpcnt.ones.xlane vm2  }
0x193: {  	vm8 =	vmor vm15, vm8;
	v60 =	vmctz.xlane vm1;
	vm1 =	vlt.s32 v39, $0x1  }
0x194: {  	vm15 =	vmor vm8, vm1;
	vm8 =	vmneg vm8;
	vm3 =	vgt.s32 v31, $0x0  }
0x195: {  	v61 =	vsel vm15, $0x0, v60;
	v40 =	vmctz.xlane vm2;
	v31 =	vld [tilespmem:$0x1FFA0];
	vm2 =	vmand vm3, vm8  }
0x196: {  	v63 =	vld [tilespmem:$0x1FFB0];
	vm1 =	vmand vm1, vm2  }
0x197: {  	v41 =	vnsel vm1, $0x0, v40;
	_ =	sdelay $0x1  }
0x198: {  	v37 =	vsub.s32 v36, v58  }
0x199: {  	vm3 =	vnez.u8 v31;
	v31 =	vld.idx.msk [tilespmem:v61+s11+$0x0], $0xffff;
	[tilespmem:$0x1980] =	vst v37  }
0x19a: {  	v62 =	vadd.s32 $0x10, v15;
	vm2 =	vnez.u8 v63;
	[tilespmem:$0x1990] =	vst v36  }
0x19b: {  	v17 =	vadd.s32 $0x20, v17;
	v14 =	vsel vm2, v14, v62;
	v15 =	vld.idx.msk [tilespmem:v41+s11+$0x0], $0xffff;
	[tilespmem:$0x1880] =	vst v1  }
0x19c: {  	v14 =	vsel vm3, v14, v17;
	v17 =	vadd.s32 $0x30, v19;
	[tilespmem:$0x1890] =	vst v1  }
0x19d: {  	v14 =	vsel vm0, v14, v17;
	v17 =	vadd.s32 $0x40, v21;
	[tilespmem:$0x18A0] =	vst v1  }
0x19e: {  	v14 =	vsel vm4, v14, v17;
	v17 =	vadd.s32 $0x50, v23;
	[tilespmem:$0x18B0] =	vst v1  }
0x19f: {  	[tilespmem:$0x18C0] =	vst v1;
	v14 =	vsel vm5, v14, v17;
	v17 =	vadd.s32 $0x60, v25  }
0x1a0: {  	[tilespmem:$0x18D0] =	vst v1;
	v14 =	vsel vm6, v14, v17;
	v17 =	vadd.s32 $0x70, v27  }
0x1a1: {  	[tilespmem:$0x18E0] =	vst v1;
	v14 =	vsel vm7, v14, v17;
	v17 =	vadd.s32 $0x80, v29  }
0x1a2: {  	[tilespmem:$0x18F0] =	vst v1;
	v14 =	vsel vm9, v14, v17;
	v17 =	vadd.s32 $0x90, v30  }
0x1a3: {  	[tilespmem:$0x1900] =	vst v1;
	v14 =	vsel vm10, v14, v17;
	v17 =	vadd.s32 $0xA0, v32  }
0x1a4: {  	[tilespmem:$0x1910] =	vst v1;
	v14 =	vsel vm11, v14, v17;
	v17 =	vadd.s32 $0xB0, v34  }
0x1a5: {  	[tilespmem:$0x1920] =	vst v1;
	v14 =	vsel vm12, v14, v17;
	v17 =	vadd.s32 $0xC0, v56  }
0x1a6: {  	[tilespmem:$0x1930] =	vst v1;
	v14 =	vsel vm13, v14, v17;
	v17 =	vadd.s32 $0xD0, v57  }
0x1a7: {  	[tilespmem:$0x1940] =	vst v1;
	v14 =	vsel vm14, v14, v17;
	v17 =	vadd.s32 $0xE0, v60  }
0x1a8: {  	[tilespmem:$0x1950] =	vst v1;
	v14 =	vsel vm15, v14, v17;
	v17 =	vadd.s32 $0xF0, v40  }
0x1a9: {  	v6 =	vshll.u32 v6, $0x8;
	[tilespmem:$0x1960] =	vst v1;
	v14 =	vsel vm1, v17, v14  }
0x1aa: {  	s13 =	simm.s32 $0x0;
	s14 =	simm.s32 $0x20;
	[tilespmem:$0x1970] =	vst v1;
	v6 =	vor.u32 v6, v14  }
.LBB2_7:
0x1ab: {  	v14 =	vld [tilespmem:s14+$0xFFFFFFE0];
	_ =	sdelay $0x3  }
0x1ac: {  	v17 =	vmov s13  }
0x1ad: {  	vm2 =	vgt.u32 v17, v2;
	v14 =	vadd.s32 $0x1, v14  }
0x1ae: {  	v14 =	vsel vm2, $0x0, v14  }
0x1af: {  	v17 =	vshra.s32 v14, $0xF  }
0x1b0: {  	v14 =	vshrl.u32 v14, $0x7;
	vm2 =	veq.s32 v17, v6  }
0x1b1: {  	v14 =	vand.u32 $0xFF, v14;
	_ =	sdelay $0x4  }
0x1b2: {  	[tilespmem:v14+s10+$0x0] =	vst.idx.add.s32.msk vm2, v3  }
0x1b3: {  	v14 =	vld [tilespmem:s14+$0xFFFFFFF0];
	_ =	sdelay $0x2  }
0x1b4: {  	s15 =	sadd.s32 $0x10, s13  }
0x1b5: {  	v17 =	vmov s15  }
0x1b6: {  	vm2 =	vgt.u32 v17, v2;
	v14 =	vadd.s32 $0x1, v14  }
0x1b7: {  	v14 =	vsel vm2, $0x0, v14  }
0x1b8: {  	v17 =	vshra.s32 v14, $0xF  }
0x1b9: {  	v14 =	vshrl.u32 v14, $0x7;
	vm2 =	veq.s32 v17, v6  }
0x1ba: {  	v14 =	vand.u32 $0xFF, v14;
	_ =	sdelay $0x4  }
0x1bb: {  	[tilespmem:v14+s10+$0x0] =	vst.idx.add.s32.msk vm2, v3  }
0x1bc: {  	v14 =	vld [tilespmem:s14+$0x0];
	_ =	sdelay $0x2  }
0x1bd: {  	s30 =	sadd.s32 $0x20, s13  }
0x1be: {  	v17 =	vmov s30  }
0x1bf: {  	vm2 =	vgt.u32 v17, v2;
	v14 =	vadd.s32 $0x1, v14  }
0x1c0: {  	v14 =	vsel vm2, $0x0, v14  }
0x1c1: {  	v17 =	vshra.s32 v14, $0xF  }
0x1c2: {  	v14 =	vshrl.u32 v14, $0x7;
	vm2 =	veq.s32 v17, v6  }
0x1c3: {  	v14 =	vand.u32 $0xFF, v14;
	_ =	sdelay $0x4  }
0x1c4: {  	[tilespmem:v14+s10+$0x0] =	vst.idx.add.s32.msk vm2, v3  }
0x1c5: {  	v14 =	vld [tilespmem:s14+$0x10];
	_ =	sdelay $0x2  }
0x1c6: {  	s31 =	sadd.s32 $0x30, s13  }
0x1c7: {  	v17 =	vmov s31  }
0x1c8: {  	vm2 =	vgt.u32 v17, v2;
	v14 =	vadd.s32 $0x1, v14  }
0x1c9: {  	v14 =	vsel vm2, $0x0, v14  }
0x1ca: {  	v17 =	vshra.s32 v14, $0xF  }
0x1cb: {  	v14 =	vshrl.u32 v14, $0x7;
	vm2 =	veq.s32 v17, v6  }
0x1cc: {  	p0 =	sne.s32 s13, $0xFC0;
	v14 =	vand.u32 $0xFF, v14  }
.Ltmp3:
0x1cd: {  	_ = 	snop;
	(pc) =	sbr.rel @p0 .LBB2_7-.Ltmp3, $2  }
0x1ce: {  	_ =	sdelay $0x2  }
0x1cf: {  	s13 =	sadd.s32 $0x40, s13;
	s14 =	sadd.s32 $0x40, s14;
	[tilespmem:v14+s10+$0x0] =	vst.idx.add.s32.msk vm2, v3  }
0x1d0: {  	v14 =	vld [tilespmem:$0x1FF80];
	_ =	sdelay $0x4  }
0x1d1: {  	vm2 =	vnez.u8 v14;
	v14 =	vld [tilespmem:$0x1FF90];
	_ =	sdelay $0x4  }
0x1d2: {  	v8 =	vsel vm2, $0x0, v8;
	vm2 =	vnez.u8 v14  }
0x1d3: {  	v7 =	vsel vm2, v7, v8  }
0x1d4: {  	v7 =	vsel vm3, v7, v9  }
0x1d5: {  	v7 =	vsel vm0, v7, v10  }
0x1d6: {  	v8 =	vld [tilespmem:$0x1880];
	v7 =	vsel vm4, v7, v11  }
0x1d7: {  	v7 =	vsel vm5, v7, v12  }
0x1d8: {  	v7 =	vsel vm6, v7, v13  }
0x1d9: {  	v7 =	vsel vm7, v7, v16  }
0x1da: {  	v7 =	vsel vm9, v7, v18  }
0x1db: {  	(xrf0) =	vadd.scan.msk.s32 $0xffff, v8;
	v7 =	vsel vm10, v7, v20  }
0x1dc: {  	v7 =	vsel vm11, v7, v22  }
0x1dd: {  	v9 =	vld [tilespmem:$0x1890];
	v7 =	vsel vm12, v7, v24  }
0x1de: {  	v7 =	vsel vm13, v7, v26  }
0x1df: {  	v7 =	vsel vm14, v7, v28  }
0x1e0: {  	v7 =	vsel vm15, v7, v31  }
0x1e1: {  	v10, _, _ =	vpop (xrf0);
	v7 =	vsel vm1, v15, v7  }
0x1e2: {  	(xrf0) =	vadd.scan.msk.s32 $0xffff, v9;
	[tilespmem:$0x1990] =	vst v10;
	v5 =	vsub.s32 v5, v7;
	v7 =	vsub.s32 v10, v8  }
0x1e3: {  	vm0 =	vge.s32 v10, v5;
	[tilespmem:$0x1980] =	vst v7  }
0x1e4: {  	v7 =	vmpcnt.ones.xlane vm0;
	v10 =	vld.idx.msk [tilespmem:v4+s11+$0x0], $0xffff;
	_ =	sdelay $0x1  }
0x1e5: {  	v8 =	vmctz.xlane vm0  }
0x1e6: {  	v11 =	vld [tilespmem:$0x18A0];
	vm0 =	vgt.s32 v7, $0x0  }
0x1e7: {  	v14 =	vnsel vm0, $0x0, v8;
	v7, _, _ =	vpop (xrf0)  }
0x1e8: {  	v8 =	vadd.s32 v10, v7  }
0x1e9: {  	vm1 =	vge.s32 v8, v5  }
0x1ea: {  	v10 =	vmpcnt.ones.xlane vm1  }
0x1eb: {  	(xrf0) =	vadd.scan.msk.s32 $0xffff, v11;
	v9 =	vsub.s32 v8, v9  }
0x1ec: {  	v16 =	vmctz.xlane vm1;
	v7 =	vld.idx.msk [tilespmem:v14+s11+$0x0], $0xffff;
	[tilespmem:$0x1990] =	vst v8;
	v8 =	vimm.s32 $0x0;
	vm1 =	vlt.s32 v10, $0x1  }
0x1ed: {  	[tilespmem:$0x1980] =	vst v9;
	v8 =	vsel vm1, $0xFFFFFFFF, v8  }
0x1ee: {  	vm8 =	vmor vm0, vm1;
	[tilespmem:$0x1FF50] =	vst v8;
	v8 =	vld.idx.msk [tilespmem:v4+s11+$0x0], $0xffff  }
0x1ef: {  	v12 =	vld [tilespmem:$0x18B0];
	v9 =	vsel vm8, $0x0, v16;
	_ =	sdelay $0x2  }
0x1f0: {  	v13, _, _ =	vpop (xrf0)  }
0x1f1: {  	v13 =	vadd.s32 v8, v13  }
0x1f2: {  	(xrf0) =	vadd.scan.msk.s32 $0xffff, v12;
	v8 =	vld.idx.msk [tilespmem:v9+s11+$0x0], $0xffff;
	vm2 =	vge.s32 v13, v5;
	v9 =	vsub.s32 v13, v11;
	[tilespmem:$0x1990] =	vst v13  }
0x1f3: {  	v11 =	vmpcnt.ones.xlane vm2;
	[tilespmem:$0x1980] =	vst v9  }
0x1f4: {  	vm3 =	vge.s32 v10, $0x1;
	v9 =	vld.idx.msk [tilespmem:v4+s11+$0x0], $0xffff  }
0x1f5: {  	vm3 =	vmor vm0, vm3;
	v17 =	vmctz.xlane vm2;
	vm2 =	vlt.s32 v11, $0x1  }
0x1f6: {  	v10 =	vimm.s32 $0x0;
	vm1 =	vmor vm3, vm2  }
0x1f7: {  	v10 =	vsel vm1, $0xFFFFFFFF, v10  }
0x1f8: {  	v15, _, _ =	vpop (xrf0);
	[tilespmem:$0x1FF70] =	vst v10;
	v10 =	vsel vm1, $0x0, v17  }
0x1f9: {  	v13 =	vld [tilespmem:$0x18C0];
	v15 =	vadd.s32 v9, v15  }
0x1fa: {  	vm4 =	vge.s32 v15, v5  }
0x1fb: {  	v18 =	vmpcnt.ones.xlane vm4  }
0x1fc: {  	vm5 =	vge.s32 v11, $0x1  }
0x1fd: {  	vm5 =	vmor vm3, vm5;
	v9 =	vld.idx.msk [tilespmem:v10+s11+$0x0], $0xffff;
	v10 =	vsub.s32 v15, v12;
	vm3 =	vlt.s32 v18, $0x1  }
0x1fe: {  	(xrf0) =	vadd.scan.msk.s32 $0xffff, v13;
	[tilespmem:$0x1980] =	vst v10;
	vm1 =	vmor vm5, vm3;
	v10 =	vimm.s32 $0x0  }
0x1ff: {  	[tilespmem:$0x1990] =	vst v15;
	v10 =	vsel vm1, $0xFFFFFFFF, v10  }
0x200: {  	v19 =	vmctz.xlane vm4;
	[tilespmem:$0x1FF60] =	vst v10;
	v10 =	vld.idx.msk [tilespmem:v4+s11+$0x0], $0xffff;
	_ =	sdelay $0x1  }
0x201: {  	v12 =	vld [tilespmem:$0x18D0];
	v11 =	vsel vm1, $0x0, v19;
	_ =	sdelay $0x1  }
0x202: {  	v15, _, _ =	vpop (xrf0)  }
0x203: {  	v15 =	vadd.s32 v10, v15  }
0x204: {  	vm4 =	vge.s32 v15, v5  }
0x205: {  	(xrf0) =	vadd.scan.msk.s32 $0xffff, v12;
	v10 =	vld.idx.msk [tilespmem:v11+s11+$0x0], $0xffff;
	v11 =	vsub.s32 v15, v13;
	[tilespmem:$0x1990] =	vst v15;
	v13 =	vmpcnt.ones.xlane vm4  }
0x206: {  	vm6 =	vge.s32 v18, $0x1;
	[tilespmem:$0x1980] =	vst v11  }
0x207: {  	vm5 =	vmor vm5, vm6;
	v21 =	vmctz.xlane vm4;
	v11 =	vld.idx.msk [tilespmem:v4+s11+$0x0], $0xffff;
	vm4 =	vlt.s32 v13, $0x1  }
0x208: {  	vm4 =	vmor vm5, vm4  }
0x209: {  	v18 =	vld [tilespmem:$0x18E0];
	v15 =	vsel vm4, $0x0, v21;
	_ =	sdelay $0x1  }
0x20a: {  	v20, _, _ =	vpop (xrf0)  }
0x20b: {  	v20 =	vadd.s32 v11, v20  }
0x20c: {  	vm6 =	vge.s32 v20, v5;
	v12 =	vsub.s32 v20, v12  }
0x20d: {  	(xrf0) =	vadd.scan.msk.s32 $0xffff, v18;
	v11 =	vld.idx.msk [tilespmem:v15+s11+$0x0], $0xffff;
	v15 =	vmpcnt.ones.xlane vm6;
	[tilespmem:$0x1980] =	vst v12  }
0x20e: {  	vm7 =	vge.s32 v13, $0x1;
	[tilespmem:$0x1990] =	vst v20  }
0x20f: {  	vm7 =	vmor vm5, vm7;
	v23 =	vmctz.xlane vm6;
	v12 =	vld.idx.msk [tilespmem:v4+s11+$0x0], $0xffff;
	vm5 =	vlt.s32 v15, $0x1  }
0x210: {  	vm5 =	vmor vm7, vm5  }
0x211: {  	v20 =	vld [tilespmem:$0x18F0];
	v13 =	vsel vm5, $0x0, v23;
	_ =	sdelay $0x1  }
0x212: {  	v22, _, _ =	vpop (xrf0)  }
0x213: {  	v22 =	vadd.s32 v12, v22  }
0x214: {  	vm6 =	vge.s32 v22, v5  }
0x215: {  	(xrf0) =	vadd.scan.msk.s32 $0xffff, v20;
	v12 =	vld.idx.msk [tilespmem:v13+s11+$0x0], $0xffff;
	v13 =	vsub.s32 v22, v18;
	v18 =	vmpcnt.ones.xlane vm6;
	[tilespmem:$0x1990] =	vst v22  }
0x216: {  	vm9 =	vge.s32 v15, $0x1;
	[tilespmem:$0x1980] =	vst v13  }
0x217: {  	vm7 =	vmor vm7, vm9;
	v25 =	vmctz.xlane vm6;
	vm6 =	vlt.s32 v18, $0x1;
	v13 =	vld.idx.msk [tilespmem:v4+s11+$0x0], $0xffff  }
0x218: {  	vm6 =	vmor vm7, vm6  }
0x219: {  	v22 =	vld [tilespmem:$0x1900];
	v15 =	vsel vm6, $0x0, v25;
	_ =	sdelay $0x1  }
0x21a: {  	v24, _, _ =	vpop (xrf0)  }
0x21b: {  	v24 =	vadd.s32 v13, v24  }
0x21c: {  	vm9 =	vge.s32 v24, v5  }
0x21d: {  	(xrf0) =	vadd.scan.msk.s32 $0xffff, v22;
	v13 =	vld.idx.msk [tilespmem:v15+s11+$0x0], $0xffff;
	v27 =	vmpcnt.ones.xlane vm9;
	v15 =	vsub.s32 v24, v20;
	[tilespmem:$0x1990] =	vst v24  }
0x21e: {  	vm10 =	vge.s32 v18, $0x1;
	[tilespmem:$0x1980] =	vst v15  }
0x21f: {  	vm10 =	vmor vm7, vm10;
	v26 =	vmctz.xlane vm9;
	vm7 =	vlt.s32 v27, $0x1;
	v15 =	vld.idx.msk [tilespmem:v4+s11+$0x0], $0xffff  }
0x220: {  	vm7 =	vmor vm10, vm7  }
0x221: {  	v20 =	vld [tilespmem:$0x1910];
	v18 =	vsel vm7, $0x0, v26;
	_ =	sdelay $0x1  }
0x222: {  	v24, _, _ =	vpop (xrf0)  }
0x223: {  	v24 =	vadd.s32 v15, v24  }
0x224: {  	vm9 =	vge.s32 v24, v5  }
0x225: {  	(xrf0) =	vadd.scan.msk.s32 $0xffff, v20;
	v15 =	vld.idx.msk [tilespmem:v18+s11+$0x0], $0xffff;
	v18 =	vsub.s32 v24, v22;
	v22 =	vmpcnt.ones.xlane vm9;
	[tilespmem:$0x1990] =	vst v24  }
0x226: {  	vm11 =	vge.s32 v27, $0x1;
	[tilespmem:$0x1980] =	vst v18  }
0x227: {  	vm10 =	vmor vm10, vm11;
	v28 =	vmctz.xlane vm9;
	vm9 =	vlt.s32 v22, $0x1;
	v18 =	vld.idx.msk [tilespmem:v4+s11+$0x0], $0xffff  }
0x228: {  	vm9 =	vmor vm10, vm9  }
0x229: {  	v27 =	vld [tilespmem:$0x1920];
	v24 =	vsel vm9, $0x0, v28;
	_ =	sdelay $0x1  }
0x22a: {  	v29, _, _ =	vpop (xrf0)  }
0x22b: {  	v29 =	vadd.s32 v18, v29  }
0x22c: {  	vm11 =	vge.s32 v29, v5;
	v20 =	vsub.s32 v29, v20  }
0x22d: {  	(xrf0) =	vadd.scan.msk.s32 $0xffff, v27;
	v18 =	vld.idx.msk [tilespmem:v24+s11+$0x0], $0xffff;
	v24 =	vmpcnt.ones.xlane vm11;
	[tilespmem:$0x1980] =	vst v20  }
0x22e: {  	vm12 =	vge.s32 v22, $0x1;
	[tilespmem:$0x1990] =	vst v29  }
0x22f: {  	vm12 =	vmor vm10, vm12;
	v30 =	vmctz.xlane vm11;
	v20 =	vld.idx.msk [tilespmem:v4+s11+$0x0], $0xffff;
	vm10 =	vlt.s32 v24, $0x1  }
0x230: {  	vm10 =	vmor vm12, vm10  }
0x231: {  	v29 =	vld [tilespmem:$0x1930];
	v22 =	vsel vm10, $0x0, v30;
	_ =	sdelay $0x1  }
0x232: {  	v31, _, _ =	vpop (xrf0)  }
0x233: {  	v31 =	vadd.s32 v20, v31  }
0x234: {  	vm11 =	vge.s32 v31, v5  }
0x235: {  	(xrf0) =	vadd.scan.msk.s32 $0xffff, v29;
	v20 =	vld.idx.msk [tilespmem:v22+s11+$0x0], $0xffff;
	v22 =	vsub.s32 v31, v27;
	v27 =	vmpcnt.ones.xlane vm11;
	[tilespmem:$0x1990] =	vst v31  }
0x236: {  	vm13 =	vge.s32 v24, $0x1;
	[tilespmem:$0x1980] =	vst v22  }
0x237: {  	vm12 =	vmor vm12, vm13;
	v31 =	vmctz.xlane vm11;
	vm11 =	vlt.s32 v27, $0x1;
	v22 =	vld.idx.msk [tilespmem:v4+s11+$0x0], $0xffff  }
0x238: {  	vm11 =	vmor vm12, vm11  }
0x239: {  	v32 =	vld [tilespmem:$0x1940];
	v24 =	vsel vm11, $0x0, v31;
	_ =	sdelay $0x1  }
0x23a: {  	v33, _, _ =	vpop (xrf0)  }
0x23b: {  	v33 =	vadd.s32 v22, v33  }
0x23c: {  	vm13 =	vge.s32 v33, v5  }
0x23d: {  	(xrf0) =	vadd.scan.msk.s32 $0xffff, v32;
	v22 =	vld.idx.msk [tilespmem:v24+s11+$0x0], $0xffff;
	v34 =	vmpcnt.ones.xlane vm13;
	v24 =	vsub.s32 v33, v29;
	[tilespmem:$0x1990] =	vst v33  }
0x23e: {  	vm14 =	vge.s32 v27, $0x1;
	[tilespmem:$0x1980] =	vst v24  }
0x23f: {  	vm14 =	vmor vm12, vm14;
	v35 =	vmctz.xlane vm13;
	vm12 =	vlt.s32 v34, $0x1;
	v24 =	vld.idx.msk [tilespmem:v4+s11+$0x0], $0xffff  }
0x240: {  	vm12 =	vmor vm14, vm12  }
0x241: {  	v29 =	vld [tilespmem:$0x1950];
	v27 =	vsel vm12, $0x0, v35;
	_ =	sdelay $0x1  }
0x242: {  	v51, _, _ =	vpop (xrf0)  }
0x243: {  	v33 =	vadd.s32 v24, v51  }
0x244: {  	vm13 =	vge.s32 v33, v5  }
0x245: {  	(xrf0) =	vadd.scan.msk.s32 $0xffff, v29;
	v24 =	vld.idx.msk [tilespmem:v27+s11+$0x0], $0xffff;
	v27 =	vsub.s32 v33, v32;
	v52 =	vmpcnt.ones.xlane vm13;
	[tilespmem:$0x1990] =	vst v33  }
0x246: {  	vm15 =	vge.s32 v34, $0x1;
	[tilespmem:$0x1980] =	vst v27  }
0x247: {  	vm14 =	vmor vm14, vm15;
	v53 =	vmctz.xlane vm13;
	vm13 =	vlt.s32 v52, $0x1;
	v27 =	vld.idx.msk [tilespmem:v4+s11+$0x0], $0xffff  }
0x248: {  	vm13 =	vmor vm14, vm13  }
0x249: {  	v36 =	vld [tilespmem:$0x1960];
	v54 =	vsel vm13, $0x0, v53;
	_ =	sdelay $0x1  }
0x24a: {  	v37, _, _ =	vpop (xrf0)  }
0x24b: {  	v37 =	vadd.s32 v27, v37  }
0x24c: {  	vm15 =	vge.s32 v37, v5;
	v29 =	vsub.s32 v37, v29  }
0x24d: {  	(xrf0) =	vadd.scan.msk.s32 $0xffff, v36;
	v27 =	vld.idx.msk [tilespmem:v54+s11+$0x0], $0xffff;
	v55 =	vmpcnt.ones.xlane vm15;
	[tilespmem:$0x1980] =	vst v29  }
0x24e: {  	vm1 =	vge.s32 v52, $0x1;
	[tilespmem:$0x1990] =	vst v37  }
0x24f: {  	vm1 =	vmor vm14, vm1;
	v56 =	vmctz.xlane vm15;
	v29 =	vld.idx.msk [tilespmem:v4+s11+$0x0], $0xffff;
	vm14 =	vlt.s32 v55, $0x1  }
0x250: {  	vm14 =	vmor vm1, vm14  }
0x251: {  	v38 =	vld [tilespmem:$0x1970];
	v57 =	vsel vm14, $0x0, v56;
	_ =	sdelay $0x1  }
0x252: {  	v39, _, _ =	vpop (xrf0)  }
0x253: {  	v39 =	vadd.s32 v29, v39  }
0x254: {  	v36 =	vsub.s32 v39, v36  }
0x255: {  	(xrf0) =	vadd.scan.msk.s32 $0xffff, v38;
	v29 =	vld.idx.msk [tilespmem:v57+s11+$0x0], $0xffff;
	[tilespmem:$0x1980] =	vst v36  }
0x256: {  	[tilespmem:$0x1990] =	vst v39  }
0x257: {  	v36 =	vld.idx.msk [tilespmem:v4+s11+$0x0], $0xffff;
	_ =	sdelay $0x2  }
0x258: {  	v63 =	vld [tilespmem:$0x1FF70];
	vm15 =	vge.s32 v39, v5  }
0x259: {  	v16 =	vadd.s32 $0x10, v16;
	vm2 =	vge.s32 v55, $0x1;
	v58, _, _ =	vpop (xrf0);
	v39 =	vmpcnt.ones.xlane vm15  }
0x25a: {  	v14 =	vsel vm8, v14, v16;
	v61 =	vld [tilespmem:$0x1FF60];
	vm1 =	vmor vm1, vm2;
	v36 =	vadd.s32 v36, v58  }
0x25b: {  	v59 =	vmctz.xlane vm15;
	vm15 =	vlt.s32 v39, $0x1;
	vm2 =	vge.s32 v36, v5  }
0x25c: {  	v17 =	vadd.s32 $0x20, v17;
	vm8 =	vmor vm1, vm15;
	v60 =	vmpcnt.ones.xlane vm2  }
0x25d: {  	v16 =	vsel vm8, $0x0, v59;
	v62 =	vmctz.xlane vm2;
	vm2 =	vnez.u8 v63  }
0x25e: {  	vm1 =	vmneg vm1;
	v14 =	vsel vm2, v14, v17;
	vm3 =	vgt.s32 v60, $0x0  }
0x25f: {  	v17 =	vadd.s32 $0x30, v19;
	vm1 =	vmand vm3, vm1;
	vm3 =	vnez.u8 v61  }
0x260: {  	vm15 =	vmand vm15, vm1;
	v14 =	vsel vm3, v14, v17;
	v17 =	vadd.s32 $0x40, v21  }
0x261: {  	v19 =	vnsel vm15, $0x0, v62;
	v14 =	vsel vm4, v14, v17;
	v17 =	vadd.s32 $0x50, v23  }
0x262: {  	v21 =	vadd.s32 $0x60, v25;
	v17 =	vsel vm5, v14, v17;
	v14 =	vld.idx.msk [tilespmem:v16+s11+$0x0], $0xffff;
	v16 =	vsub.s32 v36, v38  }
0x263: {  	v17 =	vsel vm6, v17, v21;
	[tilespmem:$0x1980] =	vst v16;
	v16 =	vadd.s32 $0x70, v26  }
0x264: {  	v16 =	vsel vm7, v17, v16;
	v17 =	vadd.s32 $0x80, v28  }
0x265: {  	[tilespmem:$0x1990] =	vst v36;
	v21 =	vadd.s32 $0x90, v30;
	v17 =	vsel vm9, v16, v17  }
0x266: {  	v16 =	vld.idx.msk [tilespmem:v19+s11+$0x0], $0xffff;
	v17 =	vsel vm10, v17, v21;
	v19 =	vadd.s32 $0xA0, v31;
	[tilespmem:$0x1880] =	vst v1  }
0x267: {  	[tilespmem:$0x1890] =	vst v1;
	v17 =	vsel vm11, v17, v19;
	v19 =	vadd.s32 $0xB0, v35  }
0x268: {  	[tilespmem:$0x18A0] =	vst v1;
	v17 =	vsel vm12, v17, v19;
	v19 =	vadd.s32 $0xC0, v53  }
0x269: {  	[tilespmem:$0x18B0] =	vst v1;
	v17 =	vsel vm13, v17, v19;
	v19 =	vadd.s32 $0xD0, v56  }
0x26a: {  	[tilespmem:$0x18C0] =	vst v1;
	v17 =	vsel vm14, v17, v19;
	v19 =	vadd.s32 $0xE0, v59  }
0x26b: {  	[tilespmem:$0x18D0] =	vst v1;
	v17 =	vsel vm8, v17, v19;
	v19 =	vadd.s32 $0xF0, v62  }
0x26c: {  	v6 =	vshll.u32 v6, $0x8;
	[tilespmem:$0x18E0] =	vst v1;
	v17 =	vsel vm15, v19, v17  }
0x26d: {  	s13 =	simm.s32 $0x0;
	s14 =	simm.s32 $0x20;
	[tilespmem:$0x18F0] =	vst v1;
	v6 =	vor.u32 v6, v17  }
.LBB2_9:
0x26e: {  	v17 =	vld [tilespmem:s14+$0xFFFFFFE0];
	_ =	sdelay $0x3  }
0x26f: {  	v19 =	vmov s13  }
0x270: {  	vm1 =	vgt.u32 v19, v2;
	v17 =	vadd.s32 $0x1, v17  }
0x271: {  	v17 =	vsel vm1, $0x0, v17  }
0x272: {  	v19 =	vshra.s32 v17, $0x7  }
0x273: {  	vm1 =	veq.s32 v19, v6  }
0x274: {  	v17 =	vand.u32 $0x7F, v17;
	_ =	sdelay $0x4  }
0x275: {  	[tilespmem:v17+s10+$0x0] =	vst.idx.add.s32.msk vm1, v3  }
0x276: {  	v17 =	vld [tilespmem:s14+$0xFFFFFFF0];
	_ =	sdelay $0x2  }
0x277: {  	s15 =	sadd.s32 $0x10, s13  }
0x278: {  	v19 =	vmov s15  }
0x279: {  	vm1 =	vgt.u32 v19, v2;
	v17 =	vadd.s32 $0x1, v17  }
0x27a: {  	v17 =	vsel vm1, $0x0, v17  }
0x27b: {  	v19 =	vshra.s32 v17, $0x7  }
0x27c: {  	vm1 =	veq.s32 v19, v6  }
0x27d: {  	v17 =	vand.u32 $0x7F, v17;
	_ =	sdelay $0x4  }
0x27e: {  	[tilespmem:v17+s10+$0x0] =	vst.idx.add.s32.msk vm1, v3  }
0x27f: {  	v17 =	vld [tilespmem:s14+$0x0];
	_ =	sdelay $0x2  }
0x280: {  	s30 =	sadd.s32 $0x20, s13  }
0x281: {  	v19 =	vmov s30  }
0x282: {  	vm1 =	vgt.u32 v19, v2;
	v17 =	vadd.s32 $0x1, v17  }
0x283: {  	v17 =	vsel vm1, $0x0, v17  }
0x284: {  	v19 =	vshra.s32 v17, $0x7  }
0x285: {  	vm1 =	veq.s32 v19, v6  }
0x286: {  	v17 =	vand.u32 $0x7F, v17;
	_ =	sdelay $0x4  }
0x287: {  	[tilespmem:v17+s10+$0x0] =	vst.idx.add.s32.msk vm1, v3  }
0x288: {  	v17 =	vld [tilespmem:s14+$0x10];
	_ =	sdelay $0x2  }
0x289: {  	s31 =	sadd.s32 $0x30, s13  }
0x28a: {  	v19 =	vmov s31  }
0x28b: {  	vm1 =	vgt.u32 v19, v2;
	v17 =	vadd.s32 $0x1, v17  }
0x28c: {  	v17 =	vsel vm1, $0x0, v17  }
0x28d: {  	v19 =	vshra.s32 v17, $0x7  }
0x28e: {  	vm1 =	veq.s32 v19, v6  }
0x28f: {  	p0 =	sne.s32 s13, $0xFC0;
	v17 =	vand.u32 $0x7F, v17  }
.Ltmp4:
0x290: {  	_ = 	snop;
	(pc) =	sbr.rel @p0 .LBB2_9-.Ltmp4, $2  }
0x291: {  	_ =	sdelay $0x2  }
0x292: {  	s13 =	sadd.s32 $0x40, s13;
	s14 =	sadd.s32 $0x40, s14;
	[tilespmem:v17+s10+$0x0] =	vst.idx.add.s32.msk vm1, v3  }
0x293: {  	v17 =	vld [tilespmem:$0x1FF50];
	_ =	sdelay $0x4  }
0x294: {  	vm1 =	vnez.u8 v17  }
0x295: {  	v8 =	vsel vm1, $0x0, v8  }
0x296: {  	v7 =	vsel vm0, v7, v8  }
0x297: {  	v7 =	vsel vm2, v7, v9  }
0x298: {  	v7 =	vsel vm3, v7, v10  }
0x299: {  	v7 =	vsel vm4, v7, v11  }
0x29a: {  	v8 =	vld [tilespmem:$0x1880];
	v7 =	vsel vm5, v7, v12  }
0x29b: {  	v7 =	vsel vm6, v7, v13  }
0x29c: {  	v7 =	vsel vm7, v7, v15  }
0x29d: {  	v7 =	vsel vm9, v7, v18  }
0x29e: {  	v7 =	vsel vm10, v7, v20  }
0x29f: {  	(xrf0) =	vadd.scan.msk.s32 $0xffff, v8;
	v7 =	vsel vm11, v7, v22  }
0x2a0: {  	v7 =	vsel vm12, v7, v24  }
0x2a1: {  	v9 =	vld [tilespmem:$0x1890];
	v7 =	vsel vm13, v7, v27  }
0x2a2: {  	v7 =	vsel vm14, v7, v29  }
0x2a3: {  	v7 =	vsel vm8, v7, v14  }
0x2a4: {  	v7 =	vsel vm15, v16, v7  }
0x2a5: {  	v10, _, _ =	vpop (xrf0);
	v5 =	vsub.s32 v5, v7  }
0x2a6: {  	(xrf0) =	vadd.scan.msk.s32 $0xffff, v9;
	[tilespmem:$0x1990] =	vst v10;
	v7 =	vsub.s32 v10, v8;
	vm12 =	vge.s32 v10, v5  }
0x2a7: {  	[tilespmem:$0x1980] =	vst v7;
	v7 =	vmpcnt.ones.xlane vm12  }
0x2a8: {  	v8 =	vmctz.xlane vm12;
	v10 =	vld.idx.msk [tilespmem:v4+s11+$0x0], $0xffff  }
0x2a9: {  	vm0 =	vgt.s32 v7, $0x0  }
0x2aa: {  	v7 =	vnsel vm0, $0x0, v8;
	v8 =	vld [tilespmem:$0x18A0];
	_ =	sdelay $0x1  }
0x2ab: {  	v11, _, _ =	vpop (xrf0)  }
0x2ac: {  	v10 =	vadd.s32 v10, v11  }
0x2ad: {  	vm13 =	vge.s32 v10, v5;
	v9 =	vsub.s32 v10, v9  }
0x2ae: {  	v38 =	vmpcnt.ones.xlane vm13;
	v11 =	vld.idx.msk [tilespmem:v7+s11+$0x0], $0xffff;
	[tilespmem:$0x1980] =	vst v9;
	(xrf0) =	vadd.scan.msk.s32 $0xffff, v8  }
0x2af: {  	[tilespmem:$0x1990] =	vst v10  }
0x2b0: {  	v9 =	vmctz.xlane vm13;
	vm1 =	vlt.s32 v38, $0x1;
	v10 =	vld.idx.msk [tilespmem:v4+s11+$0x0], $0xffff  }
0x2b1: {  	vm2 =	vmor vm0, vm1  }
0x2b2: {  	v40 =	vld [tilespmem:$0x18B0];
	v39 =	vsel vm2, $0x0, v9;
	_ =	sdelay $0x1  }
0x2b3: {  	v41, _, _ =	vpop (xrf0)  }
0x2b4: {  	v10 =	vadd.s32 v10, v41  }
0x2b5: {  	vm14 =	vge.s32 v10, v5  }
0x2b6: {  	(xrf0) =	vadd.scan.msk.s32 $0xffff, v40;
	v13 =	vld.idx.msk [tilespmem:v39+s11+$0x0], $0xffff;
	v8 =	vsub.s32 v10, v8;
	[tilespmem:$0x1990] =	vst v10;
	v42 =	vmpcnt.ones.xlane vm14  }
0x2b7: {  	vm15 =	vge.s32 v38, $0x1;
	[tilespmem:$0x1980] =	vst v8  }
0x2b8: {  	vm4 =	vmor vm0, vm15;
	v8 =	vmctz.xlane vm14;
	v10 =	vld.idx.msk [tilespmem:v4+s11+$0x0], $0xffff;
	vm8 =	vlt.s32 v42, $0x1  }
0x2b9: {  	vm3 =	vmor vm4, vm8  }
0x2ba: {  	v44 =	vld [tilespmem:$0x18C0];
	v43 =	vsel vm3, $0x0, v8;
	_ =	sdelay $0x1  }
0x2bb: {  	v45, _, _ =	vpop (xrf0)  }
0x2bc: {  	v10 =	vadd.s32 v10, v45  }
0x2bd: {  	vm9 =	vge.s32 v10, v5;
	v14 =	vsub.s32 v10, v40  }
0x2be: {  	(xrf0) =	vadd.scan.msk.s32 $0xffff, v44;
	v46 =	vmpcnt.ones.xlane vm9;
	v12 =	vld.idx.msk [tilespmem:v43+s11+$0x0], $0xffff;
	[tilespmem:$0x1980] =	vst v14  }
0x2bf: {  	vm10 =	vge.s32 v42, $0x1;
	[tilespmem:$0x1990] =	vst v10  }
0x2c0: {  	vm6 =	vmor vm4, vm10;
	v47 =	vmctz.xlane vm9;
	vm11 =	vlt.s32 v46, $0x1;
	v10 =	vld.idx.msk [tilespmem:v4+s11+$0x0], $0xffff  }
0x2c1: {  	vm4 =	vmor vm6, vm11  }
0x2c2: {  	v49 =	vld [tilespmem:$0x18D0];
	v48 =	vsel vm4, $0x0, v47;
	_ =	sdelay $0x1  }
0x2c3: {  	v19, _, _ =	vpop (xrf0)  }
0x2c4: {  	v10 =	vadd.s32 v10, v19  }
0x2c5: {  	vm12 =	vge.s32 v10, v5;
	v16 =	vsub.s32 v10, v44  }
0x2c6: {  	(xrf0) =	vadd.scan.msk.s32 $0xffff, v49;
	v15 =	vld.idx.msk [tilespmem:v48+s11+$0x0], $0xffff;
	v50 =	vmpcnt.ones.xlane vm12;
	[tilespmem:$0x1980] =	vst v16  }
0x2c7: {  	vm13 =	vge.s32 v46, $0x1;
	[tilespmem:$0x1990] =	vst v10  }
0x2c8: {  	vm6 =	vmor vm6, vm13;
	v10 =	vmctz.xlane vm12;
	v16 =	vld.idx.msk [tilespmem:v4+s11+$0x0], $0xffff;
	vm14 =	vlt.s32 v50, $0x1  }
0x2c9: {  	vm5 =	vmor vm6, vm14  }
0x2ca: {  	v52 =	vld [tilespmem:$0x18E0];
	v51 =	vsel vm5, $0x0, v10;
	_ =	sdelay $0x1  }
0x2cb: {  	v21, _, _ =	vpop (xrf0)  }
0x2cc: {  	v16 =	vadd.s32 v16, v21  }
0x2cd: {  	vm15 =	vge.s32 v16, v5;
	v18 =	vsub.s32 v16, v49  }
0x2ce: {  	(xrf0) =	vadd.scan.msk.s32 $0xffff, v52;
	v53 =	vmpcnt.ones.xlane vm15;
	v17 =	vld.idx.msk [tilespmem:v51+s11+$0x0], $0xffff;
	[tilespmem:$0x1980] =	vst v18  }
0x2cf: {  	vm12 =	vge.s32 v50, $0x1;
	[tilespmem:$0x1990] =	vst v16  }
0x2d0: {  	vm8 =	vmor vm6, vm12;
	v54 =	vmctz.xlane vm15;
	vm13 =	vlt.s32 v53, $0x1;
	v16 =	vld.idx.msk [tilespmem:v4+s11+$0x0], $0xffff  }
0x2d1: {  	vm6 =	vmor vm8, vm13  }
0x2d2: {  	v56 =	vld [tilespmem:$0x18F0];
	v55 =	vsel vm6, $0x0, v54;
	_ =	sdelay $0x1  }
0x2d3: {  	v23, _, _ =	vpop (xrf0)  }
0x2d4: {  	v16 =	vadd.s32 v16, v23  }
0x2d5: {  	v20 =	vsub.s32 v16, v52  }
0x2d6: {  	(xrf0) =	vadd.scan.msk.s32 $0xffff, v56;
	v19 =	vld.idx.msk [tilespmem:v55+s11+$0x0], $0xffff;
	[tilespmem:$0x1980] =	vst v20  }
0x2d7: {  	[tilespmem:$0x1990] =	vst v16  }
0x2d8: {  	v20 =	vld.idx.msk [tilespmem:v4+s11+$0x0], $0xffff;
	_ =	sdelay $0x3  }
0x2d9: {  	v57, _, _ =	vpop (xrf0)  }
0x2da: {  	vm14 =	vge.s32 v16, v5;
	v16 =	vadd.s32 v20, v57  }
0x2db: {  	v58 =	vmpcnt.ones.xlane vm14;
	vm12 =	vge.s32 v16, v5  }
0x2dc: {  	vm15 =	vge.s32 v53, $0x1;
	v60 =	vmpcnt.ones.xlane vm12  }
0x2dd: {  	vm8 =	vmor vm8, vm15;
	v59 =	vmctz.xlane vm14;
	vm13 =	vlt.s32 v58, $0x1  }
0x2de: {  	vm14 =	vmor vm8, vm13;
	vm8 =	vmneg vm8;
	vm15 =	vgt.s32 v60, $0x0  }
0x2df: {  	v61 =	vsel vm14, $0x0, v59;
	v62 =	vmctz.xlane vm12;
	vm8 =	vmand vm15, vm8  }
0x2e0: {  	vm7 =	vmand vm13, vm8  }
0x2e1: {  	v63 =	vnsel vm7, $0x0, v62;
	_ =	sdelay $0x1  }
0x2e2: {  	v9 =	vadd.s32 $0x10, v9;
	v22 =	vsub.s32 v16, v56  }
0x2e3: {  	v7 =	vsel vm2, v7, v9;
	v9 =	vsel vm1, $0x0, v13;
	v8 =	vadd.s32 $0x20, v8;
	v23 =	vld.idx.msk [tilespmem:v61+s11+$0x0], $0xffff;
	[tilespmem:$0x1980] =	vst v22  }
0x2e4: {  	v9 =	vsel vm0, v11, v9;
	v7 =	vsel vm3, v7, v8;
	v8 =	vadd.s32 $0x30, v47;
	[tilespmem:$0x1990] =	vst v16  }
0x2e5: {  	v7 =	vsel vm4, v7, v8;
	v9 =	vsel vm3, v9, v12;
	v8 =	vadd.s32 $0x40, v10;
	v10 =	vld.idx.msk [tilespmem:v63+s11+$0x0], $0xffff  }
0x2e6: {  	v7 =	vsel vm5, v7, v8;
	v9 =	vsel vm4, v9, v15;
	v8 =	vadd.s32 $0x50, v54  }
0x2e7: {  	v7 =	vsel vm6, v7, v8;
	v9 =	vsel vm5, v9, v17;
	v8 =	vadd.s32 $0x60, v59  }
0x2e8: {  	v7 =	vsel vm14, v7, v8;
	v9 =	vsel vm6, v9, v19;
	v8 =	vadd.s32 $0x70, v62  }
0x2e9: {  	v6 =	vshll.u32 v6, $0x7;
	v7 =	vsel vm7, v8, v7;
	v9 =	vsel vm14, v9, v23  }
0x2ea: {  	v8 =	vimm.s32 $0x0;
	v6 =	vor.u32 v6, v7;
	v9 =	vsel vm7, v10, v9  }
0x2eb: {  	s13 =	simm.s32 $0x0;
	s14 =	simm.s32 $0x20;
	v7 =	vimm.s32 $0x0;
	v6 =	vadd.s32 $0xFFFFFFFF, v6;
	v5 =	vsub.s32 v5, v9  }
.LBB2_11:
0x2ec: {  	v9 =	vld [tilespmem:s14+$0xFFFFFFE0];
	_ =	sdelay $0x2  }
0x2ed: {  	v10 =	vmov s13  }
0x2ee: {  	vm0 =	vgt.u32 v10, v2  }
0x2ef: {  	v9 =	vsel vm0, $0xFFFFFFFF, v9  }
0x2f0: {  	vm0 =	veq.s32 v9, v6  }
0x2f1: {  	v10 =	vsel vm0, $0x1, v1  }
0x2f2: {  	(xrf0) =	vadd.scan.msk.s32 $0xffff, v10;
	_ =	sdelay $0x5  }
0x2f3: {  	v10, _, _ =	vpop (xrf0)  }
0x2f4: {  	v10 =	vadd.s32 v8, v10  }
0x2f5: {  	vm1 =	vle.s32 v10, v5  }
0x2f6: {  	vm2 =	vlt.s32 v9, v6;
	vm1 =	vmand vm0, vm1  }
0x2f7: {  	vm1 =	vmor vm2, vm1  }
0x2f8: {  	v9 =	vsel vm1, $0x1, v1  }
0x2f9: {  	(xrf0) =	vadd.scan.msk.s32 $0xffff, v9;
	_ =	sdelay $0x4  }
0x2fa: {  	v9 =	vsel vm1, $0xFFFFFFFF, v1  }
0x2fb: {  	v9 =	vadd.s32 v9, v7;
	v10, _, _ =	vpop (xrf0)  }
0x2fc: {  	v9 =	vadd.s32 v10, v9;
	_ =	sdelay $0x2  }
0x2fd: {  	s15 =	sadd.s32 s13, s6  }
0x2fe: {  	v10 =	vor.u32 s15, v0  }
0x2ff: {  	[tilespmem:v9+s12+$0x0] =	vst.idx.msk vm1, v10  }
0x300: {  	v9 =	vld [tilespmem:s14+$0xFFFFFFF0];
	_ =	sdelay $0x1  }
0x301: {  	s16 =	sadd.s32 $0x10, s13  }
0x302: {  	v10 =	vmov s16  }
0x303: {  	vm8 =	vgt.u32 v10, v2  }
0x304: {  	v9 =	vsel vm8, $0xFFFFFFFF, v9  }
0x305: {  	vm2 =	veq.s32 v9, v6  }
0x306: {  	v10 =	vsel vm2, $0x1, v1  }
0x307: {  	(xrf0) =	vadd.scan.msk.s32 $0xffff, v10;
	_ =	sdelay $0x1  }
0x308: {  	v10 =	vmpcnt.ones.xlane vm0;
	_ =	sdelay $0x3  }
0x309: {  	v8 =	vadd.s32 v8, v10;
	v10, _, _ =	vpop (xrf0)  }
0x30a: {  	v10 =	vadd.s32 v8, v10  }
0x30b: {  	vm9 =	vle.s32 v10, v5  }
0x30c: {  	vm3 =	vlt.s32 v9, v6;
	vm0 =	vmand vm2, vm9  }
0x30d: {  	vm0 =	vmor vm3, vm0  }
0x30e: {  	v9 =	vsel vm0, $0x1, v1  }
0x30f: {  	(xrf0) =	vadd.scan.msk.s32 $0xffff, v9;
	_ =	sdelay $0x2  }
0x310: {  	v9 =	vmpcnt.ones.xlane vm1;
	_ =	sdelay $0x1  }
0x311: {  	v7 =	vadd.s32 v7, v9;
	v9 =	vsel vm0, $0xFFFFFFFF, v1  }
0x312: {  	v9 =	vadd.s32 v9, v7;
	v10, _, _ =	vpop (xrf0)  }
0x313: {  	v9 =	vadd.s32 v10, v9;
	_ =	sdelay $0x2  }
0x314: {  	s28 =	sadd.s32 $0x10, s15  }
0x315: {  	v10 =	vor.u32 s28, v0  }
0x316: {  	[tilespmem:v9+s12+$0x0] =	vst.idx.msk vm0, v10  }
0x317: {  	v9 =	vld [tilespmem:s14+$0x0];
	_ =	sdelay $0x1  }
0x318: {  	s29 =	sadd.s32 $0x20, s13  }
0x319: {  	v10 =	vmov s29  }
0x31a: {  	vm10 =	vgt.u32 v10, v2  }
0x31b: {  	v9 =	vsel vm10, $0xFFFFFFFF, v9  }
0x31c: {  	vm1 =	veq.s32 v9, v6  }
0x31d: {  	v10 =	vsel vm1, $0x1, v1  }
0x31e: {  	(xrf0) =	vadd.scan.msk.s32 $0xffff, v10;
	_ =	sdelay $0x1  }
0x31f: {  	v10 =	vmpcnt.ones.xlane vm2;
	_ =	sdelay $0x3  }
0x320: {  	v8 =	vadd.s32 v8, v10;
	v10, _, _ =	vpop (xrf0)  }
0x321: {  	v10 =	vadd.s32 v8, v10  }
0x322: {  	vm11 =	vle.s32 v10, v5  }
0x323: {  	vm12 =	vlt.s32 v9, v6;
	vm2 =	vmand vm1, vm11  }
0x324: {  	vm2 =	vmor vm12, vm2  }
0x325: {  	v9 =	vsel vm2, $0x1, v1  }
0x326: {  	(xrf0) =	vadd.scan.msk.s32 $0xffff, v9;
	_ =	sdelay $0x2  }
0x327: {  	v9 =	vmpcnt.ones.xlane vm0;
	_ =	sdelay $0x1  }
0x328: {  	v7 =	vadd.s32 v7, v9;
	v9 =	vsel vm2, $0xFFFFFFFF, v1  }
0x329: {  	v9 =	vadd.s32 v9, v7;
	v10, _, _ =	vpop (xrf0)  }
0x32a: {  	v9 =	vadd.s32 v10, v9;
	_ =	sdelay $0x2  }
0x32b: {  	s30 =	sadd.s32 $0x20, s15  }
0x32c: {  	v10 =	vor.u32 s30, v0  }
0x32d: {  	[tilespmem:v9+s12+$0x0] =	vst.idx.msk vm2, v10  }
0x32e: {  	v9 =	vld [tilespmem:s14+$0x10];
	_ =	sdelay $0x1  }
0x32f: {  	s31 =	sadd.s32 $0x30, s13  }
0x330: {  	v10 =	vmov s31  }
0x331: {  	vm13 =	vgt.u32 v10, v2  }
0x332: {  	v9 =	vsel vm13, $0xFFFFFFFF, v9  }
0x333: {  	vm0 =	veq.s32 v9, v6  }
0x334: {  	v10 =	vsel vm0, $0x1, v1  }
0x335: {  	(xrf0) =	vadd.scan.msk.s32 $0xffff, v10;
	_ =	sdelay $0x1  }
0x336: {  	v10 =	vmpcnt.ones.xlane vm1;
	_ =	sdelay $0x3  }
0x337: {  	v8 =	vadd.s32 v8, v10;
	v10, _, _ =	vpop (xrf0)  }
0x338: {  	v10 =	vadd.s32 v8, v10  }
0x339: {  	vm14 =	vle.s32 v10, v5  }
0x33a: {  	vm15 =	vlt.s32 v9, v6;
	vm1 =	vmand vm0, vm14  }
0x33b: {  	vm1 =	vmor vm15, vm1  }
0x33c: {  	v9 =	vsel vm1, $0x1, v1  }
0x33d: {  	(xrf0) =	vadd.scan.msk.s32 $0xffff, v9;
	_ =	sdelay $0x2  }
0x33e: {  	v9 =	vmpcnt.ones.xlane vm2;
	_ =	sdelay $0x1  }
0x33f: {  	v7 =	vadd.s32 v7, v9;
	v9 =	vsel vm1, $0xFFFFFFFF, v1  }
0x340: {  	v9 =	vadd.s32 v9, v7;
	v10, _, _ =	vpop (xrf0)  }
0x341: {  	p0 =	sne.s32 s13, $0xFC0;
	v9 =	vadd.s32 v10, v9  }
.Ltmp5:
0x342: {  	_ = 	snop;
	(pc) =	sbr.rel @p0 .LBB2_11-.Ltmp5, $4  }
0x343: {  	_ = 	snop  }
0x344: {  	s15 =	sadd.s32 $0x30, s15;
	v11 =	vmpcnt.ones.xlane vm0;
	v10 =	vmpcnt.ones.xlane vm1  }
0x345: {  	v12 =	vor.u32 s15, v0  }
0x346: {  	s13 =	sadd.s32 $0x40, s13;
	s14 =	sadd.s32 $0x40, s14;
	v8 =	vadd.s32 v8, v11;
	v7 =	vadd.s32 v7, v10;
	[tilespmem:v9+s12+$0x0] =	vst.idx.msk vm1, v12  }
0x347: {  	s2 =	sadd.s32 $0x1, s2  }
0x348: {  	p0 =	sne.s32 s2, s5  }
.Ltmp6:
0x349: {  	_ = 	snop;
	(pc) =	sbr.rel @p0 .LBB2_2-.Ltmp6, $4  }
0x34a: {  	[hbm4b:s3+s7] =	stream.strided.scatter [tilespmem:s12], [sflag:$0x1], $0x800, s8, s7, $0x38;
	[tilespmem:$0x1A00] =	vst v63  }
0x34b: {  	_ =	swait.ge [sflag:s9], $0x800  }
0x34c: {  	[sflag:s9] =	ssyncset.done $0x0  }
0x34d: {  	[sflag:s9] =	ssyncadd.s32 $0xFFFFF800  }
.LBB2_13:
0x34e: {  	_ =	sfence.sel $0x180000  }
0x34f: {  	[bflag:$0x0] =	sbarrier.arrive $0xFFFF  }
0x350: {  	p0 =	sne.s32 s1, $0x0;
	_ =	strace $0x90000047  }
0x351: {  	s0 =	sadd.s32 @!p0 $0x100000, s0;
	[bflag:$0x2] =	sbarrier.arrive $0xFFFF  }
0x352: {  	[sflag:s0] =	ssyncadd.tile.s32 @!p0 $0x1;
	_ =	shalt  }
.Lfunc_end2:
_tile_overlayer_lowered:
.L_overlay_start_2:
0x353: {  	(tag) =	ssettag $0x2  }
0x354: {  	s0 =	rddreg [dreg:$0x0];
	s2 =	stileid.u32  }
0x355: {  	s1 =	rddreg [dreg:$0x1];
	p0 =	sne.s32 s2, $0x0  }
0x356: {  	s3 =	rddreg [dreg:$0x2];
	[bflag:$0x3] =	sbarrier.arrive $0xFFFF;
	s2 =	simm.s32 @!p0 $0x1C01  }
0x357: {  	[timem:s3], [sflag:s2] =	dma.local @!p0 [hbm:s0], s1  }
0x358: {  	s0 =	simm.s32 @!p0 $0x1  }
0x359: {  	_ =	swait.ge @!p0 [sflag:s0], s1  }
0x35a: {  	s1 =	ssub.s32 @!p0 $0x0, s1;
	[sflag:s0] =	ssyncset.done @!p0 $0x0  }
0x35b: {  	[sflag:s0] =	ssyncadd.s32 @!p0 s1  }
0x35c: {  	[bflag:$0x3] =	sbarrier.arrive $0xFFFF  }
0x35d: {  	_ =	shalt  }

// kernel: kernel.7.cloned.1.call-start
scs
__scs_entry_jumppad:
0x0: {  	(pc) =	sbr.rel $0x88, $3  }
0x1: {  	(tag) =	ssettag $0x0;
	lr =	simm.s32 $0x1  }
0x2: {  	[smem:$0x3F9F] =	sst lr;
	_ =	strace $0xD0000000  }
0x3: {  	_ = 	snop  }
0x4: {  	_ = 	snop  }
0x5: {  	_ = 	snop  }
0x6: {  	_ = 	snop  }
0x7: {  	_ = 	snop  }
__scs_overlays_trampoline_lowered:
0x8: {  	[smem:$0x3FAE] =	sst s0  }
0x9: {  	[smem:$0x3FAF] =	sst s1  }
0xa: {  	[smem:$0x3FB0] =	sst s2  }
0xb: {  	[smem:$0x3FB1] =	sst s3  }
0xc: {  	[smem:$0x3FB2] =	sst s4  }
0xd: {  	[smem:$0x3FB3] =	sst s5  }
0xe: {  	[smem:$0x3FB4] =	sst s6  }
0xf: {  	[smem:$0x3FB5] =	sst s7  }
0x10: {  	[smem:$0x3FB6] =	sst s8  }
0x11: {  	[smem:$0x3FB7] =	sst s9;
	s0 =	simm.s32 @!p0 $0x0  }
0x12: {  	s1 =	sld [smem:$0x3F9D];
	s0 =	simm.s32 @p0 $0x1  }
0x13: {  	[smem:$0x3FB8] =	sst s0;
	s0 =	simm.s32 @!p1 $0x0  }
0x14: {  	s2 =	sld [smem:$0x3F9C];
	s0 =	simm.s32 @p1 $0x1  }
0x15: {  	[smem:$0x3FB9] =	sst s0;
	s0 =	simm.s32 @!p2 $0x0  }
0x16: {  	s3 =	sld [smem:$0x3FDB];
	s0 =	simm.s32 @p2 $0x1  }
0x17: {  	s4 =	simm.s32 $0x1BF5;
	[smem:$0x3FBB] =	sst s0  }
0x18: {  	s0 =	sld [smem:$0x3F9E];
	_ =	swait.ge [sflag:s4], $0x0  }
0x19: {  	s7 =	sld [smem:$0x3F9F]  }
0x1a: {  	s8 =	sadd.s32 $0xFFFFE003, lr  }
0x1b: {  	s9 =	sadd.s32 $0xFFFFFEF7, lr;
	s5 =	simm.s32 $0xFFFFFFFF;
	p2 =	slt.u32 s8, $0xFFFFF086  }
0x1c: {  	p1 =	slt.u32 s9, $0xF7A;
	s5 =	simm.s32 @!p2 $0x0  }
0x1d: {  	s5 =	simm.s32 @p1 $0x1;
	p0 =	seq.s32 s7, s2  }
0x1e: {  	s7 =	smul.u32 @!p0 $0xF7A, s2;
	p2 =	seq.s32 @!p0 s5, $0x0  }
0x1f: {  	s9 =	smul.u32 $0xF7A, s1;
	s8 =	simm.s32 @!p0 $0x1BF5;
	p2 =	por !p2, p0  }
0x20: {  	[sflag:s8] =	ssyncset.s32 @!p0 $0xFFFFF086;
	s6 =	sadd.s32 @!p0 s3, s7;
	s7 =	simm.s32 @!p0 $0x108  }
0x21: {  	s3 =	sadd.s32 s3, s9;
	s6 =	sadd.s32 @!p0 $0x88, s6;
	s7 =	simm.s32 @p2 $0x1082  }
0x22: {  	[simem:s7], [sflag:s8] =	dma.local @!p0 [hbm:s6], $0xF7A  }
0x23: {  	s9 =	sor.u32 $0xD0000000, s2;
	s6 =	simm.s32 $0x108;
	_ =	swait.ge @!p0 [sflag:s8], $0x0  }
0x24: {  	s3 =	sadd.s32 $0x88, s3;
	s6 =	simm.s32 @!p1 $0x1082;
	[sflag:s4] =	ssyncset.s32 $0xFFFFF086  }
0x25: {  	[simem:s6], [sflag:s4] =	dma.local [hbm:s3], $0xF7A  }
0x26: {  	[smem:$0x3F9F] =	sst s1;
	(tag) =	ssettag s2;
	_ =	strace s9  }
0x27: {  	s1 =	sld [smem:$0x3FAF]  }
0x28: {  	s2 =	sld [smem:$0x3FB0]  }
0x29: {  	s4 =	sld [smem:$0x3FB2]  }
0x2a: {  	p0 =	seq.s32 s5, $0x0;
	s5 =	sld [smem:$0x3FB3]  }
0x2b: {  	s6 =	sld [smem:$0x3FB4]  }
0x2c: {  	s7 =	sld [smem:$0x3FB5]  }
0x2d: {  	s3 =	simm.s32 $0x108;
	s8 =	sld [smem:$0x3FB6]  }
0x2e: {  	s3 =	simm.s32 @!p0 $0x1082;
	s9 =	sld [smem:$0x3FB7]  }
0x2f: {  	lr =	sadd.s32 s0, s3;
	s0 =	sld [smem:$0x3FAE]  }
0x30: {  	s3 =	sld [smem:$0x3FB1]  }
0x31: {  	[smem:$0x3FBA] =	sst s10  }
0x32: {  	s10 =	sld [smem:$0x3FB8];
	_ =	sdelay $0x3  }
0x33: {  	p0 =	seq.s32 s10, $0x1;
	s10 =	sld [smem:$0x3FBA];
	_ =	sdelay $0x3  }
0x34: {  	[smem:$0x3FBA] =	sst s10  }
0x35: {  	s10 =	sld [smem:$0x3FB9];
	_ =	sdelay $0x3  }
0x36: {  	p1 =	seq.s32 s10, $0x1;
	s10 =	sld [smem:$0x3FBA];
	_ =	sdelay $0x3  }
0x37: {  	[smem:$0x3FBA] =	sst s10  }
0x38: {  	s10 =	sld [smem:$0x3FBB]  }
0x39: {  	_ = 	snop;
	(pc) =	sbr.ind lr, $3  }
0x3a: {  	_ = 	snop  }
0x3b: {  	_ = 	snop  }
0x3c: {  	p2 =	seq.s32 s10, $0x1;
	s10 =	sld [smem:$0x3FBA]  }
0x3d: {  	_ =	shalt  }
0x3e: {  	_ =	shalt  }
0x3f: {  	_ =	shalt  }
0x40: {  	_ =	shalt  }
0x41: {  	_ =	shalt  }
0x42: {  	_ =	shalt  }
0x43: {  	_ =	shalt  }
0x44: {  	_ =	shalt  }
0x45: {  	_ =	shalt  }
0x46: {  	_ =	shalt  }
0x47: {  	_ =	shalt  }
0x48: {  	_ =	shalt  }
0x49: {  	_ =	shalt  }
0x4a: {  	_ =	shalt  }
0x4b: {  	_ =	shalt  }
0x4c: {  	_ =	shalt  }
0x4d: {  	_ =	shalt  }
0x4e: {  	_ =	shalt  }
0x4f: {  	_ =	shalt  }
0x50: {  	_ =	shalt  }
0x51: {  	_ =	shalt  }
0x52: {  	_ =	shalt  }
0x53: {  	_ =	shalt  }
0x54: {  	_ =	shalt  }
0x55: {  	_ =	shalt  }
0x56: {  	_ =	shalt  }
0x57: {  	_ =	shalt  }
0x58: {  	_ =	shalt  }
0x59: {  	_ =	shalt  }
0x5a: {  	_ =	shalt  }
0x5b: {  	_ =	shalt  }
0x5c: {  	_ =	shalt  }
0x5d: {  	_ =	shalt  }
0x5e: {  	_ =	shalt  }
0x5f: {  	_ =	shalt  }
0x60: {  	_ =	shalt  }
0x61: {  	_ =	shalt  }
0x62: {  	_ =	shalt  }
0x63: {  	_ =	shalt  }
0x64: {  	_ =	shalt  }
0x65: {  	_ =	shalt  }
0x66: {  	_ =	shalt  }
0x67: {  	_ =	shalt  }
0x68: {  	_ =	shalt  }
0x69: {  	_ =	shalt  }
0x6a: {  	_ =	shalt  }
0x6b: {  	_ =	shalt  }
0x6c: {  	_ =	shalt  }
0x6d: {  	_ =	shalt  }
0x6e: {  	_ =	shalt  }
0x6f: {  	_ =	shalt  }
0x70: {  	_ =	shalt  }
0x71: {  	_ =	shalt  }
0x72: {  	_ =	shalt  }
0x73: {  	_ =	shalt  }
0x74: {  	_ =	shalt  }
0x75: {  	_ =	shalt  }
0x76: {  	_ =	shalt  }
0x77: {  	_ =	shalt  }
0x78: {  	_ =	shalt  }
0x79: {  	_ =	shalt  }
0x7a: {  	_ =	shalt  }
0x7b: {  	_ =	shalt  }
0x7c: {  	_ =	shalt  }
0x7d: {  	_ =	shalt  }
0x7e: {  	_ =	shalt  }
0x7f: {  	_ =	shalt  }
0x80: {  	_ =	shalt  }
0x81: {  	_ =	shalt  }
0x82: {  	_ =	shalt  }
0x83: {  	_ =	shalt  }
0x84: {  	_ =	shalt  }
0x85: {  	_ =	shalt  }
0x86: {  	_ =	shalt  }
0x87: {  	_ =	shalt  }
.Lfunc_end0:
.L_simem_size_0:
called_computation.1_lowered:
.L_overlay_start_0:
0x88: {  	s2 =	sld [smem:$0x3FD9]  }
0x89: {  	s3 =	sld [smem:$0x3FFE];
	_ =	sdelay $0x1  }
0x8a: {  	s1 =	srdreg.scid  }
0x8b: {  	s0 =	sand.u32 $0x1, s1  }
0x8c: {  	s14 =	sshll.u32 s0, $0xA;
	s2 =	sadd.s32 s3, s2  }
0x8d: {  	s2 =	sadd.s32 s2, s14  }
0x8e: {  	[smem:$0x3FC6] =	sst s2  }
0x8f: {  	_ = 	snop  }
0x90: {  	s2 =	sld [smem:$0x3FD0];
	_ =	sdelay $0x1  }
0x91: {  	s15 =	sld [smem:$0x3FC9]  }
0x92: {  	s5 =	simm.s32 $0xA;
	s6 =	simm.s32 $0x10;
	s4 =	sld [smem:$0x3FC8]  }
0x93: {  	[smem:s6], [sflag:s5] =	dma.local [hbm:s2], $0x1  }
0x94: {  	_ =	swait.eq [sflag:s5], $0x1  }
0x95: {  	[sflag:s5] =	ssyncset.done $0x0  }
0x96: {  	s16 =	sld [smem:$0x10];
	[sflag:s5] =	ssyncadd.s32 $0xFFFFFFFF  }
0x97: {  	s17 =	sld [smem:$0x11];
	(tm) =	ssettm $0x1  }
0x98: {  	s18 =	sld [smem:$0x3FFB];
	_ =	sdelay $0x3  }
0x99: {  	_ =	strace s18  }
0x9a: {  	s6 =	sld [smem:$0x3FFC];
	_ =	sdelay $0x3  }
0x9b: {  	_ =	strace s6  }
0x9c: {  	s6 =	sld [smem:$0x3FFD];
	_ =	sdelay $0x3  }
0x9d: {  	_ =	strace s6  }
0x9e: {  	_ =	strace $0x8FFFFFFF  }
0x9f: {  	s19 =	sld [smem:$0x3FDB];
	_ =	sdelay $0x1  }
0xa0: {  	s7 =	simm.s32 $_scs_section_size  }
0xa1: {  	s8 =	simm.s32 $_size__tile_overlayer_lowered;
	s9 =	simm.s32 $_tile_overlayer_lowered  }
0xa2: {  	s22 =	simm.s32 $0x1BFF;
	s21 =	sshll.u32 s9, $0x1;
	s6 =	sadd.s32 s7, s19  }
0xa3: {  	s10 =	simm.s32 $0x0;
	s20 =	sshll.u32 s8, $0x1;
	s8 =	sadd.s32 s21, s6  }
0xa4: {  	[timem:s10], [sflag:s22] =	dma.local [hbm:s8], s20  }
0xa5: {  	_ =	swait.ge [sflag:s22], s20  }
0xa6: {  	s7 =	ssub.s32 $0x0, s20;
	[sflag:s22] =	ssyncset.done $0x0  }
0xa7: {  	[sflag:s22] =	ssyncadd.s32 s7;
	_ =	sdelay $0x1  }
0xa8: {  	s23 =	simm.s32 $0x1B8B  }
0xa9: {  	_ =	swait.ge [sflag:s23], $0x1  }
0xaa: {  	[sflag:s23] =	ssyncset.done $0x0  }
0xab: {  	s25 =	simm.s32 $0x1B8E;
	s24 =	sld [smem:$0x3FFE];
	[sflag:s23] =	ssyncadd.s32 $0xFFFFFFFF  }
0xac: {  	s26 =	simm.s32 $execute0_lowered;
	[smem:$0x3FD2] =	sst s25  }
0xad: {  	s8 =	sshll.u32 s26, $0x1;
	_ =	strace $0x80000049;
	[dreg:$0x1] =	wrdreg $0xFFFFFFFF  }
0xae: {  	s28 =	simm.s32 $_size_execute0_lowered;
	s6 =	sadd.s32 s6, s8;
	[dreg:$0x0] =	wrdreg $0x0  }
0xaf: {  	s8 =	sshll.u32 s28, $0x1;
	[dreg:$0x2] =	wrdreg s6  }
0xb0: {  	[dreg:$0x3] =	wrdreg s8  }
0xb1: {  	[dreg:$0x4] =	wrdreg $0xC0  }
0xb2: {  	_ =	task [dreg:s10], $0x5FFFF  }
0xb3: {  	[dreg:$0x1] =	wrdreg $0xFFFFFFFF  }
0xb4: {  	[dreg:$0x0] =	wrdreg $0x60  }
0xb5: {  	[dreg:$0x2] =	wrdreg s15  }
0xb6: {  	[dreg:$0x3] =	wrdreg s4  }
0xb7: {  	[dreg:$0x4] =	wrdreg s24  }
0xb8: {  	[dreg:$0x5] =	wrdreg s16  }
0xb9: {  	[dreg:$0x6] =	wrdreg s17  }
0xba: {  	[dreg:$0x7] =	wrdreg $0x9  }
0xbb: {  	_ =	task.clear_ibuf [dreg:s10], $0x8FFFF;
	_ =	strace $0x90000049  }
0xbc: {  	s29 =	simm.s32 $0x9;
	_ =	strace $0x8000004B  }
0xbd: {  	_ =	swait.ge [sflag:s29], $0x1  }
0xbe: {  	[sflag:s29] =	ssyncadd.s32 $0xFFFFFFFF  }
0xbf: {  	_ =	strace $0x9000004B  }
0xc0: {  	_ =	sfence  }
0xc1: {  	s30 =	sld [smem:$0x0];
	_ =	sdelay $0x2  }
0xc2: {  	s31 =	sshll.u32 s1, $0xD;
	s1 =	sshrl.u32 s1, $0x2  }
0xc3: {  	s3 =	sand.u32 $0x4000, s31;
	s1 =	sadd.s32 s1, s30  }
0xc4: {  	s0 =	sor.u32 s3, s0;
	s1 =	sshll.u32 s1, $0x11  }
0xc5: {  	s0 =	sor.u32 s1, s0  }
0xc6: {  	s0 =	sadd.s32 $0x8F2B, s0  }
0xc7: {  	[sflag:s0] =	ssyncadd.remote.s32 $0x1  }
0xc8: {  	_ =	sfence.sel $0xFFFF  }
0xc9: {  	[dreg:$0x0] =	wrdreg $0xFFFFFFFF;
	(pc) =	sbr.abs _section_cstart, $3  }
0xca: {  	[dreg:$0x1] =	wrdreg $0xFFFFFFFF  }
0xcb: {  	_ =	task.clear_ibuf [dreg:s10], $0x2FFFF;
	_ =	strace $0x9FFFFFFF  }
0xcc: {  	(tm) =	ssettm $0x7FFFFFFF  }
0xcd: {  	_ =	shalt  }
tec
execute0_lowered:
.L_overlay_start_1:
0x0: {  	(tag) =	ssettag $0x1  }
0x1: {  	s0 =	rddreg [dreg:$0x0]  }
0x2: {  	s2 =	rddreg [dreg:$0x1]  }
0x3: {  	s1 =	rddreg [dreg:$0x2];
	s3 =	srdreg.scid  }
0x4: {  	s5 =	rddreg [dreg:$0x3];
	s11 =	stileid.u32  }
0x5: {  	s12 =	rddreg [dreg:$0x4];
	s29 =	simm.s32 $0x2400;
	s18 =	simm.s32 $0xA400  }
0x6: {  	s17 =	simm.s32 $0x5;
	s16 =	simm.s32 $0x6;
	s22 =	simm.s32 $0x3  }
0x7: {  	s15 =	simm.s32 $0xD;
	s28 =	simm.s32 $0x4;
	s30 =	simm.s32 $0x8  }
0x8: {  	s20 =	simm.s32 $0xA;
	s14 =	simm.s32 $0x0;
	s31 =	simm.s32 $0x6400  }
0x9: {  	s3 =	sand.u32 $0x1, s3;
	s4 =	sshll.u32 s11, $0xB;
	s8 =	sadd.s32 $0x300, s0  }
0xa: {  	s9 =	sadd.s32 $0x100, s2;
	s10 =	sadd.s32 $0x200, s2;
	s26 =	sshll.u32 s11, $0x12  }
0xb: {  	s11 =	sadd.s32 $0x300, s2;
	s6 =	sshll.u32 s3, $0xA;
	s7 =	ssub.s32 $0x2, s3  }
0xc: {  	s12 =	sadd.s32 s26, s12;
	s3 =	sshll.u32 s3, $0x11;
	s6 =	sor.u32 s6, s4  }
0xd: {  	s4 =	simm.s32 $0x0;
	s25 =	sshrl.u32 s7, $0x1;
	s12 =	sadd.s32 s3, s12  }
0xe: {  	s6 =	sshrl.u32 s6, $0x3;
	[smem:$0x7FF] =	sst s4;
	s13 =	ssub.s32 s7, s25  }
0xf: {  	s7 =	sadd.s32 $0x200, s0;
	s25 =	simm.s32 $0x2;
	s1 =	sadd.s32 s6, s1  }
.Ltmp0:
0x10: {  	_ =	strace $0x8000004A;
	s6 =	sadd.s32 $0x100, s0;
	(pc) =	sbr.rel .LBB2_1-.Ltmp0, $4  }
0x11: {  	s13 =	smax.u32 s13, $0x1;
	[dreg:$0x8] =	wrdreg s12;
	s1 =	sadd.s32 $0x800, s1  }
0x12: {  	v0 =	vlaneseq.u32;
	s12 =	simm.s32 $0x9;
	[dreg:$0x6] =	wrdreg s1;
	s1 =	sadd.s32 s26, s5  }
0x13: {  	v1 =	vshrl.u32 v0, $0x3;
	[dreg:$0x7] =	wrdreg s13;
	s5 =	simm.s32 $0x7;
	s1 =	sadd.s32 s3, s1  }
0x14: {  	vm0 =	vmmov $0xffff;
	v0 =	vand.u32 $0x7, v0;
	v1 =	vmul.u32 $0x8, v1;
	s26 =	simm.s32 $0xC400;
	s3 =	simm.s32 $0xE;
	[dreg:$0x9] =	wrdreg s1  }
.LBB2_4:
0x15: {  	s1 =	simm.s32 $0xB  }
0x16: {  	_ =	swait.ge [sflag:s1], $0x2000  }
0x17: {  	[sflag:s1] =	ssyncset.done $0x0  }
0x18: {  	s21 =	simm.s32 $0xF;
	[sflag:s1] =	ssyncadd.s32 $0xFFFFE000  }
0x19: {  	_ =	swait.ge [sflag:s21], $0x2000  }
0x1a: {  	[sflag:s21] =	ssyncset.done $0x0  }
0x1b: {  	s23 =	simm.s32 $0xC;
	[sflag:s21] =	ssyncadd.s32 $0xFFFFE000  }
0x1c: {  	_ =	swait.ge [sflag:s23], $0x2000  }
0x1d: {  	[sflag:s23] =	ssyncset.done $0x0  }
0x1e: {  	s24 =	simm.s32 $0x10;
	[sflag:s23] =	ssyncadd.s32 $0xFFFFE000  }
0x1f: {  	_ =	swait.ge [sflag:s24], $0x2000  }
0x20: {  	s14 =	rddreg [dreg:$0xa]  }
0x21: {  	s13 =	rddreg [dreg:$0x7];
	s14 =	sadd.s32 $0x1, s14  }
0x22: {  	p0 =	sne.s32 s14, s13  }
.Ltmp1:
0x23: {  	_ = 	snop;
	(pc) =	sbr.rel @!p0 .LBB2_5-.Ltmp1, $3  }
0x24: {  	_ =	sdelay $0x1  }
0x25: {  	[sflag:s24] =	ssyncset.done $0x0  }
0x26: {  	s29 =	simm.s32 $0x2400;
	s18 =	simm.s32 $0xA400;
	[sflag:s24] =	ssyncadd.s32 $0xFFFFE000  }
.LBB2_1:
0x27: {  	[dreg:$0xa] =	wrdreg s14  }
0x28: {  	s13 =	rddreg [dreg:$0x6];
	s21 =	simm.s32 $0x11  }
0x29: {  	[tilespmem:s4], [sflag:$0x11] =	stream.linear.gather [hbm4b:s13+s4], $0x400, $0x38;
	[tilespmem:$0x10400] =	vst v63  }
0x2a: {  	_ =	swait.ge [sflag:s21], $0x400  }
0x2b: {  	[sflag:s21] =	ssyncset.done $0x0  }
0x2c: {  	[sflag:s21] =	ssyncadd.s32 $0xFFFFFC00  }
0x2d: {  	v2 =	vld.msk [tilespmem:$0x0], $0xff;
	_ =	sdelay $0x4  }
0x2e: {  	v3 =	vshll.u32 v2, $0x3  }
0x2f: {  	v2 =	vand.u32 $0x7, v2;
	v3 =	vand.u32 $0xFFFFFFC0, v3  }
0x30: {  	v2 =	vor.u32 v2, v3  }
0x31: {  	v2 =	vperm.xlane v2, v0;
	_ =	sdelay $0x1  }
0x32: {  	v2 =	vadd.s32 v1, v2;
	_ =	sdelay $0x3  }
0x33: {  	s23 =	simm.s32 $0x400  }
0x34: {  	[tilespmem:s23], [sflag:$0x1] =	stream.indirect_vreg.gather [hbm4b:s0+s4], $0x80, v2, vm0, $0xb8;
	[tilespmem:$0x10400] =	vst v63  }
0x35: {  	s24 =	simm.s32 $0xC00  }
0x36: {  	[tilespmem:s24], [sflag:$0x1] =	stream.indirect_vreg.gather [hbm4b:s6+s4], $0x80, v2, vm0, $0xb8;
	[tilespmem:$0x10400] =	vst v63  }
0x37: {  	s1 =	simm.s32 $0x1400  }
0x38: {  	[tilespmem:s1], [sflag:$0x1] =	stream.indirect_vreg.gather [hbm4b:s7+s4], $0x80, v2, vm0, $0xb8;
	[tilespmem:$0x10400] =	vst v63  }
0x39: {  	s14 =	simm.s32 $0x1C00  }
0x3a: {  	[tilespmem:s14], [sflag:$0x1] =	stream.indirect_vreg.gather [hbm4b:s8+s4], $0x80, v2, vm0, $0xb8;
	[tilespmem:$0x10400] =	vst v63  }
0x3b: {  	v2 =	vld.msk [tilespmem:$0x0], $0xff;
	_ =	sdelay $0x4  }
0x3c: {  	v3 =	vshll.u32 v2, $0x3  }
0x3d: {  	v2 =	vand.u32 $0x7, v2;
	v3 =	vand.u32 $0xFFFFFFC0, v3  }
0x3e: {  	v2 =	vor.u32 v2, v3  }
0x3f: {  	v2 =	vperm.xlane v2, v0;
	_ =	sdelay $0x1  }
0x40: {  	v2 =	vadd.s32 v1, v2;
	_ =	sdelay $0x3  }
0x41: {  	s19 =	simm.s32 $0x8400  }
0x42: {  	[tilespmem:s19], [sflag:$0x5] =	stream.indirect_vreg.gather [hbm4b:s2+s4], $0x80, v2, vm0, $0xb8;
	[tilespmem:$0x10400] =	vst v63  }
0x43: {  	s21 =	simm.s32 $0x8C00  }
0x44: {  	[tilespmem:s21], [sflag:$0x5] =	stream.indirect_vreg.gather [hbm4b:s9+s4], $0x80, v2, vm0, $0xb8;
	[tilespmem:$0x10400] =	vst v63  }
0x45: {  	s23 =	simm.s32 $0x9400  }
0x46: {  	[tilespmem:s23], [sflag:$0x5] =	stream.indirect_vreg.gather [hbm4b:s10+s4], $0x80, v2, vm0, $0xb8;
	[tilespmem:$0x10400] =	vst v63  }
0x47: {  	s24 =	simm.s32 $0x9C00  }
0x48: {  	[tilespmem:s24], [sflag:$0x5] =	stream.indirect_vreg.gather [hbm4b:s11+s4], $0x80, v2, vm0, $0xb8;
	[tilespmem:$0x10400] =	vst v63  }
0x49: {  	v2 =	vld.msk [tilespmem:$0x8], $0xff;
	_ =	sdelay $0x4  }
0x4a: {  	v3 =	vshll.u32 v2, $0x3  }
0x4b: {  	v2 =	vand.u32 $0x7, v2;
	v3 =	vand.u32 $0xFFFFFFC0, v3  }
0x4c: {  	v2 =	vor.u32 v2, v3  }
0x4d: {  	v2 =	vperm.xlane v2, v0;
	_ =	sdelay $0x1  }
0x4e: {  	v2 =	vadd.s32 v1, v2;
	_ =	sdelay $0x4  }
0x4f: {  	[tilespmem:s29], [sflag:$0x2] =	stream.indirect_vreg.gather [hbm4b:s0+s4], $0x80, v2, vm0, $0xb8;
	[tilespmem:$0x10400] =	vst v63  }
0x50: {  	s1 =	simm.s32 $0x2C00  }
0x51: {  	[tilespmem:s1], [sflag:$0x2] =	stream.indirect_vreg.gather [hbm4b:s6+s4], $0x80, v2, vm0, $0xb8;
	[tilespmem:$0x10400] =	vst v63  }
0x52: {  	s14 =	simm.s32 $0x3400  }
0x53: {  	[tilespmem:s14], [sflag:$0x2] =	stream.indirect_vreg.gather [hbm4b:s7+s4], $0x80, v2, vm0, $0xb8;
	[tilespmem:$0x10400] =	vst v63  }
0x54: {  	s19 =	simm.s32 $0x3C00  }
0x55: {  	[tilespmem:s19], [sflag:$0x2] =	stream.indirect_vreg.gather [hbm4b:s8+s4], $0x80, v2, vm0, $0xb8;
	[tilespmem:$0x10400] =	vst v63  }
0x56: {  	v2 =	vld.msk [tilespmem:$0x8], $0xff;
	_ =	sdelay $0x4  }
0x57: {  	v3 =	vshll.u32 v2, $0x3  }
0x58: {  	v2 =	vand.u32 $0x7, v2;
	v3 =	vand.u32 $0xFFFFFFC0, v3  }
0x59: {  	v2 =	vor.u32 v2, v3  }
0x5a: {  	v2 =	vperm.xlane v2, v0;
	_ =	sdelay $0x1  }
0x5b: {  	v2 =	vadd.s32 v1, v2;
	_ =	sdelay $0x4  }
0x5c: {  	[tilespmem:s18], [sflag:$0x6] =	stream.indirect_vreg.gather [hbm4b:s2+s4], $0x80, v2, vm0, $0xb8;
	[tilespmem:$0x10400] =	vst v63  }
0x5d: {  	s21 =	simm.s32 $0xAC00  }
0x5e: {  	[tilespmem:s21], [sflag:$0x6] =	stream.indirect_vreg.gather [hbm4b:s9+s4], $0x80, v2, vm0, $0xb8;
	[tilespmem:$0x10400] =	vst v63  }
0x5f: {  	s23 =	simm.s32 $0xB400  }
0x60: {  	[tilespmem:s23], [sflag:$0x6] =	stream.indirect_vreg.gather [hbm4b:s10+s4], $0x80, v2, vm0, $0xb8;
	[tilespmem:$0x10400] =	vst v63  }
0x61: {  	s24 =	simm.s32 $0xBC00;
	s19 =	simm.s32 $0x18;
	s21 =	simm.s32 $0x0  }
0x62: {  	[tilespmem:s24], [sflag:$0x6] =	stream.indirect_vreg.gather [hbm4b:s11+s4], $0x80, v2, vm0, $0xb8;
	[tilespmem:$0x10400] =	vst v63  }
.LBB2_2:
0x63: {  	s1 =	simm.s32 $0x1  }
0x64: {  	_ =	swait.ge [sflag:s1], $0x2000  }
0x65: {  	[sflag:s1] =	ssyncset.done $0x0  }
0x66: {  	[sflag:s1] =	ssyncadd.s32 $0xFFFFE000  }
0x67: {  	_ =	swait.ge [sflag:s17], $0x2000  }
0x68: {  	s14 =	simm.s32 $0x400;
	[sflag:s17] =	ssyncset.done $0x0;
	s13 =	rddreg [dreg:$0x9]  }
0x69: {  	s24 =	rddreg [dreg:$0x8];
	[sflag:s17] =	ssyncadd.s32 $0xFFFFE000;
	s13 =	sadd.s32 s21, s13  }
0x6a: {  	[hbm4b:s13+s4] =	stream.linear.scatter [tilespmem:s14], [sflag:$0x9], $0x2000, $0x38;
	[tilespmem:$0x10400] =	vst v63  }
0x6b: {  	p0 =	seq.s32 s21, $0x0;
	s14 =	sadd.s32 s21, s24;
	s24 =	simm.s32 $0x8400  }
0x6c: {  	[hbm4b:s14+s4] =	stream.linear.scatter [tilespmem:s24], [sflag:$0xD], $0x2000, $0x38;
	[tilespmem:$0x10400] =	vst v63  }
0x6d: {  	s24 =	simm.s32 @!p0 $0xB  }
0x6e: {  	_ =	swait.ge @!p0 [sflag:s24], $0x2000  }
0x6f: {  	[sflag:s24] =	ssyncset.done @!p0 $0x0  }
0x70: {  	[sflag:s24] =	ssyncadd.s32 @!p0 $0xFFFFE000;
	s24 =	simm.s32 @!p0 $0xF  }
0x71: {  	_ =	swait.ge @!p0 [sflag:s24], $0x2000  }
0x72: {  	[sflag:s24] =	ssyncset.done @!p0 $0x0  }
0x73: {  	[sflag:s24] =	ssyncadd.s32 @!p0 $0xFFFFE000  }
0x74: {  	v2 =	vld.msk [tilespmem:s19+$0xFFFFFFF8], $0xff;
	_ =	sdelay $0x4  }
0x75: {  	v3 =	vshll.u32 v2, $0x3  }
0x76: {  	v2 =	vand.u32 $0x7, v2;
	v3 =	vand.u32 $0xFFFFFFC0, v3  }
0x77: {  	v2 =	vor.u32 v2, v3  }
0x78: {  	v2 =	vperm.xlane v2, v0;
	_ =	sdelay $0x1  }
0x79: {  	v2 =	vadd.s32 v1, v2;
	_ =	sdelay $0x3  }
0x7a: {  	s23 =	simm.s32 $0x4400  }
0x7b: {  	[tilespmem:s23], [sflag:$0x3] =	stream.indirect_vreg.gather [hbm4b:s0+s4], $0x80, v2, vm0, $0xb8;
	[tilespmem:$0x10400] =	vst v63  }
0x7c: {  	s1 =	simm.s32 $0x4C00  }
0x7d: {  	[tilespmem:s1], [sflag:$0x3] =	stream.indirect_vreg.gather [hbm4b:s6+s4], $0x80, v2, vm0, $0xb8;
	[tilespmem:$0x10400] =	vst v63  }
0x7e: {  	s1 =	simm.s32 $0x5400  }
0x7f: {  	[tilespmem:s1], [sflag:$0x3] =	stream.indirect_vreg.gather [hbm4b:s7+s4], $0x80, v2, vm0, $0xb8;
	[tilespmem:$0x10400] =	vst v63  }
0x80: {  	s1 =	simm.s32 $0x5C00  }
0x81: {  	[tilespmem:s1], [sflag:$0x3] =	stream.indirect_vreg.gather [hbm4b:s8+s4], $0x80, v2, vm0, $0xb8;
	[tilespmem:$0x10400] =	vst v63  }
0x82: {  	v2 =	vld.msk [tilespmem:s19+$0xFFFFFFF8], $0xff;
	_ =	sdelay $0x4  }
0x83: {  	v3 =	vshll.u32 v2, $0x3  }
0x84: {  	v2 =	vand.u32 $0x7, v2;
	v3 =	vand.u32 $0xFFFFFFC0, v3  }
0x85: {  	v2 =	vor.u32 v2, v3  }
0x86: {  	v2 =	vperm.xlane v2, v0;
	_ =	sdelay $0x1  }
0x87: {  	v2 =	vadd.s32 v1, v2;
	_ =	sdelay $0x4  }
0x88: {  	[tilespmem:s26], [sflag:$0x7] =	stream.indirect_vreg.gather [hbm4b:s2+s4], $0x80, v2, vm0, $0xb8;
	[tilespmem:$0x10400] =	vst v63  }
0x89: {  	s1 =	simm.s32 $0xCC00  }
0x8a: {  	[tilespmem:s1], [sflag:$0x7] =	stream.indirect_vreg.gather [hbm4b:s9+s4], $0x80, v2, vm0, $0xb8;
	[tilespmem:$0x10400] =	vst v63  }
0x8b: {  	s1 =	simm.s32 $0xD400  }
0x8c: {  	[tilespmem:s1], [sflag:$0x7] =	stream.indirect_vreg.gather [hbm4b:s10+s4], $0x80, v2, vm0, $0xb8;
	[tilespmem:$0x10400] =	vst v63  }
0x8d: {  	s1 =	simm.s32 $0xDC00  }
0x8e: {  	[tilespmem:s1], [sflag:$0x7] =	stream.indirect_vreg.gather [hbm4b:s11+s4], $0x80, v2, vm0, $0xb8;
	[tilespmem:$0x10400] =	vst v63  }
0x8f: {  	_ =	swait.ge [sflag:s25], $0x2000  }
0x90: {  	[sflag:s25] =	ssyncset.done $0x0  }
0x91: {  	[sflag:s25] =	ssyncadd.s32 $0xFFFFE000  }
0x92: {  	_ =	swait.ge [sflag:s16], $0x2000  }
0x93: {  	[sflag:s16] =	ssyncset.done $0x0  }
0x94: {  	s1 =	sadd.s32 $0x400, s13;
	[sflag:s16] =	ssyncadd.s32 $0xFFFFE000  }
0x95: {  	[hbm4b:s1+s4] =	stream.linear.scatter [tilespmem:s29], [sflag:$0xA], $0x2000, $0x38;
	[tilespmem:$0x10400] =	vst v63  }
0x96: {  	s24 =	simm.s32 @!p0 $0xC;
	s1 =	sadd.s32 $0x400, s14  }
0x97: {  	[hbm4b:s1+s4] =	stream.linear.scatter [tilespmem:s18], [sflag:$0xE], $0x2000, $0x38;
	[tilespmem:$0x10400] =	vst v63  }
0x98: {  	_ =	swait.ge @!p0 [sflag:s24], $0x2000  }
0x99: {  	[sflag:s24] =	ssyncset.done @!p0 $0x0  }
0x9a: {  	[sflag:s24] =	ssyncadd.s32 @!p0 $0xFFFFE000;
	s24 =	simm.s32 @!p0 $0x10  }
0x9b: {  	_ =	swait.ge @!p0 [sflag:s24], $0x2000  }
0x9c: {  	[sflag:s24] =	ssyncset.done @!p0 $0x0  }
0x9d: {  	[sflag:s24] =	ssyncadd.s32 @!p0 $0xFFFFE000  }
0x9e: {  	v2 =	vld.msk [tilespmem:s19+$0x0], $0xff;
	_ =	sdelay $0x4  }
0x9f: {  	v3 =	vshll.u32 v2, $0x3  }
0xa0: {  	v2 =	vand.u32 $0x7, v2;
	v3 =	vand.u32 $0xFFFFFFC0, v3  }
0xa1: {  	v2 =	vor.u32 v2, v3  }
0xa2: {  	v2 =	vperm.xlane v2, v0;
	_ =	sdelay $0x1  }
0xa3: {  	v2 =	vadd.s32 v1, v2;
	_ =	sdelay $0x4  }
0xa4: {  	[tilespmem:s31], [sflag:$0x4] =	stream.indirect_vreg.gather [hbm4b:s0+s4], $0x80, v2, vm0, $0xb8;
	[tilespmem:$0x10400] =	vst v63  }
0xa5: {  	s29 =	simm.s32 $0x6C00  }
0xa6: {  	[tilespmem:s29], [sflag:$0x4] =	stream.indirect_vreg.gather [hbm4b:s6+s4], $0x80, v2, vm0, $0xb8;
	[tilespmem:$0x10400] =	vst v63  }
0xa7: {  	s1 =	simm.s32 $0x7400  }
0xa8: {  	[tilespmem:s1], [sflag:$0x4] =	stream.indirect_vreg.gather [hbm4b:s7+s4], $0x80, v2, vm0, $0xb8;
	[tilespmem:$0x10400] =	vst v63  }
0xa9: {  	s24 =	simm.s32 $0x7C00  }
0xaa: {  	[tilespmem:s24], [sflag:$0x4] =	stream.indirect_vreg.gather [hbm4b:s8+s4], $0x80, v2, vm0, $0xb8;
	[tilespmem:$0x10400] =	vst v63  }
0xab: {  	v2 =	vld.msk [tilespmem:s19+$0x0], $0xff;
	_ =	sdelay $0x4  }
0xac: {  	v3 =	vshll.u32 v2, $0x3  }
0xad: {  	v2 =	vand.u32 $0x7, v2;
	v3 =	vand.u32 $0xFFFFFFC0, v3  }
0xae: {  	v2 =	vor.u32 v2, v3  }
0xaf: {  	v2 =	vperm.xlane v2, v0;
	_ =	sdelay $0x1  }
0xb0: {  	v2 =	vadd.s32 v1, v2;
	_ =	sdelay $0x3  }
0xb1: {  	s1 =	simm.s32 $0xE400  }
0xb2: {  	[tilespmem:s1], [sflag:$0x8] =	stream.indirect_vreg.gather [hbm4b:s2+s4], $0x80, v2, vm0, $0xb8;
	[tilespmem:$0x10400] =	vst v63  }
0xb3: {  	s29 =	simm.s32 $0xEC00  }
0xb4: {  	[tilespmem:s29], [sflag:$0x8] =	stream.indirect_vreg.gather [hbm4b:s9+s4], $0x80, v2, vm0, $0xb8;
	[tilespmem:$0x10400] =	vst v63  }
0xb5: {  	s24 =	simm.s32 $0xF400  }
0xb6: {  	[tilespmem:s24], [sflag:$0x8] =	stream.indirect_vreg.gather [hbm4b:s10+s4], $0x80, v2, vm0, $0xb8;
	[tilespmem:$0x10400] =	vst v63  }
0xb7: {  	s29 =	simm.s32 $0xFC00  }
0xb8: {  	[tilespmem:s29], [sflag:$0x8] =	stream.indirect_vreg.gather [hbm4b:s11+s4], $0x80, v2, vm0, $0xb8;
	[tilespmem:$0x10400] =	vst v63  }
0xb9: {  	_ =	swait.ge [sflag:s22], $0x2000  }
0xba: {  	[sflag:s22] =	ssyncset.done $0x0  }
0xbb: {  	[sflag:s22] =	ssyncadd.s32 $0xFFFFE000  }
0xbc: {  	_ =	swait.ge [sflag:s5], $0x2000  }
0xbd: {  	[sflag:s5] =	ssyncset.done $0x0  }
0xbe: {  	s18 =	sadd.s32 $0x800, s13;
	[sflag:s5] =	ssyncadd.s32 $0xFFFFE000  }
0xbf: {  	[hbm4b:s18+s4] =	stream.linear.scatter [tilespmem:s23], [sflag:$0xB], $0x2000, $0x38;
	[tilespmem:$0x10400] =	vst v63  }
0xc0: {  	s23 =	sadd.s32 $0x800, s14  }
0xc1: {  	[hbm4b:s23+s4] =	stream.linear.scatter [tilespmem:s26], [sflag:$0xF], $0x2000, $0x38;
	[tilespmem:$0x10400] =	vst v63  }
0xc2: {  	_ =	swait.ge [sflag:s12], $0x2000  }
0xc3: {  	[sflag:s12] =	ssyncset.done $0x0  }
0xc4: {  	[sflag:s12] =	ssyncadd.s32 $0xFFFFE000  }
0xc5: {  	_ =	swait.ge [sflag:s15], $0x2000  }
0xc6: {  	[sflag:s15] =	ssyncset.done $0x0  }
0xc7: {  	p0 =	seq.s32 s21, $0x1F000;
	[sflag:s15] =	ssyncadd.s32 $0xFFFFE000  }
0xc8: {  	v2 =	vld.msk @!p0 [tilespmem:s19+$0x8], $0xff;
	_ =	sdelay $0x4  }
0xc9: {  	v3 =	vshll.u32 @!p0 v2, $0x3  }
0xca: {  	v4 =	vlaneseq.u32 @!p0;
	v2 =	vand.u32 @!p0 $0x7, v2;
	v3 =	vand.u32 @!p0 $0xFFFFFFC0, v3  }
0xcb: {  	v2 =	vor.u32 @!p0 v2, v3;
	v3 =	vand.u32 @!p0 $0x7, v4;
	v4 =	vshrl.u32 @!p0 v4, $0x3  }
0xcc: {  	v2 =	vperm.xlane @!p0 v2, v3;
	v4 =	vmul.u32 @!p0 $0x8, v4;
	_ =	sdelay $0x1  }
0xcd: {  	v2 =	vadd.s32 @!p0 v4, v2;
	_ =	sdelay $0x3  }
0xce: {  	vm1 =	vmmov @!p0 $0xffff;
	s24 =	simm.s32 @!p0 $0x0;
	s29 =	simm.s32 @!p0 $0x400  }
0xcf: {  	[tilespmem:s29], [sflag:$0x1] =	stream.indirect_vreg.gather @!p0 [hbm4b:s0+s24], $0x80, v2, vm1, $0xb8;
	[tilespmem:$0x10400] =	vst v63  }
0xd0: {  	s29 =	simm.s32 @!p0 $0xC00  }
0xd1: {  	[tilespmem:s29], [sflag:$0x1] =	stream.indirect_vreg.gather @!p0 [hbm4b:s6+s24], $0x80, v2, vm1, $0xb8;
	[tilespmem:$0x10400] =	vst v63  }
0xd2: {  	s29 =	simm.s32 @!p0 $0x1400  }
0xd3: {  	[tilespmem:s29], [sflag:$0x1] =	stream.indirect_vreg.gather @!p0 [hbm4b:s7+s24], $0x80, v2, vm1, $0xb8;
	[tilespmem:$0x10400] =	vst v63  }
0xd4: {  	s29 =	simm.s32 @!p0 $0x1C00  }
0xd5: {  	[tilespmem:s29], [sflag:$0x1] =	stream.indirect_vreg.gather @!p0 [hbm4b:s8+s24], $0x80, v2, vm1, $0xb8;
	[tilespmem:$0x10400] =	vst v63  }
0xd6: {  	v2 =	vld.msk @!p0 [tilespmem:s19+$0x8], $0xff;
	_ =	sdelay $0x4  }
0xd7: {  	v5 =	vshll.u32 @!p0 v2, $0x3  }
0xd8: {  	v2 =	vand.u32 @!p0 $0x7, v2;
	v5 =	vand.u32 @!p0 $0xFFFFFFC0, v5  }
0xd9: {  	v2 =	vor.u32 @!p0 v2, v5  }
0xda: {  	v2 =	vperm.xlane @!p0 v2, v3;
	_ =	sdelay $0x1  }
0xdb: {  	v2 =	vadd.s32 @!p0 v4, v2;
	_ =	sdelay $0x3  }
0xdc: {  	s29 =	simm.s32 @!p0 $0x8400  }
0xdd: {  	[tilespmem:s29], [sflag:$0x5] =	stream.indirect_vreg.gather @!p0 [hbm4b:s2+s24], $0x80, v2, vm1, $0xb8;
	[tilespmem:$0x10400] =	vst v63  }
0xde: {  	s29 =	simm.s32 @!p0 $0x8C00  }
0xdf: {  	[tilespmem:s29], [sflag:$0x5] =	stream.indirect_vreg.gather @!p0 [hbm4b:s9+s24], $0x80, v2, vm1, $0xb8;
	[tilespmem:$0x10400] =	vst v63  }
0xe0: {  	s29 =	simm.s32 @!p0 $0x9400  }
0xe1: {  	[tilespmem:s29], [sflag:$0x5] =	stream.indirect_vreg.gather @!p0 [hbm4b:s10+s24], $0x80, v2, vm1, $0xb8;
	[tilespmem:$0x10400] =	vst v63  }
0xe2: {  	s29 =	simm.s32 @!p0 $0x9C00  }
0xe3: {  	[tilespmem:s29], [sflag:$0x5] =	stream.indirect_vreg.gather @!p0 [hbm4b:s11+s24], $0x80, v2, vm1, $0xb8;
	[tilespmem:$0x10400] =	vst v63  }
0xe4: {  	_ =	swait.ge [sflag:s28], $0x2000  }
0xe5: {  	[sflag:s28] =	ssyncset.done $0x0  }
0xe6: {  	[sflag:s28] =	ssyncadd.s32 $0xFFFFE000  }
0xe7: {  	_ =	swait.ge [sflag:s30], $0x2000  }
0xe8: {  	[sflag:s30] =	ssyncset.done $0x0  }
0xe9: {  	s13 =	sadd.s32 $0xC00, s13;
	[sflag:s30] =	ssyncadd.s32 $0xFFFFE000  }
0xea: {  	[hbm4b:s13+s4] =	stream.linear.scatter [tilespmem:s31], [sflag:$0xC], $0x2000, $0x38;
	[tilespmem:$0x10400] =	vst v63  }
0xeb: {  	s29 =	sadd.s32 $0xC00, s14  }
0xec: {  	[hbm4b:s29+s4] =	stream.linear.scatter [tilespmem:s1], [sflag:$0x10], $0x2000, $0x38;
	[tilespmem:$0x10400] =	vst v63  }
0xed: {  	_ =	swait.ge [sflag:s20], $0x2000  }
.Ltmp2:
0xee: {  	[sflag:s20] =	ssyncset.done $0x0;
	(pc) =	sbr.rel @p0 .LBB2_4-.Ltmp2, $4  }
0xef: {  	[sflag:s20] =	ssyncadd.s32 $0xFFFFE000  }
0xf0: {  	_ =	swait.ge [sflag:s3], $0x2000  }
0xf1: {  	[sflag:s3] =	ssyncset.done $0x0  }
0xf2: {  	s18 =	simm.s32 $0x2400;
	s23 =	simm.s32 $0xA400;
	[sflag:s3] =	ssyncadd.s32 $0xFFFFE000  }
0xf3: {  	v2 =	vld.msk [tilespmem:s19+$0x10], $0xff;
	_ =	sdelay $0x4  }
0xf4: {  	v3 =	vshll.u32 v2, $0x3  }
0xf5: {  	v2 =	vand.u32 $0x7, v2;
	v3 =	vand.u32 $0xFFFFFFC0, v3  }
0xf6: {  	v2 =	vor.u32 v2, v3  }
0xf7: {  	v2 =	vperm.xlane v2, v0;
	_ =	sdelay $0x1  }
0xf8: {  	v2 =	vadd.s32 v1, v2;
	_ =	sdelay $0x4  }
0xf9: {  	[tilespmem:s18], [sflag:$0x2] =	stream.indirect_vreg.gather [hbm4b:s0+s4], $0x80, v2, vm0, $0xb8;
	[tilespmem:$0x10400] =	vst v63  }
0xfa: {  	s13 =	simm.s32 $0x2C00  }
0xfb: {  	[tilespmem:s13], [sflag:$0x2] =	stream.indirect_vreg.gather [hbm4b:s6+s4], $0x80, v2, vm0, $0xb8;
	[tilespmem:$0x10400] =	vst v63  }
0xfc: {  	s1 =	simm.s32 $0x3400  }
0xfd: {  	[tilespmem:s1], [sflag:$0x2] =	stream.indirect_vreg.gather [hbm4b:s7+s4], $0x80, v2, vm0, $0xb8;
	[tilespmem:$0x10400] =	vst v63  }
0xfe: {  	s14 =	simm.s32 $0x3C00  }
0xff: {  	[tilespmem:s14], [sflag:$0x2] =	stream.indirect_vreg.gather [hbm4b:s8+s4], $0x80, v2, vm0, $0xb8;
	[tilespmem:$0x10400] =	vst v63  }
0x100: {  	v2 =	vld.msk [tilespmem:s19+$0x10], $0xff;
	_ =	sdelay $0x4  }
0x101: {  	v3 =	vshll.u32 v2, $0x3  }
0x102: {  	v2 =	vand.u32 $0x7, v2;
	v3 =	vand.u32 $0xFFFFFFC0, v3  }
0x103: {  	v2 =	vor.u32 v2, v3  }
0x104: {  	v2 =	vperm.xlane v2, v0;
	_ =	sdelay $0x1  }
0x105: {  	v2 =	vadd.s32 v1, v2;
	_ =	sdelay $0x4  }
0x106: {  	[tilespmem:s23], [sflag:$0x6] =	stream.indirect_vreg.gather [hbm4b:s2+s4], $0x80, v2, vm0, $0xb8;
	[tilespmem:$0x10400] =	vst v63  }
0x107: {  	s18 =	simm.s32 $0xAC00  }
0x108: {  	[tilespmem:s18], [sflag:$0x6] =	stream.indirect_vreg.gather [hbm4b:s9+s4], $0x80, v2, vm0, $0xb8;
	[tilespmem:$0x10400] =	vst v63  }
.Ltmp3:
0x109: {  	_ = 	snop;
	(pc) =	sbr.rel .LBB2_2-.Ltmp3, $4  }
0x10a: {  	s24 =	simm.s32 $0xBC00;
	s21 =	sadd.s32 $0x1000, s21;
	s23 =	simm.s32 $0xB400  }
0x10b: {  	[tilespmem:s23], [sflag:$0x6] =	stream.indirect_vreg.gather [hbm4b:s10+s4], $0x80, v2, vm0, $0xb8;
	[tilespmem:$0x10400] =	vst v63  }
0x10c: {  	s29 =	simm.s32 $0x2400;
	s19 =	sadd.s32 $0x20, s19;
	s18 =	simm.s32 $0xA400  }
0x10d: {  	[tilespmem:s24], [sflag:$0x6] =	stream.indirect_vreg.gather [hbm4b:s11+s4], $0x80, v2, vm0, $0xb8;
	[tilespmem:$0x10400] =	vst v63  }
.LBB2_5:
0x10e: {  	_ =	sfence.sel $0x180000  }
0x10f: {  	[bflag:$0x0] =	sbarrier.arrive $0xFFFF  }
0x110: {  	_ =	strace $0x9000004A  }
0x111: {  	s0 =	stileid.u32;
	[bflag:$0x2] =	sbarrier.arrive $0xFFFF  }
0x112: {  	p0 =	sne.s32 s0, $0x0;
	s0 =	rddreg [dreg:$0x5]  }
0x113: {  	s0 =	sadd.s32 @!p0 $0x100000, s0  }
0x114: {  	[sflag:s0] =	ssyncadd.tile.s32 @!p0 $0x1;
	_ =	shalt  }
.Lfunc_end2:
_tile_overlayer_lowered:
.L_overlay_start_2:
0x115: {  	(tag) =	ssettag $0x2  }
0x116: {  	s0 =	rddreg [dreg:$0x0];
	s2 =	stileid.u32  }
0x117: {  	s1 =	rddreg [dreg:$0x1];
	p0 =	sne.s32 s2, $0x0  }
0x118: {  	s3 =	rddreg [dreg:$0x2];
	[bflag:$0x3] =	sbarrier.arrive $0xFFFF;
	s2 =	simm.s32 @!p0 $0x1C11  }
0x119: {  	[timem:s3], [sflag:s2] =	dma.local @!p0 [hbm:s0], s1  }
0x11a: {  	s0 =	simm.s32 @!p0 $0x11  }
0x11b: {  	_ =	swait.ge @!p0 [sflag:s0], s1  }
0x11c: {  	s1 =	ssub.s32 @!p0 $0x0, s1;
	[sflag:s0] =	ssyncset.done @!p0 $0x0  }
0x11d: {  	[sflag:s0] =	ssyncadd.s32 @!p0 s1  }
0x11e: {  	[bflag:$0x3] =	sbarrier.arrive $0xFFFF  }
0x11f: {  	_ =	shalt  }

</sc_bundles>
